<compile_context>
chip_gen: v7x
topology: tpu7x:2x2x1
jax: 0.10.2.dev20260603
libtpu: 0.0.44.dev20260713+nightly
codegen_flags: <defaults>
</compile_context>

<pallas_src>
import functools

import numpy as np

import jax
import jax.numpy as jnp
from jax import lax
from jax.experimental import pallas as pl
from jax.experimental.pallas import tpu as pltpu
from jax.experimental.pallas import tpu_sc as plsc
from jax._src import config as _jcfg

VOCAB = 100000
CODE_DIM = 64
BATCH = 16384
SEQ = 200

B = BATCH * SEQ
NW = 32
BT = BATCH // 128
UNITS = SEQ * BT
UNITS_PER_WORKER = UNITS // NW


def _gather_sc(idx, codebook):
    mesh = plsc.VectorSubcoreMesh(core_axis_name="c", subcore_axis_name="s")

    @functools.partial(
        pl.kernel,
        mesh=mesh,
        out_type=jax.ShapeDtypeStruct((SEQ * 8, BT, 1024), jnp.float32),
        scratch_types=[
            pltpu.VMEM((128,), jnp.int32),
            pltpu.VMEM((128,), jnp.int32),
            pltpu.VMEM((128, 64), jnp.float32),
            pltpu.VMEM((128, 64), jnp.float32),
            pltpu.VMEM((8, 1024), jnp.float32),
            pltpu.VMEM((8, 1024), jnp.float32),
            pltpu.SemaphoreType.DMA,
            pltpu.SemaphoreType.DMA,
            pltpu.SemaphoreType.DMA,
            pltpu.SemaphoreType.DMA,
            pltpu.SemaphoreType.DMA,
            pltpu.SemaphoreType.DMA,
        ],
        compiler_params=pltpu.CompilerParams(
            use_tc_tiling_on_sc=False, needs_layout_passes=False
        ),
    )
    def k(idx_hbm, table_hbm, out_hbm, idx0, idx1, rows0, rows1, tr0, tr1,
          is0, is1, gs0, gs1, ws0, ws1):
        wid = lax.axis_index("s") * 2 + lax.axis_index("c")
        unit_base = wid * np.int32(UNITS_PER_WORKER)
        idx_v = (idx0, idx1)
        rows_v = (rows0, rows1)
        tr_v = (tr0, tr1)
        isem = (is0, is1)
        gsem = (gs0, gs1)
        wsem = (ws0, ws1)

        lane = lax.iota(jnp.int32, 16)
        ridx = [lane + np.int32(16 * b0) for b0 in range(8)]

        def idx_copy(u, b):
            uu = unit_base + u
            s = lax.shift_right_logical(uu, 7)
            bt = lax.bitwise_and(uu, np.int32(127))
            off = s * np.int32(BATCH) + bt * np.int32(128)
            return pltpu.make_async_copy(
                idx_hbm.at[pl.ds(off, 128)], idx_v[b], isem[b]
            )

        def gather_copy(b):
            return pltpu.make_async_copy(
                table_hbm.at[idx_v[b]], rows_v[b], gsem[b]
            )

        def write_copy(u, b):
            uu = unit_base + u
            s = lax.shift_right_logical(uu, 7)
            bt = lax.bitwise_and(uu, np.int32(127))
            return pltpu.make_async_copy(
                tr_v[b], out_hbm.at[pl.ds(s * np.int32(8), 8), bt], wsem[b]
            )

        def transpose(b):
            rows = rows_v[b]
            tr = tr_v[b]

            @pl.loop(np.int32(0), np.int32(64), step=np.int32(4))
            def per_diag(d0):
                for dd in range(4):
                    dvec = jnp.bitwise_and(
                        lane + d0 + np.int32(dd), np.int32(63)
                    )
                    dtv = lax.shift_right_logical(dvec, 3)
                    ibl = lax.shift_left(
                        jnp.bitwise_and(dvec, np.int32(7)), 7
                    ) + lane
                    for b0 in range(8):
                        v = plsc.load_gather(
                            rows, [lane + np.int32(16 * b0), dvec]
                        )
                        plsc.store_scatter(
                            tr, [dtv, ibl + np.int32(16 * b0)], v
                        )

        idx_copy(np.int32(0), 0).start()
        idx_copy(np.int32(1), 1).start()
        idx_copy(np.int32(0), 0).wait()
        gather_copy(0).start()

        def body(u, b, do_idx, do_gather, do_wait_write):
            nb = 1 - b
            gather_copy(b).wait()
            if do_idx:
                idx_copy(u + np.int32(2), b).start()
            if do_gather:
                idx_copy(u + np.int32(1), nb).wait()
                gather_copy(nb).start()
            if do_wait_write:
                write_copy(u - np.int32(2), b).wait()
            transpose(b)
            write_copy(u, b).start()

        body(np.int32(0), 0, True, True, False)
        body(np.int32(1), 1, True, True, False)

        @pl.loop(np.int32(2), np.int32(UNITS_PER_WORKER - 2), step=np.int32(2))
        def loop(u0):
            body(u0, 0, True, True, True)
            body(u0 + np.int32(1), 1, True, True, True)

        body(np.int32(UNITS_PER_WORKER - 2), 0, False, True, True)
        body(np.int32(UNITS_PER_WORKER - 1), 1, False, False, True)
        write_copy(np.int32(UNITS_PER_WORKER - 2), 0).wait()
        write_copy(np.int32(UNITS_PER_WORKER - 1), 1).wait()

    return k(idx, codebook)


def kernel(x, codebook):
    idx = x.astype(jnp.int32).T.reshape(-1)
    with _jcfg.enable_x64(False):
        out3 = _gather_sc(idx, codebook)
    out5 = out3.reshape(SEQ, 8, BT, 8, 128)
    return jnp.transpose(out5, (2, 4, 0, 1, 3)).reshape(BATCH, SEQ, CODE_DIM)

# --- scband reference (transcript-rebuilt; emitter-appended) ---
"""Pipeline reference for scband-utf8-embedding-73452530696878 (READ-ONLY COPY).

The authoritative reference and input builder live on the scoring server;
editing this copy changes nothing except your own understanding.
"""

import jax, jax.numpy as jnp
import numpy as np

jax.config.update("jax_enable_x64", True)

VOCAB = 100000
CODE_DIM = 64
BATCH = 16384
SEQ = 200


def setup_inputs(seed: int = 0) -> dict:
    key = jax.random.key(seed)
    k1, k2 = jax.random.split(key)
    # Pre-computed UTF-8 codebook (frozen embedding table in the torch module)
    codebook = jax.random.normal(k1, (VOCAB, CODE_DIM), dtype=jnp.float32)
    x = jax.random.randint(k2, (BATCH, SEQ), 0, VOCAB, dtype=jnp.int64)
    return {"x": x, "codebook": codebook}


def reference(x, codebook):
    # UTF8Embedding.forward with lin_layers=[], activation=None, transpose=False,
    # eval mode (dropout = identity):
    # ret = embedding(x)  -> pure table gather
    ret = jnp.take(codebook, x, axis=0)
    # transpose=False -> no transpose; activation=None -> no activation
    return ret

if __name__ == "__main__":
    import jax
    _d = setup_inputs()
    print(jax.jit(kernel)(*tuple(_d.values())))

</pallas_src>

<mosaic_0001>
#map = affine_map<(d0, d1) -> (0)>
#map1 = affine_map<(d0, d1) -> (0, 0)>
#map2 = affine_map<(d0, d1) -> (0, 0, 0)>
module attributes {stable_mosaic.version = 14 : i64} {
  func.func @k(%arg0: i32, %arg1: i32, %arg2: memref<3276800xi32, #tpu.memory_space<hbm>>, %arg3: memref<100000x64xf32, #tpu.memory_space<hbm>>, %arg4: memref<1600x128x1024xf32, #tpu.memory_space<hbm>>, %arg5: memref<128xi32, #tpu.memory_space<vmem>>, %arg6: memref<128xi32, #tpu.memory_space<vmem>>, %arg7: memref<128x64xf32, #tpu.memory_space<vmem>>, %arg8: memref<128x64xf32, #tpu.memory_space<vmem>>, %arg9: memref<8x1024xf32, #tpu.memory_space<vmem>>, %arg10: memref<8x1024xf32, #tpu.memory_space<vmem>>, %arg11: memref<!tpu.dma_semaphore, #tpu.memory_space<semaphore_mem>>, %arg12: memref<!tpu.dma_semaphore, #tpu.memory_space<semaphore_mem>>, %arg13: memref<!tpu.dma_semaphore, #tpu.memory_space<semaphore_mem>>, %arg14: memref<!tpu.dma_semaphore, #tpu.memory_space<semaphore_mem>>, %arg15: memref<!tpu.dma_semaphore, #tpu.memory_space<semaphore_mem>>, %arg16: memref<!tpu.dma_semaphore, #tpu.memory_space<semaphore_mem>>) attributes {dimension_semantics = [#tpu.dimension_semantics<core_parallel>, #tpu.dimension_semantics<subcore_parallel>], iteration_bounds = array<i64: 2, 16>, scalar_prefetch = 0 : i64, scratch_operands = 12 : i64, tpu.core_type = #tpu.core_type<sc_vector_subcore>, window_params = [{transform_indices = #map}, {transform_indices = #map1}, {transform_indices = #map2}]} {
    %mul3A = arith.constant 2 : i32
    %mul3A_0 = arith.muli %arg1, %mul3A : i32
    %add3A = arith.addi %mul3A_0, %arg0 : i32
    %mul3A_1 = arith.constant 800 : i32
    %mul3A_2 = arith.muli %add3A, %mul3A_1 : i32
    %iota3A = tpu.iota {dimensions = array<i32: 0>} : vector<16xi32>
    %add3A_3 = arith.constant 0 : i32
    %add3A_4 = vector.broadcast %add3A_3 : i32 to vector<16xi32>
    %add3A_5 = arith.addi %iota3A, %add3A_4 : vector<16xi32>
    %add3A_6 = arith.constant 16 : i32
    %add3A_7 = vector.broadcast %add3A_6 : i32 to vector<16xi32>
    %add3A_8 = arith.addi %iota3A, %add3A_7 : vector<16xi32>
    %add3A_9 = arith.constant 32 : i32
    %add3A_10 = vector.broadcast %add3A_9 : i32 to vector<16xi32>
    %add3A_11 = arith.addi %iota3A, %add3A_10 : vector<16xi32>
    %add3A_12 = arith.constant 48 : i32
    %add3A_13 = vector.broadcast %add3A_12 : i32 to vector<16xi32>
    %add3A_14 = arith.addi %iota3A, %add3A_13 : vector<16xi32>
    %add3A_15 = arith.constant 64 : i32
    %add3A_16 = vector.broadcast %add3A_15 : i32 to vector<16xi32>
    %add3A_17 = arith.addi %iota3A, %add3A_16 : vector<16xi32>
    %add3A_18 = arith.constant 80 : i32
    %add3A_19 = vector.broadcast %add3A_18 : i32 to vector<16xi32>
    %add3A_20 = arith.addi %iota3A, %add3A_19 : vector<16xi32>
    %add3A_21 = arith.constant 96 : i32
    %add3A_22 = vector.broadcast %add3A_21 : i32 to vector<16xi32>
    %add3A_23 = arith.addi %iota3A, %add3A_22 : vector<16xi32>
    %add3A_24 = arith.constant 112 : i32
    %add3A_25 = vector.broadcast %add3A_24 : i32 to vector<16xi32>
    %add3A_26 = arith.addi %iota3A, %add3A_25 : vector<16xi32>
    %add3A_27 = arith.constant 0 : i32
    %add3A_28 = arith.addi %mul3A_2, %add3A_27 : i32
    %shift_right_logical3A = arith.constant 7 : i32
    %shift_right_logical3A_29 = arith.shrui %add3A_28, %shift_right_logical3A : i32
    %and3A = arith.constant 127 : i32
    %and3A_30 = arith.andi %add3A_28, %and3A : i32
    %mul3A_31 = arith.constant 16384 : i32
    %mul3A_32 = arith.muli %shift_right_logical3A_29, %mul3A_31 : i32
    %mul3A_33 = arith.constant 128 : i32
    %mul3A_34 = arith.muli %and3A_30, %mul3A_33 : i32
    %add3A_35 = arith.addi %mul3A_32, %mul3A_34 : i32
    %dma_start3A = tpu.memref_slice %arg2[%add3A_35] : memref<3276800xi32, #tpu.memory_space<hbm>> -> memref<128xi32, #tpu.memory_space<hbm>>
    %dma_start3A_36 = tpu.memref_slice %arg2[%add3A_35] : memref<3276800xi32, #tpu.memory_space<hbm>> -> memref<128xi32, #tpu.memory_space<hbm>>
    tpu.enqueue_dma source(%dma_start3A_36 : memref<128xi32, #tpu.memory_space<hbm>>) target(%arg5 : memref<128xi32, #tpu.memory_space<vmem>>) target_semaphore(%arg11 : memref<!tpu.dma_semaphore, #tpu.memory_space<semaphore_mem>>)
    %add3A_37 = arith.constant 1 : i32
    %add3A_38 = arith.addi %mul3A_2, %add3A_37 : i32
    %shift_right_logical3A_39 = arith.constant 7 : i32
    %shift_right_logical3A_40 = arith.shrui %add3A_38, %shift_right_logical3A_39 : i32
    %and3A_41 = arith.constant 127 : i32
    %and3A_42 = arith.andi %add3A_38, %and3A_41 : i32
    %mul3A_43 = arith.constant 16384 : i32
    %mul3A_44 = arith.muli %shift_right_logical3A_40, %mul3A_43 : i32
    %mul3A_45 = arith.constant 128 : i32
    %mul3A_46 = arith.muli %and3A_42, %mul3A_45 : i32
    %add3A_47 = arith.addi %mul3A_44, %mul3A_46 : i32
    %dma_start3A_48 = tpu.memref_slice %arg2[%add3A_47] : memref<3276800xi32, #tpu.memory_space<hbm>> -> memref<128xi32, #tpu.memory_space<hbm>>
    %dma_start3A_49 = tpu.memref_slice %arg2[%add3A_47] : memref<3276800xi32, #tpu.memory_space<hbm>> -> memref<128xi32, #tpu.memory_space<hbm>>
    tpu.enqueue_dma source(%dma_start3A_49 : memref<128xi32, #tpu.memory_space<hbm>>) target(%arg6 : memref<128xi32, #tpu.memory_space<vmem>>) target_semaphore(%arg12 : memref<!tpu.dma_semaphore, #tpu.memory_space<semaphore_mem>>)
    %add3A_50 = arith.constant 0 : i32
    %add3A_51 = arith.addi %mul3A_2, %add3A_50 : i32
    %shift_right_logical3A_52 = arith.constant 7 : i32
    %shift_right_logical3A_53 = arith.shrui %add3A_51, %shift_right_logical3A_52 : i32
    %and3A_54 = arith.constant 127 : i32
    %and3A_55 = arith.andi %add3A_51, %and3A_54 : i32
    %mul3A_56 = arith.constant 16384 : i32
    %mul3A_57 = arith.muli %shift_right_logical3A_53, %mul3A_56 : i32
    %mul3A_58 = arith.constant 128 : i32
    %mul3A_59 = arith.muli %and3A_55, %mul3A_58 : i32
    %add3A_60 = arith.addi %mul3A_57, %mul3A_59 : i32
    %dma_wait3A = tpu.memref_slice %arg2[%add3A_60] : memref<3276800xi32, #tpu.memory_space<hbm>> -> memref<128xi32, #tpu.memory_space<hbm>>
    %dma_wait3A_61 = tpu.memref_slice %arg2[%add3A_60] : memref<3276800xi32, #tpu.memory_space<hbm>> -> memref<128xi32, #tpu.memory_space<hbm>>
    tpu.wait_dma2 semaphore(%arg11 : memref<!tpu.dma_semaphore, #tpu.memory_space<semaphore_mem>>) src(%dma_wait3A_61 : memref<128xi32, #tpu.memory_space<hbm>>) dst(%arg5 : memref<128xi32, #tpu.memory_space<vmem>>)
    %dma_start3A_62 = arith.constant 0 : i32
    %dma_start3A_63 = arith.constant 0 : i32
    %dma_start3A_64 = tpu.memref_slice %arg3[%dma_start3A_62, %dma_start3A_63] : memref<100000x64xf32, #tpu.memory_space<hbm>> -> memref<100000x64xf32, #tpu.memory_space<hbm>>
    tpu.enqueue_indirect_dma source(%dma_start3A_64 : memref<100000x64xf32, #tpu.memory_space<hbm>>) target(%arg7 : memref<128x64xf32, #tpu.memory_space<vmem>>) offsets(%arg5 : memref<128xi32, #tpu.memory_space<vmem>>) semaphore(%arg13 : memref<!tpu.dma_semaphore, #tpu.memory_space<semaphore_mem>>)
    %dma_wait3A_65 = arith.constant 0 : i32
    %dma_wait3A_66 = arith.constant 0 : i32
    %dma_wait3A_67 = tpu.memref_slice %arg3[%dma_wait3A_65, %dma_wait3A_66] : memref<100000x64xf32, #tpu.memory_space<hbm>> -> memref<100000x64xf32, #tpu.memory_space<hbm>>
    tpu.wait_indirect_dma semaphore(%arg13 : memref<!tpu.dma_semaphore, #tpu.memory_space<semaphore_mem>>) src(%dma_wait3A_67 : memref<100000x64xf32, #tpu.memory_space<hbm>>) dst(%arg7 : memref<128x64xf32, #tpu.memory_space<vmem>>)
    %add3A_68 = arith.constant 2 : i32
    %add3A_69 = arith.addi %mul3A_2, %add3A_68 : i32
    %shift_right_logical3A_70 = arith.constant 7 : i32
    %shift_right_logical3A_71 = arith.shrui %add3A_69, %shift_right_logical3A_70 : i32
    %and3A_72 = arith.constant 127 : i32
    %and3A_73 = arith.andi %add3A_69, %and3A_72 : i32
    %mul3A_74 = arith.constant 16384 : i32
    %mul3A_75 = arith.muli %shift_right_logical3A_71, %mul3A_74 : i32
    %mul3A_76 = arith.constant 128 : i32
    %mul3A_77 = arith.muli %and3A_73, %mul3A_76 : i32
    %add3A_78 = arith.addi %mul3A_75, %mul3A_77 : i32
    %dma_start3A_79 = tpu.memref_slice %arg2[%add3A_78] : memref<3276800xi32, #tpu.memory_space<hbm>> -> memref<128xi32, #tpu.memory_space<hbm>>
    %dma_start3A_80 = tpu.memref_slice %arg2[%add3A_78] : memref<3276800xi32, #tpu.memory_space<hbm>> -> memref<128xi32, #tpu.memory_space<hbm>>
    tpu.enqueue_dma source(%dma_start3A_80 : memref<128xi32, #tpu.memory_space<hbm>>) target(%arg5 : memref<128xi32, #tpu.memory_space<vmem>>) target_semaphore(%arg11 : memref<!tpu.dma_semaphore, #tpu.memory_space<semaphore_mem>>)
    %add3A_81 = arith.constant 1 : i32
    %add3A_82 = arith.addi %mul3A_2, %add3A_81 : i32
    %shift_right_logical3A_83 = arith.constant 7 : i32
    %shift_right_logical3A_84 = arith.shrui %add3A_82, %shift_right_logical3A_83 : i32
    %and3A_85 = arith.constant 127 : i32
    %and3A_86 = arith.andi %add3A_82, %and3A_85 : i32
    %mul3A_87 = arith.constant 16384 : i32
    %mul3A_88 = arith.muli %shift_right_logical3A_84, %mul3A_87 : i32
    %mul3A_89 = arith.constant 128 : i32
    %mul3A_90 = arith.muli %and3A_86, %mul3A_89 : i32
    %add3A_91 = arith.addi %mul3A_88, %mul3A_90 : i32
    %dma_wait3A_92 = tpu.memref_slice %arg2[%add3A_91] : memref<3276800xi32, #tpu.memory_space<hbm>> -> memref<128xi32, #tpu.memory_space<hbm>>
    %dma_wait3A_93 = tpu.memref_slice %arg2[%add3A_91] : memref<3276800xi32, #tpu.memory_space<hbm>> -> memref<128xi32, #tpu.memory_space<hbm>>
    tpu.wait_dma2 semaphore(%arg12 : memref<!tpu.dma_semaphore, #tpu.memory_space<semaphore_mem>>) src(%dma_wait3A_93 : memref<128xi32, #tpu.memory_space<hbm>>) dst(%arg6 : memref<128xi32, #tpu.memory_space<vmem>>)
    %dma_start3A_94 = arith.constant 0 : i32
    %dma_start3A_95 = arith.constant 0 : i32
    %dma_start3A_96 = tpu.memref_slice %arg3[%dma_start3A_94, %dma_start3A_95] : memref<100000x64xf32, #tpu.memory_space<hbm>> -> memref<100000x64xf32, #tpu.memory_space<hbm>>
    tpu.enqueue_indirect_dma source(%dma_start3A_96 : memref<100000x64xf32, #tpu.memory_space<hbm>>) target(%arg8 : memref<128x64xf32, #tpu.memory_space<vmem>>) offsets(%arg6 : memref<128xi32, #tpu.memory_space<vmem>>) semaphore(%arg14 : memref<!tpu.dma_semaphore, #tpu.memory_space<semaphore_mem>>)
    %scan3A = arith.constant 0 : i32
    %scan3A_97 = arith.constant 16 : i32
    %scan3A_98 = arith.addi %scan3A, %scan3A_97 : i32
    %scan3A_99 = arith.constant 1 : i32
    scf.for %scan3A_287 = %scan3A to %scan3A_98 step %scan3A_99  : i32 {
      %mul3A_288 = arith.constant 4 : i32
      %mul3A_289 = arith.muli %scan3A_287, %mul3A_288 : i32
      %add3A_290 = arith.constant 0 : i32
      %add3A_291 = arith.addi %add3A_290, %mul3A_289 : i32
      %add3A_292 = vector.broadcast %add3A_291 : i32 to vector<16xi32>
      %add3A_293 = arith.addi %iota3A, %add3A_292 : vector<16xi32>
      %add3A_294 = arith.constant 0 : i32
      %add3A_295 = vector.broadcast %add3A_294 : i32 to vector<16xi32>
      %add3A_296 = arith.addi %add3A_293, %add3A_295 : vector<16xi32>
      %and3A_297 = arith.constant 63 : i32
      %and3A_298 = vector.broadcast %and3A_297 : i32 to vector<16xi32>
      %and3A_299 = arith.andi %add3A_296, %and3A_298 : vector<16xi32>
      %shift_right_logical3A_300 = arith.constant 3 : i32
      %shift_right_logical3A_301 = vector.broadcast %shift_right_logical3A_300 : i32 to vector<16xi32>
      %shift_right_logical3A_302 = arith.shrui %and3A_299, %shift_right_logical3A_301 : vector<16xi32>
      %and3A_303 = arith.constant 7 : i32
      %and3A_304 = vector.broadcast %and3A_303 : i32 to vector<16xi32>
      %and3A_305 = arith.andi %and3A_299, %and3A_304 : vector<16xi32>
      %shift_left3A = arith.constant 7 : i32
      %shift_left3A_306 = vector.broadcast %shift_left3A : i32 to vector<16xi32>
      %shift_left3A_307 = arith.shli %and3A_305, %shift_left3A_306 : vector<16xi32>
      %add3A_308 = arith.addi %shift_left3A_307, %iota3A : vector<16xi32>
      %add3A_309 = arith.constant 0 : i32
      %add3A_310 = vector.broadcast %add3A_309 : i32 to vector<16xi32>
      %add3A_311 = arith.addi %iota3A, %add3A_310 : vector<16xi32>
      %gather3A = tpu.vector_load_idx %arg7[%add3A_311, %and3A_299] : memref<128x64xf32, #tpu.memory_space<vmem>>[vector<16xi32>, vector<16xi32>], vector<16xf32>,
      %add3A_312 = arith.constant 0 : i32
      %add3A_313 = vector.broadcast %add3A_312 : i32 to vector<16xi32>
      %add3A_314 = arith.addi %add3A_308, %add3A_313 : vector<16xi32>
      tpu.vector_store_idx %arg9[%shift_right_logical3A_302, %add3A_314], %gather3A : memref<8x1024xf32, #tpu.memory_space<vmem>>[vector<16xi32>, vector<16xi32>], vector<16xf32>,
      %add3A_315 = arith.constant 16 : i32
      %add3A_316 = vector.broadcast %add3A_315 : i32 to vector<16xi32>
      %add3A_317 = arith.addi %iota3A, %add3A_316 : vector<16xi32>
      %gather3A_318 = tpu.vector_load_idx %arg7[%add3A_317, %and3A_299] : memref<128x64xf32, #tpu.memory_space<vmem>>[vector<16xi32>, vector<16xi32>], vector<16xf32>,
      %add3A_319 = arith.constant 16 : i32
      %add3A_320 = vector.broadcast %add3A_319 : i32 to vector<16xi32>
      %add3A_321 = arith.addi %add3A_308, %add3A_320 : vector<16xi32>
      tpu.vector_store_idx %arg9[%shift_right_logical3A_302, %add3A_321], %gather3A_318 : memref<8x1024xf32, #tpu.memory_space<vmem>>[vector<16xi32>, vector<16xi32>], vector<16xf32>,
      %add3A_322 = arith.constant 32 : i32
      %add3A_323 = vector.broadcast %add3A_322 : i32 to vector<16xi32>
      %add3A_324 = arith.addi %iota3A, %add3A_323 : vector<16xi32>
      %gather3A_325 = tpu.vector_load_idx %arg7[%add3A_324, %and3A_299] : memref<128x64xf32, #tpu.memory_space<vmem>>[vector<16xi32>, vector<16xi32>], vector<16xf32>,
      %add3A_326 = arith.constant 32 : i32
      %add3A_327 = vector.broadcast %add3A_326 : i32 to vector<16xi32>
      %add3A_328 = arith.addi %add3A_308, %add3A_327 : vector<16xi32>
      tpu.vector_store_idx %arg9[%shift_right_logical3A_302, %add3A_328], %gather3A_325 : memref<8x1024xf32, #tpu.memory_space<vmem>>[vector<16xi32>, vector<16xi32>], vector<16xf32>,
      %add3A_329 = arith.constant 48 : i32
      %add3A_330 = vector.broadcast %add3A_329 : i32 to vector<16xi32>
      %add3A_331 = arith.addi %iota3A, %add3A_330 : vector<16xi32>
      %gather3A_332 = tpu.vector_load_idx %arg7[%add3A_331, %and3A_299] : memref<128x64xf32, #tpu.memory_space<vmem>>[vector<16xi32>, vector<16xi32>], vector<16xf32>,
      %add3A_333 = arith.constant 48 : i32
      %add3A_334 = vector.broadcast %add3A_333 : i32 to vector<16xi32>
      %add3A_335 = arith.addi %add3A_308, %add3A_334 : vector<16xi32>
      tpu.vector_store_idx %arg9[%shift_right_logical3A_302, %add3A_335], %gather3A_332 : memref<8x1024xf32, #tpu.memory_space<vmem>>[vector<16xi32>, vector<16xi32>], vector<16xf32>,
      %add3A_336 = arith.constant 64 : i32
      %add3A_337 = vector.broadcast %add3A_336 : i32 to vector<16xi32>
      %add3A_338 = arith.addi %iota3A, %add3A_337 : vector<16xi32>
      %gather3A_339 = tpu.vector_load_idx %arg7[%add3A_338, %and3A_299] : memref<128x64xf32, #tpu.memory_space<vmem>>[vector<16xi32>, vector<16xi32>], vector<16xf32>,
      %add3A_340 = arith.constant 64 : i32
      %add3A_341 = vector.broadcast %add3A_340 : i32 to vector<16xi32>
      %add3A_342 = arith.addi %add3A_308, %add3A_341 : vector<16xi32>
      tpu.vector_store_idx %arg9[%shift_right_logical3A_302, %add3A_342], %gather3A_339 : memref<8x1024xf32, #tpu.memory_space<vmem>>[vector<16xi32>, vector<16xi32>], vector<16xf32>,
      %add3A_343 = arith.constant 80 : i32
      %add3A_344 = vector.broadcast %add3A_343 : i32 to vector<16xi32>
      %add3A_345 = arith.addi %iota3A, %add3A_344 : vector<16xi32>
      %gather3A_346 = tpu.vector_load_idx %arg7[%add3A_345, %and3A_299] : memref<128x64xf32, #tpu.memory_space<vmem>>[vector<16xi32>, vector<16xi32>], vector<16xf32>,
      %add3A_347 = arith.constant 80 : i32
      %add3A_348 = vector.broadcast %add3A_347 : i32 to vector<16xi32>
      %add3A_349 = arith.addi %add3A_308, %add3A_348 : vector<16xi32>
      tpu.vector_store_idx %arg9[%shift_right_logical3A_302, %add3A_349], %gather3A_346 : memref<8x1024xf32, #tpu.memory_space<vmem>>[vector<16xi32>, vector<16xi32>], vector<16xf32>,
      %add3A_350 = arith.constant 96 : i32
      %add3A_351 = vector.broadcast %add3A_350 : i32 to vector<16xi32>
      %add3A_352 = arith.addi %iota3A, %add3A_351 : vector<16xi32>
      %gather3A_353 = tpu.vector_load_idx %arg7[%add3A_352, %and3A_299] : memref<128x64xf32, #tpu.memory_space<vmem>>[vector<16xi32>, vector<16xi32>], vector<16xf32>,
      %add3A_354 = arith.constant 96 : i32
      %add3A_355 = vector.broadcast %add3A_354 : i32 to vector<16xi32>
      %add3A_356 = arith.addi %add3A_308, %add3A_355 : vector<16xi32>
      tpu.vector_store_idx %arg9[%shift_right_logical3A_302, %add3A_356], %gather3A_353 : memref<8x1024xf32, #tpu.memory_space<vmem>>[vector<16xi32>, vector<16xi32>], vector<16xf32>,
      %add3A_357 = arith.constant 112 : i32
      %add3A_358 = vector.broadcast %add3A_357 : i32 to vector<16xi32>
      %add3A_359 = arith.addi %iota3A, %add3A_358 : vector<16xi32>
      %gather3A_360 = tpu.vector_load_idx %arg7[%add3A_359, %and3A_299] : memref<128x64xf32, #tpu.memory_space<vmem>>[vector<16xi32>, vector<16xi32>], vector<16xf32>,
      %add3A_361 = arith.constant 112 : i32
      %add3A_362 = vector.broadcast %add3A_361 : i32 to vector<16xi32>
      %add3A_363 = arith.addi %add3A_308, %add3A_362 : vector<16xi32>
      tpu.vector_store_idx %arg9[%shift_right_logical3A_302, %add3A_363], %gather3A_360 : memref<8x1024xf32, #tpu.memory_space<vmem>>[vector<16xi32>, vector<16xi32>], vector<16xf32>,
      %add3A_364 = vector.broadcast %add3A_291 : i32 to vector<16xi32>
      %add3A_365 = arith.addi %iota3A, %add3A_364 : vector<16xi32>
      %add3A_366 = arith.constant 1 : i32
      %add3A_367 = vector.broadcast %add3A_366 : i32 to vector<16xi32>
      %add3A_368 = arith.addi %add3A_365, %add3A_367 : vector<16xi32>
      %and3A_369 = arith.constant 63 : i32
      %and3A_370 = vector.broadcast %and3A_369 : i32 to vector<16xi32>
      %and3A_371 = arith.andi %add3A_368, %and3A_370 : vector<16xi32>
      %shift_right_logical3A_372 = arith.constant 3 : i32
      %shift_right_logical3A_373 = vector.broadcast %shift_right_logical3A_372 : i32 to vector<16xi32>
      %shift_right_logical3A_374 = arith.shrui %and3A_371, %shift_right_logical3A_373 : vector<16xi32>
      %and3A_375 = arith.constant 7 : i32
      %and3A_376 = vector.broadcast %and3A_375 : i32 to vector<16xi32>
      %and3A_377 = arith.andi %and3A_371, %and3A_376 : vector<16xi32>
      %shift_left3A_378 = arith.constant 7 : i32
      %shift_left3A_379 = vector.broadcast %shift_left3A_378 : i32 to vector<16xi32>
      %shift_left3A_380 = arith.shli %and3A_377, %shift_left3A_379 : vector<16xi32>
      %add3A_381 = arith.addi %shift_left3A_380, %iota3A : vector<16xi32>
      %add3A_382 = arith.constant 0 : i32
      %add3A_383 = vector.broadcast %add3A_382 : i32 to vector<16xi32>
      %add3A_384 = arith.addi %iota3A, %add3A_383 : vector<16xi32>
      %gather3A_385 = tpu.vector_load_idx %arg7[%add3A_384, %and3A_371] : memref<128x64xf32, #tpu.memory_space<vmem>>[vector<16xi32>, vector<16xi32>], vector<16xf32>,
      %add3A_386 = arith.constant 0 : i32
      %add3A_387 = vector.broadcast %add3A_386 : i32 to vector<16xi32>
      %add3A_388 = arith.addi %add3A_381, %add3A_387 : vector<16xi32>
      tpu.vector_store_idx %arg9[%shift_right_logical3A_374, %add3A_388], %gather3A_385 : memref<8x1024xf32, #tpu.memory_space<vmem>>[vector<16xi32>, vector<16xi32>], vector<16xf32>,
      %add3A_389 = arith.constant 16 : i32
      %add3A_390 = vector.broadcast %add3A_389 : i32 to vector<16xi32>
      %add3A_391 = arith.addi %iota3A, %add3A_390 : vector<16xi32>
      %gather3A_392 = tpu.vector_load_idx %arg7[%add3A_391, %and3A_371] : memref<128x64xf32, #tpu.memory_space<vmem>>[vector<16xi32>, vector<16xi32>], vector<16xf32>,
      %add3A_393 = arith.constant 16 : i32
      %add3A_394 = vector.broadcast %add3A_393 : i32 to vector<16xi32>
      %add3A_395 = arith.addi %add3A_381, %add3A_394 : vector<16xi32>
      tpu.vector_store_idx %arg9[%shift_right_logical3A_374, %add3A_395], %gather3A_392 : memref<8x1024xf32, #tpu.memory_space<vmem>>[vector<16xi32>, vector<16xi32>], vector<16xf32>,
      %add3A_396 = arith.constant 32 : i32
      %add3A_397 = vector.broadcast %add3A_396 : i32 to vector<16xi32>
      %add3A_398 = arith.addi %iota3A, %add3A_397 : vector<16xi32>
      %gather3A_399 = tpu.vector_load_idx %arg7[%add3A_398, %and3A_371] : memref<128x64xf32, #tpu.memory_space<vmem>>[vector<16xi32>, vector<16xi32>], vector<16xf32>,
      %add3A_400 = arith.constant 32 : i32
      %add3A_401 = vector.broadcast %add3A_400 : i32 to vector<16xi32>
      %add3A_402 = arith.addi %add3A_381, %add3A_401 : vector<16xi32>
      tpu.vector_store_idx %arg9[%shift_right_logical3A_374, %add3A_402], %gather3A_399 : memref<8x1024xf32, #tpu.memory_space<vmem>>[vector<16xi32>, vector<16xi32>], vector<16xf32>,
      %add3A_403 = arith.constant 48 : i32
      %add3A_404 = vector.broadcast %add3A_403 : i32 to vector<16xi32>
      %add3A_405 = arith.addi %iota3A, %add3A_404 : vector<16xi32>
      %gather3A_406 = tpu.vector_load_idx %arg7[%add3A_405, %and3A_371] : memref<128x64xf32, #tpu.memory_space<vmem>>[vector<16xi32>, vector<16xi32>], vector<16xf32>,
      %add3A_407 = arith.constant 48 : i32
      %add3A_408 = vector.broadcast %add3A_407 : i32 to vector<16xi32>
      %add3A_409 = arith.addi %add3A_381, %add3A_408 : vector<16xi32>
      tpu.vector_store_idx %arg9[%shift_right_logical3A_374, %add3A_409], %gather3A_406 : memref<8x1024xf32, #tpu.memory_space<vmem>>[vector<16xi32>, vector<16xi32>], vector<16xf32>,
      %add3A_410 = arith.constant 64 : i32
      %add3A_411 = vector.broadcast %add3A_410 : i32 to vector<16xi32>
      %add3A_412 = arith.addi %iota3A, %add3A_411 : vector<16xi32>
      %gather3A_413 = tpu.vector_load_idx %arg7[%add3A_412, %and3A_371] : memref<128x64xf32, #tpu.memory_space<vmem>>[vector<16xi32>, vector<16xi32>], vector<16xf32>,
      %add3A_414 = arith.constant 64 : i32
      %add3A_415 = vector.broadcast %add3A_414 : i32 to vector<16xi32>
      %add3A_416 = arith.addi %add3A_381, %add3A_415 : vector<16xi32>
      tpu.vector_store_idx %arg9[%shift_right_logical3A_374, %add3A_416], %gather3A_413 : memref<8x1024xf32, #tpu.memory_space<vmem>>[vector<16xi32>, vector<16xi32>], vector<16xf32>,
      %add3A_417 = arith.constant 80 : i32
      %add3A_418 = vector.broadcast %add3A_417 : i32 to vector<16xi32>
      %add3A_419 = arith.addi %iota3A, %add3A_418 : vector<16xi32>
      %gather3A_420 = tpu.vector_load_idx %arg7[%add3A_419, %and3A_371] : memref<128x64xf32, #tpu.memory_space<vmem>>[vector<16xi32>, vector<16xi32>], vector<16xf32>,
      %add3A_421 = arith.constant 80 : i32
      %add3A_422 = vector.broadcast %add3A_421 : i32 to vector<16xi32>
      %add3A_423 = arith.addi %add3A_381, %add3A_422 : vector<16xi32>
      tpu.vector_store_idx %arg9[%shift_right_logical3A_374, %add3A_423], %gather3A_420 : memref<8x1024xf32, #tpu.memory_space<vmem>>[vector<16xi32>, vector<16xi32>], vector<16xf32>,
      %add3A_424 = arith.constant 96 : i32
      %add3A_425 = vector.broadcast %add3A_424 : i32 to vector<16xi32>
      %add3A_426 = arith.addi %iota3A, %add3A_425 : vector<16xi32>
      %gather3A_427 = tpu.vector_load_idx %arg7[%add3A_426, %and3A_371] : memref<128x64xf32, #tpu.memory_space<vmem>>[vector<16xi32>, vector<16xi32>], vector<16xf32>,
      %add3A_428 = arith.constant 96 : i32
      %add3A_429 = vector.broadcast %add3A_428 : i32 to vector<16xi32>
      %add3A_430 = arith.addi %add3A_381, %add3A_429 : vector<16xi32>
      tpu.vector_store_idx %arg9[%shift_right_logical3A_374, %add3A_430], %gather3A_427 : memref<8x1024xf32, #tpu.memory_space<vmem>>[vector<16xi32>, vector<16xi32>], vector<16xf32>,
      %add3A_431 = arith.constant 112 : i32
      %add3A_432 = vector.broadcast %add3A_431 : i32 to vector<16xi32>
      %add3A_433 = arith.addi %iota3A, %add3A_432 : vector<16xi32>
      %gather3A_434 = tpu.vector_load_idx %arg7[%add3A_433, %and3A_371] : memref<128x64xf32, #tpu.memory_space<vmem>>[vector<16xi32>, vector<16xi32>], vector<16xf32>,
      %add3A_435 = arith.constant 112 : i32
      %add3A_436 = vector.broadcast %add3A_435 : i32 to vector<16xi32>
      %add3A_437 = arith.addi %add3A_381, %add3A_436 : vector<16xi32>
      tpu.vector_store_idx %arg9[%shift_right_logical3A_374, %add3A_437], %gather3A_434 : memref<8x1024xf32, #tpu.memory_space<vmem>>[vector<16xi32>, vector<16xi32>], vector<16xf32>,
      %add3A_438 = vector.broadcast %add3A_291 : i32 to vector<16xi32>
      %add3A_439 = arith.addi %iota3A, %add3A_438 : vector<16xi32>
      %add3A_440 = arith.constant 2 : i32
      %add3A_441 = vector.broadcast %add3A_440 : i32 to vector<16xi32>
      %add3A_442 = arith.addi %add3A_439, %add3A_441 : vector<16xi32>
      %and3A_443 = arith.constant 63 : i32
      %and3A_444 = vector.broadcast %and3A_443 : i32 to vector<16xi32>
      %and3A_445 = arith.andi %add3A_442, %and3A_444 : vector<16xi32>
      %shift_right_logical3A_446 = arith.constant 3 : i32
      %shift_right_logical3A_447 = vector.broadcast %shift_right_logical3A_446 : i32 to vector<16xi32>
      %shift_right_logical3A_448 = arith.shrui %and3A_445, %shift_right_logical3A_447 : vector<16xi32>
      %and3A_449 = arith.constant 7 : i32
      %and3A_450 = vector.broadcast %and3A_449 : i32 to vector<16xi32>
      %and3A_451 = arith.andi %and3A_445, %and3A_450 : vector<16xi32>
      %shift_left3A_452 = arith.constant 7 : i32
      %shift_left3A_453 = vector.broadcast %shift_left3A_452 : i32 to vector<16xi32>
      %shift_left3A_454 = arith.shli %and3A_451, %shift_left3A_453 : vector<16xi32>
      %add3A_455 = arith.addi %shift_left3A_454, %iota3A : vector<16xi32>
      %add3A_456 = arith.constant 0 : i32
      %add3A_457 = vector.broadcast %add3A_456 : i32 to vector<16xi32>
      %add3A_458 = arith.addi %iota3A, %add3A_457 : vector<16xi32>
      %gather3A_459 = tpu.vector_load_idx %arg7[%add3A_458, %and3A_445] : memref<128x64xf32, #tpu.memory_space<vmem>>[vector<16xi32>, vector<16xi32>], vector<16xf32>,
      %add3A_460 = arith.constant 0 : i32
      %add3A_461 = vector.broadcast %add3A_460 : i32 to vector<16xi32>
      %add3A_462 = arith.addi %add3A_455, %add3A_461 : vector<16xi32>
      tpu.vector_store_idx %arg9[%shift_right_logical3A_448, %add3A_462], %gather3A_459 : memref<8x1024xf32, #tpu.memory_space<vmem>>[vector<16xi32>, vector<16xi32>], vector<16xf32>,
      %add3A_463 = arith.constant 16 : i32
      %add3A_464 = vector.broadcast %add3A_463 : i32 to vector<16xi32>
      %add3A_465 = arith.addi %iota3A, %add3A_464 : vector<16xi32>
      %gather3A_466 = tpu.vector_load_idx %arg7[%add3A_465, %and3A_445] : memref<128x64xf32, #tpu.memory_space<vmem>>[vector<16xi32>, vector<16xi32>], vector<16xf32>,
      %add3A_467 = arith.constant 16 : i32
      %add3A_468 = vector.broadcast %add3A_467 : i32 to vector<16xi32>
      %add3A_469 = arith.addi %add3A_455, %add3A_468 : vector<16xi32>
      tpu.vector_store_idx %arg9[%shift_right_logical3A_448, %add3A_469], %gather3A_466 : memref<8x1024xf32, #tpu.memory_space<vmem>>[vector<16xi32>, vector<16xi32>], vector<16xf32>,
      %add3A_470 = arith.constant 32 : i32
      %add3A_471 = vector.broadcast %add3A_470 : i32 to vector<16xi32>
      %add3A_472 = arith.addi %iota3A, %add3A_471 : vector<16xi32>
      %gather3A_473 = tpu.vector_load_idx %arg7[%add3A_472, %and3A_445] : memref<128x64xf32, #tpu.memory_space<vmem>>[vector<16xi32>, vector<16xi32>], vector<16xf32>,
      %add3A_474 = arith.constant 32 : i32
      %add3A_475 = vector.broadcast %add3A_474 : i32 to vector<16xi32>
      %add3A_476 = arith.addi %add3A_455, %add3A_475 : vector<16xi32>
      tpu.vector_store_idx %arg9[%shift_right_logical3A_448, %add3A_476], %gather3A_473 : memref<8x1024xf32, #tpu.memory_space<vmem>>[vector<16xi32>, vector<16xi32>], vector<16xf32>,
      %add3A_477 = arith.constant 48 : i32
      %add3A_478 = vector.broadcast %add3A_477 : i32 to vector<16xi32>
      %add3A_479 = arith.addi %iota3A, %add3A_478 : vector<16xi32>
      %gather3A_480 = tpu.vector_load_idx %arg7[%add3A_479, %and3A_445] : memref<128x64xf32, #tpu.memory_space<vmem>>[vector<16xi32>, vector<16xi32>], vector<16xf32>,
      %add3A_481 = arith.constant 48 : i32
      %add3A_482 = vector.broadcast %add3A_481 : i32 to vector<16xi32>
      %add3A_483 = arith.addi %add3A_455, %add3A_482 : vector<16xi32>
      tpu.vector_store_idx %arg9[%shift_right_logical3A_448, %add3A_483], %gather3A_480 : memref<8x1024xf32, #tpu.memory_space<vmem>>[vector<16xi32>, vector<16xi32>], vector<16xf32>,
      %add3A_484 = arith.constant 64 : i32
      %add3A_485 = vector.broadcast %add3A_484 : i32 to vector<16xi32>
      %add3A_486 = arith.addi %iota3A, %add3A_485 : vector<16xi32>
      %gather3A_487 = tpu.vector_load_idx %arg7[%add3A_486, %and3A_445] : memref<128x64xf32, #tpu.memory_space<vmem>>[vector<16xi32>, vector<16xi32>], vector<16xf32>,
      %add3A_488 = arith.constant 64 : i32
      %add3A_489 = vector.broadcast %add3A_488 : i32 to vector<16xi32>
      %add3A_490 = arith.addi %add3A_455, %add3A_489 : vector<16xi32>
      tpu.vector_store_idx %arg9[%shift_right_logical3A_448, %add3A_490], %gather3A_487 : memref<8x1024xf32, #tpu.memory_space<vmem>>[vector<16xi32>, vector<16xi32>], vector<16xf32>,
      %add3A_491 = arith.constant 80 : i32
      %add3A_492 = vector.broadcast %add3A_491 : i32 to vector<16xi32>
      %add3A_493 = arith.addi %iota3A, %add3A_492 : vector<16xi32>
      %gather3A_494 = tpu.vector_load_idx %arg7[%add3A_493, %and3A_445] : memref<128x64xf32, #tpu.memory_space<vmem>>[vector<16xi32>, vector<16xi32>], vector<16xf32>,
      %add3A_495 = arith.constant 80 : i32
      %add3A_496 = vector.broadcast %add3A_495 : i32 to vector<16xi32>
      %add3A_497 = arith.addi %add3A_455, %add3A_496 : vector<16xi32>
      tpu.vector_store_idx %arg9[%shift_right_logical3A_448, %add3A_497], %gather3A_494 : memref<8x1024xf32, #tpu.memory_space<vmem>>[vector<16xi32>, vector<16xi32>], vector<16xf32>,
      %add3A_498 = arith.constant 96 : i32
      %add3A_499 = vector.broadcast %add3A_498 : i32 to vector<16xi32>
      %add3A_500 = arith.addi %iota3A, %add3A_499 : vector<16xi32>
      %gather3A_501 = tpu.vector_load_idx %arg7[%add3A_500, %and3A_445] : memref<128x64xf32, #tpu.memory_space<vmem>>[vector<16xi32>, vector<16xi32>], vector<16xf32>,
      %add3A_502 = arith.constant 96 : i32
      %add3A_503 = vector.broadcast %add3A_502 : i32 to vector<16xi32>
      %add3A_504 = arith.addi %add3A_455, %add3A_503 : vector<16xi32>
      tpu.vector_store_idx %arg9[%shift_right_logical3A_448, %add3A_504], %gather3A_501 : memref<8x1024xf32, #tpu.memory_space<vmem>>[vector<16xi32>, vector<16xi32>], vector<16xf32>,
      %add3A_505 = arith.constant 112 : i32
      %add3A_506 = vector.broadcast %add3A_505 : i32 to vector<16xi32>
      %add3A_507 = arith.addi %iota3A, %add3A_506 : vector<16xi32>
      %gather3A_508 = tpu.vector_load_idx %arg7[%add3A_507, %and3A_445] : memref<128x64xf32, #tpu.memory_space<vmem>>[vector<16xi32>, vector<16xi32>], vector<16xf32>,
      %add3A_509 = arith.constant 112 : i32
      %add3A_510 = vector.broadcast %add3A_509 : i32 to vector<16xi32>
      %add3A_511 = arith.addi %add3A_455, %add3A_510 : vector<16xi32>
      tpu.vector_store_idx %arg9[%shift_right_logical3A_448, %add3A_511], %gather3A_508 : memref<8x1024xf32, #tpu.memory_space<vmem>>[vector<16xi32>, vector<16xi32>], vector<16xf32>,
      %add3A_512 = vector.broadcast %add3A_291 : i32 to vector<16xi32>
      %add3A_513 = arith.addi %iota3A, %add3A_512 : vector<16xi32>
      %add3A_514 = arith.constant 3 : i32
      %add3A_515 = vector.broadcast %add3A_514 : i32 to vector<16xi32>
      %add3A_516 = arith.addi %add3A_513, %add3A_515 : vector<16xi32>
      %and3A_517 = arith.constant 63 : i32
      %and3A_518 = vector.broadcast %and3A_517 : i32 to vector<16xi32>
      %and3A_519 = arith.andi %add3A_516, %and3A_518 : vector<16xi32>
      %shift_right_logical3A_520 = arith.constant 3 : i32
      %shift_right_logical3A_521 = vector.broadcast %shift_right_logical3A_520 : i32 to vector<16xi32>
      %shift_right_logical3A_522 = arith.shrui %and3A_519, %shift_right_logical3A_521 : vector<16xi32>
      %and3A_523 = arith.constant 7 : i32
      %and3A_524 = vector.broadcast %and3A_523 : i32 to vector<16xi32>
      %and3A_525 = arith.andi %and3A_519, %and3A_524 : vector<16xi32>
      %shift_left3A_526 = arith.constant 7 : i32
      %shift_left3A_527 = vector.broadcast %shift_left3A_526 : i32 to vector<16xi32>
      %shift_left3A_528 = arith.shli %and3A_525, %shift_left3A_527 : vector<16xi32>
      %add3A_529 = arith.addi %shift_left3A_528, %iota3A : vector<16xi32>
      %add3A_530 = arith.constant 0 : i32
      %add3A_531 = vector.broadcast %add3A_530 : i32 to vector<16xi32>
      %add3A_532 = arith.addi %iota3A, %add3A_531 : vector<16xi32>
      %gather3A_533 = tpu.vector_load_idx %arg7[%add3A_532, %and3A_519] : memref<128x64xf32, #tpu.memory_space<vmem>>[vector<16xi32>, vector<16xi32>], vector<16xf32>,
      %add3A_534 = arith.constant 0 : i32
      %add3A_535 = vector.broadcast %add3A_534 : i32 to vector<16xi32>
      %add3A_536 = arith.addi %add3A_529, %add3A_535 : vector<16xi32>
      tpu.vector_store_idx %arg9[%shift_right_logical3A_522, %add3A_536], %gather3A_533 : memref<8x1024xf32, #tpu.memory_space<vmem>>[vector<16xi32>, vector<16xi32>], vector<16xf32>,
      %add3A_537 = arith.constant 16 : i32
      %add3A_538 = vector.broadcast %add3A_537 : i32 to vector<16xi32>
      %add3A_539 = arith.addi %iota3A, %add3A_538 : vector<16xi32>
      %gather3A_540 = tpu.vector_load_idx %arg7[%add3A_539, %and3A_519] : memref<128x64xf32, #tpu.memory_space<vmem>>[vector<16xi32>, vector<16xi32>], vector<16xf32>,
      %add3A_541 = arith.constant 16 : i32
      %add3A_542 = vector.broadcast %add3A_541 : i32 to vector<16xi32>
      %add3A_543 = arith.addi %add3A_529, %add3A_542 : vector<16xi32>
      tpu.vector_store_idx %arg9[%shift_right_logical3A_522, %add3A_543], %gather3A_540 : memref<8x1024xf32, #tpu.memory_space<vmem>>[vector<16xi32>, vector<16xi32>], vector<16xf32>,
      %add3A_544 = arith.constant 32 : i32
      %add3A_545 = vector.broadcast %add3A_544 : i32 to vector<16xi32>
      %add3A_546 = arith.addi %iota3A, %add3A_545 : vector<16xi32>
      %gather3A_547 = tpu.vector_load_idx %arg7[%add3A_546, %and3A_519] : memref<128x64xf32, #tpu.memory_space<vmem>>[vector<16xi32>, vector<16xi32>], vector<16xf32>,
      %add3A_548 = arith.constant 32 : i32
      %add3A_549 = vector.broadcast %add3A_548 : i32 to vector<16xi32>
      %add3A_550 = arith.addi %add3A_529, %add3A_549 : vector<16xi32>
      tpu.vector_store_idx %arg9[%shift_right_logical3A_522, %add3A_550], %gather3A_547 : memref<8x1024xf32, #tpu.memory_space<vmem>>[vector<16xi32>, vector<16xi32>], vector<16xf32>,
      %add3A_551 = arith.constant 48 : i32
      %add3A_552 = vector.broadcast %add3A_551 : i32 to vector<16xi32>
      %add3A_553 = arith.addi %iota3A, %add3A_552 : vector<16xi32>
      %gather3A_554 = tpu.vector_load_idx %arg7[%add3A_553, %and3A_519] : memref<128x64xf32, #tpu.memory_space<vmem>>[vector<16xi32>, vector<16xi32>], vector<16xf32>,
      %add3A_555 = arith.constant 48 : i32
      %add3A_556 = vector.broadcast %add3A_555 : i32 to vector<16xi32>
      %add3A_557 = arith.addi %add3A_529, %add3A_556 : vector<16xi32>
      tpu.vector_store_idx %arg9[%shift_right_logical3A_522, %add3A_557], %gather3A_554 : memref<8x1024xf32, #tpu.memory_space<vmem>>[vector<16xi32>, vector<16xi32>], vector<16xf32>,
      %add3A_558 = arith.constant 64 : i32
      %add3A_559 = vector.broadcast %add3A_558 : i32 to vector<16xi32>
      %add3A_560 = arith.addi %iota3A, %add3A_559 : vector<16xi32>
      %gather3A_561 = tpu.vector_load_idx %arg7[%add3A_560, %and3A_519] : memref<128x64xf32, #tpu.memory_space<vmem>>[vector<16xi32>, vector<16xi32>], vector<16xf32>,
      %add3A_562 = arith.constant 64 : i32
      %add3A_563 = vector.broadcast %add3A_562 : i32 to vector<16xi32>
      %add3A_564 = arith.addi %add3A_529, %add3A_563 : vector<16xi32>
      tpu.vector_store_idx %arg9[%shift_right_logical3A_522, %add3A_564], %gather3A_561 : memref<8x1024xf32, #tpu.memory_space<vmem>>[vector<16xi32>, vector<16xi32>], vector<16xf32>,
      %add3A_565 = arith.constant 80 : i32
      %add3A_566 = vector.broadcast %add3A_565 : i32 to vector<16xi32>
      %add3A_567 = arith.addi %iota3A, %add3A_566 : vector<16xi32>
      %gather3A_568 = tpu.vector_load_idx %arg7[%add3A_567, %and3A_519] : memref<128x64xf32, #tpu.memory_space<vmem>>[vector<16xi32>, vector<16xi32>], vector<16xf32>,
      %add3A_569 = arith.constant 80 : i32
      %add3A_570 = vector.broadcast %add3A_569 : i32 to vector<16xi32>
      %add3A_571 = arith.addi %add3A_529, %add3A_570 : vector<16xi32>
      tpu.vector_store_idx %arg9[%shift_right_logical3A_522, %add3A_571], %gather3A_568 : memref<8x1024xf32, #tpu.memory_space<vmem>>[vector<16xi32>, vector<16xi32>], vector<16xf32>,
      %add3A_572 = arith.constant 96 : i32
      %add3A_573 = vector.broadcast %add3A_572 : i32 to vector<16xi32>
      %add3A_574 = arith.addi %iota3A, %add3A_573 : vector<16xi32>
      %gather3A_575 = tpu.vector_load_idx %arg7[%add3A_574, %and3A_519] : memref<128x64xf32, #tpu.memory_space<vmem>>[vector<16xi32>, vector<16xi32>], vector<16xf32>,
      %add3A_576 = arith.constant 96 : i32
      %add3A_577 = vector.broadcast %add3A_576 : i32 to vector<16xi32>
      %add3A_578 = arith.addi %add3A_529, %add3A_577 : vector<16xi32>
      tpu.vector_store_idx %arg9[%shift_right_logical3A_522, %add3A_578], %gather3A_575 : memref<8x1024xf32, #tpu.memory_space<vmem>>[vector<16xi32>, vector<16xi32>], vector<16xf32>,
      %add3A_579 = arith.constant 112 : i32
      %add3A_580 = vector.broadcast %add3A_579 : i32 to vector<16xi32>
      %add3A_581 = arith.addi %iota3A, %add3A_580 : vector<16xi32>
      %gather3A_582 = tpu.vector_load_idx %arg7[%add3A_581, %and3A_519] : memref<128x64xf32, #tpu.memory_space<vmem>>[vector<16xi32>, vector<16xi32>], vector<16xf32>,
      %add3A_583 = arith.constant 112 : i32
      %add3A_584 = vector.broadcast %add3A_583 : i32 to vector<16xi32>
      %add3A_585 = arith.addi %add3A_529, %add3A_584 : vector<16xi32>
      tpu.vector_store_idx %arg9[%shift_right_logical3A_522, %add3A_585], %gather3A_582 : memref<8x1024xf32, #tpu.memory_space<vmem>>[vector<16xi32>, vector<16xi32>], vector<16xf32>,
    }
    %scan3A_100 = arith.constant 16 : i32
    %add3A_101 = arith.constant 0 : i32
    %add3A_102 = arith.addi %mul3A_2, %add3A_101 : i32
    %shift_right_logical3A_103 = arith.constant 7 : i32
    %shift_right_logical3A_104 = arith.shrui %add3A_102, %shift_right_logical3A_103 : i32
    %and3A_105 = arith.constant 127 : i32
    %and3A_106 = arith.andi %add3A_102, %and3A_105 : i32
    %mul3A_107 = arith.constant 8 : i32
    %mul3A_108 = arith.muli %shift_right_logical3A_104, %mul3A_107 : i32
    %dma_start3A_109 = arith.constant 0 : i32
    %dma_start3A_110 = tpu.memref_slice %arg4[%mul3A_108, %and3A_106, %dma_start3A_109] : memref<1600x128x1024xf32, #tpu.memory_space<hbm>> -> memref<8x1x1024xf32, #tpu.memory_space<hbm>>
    %dma_start3A_111 = tpu.memref_squeeze %dma_start3A_110 : memref<8x1x1024xf32, #tpu.memory_space<hbm>> -> memref<8x1024xf32, #tpu.memory_space<hbm>>
    %dma_start3A_112 = arith.constant 0 : i32
    %dma_start3A_113 = tpu.memref_slice %arg4[%mul3A_108, %and3A_106, %dma_start3A_112] : memref<1600x128x1024xf32, #tpu.memory_space<hbm>> -> memref<8x1x1024xf32, #tpu.memory_space<hbm>>
    %dma_start3A_114 = tpu.memref_squeeze %dma_start3A_113 : memref<8x1x1024xf32, #tpu.memory_space<hbm>> -> memref<8x1024xf32, #tpu.memory_space<hbm>>
    tpu.enqueue_dma source(%arg9 : memref<8x1024xf32, #tpu.memory_space<vmem>>) target(%dma_start3A_114 : memref<8x1024xf32, #tpu.memory_space<hbm>>) target_semaphore(%arg15 : memref<!tpu.dma_semaphore, #tpu.memory_space<semaphore_mem>>)
    %dma_wait3A_115 = arith.constant 0 : i32
    %dma_wait3A_116 = arith.constant 0 : i32
    %dma_wait3A_117 = tpu.memref_slice %arg3[%dma_wait3A_115, %dma_wait3A_116] : memref<100000x64xf32, #tpu.memory_space<hbm>> -> memref<100000x64xf32, #tpu.memory_space<hbm>>
    tpu.wait_indirect_dma semaphore(%arg14 : memref<!tpu.dma_semaphore, #tpu.memory_space<semaphore_mem>>) src(%dma_wait3A_117 : memref<100000x64xf32, #tpu.memory_space<hbm>>) dst(%arg8 : memref<128x64xf32, #tpu.memory_space<vmem>>)
    %add3A_118 = arith.constant 3 : i32
    %add3A_119 = arith.addi %mul3A_2, %add3A_118 : i32
    %shift_right_logical3A_120 = arith.constant 7 : i32
    %shift_right_logical3A_121 = arith.shrui %add3A_119, %shift_right_logical3A_120 : i32
    %and3A_122 = arith.constant 127 : i32
    %and3A_123 = arith.andi %add3A_119, %and3A_122 : i32
    %mul3A_124 = arith.constant 16384 : i32
    %mul3A_125 = arith.muli %shift_right_logical3A_121, %mul3A_124 : i32
    %mul3A_126 = arith.constant 128 : i32
    %mul3A_127 = arith.muli %and3A_123, %mul3A_126 : i32
    %add3A_128 = arith.addi %mul3A_125, %mul3A_127 : i32
    %dma_start3A_129 = tpu.memref_slice %arg2[%add3A_128] : memref<3276800xi32, #tpu.memory_space<hbm>> -> memref<128xi32, #tpu.memory_space<hbm>>
    %dma_start3A_130 = tpu.memref_slice %arg2[%add3A_128] : memref<3276800xi32, #tpu.memory_space<hbm>> -> memref<128xi32, #tpu.memory_space<hbm>>
    tpu.enqueue_dma source(%dma_start3A_130 : memref<128xi32, #tpu.memory_space<hbm>>) target(%arg6 : memref<128xi32, #tpu.memory_space<vmem>>) target_semaphore(%arg12 : memref<!tpu.dma_semaphore, #tpu.memory_space<semaphore_mem>>)
    %add3A_131 = arith.constant 2 : i32
    %add3A_132 = arith.addi %mul3A_2, %add3A_131 : i32
    %shift_right_logical3A_133 = arith.constant 7 : i32
    %shift_right_logical3A_134 = arith.shrui %add3A_132, %shift_right_logical3A_133 : i32
    %and3A_135 = arith.constant 127 : i32
    %and3A_136 = arith.andi %add3A_132, %and3A_135 : i32
    %mul3A_137 = arith.constant 16384 : i32
    %mul3A_138 = arith.muli %shift_right_logical3A_134, %mul3A_137 : i32
    %mul3A_139 = arith.constant 128 : i32
    %mul3A_140 = arith.muli %and3A_136, %mul3A_139 : i32
    %add3A_141 = arith.addi %mul3A_138, %mul3A_140 : i32
    %dma_wait3A_142 = tpu.memref_slice %arg2[%add3A_141] : memref<3276800xi32, #tpu.memory_space<hbm>> -> memref<128xi32, #tpu.memory_space<hbm>>
    %dma_wait3A_143 = tpu.memref_slice %arg2[%add3A_141] : memref<3276800xi32, #tpu.memory_space<hbm>> -> memref<128xi32, #tpu.memory_space<hbm>>
    tpu.wait_dma2 semaphore(%arg11 : memref<!tpu.dma_semaphore, #tpu.memory_space<semaphore_mem>>) src(%dma_wait3A_143 : memref<128xi32, #tpu.memory_space<hbm>>) dst(%arg5 : memref<128xi32, #tpu.memory_space<vmem>>)
    %dma_start3A_144 = arith.constant 0 : i32
    %dma_start3A_145 = arith.constant 0 : i32
    %dma_start3A_146 = tpu.memref_slice %arg3[%dma_start3A_144, %dma_start3A_145] : memref<100000x64xf32, #tpu.memory_space<hbm>> -> memref<100000x64xf32, #tpu.memory_space<hbm>>
    tpu.enqueue_indirect_dma source(%dma_start3A_146 : memref<100000x64xf32, #tpu.memory_space<hbm>>) target(%arg7 : memref<128x64xf32, #tpu.memory_space<vmem>>) offsets(%arg5 : memref<128xi32, #tpu.memory_space<vmem>>) semaphore(%arg13 : memref<!tpu.dma_semaphore, #tpu.memory_space<semaphore_mem>>)
    %scan3A_147 = arith.constant 0 : i32
    %scan3A_148 = arith.constant 16 : i32
    %scan3A_149 = arith.addi %scan3A_147, %scan3A_148 : i32
    %scan3A_150 = arith.constant 1 : i32
    scf.for %scan3A_287 = %scan3A_147 to %scan3A_149 step %scan3A_150  : i32 {
      %mul3A_288 = arith.constant 4 : i32
      %mul3A_289 = arith.muli %scan3A_287, %mul3A_288 : i32
      %add3A_290 = arith.constant 0 : i32
      %add3A_291 = arith.addi %add3A_290, %mul3A_289 : i32
      %add3A_292 = vector.broadcast %add3A_291 : i32 to vector<16xi32>
      %add3A_293 = arith.addi %iota3A, %add3A_292 : vector<16xi32>
      %add3A_294 = arith.constant 0 : i32
      %add3A_295 = vector.broadcast %add3A_294 : i32 to vector<16xi32>
      %add3A_296 = arith.addi %add3A_293, %add3A_295 : vector<16xi32>
      %and3A_297 = arith.constant 63 : i32
      %and3A_298 = vector.broadcast %and3A_297 : i32 to vector<16xi32>
      %and3A_299 = arith.andi %add3A_296, %and3A_298 : vector<16xi32>
      %shift_right_logical3A_300 = arith.constant 3 : i32
      %shift_right_logical3A_301 = vector.broadcast %shift_right_logical3A_300 : i32 to vector<16xi32>
      %shift_right_logical3A_302 = arith.shrui %and3A_299, %shift_right_logical3A_301 : vector<16xi32>
      %and3A_303 = arith.constant 7 : i32
      %and3A_304 = vector.broadcast %and3A_303 : i32 to vector<16xi32>
      %and3A_305 = arith.andi %and3A_299, %and3A_304 : vector<16xi32>
      %shift_left3A = arith.constant 7 : i32
      %shift_left3A_306 = vector.broadcast %shift_left3A : i32 to vector<16xi32>
      %shift_left3A_307 = arith.shli %and3A_305, %shift_left3A_306 : vector<16xi32>
      %add3A_308 = arith.addi %shift_left3A_307, %iota3A : vector<16xi32>
      %add3A_309 = arith.constant 0 : i32
      %add3A_310 = vector.broadcast %add3A_309 : i32 to vector<16xi32>
      %add3A_311 = arith.addi %iota3A, %add3A_310 : vector<16xi32>
      %gather3A = tpu.vector_load_idx %arg8[%add3A_311, %and3A_299] : memref<128x64xf32, #tpu.memory_space<vmem>>[vector<16xi32>, vector<16xi32>], vector<16xf32>,
      %add3A_312 = arith.constant 0 : i32
      %add3A_313 = vector.broadcast %add3A_312 : i32 to vector<16xi32>
      %add3A_314 = arith.addi %add3A_308, %add3A_313 : vector<16xi32>
      tpu.vector_store_idx %arg10[%shift_right_logical3A_302, %add3A_314], %gather3A : memref<8x1024xf32, #tpu.memory_space<vmem>>[vector<16xi32>, vector<16xi32>], vector<16xf32>,
      %add3A_315 = arith.constant 16 : i32
      %add3A_316 = vector.broadcast %add3A_315 : i32 to vector<16xi32>
      %add3A_317 = arith.addi %iota3A, %add3A_316 : vector<16xi32>
      %gather3A_318 = tpu.vector_load_idx %arg8[%add3A_317, %and3A_299] : memref<128x64xf32, #tpu.memory_space<vmem>>[vector<16xi32>, vector<16xi32>], vector<16xf32>,
      %add3A_319 = arith.constant 16 : i32
      %add3A_320 = vector.broadcast %add3A_319 : i32 to vector<16xi32>
      %add3A_321 = arith.addi %add3A_308, %add3A_320 : vector<16xi32>
      tpu.vector_store_idx %arg10[%shift_right_logical3A_302, %add3A_321], %gather3A_318 : memref<8x1024xf32, #tpu.memory_space<vmem>>[vector<16xi32>, vector<16xi32>], vector<16xf32>,
      %add3A_322 = arith.constant 32 : i32
      %add3A_323 = vector.broadcast %add3A_322 : i32 to vector<16xi32>
      %add3A_324 = arith.addi %iota3A, %add3A_323 : vector<16xi32>
      %gather3A_325 = tpu.vector_load_idx %arg8[%add3A_324, %and3A_299] : memref<128x64xf32, #tpu.memory_space<vmem>>[vector<16xi32>, vector<16xi32>], vector<16xf32>,
      %add3A_326 = arith.constant 32 : i32
      %add3A_327 = vector.broadcast %add3A_326 : i32 to vector<16xi32>
      %add3A_328 = arith.addi %add3A_308, %add3A_327 : vector<16xi32>
      tpu.vector_store_idx %arg10[%shift_right_logical3A_302, %add3A_328], %gather3A_325 : memref<8x1024xf32, #tpu.memory_space<vmem>>[vector<16xi32>, vector<16xi32>], vector<16xf32>,
      %add3A_329 = arith.constant 48 : i32
      %add3A_330 = vector.broadcast %add3A_329 : i32 to vector<16xi32>
      %add3A_331 = arith.addi %iota3A, %add3A_330 : vector<16xi32>
      %gather3A_332 = tpu.vector_load_idx %arg8[%add3A_331, %and3A_299] : memref<128x64xf32, #tpu.memory_space<vmem>>[vector<16xi32>, vector<16xi32>], vector<16xf32>,
      %add3A_333 = arith.constant 48 : i32
      %add3A_334 = vector.broadcast %add3A_333 : i32 to vector<16xi32>
      %add3A_335 = arith.addi %add3A_308, %add3A_334 : vector<16xi32>
      tpu.vector_store_idx %arg10[%shift_right_logical3A_302, %add3A_335], %gather3A_332 : memref<8x1024xf32, #tpu.memory_space<vmem>>[vector<16xi32>, vector<16xi32>], vector<16xf32>,
      %add3A_336 = arith.constant 64 : i32
      %add3A_337 = vector.broadcast %add3A_336 : i32 to vector<16xi32>
      %add3A_338 = arith.addi %iota3A, %add3A_337 : vector<16xi32>
      %gather3A_339 = tpu.vector_load_idx %arg8[%add3A_338, %and3A_299] : memref<128x64xf32, #tpu.memory_space<vmem>>[vector<16xi32>, vector<16xi32>], vector<16xf32>,
      %add3A_340 = arith.constant 64 : i32
      %add3A_341 = vector.broadcast %add3A_340 : i32 to vector<16xi32>
      %add3A_342 = arith.addi %add3A_308, %add3A_341 : vector<16xi32>
      tpu.vector_store_idx %arg10[%shift_right_logical3A_302, %add3A_342], %gather3A_339 : memref<8x1024xf32, #tpu.memory_space<vmem>>[vector<16xi32>, vector<16xi32>], vector<16xf32>,
      %add3A_343 = arith.constant 80 : i32
      %add3A_344 = vector.broadcast %add3A_343 : i32 to vector<16xi32>
      %add3A_345 = arith.addi %iota3A, %add3A_344 : vector<16xi32>
      %gather3A_346 = tpu.vector_load_idx %arg8[%add3A_345, %and3A_299] : memref<128x64xf32, #tpu.memory_space<vmem>>[vector<16xi32>, vector<16xi32>], vector<16xf32>,
      %add3A_347 = arith.constant 80 : i32
      %add3A_348 = vector.broadcast %add3A_347 : i32 to vector<16xi32>
      %add3A_349 = arith.addi %add3A_308, %add3A_348 : vector<16xi32>
      tpu.vector_store_idx %arg10[%shift_right_logical3A_302, %add3A_349], %gather3A_346 : memref<8x1024xf32, #tpu.memory_space<vmem>>[vector<16xi32>, vector<16xi32>], vector<16xf32>,
      %add3A_350 = arith.constant 96 : i32
      %add3A_351 = vector.broadcast %add3A_350 : i32 to vector<16xi32>
      %add3A_352 = arith.addi %iota3A, %add3A_351 : vector<16xi32>
      %gather3A_353 = tpu.vector_load_idx %arg8[%add3A_352, %and3A_299] : memref<128x64xf32, #tpu.memory_space<vmem>>[vector<16xi32>, vector<16xi32>], vector<16xf32>,
      %add3A_354 = arith.constant 96 : i32
      %add3A_355 = vector.broadcast %add3A_354 : i32 to vector<16xi32>
      %add3A_356 = arith.addi %add3A_308, %add3A_355 : vector<16xi32>
      tpu.vector_store_idx %arg10[%shift_right_logical3A_302, %add3A_356], %gather3A_353 : memref<8x1024xf32, #tpu.memory_space<vmem>>[vector<16xi32>, vector<16xi32>], vector<16xf32>,
      %add3A_357 = arith.constant 112 : i32
      %add3A_358 = vector.broadcast %add3A_357 : i32 to vector<16xi32>
      %add3A_359 = arith.addi %iota3A, %add3A_358 : vector<16xi32>
      %gather3A_360 = tpu.vector_load_idx %arg8[%add3A_359, %and3A_299] : memref<128x64xf32, #tpu.memory_space<vmem>>[vector<16xi32>, vector<16xi32>], vector<16xf32>,
      %add3A_361 = arith.constant 112 : i32
      %add3A_362 = vector.broadcast %add3A_361 : i32 to vector<16xi32>
      %add3A_363 = arith.addi %add3A_308, %add3A_362 : vector<16xi32>
      tpu.vector_store_idx %arg10[%shift_right_logical3A_302, %add3A_363], %gather3A_360 : memref<8x1024xf32, #tpu.memory_space<vmem>>[vector<16xi32>, vector<16xi32>], vector<16xf32>,
      %add3A_364 = vector.broadcast %add3A_291 : i32 to vector<16xi32>
      %add3A_365 = arith.addi %iota3A, %add3A_364 : vector<16xi32>
      %add3A_366 = arith.constant 1 : i32
      %add3A_367 = vector.broadcast %add3A_366 : i32 to vector<16xi32>
      %add3A_368 = arith.addi %add3A_365, %add3A_367 : vector<16xi32>
      %and3A_369 = arith.constant 63 : i32
      %and3A_370 = vector.broadcast %and3A_369 : i32 to vector<16xi32>
      %and3A_371 = arith.andi %add3A_368, %and3A_370 : vector<16xi32>
      %shift_right_logical3A_372 = arith.constant 3 : i32
      %shift_right_logical3A_373 = vector.broadcast %shift_right_logical3A_372 : i32 to vector<16xi32>
      %shift_right_logical3A_374 = arith.shrui %and3A_371, %shift_right_logical3A_373 : vector<16xi32>
      %and3A_375 = arith.constant 7 : i32
      %and3A_376 = vector.broadcast %and3A_375 : i32 to vector<16xi32>
      %and3A_377 = arith.andi %and3A_371, %and3A_376 : vector<16xi32>
      %shift_left3A_378 = arith.constant 7 : i32
      %shift_left3A_379 = vector.broadcast %shift_left3A_378 : i32 to vector<16xi32>
      %shift_left3A_380 = arith.shli %and3A_377, %shift_left3A_379 : vector<16xi32>
      %add3A_381 = arith.addi %shift_left3A_380, %iota3A : vector<16xi32>
      %add3A_382 = arith.constant 0 : i32
      %add3A_383 = vector.broadcast %add3A_382 : i32 to vector<16xi32>
      %add3A_384 = arith.addi %iota3A, %add3A_383 : vector<16xi32>
      %gather3A_385 = tpu.vector_load_idx %arg8[%add3A_384, %and3A_371] : memref<128x64xf32, #tpu.memory_space<vmem>>[vector<16xi32>, vector<16xi32>], vector<16xf32>,
      %add3A_386 = arith.constant 0 : i32
      %add3A_387 = vector.broadcast %add3A_386 : i32 to vector<16xi32>
      %add3A_388 = arith.addi %add3A_381, %add3A_387 : vector<16xi32>
      tpu.vector_store_idx %arg10[%shift_right_logical3A_374, %add3A_388], %gather3A_385 : memref<8x1024xf32, #tpu.memory_space<vmem>>[vector<16xi32>, vector<16xi32>], vector<16xf32>,
      %add3A_389 = arith.constant 16 : i32
      %add3A_390 = vector.broadcast %add3A_389 : i32 to vector<16xi32>
      %add3A_391 = arith.addi %iota3A, %add3A_390 : vector<16xi32>
      %gather3A_392 = tpu.vector_load_idx %arg8[%add3A_391, %and3A_371] : memref<128x64xf32, #tpu.memory_space<vmem>>[vector<16xi32>, vector<16xi32>], vector<16xf32>,
      %add3A_393 = arith.constant 16 : i32
      %add3A_394 = vector.broadcast %add3A_393 : i32 to vector<16xi32>
      %add3A_395 = arith.addi %add3A_381, %add3A_394 : vector<16xi32>
      tpu.vector_store_idx %arg10[%shift_right_logical3A_374, %add3A_395], %gather3A_392 : memref<8x1024xf32, #tpu.memory_space<vmem>>[vector<16xi32>, vector<16xi32>], vector<16xf32>,
      %add3A_396 = arith.constant 32 : i32
      %add3A_397 = vector.broadcast %add3A_396 : i32 to vector<16xi32>
      %add3A_398 = arith.addi %iota3A, %add3A_397 : vector<16xi32>
      %gather3A_399 = tpu.vector_load_idx %arg8[%add3A_398, %and3A_371] : memref<128x64xf32, #tpu.memory_space<vmem>>[vector<16xi32>, vector<16xi32>], vector<16xf32>,
      %add3A_400 = arith.constant 32 : i32
      %add3A_401 = vector.broadcast %add3A_400 : i32 to vector<16xi32>
      %add3A_402 = arith.addi %add3A_381, %add3A_401 : vector<16xi32>
      tpu.vector_store_idx %arg10[%shift_right_logical3A_374, %add3A_402], %gather3A_399 : memref<8x1024xf32, #tpu.memory_space<vmem>>[vector<16xi32>, vector<16xi32>], vector<16xf32>,
      %add3A_403 = arith.constant 48 : i32
      %add3A_404 = vector.broadcast %add3A_403 : i32 to vector<16xi32>
      %add3A_405 = arith.addi %iota3A, %add3A_404 : vector<16xi32>
      %gather3A_406 = tpu.vector_load_idx %arg8[%add3A_405, %and3A_371] : memref<128x64xf32, #tpu.memory_space<vmem>>[vector<16xi32>, vector<16xi32>], vector<16xf32>,
      %add3A_407 = arith.constant 48 : i32
      %add3A_408 = vector.broadcast %add3A_407 : i32 to vector<16xi32>
      %add3A_409 = arith.addi %add3A_381, %add3A_408 : vector<16xi32>
      tpu.vector_store_idx %arg10[%shift_right_logical3A_374, %add3A_409], %gather3A_406 : memref<8x1024xf32, #tpu.memory_space<vmem>>[vector<16xi32>, vector<16xi32>], vector<16xf32>,
      %add3A_410 = arith.constant 64 : i32
      %add3A_411 = vector.broadcast %add3A_410 : i32 to vector<16xi32>
      %add3A_412 = arith.addi %iota3A, %add3A_411 : vector<16xi32>
      %gather3A_413 = tpu.vector_load_idx %arg8[%add3A_412, %and3A_371] : memref<128x64xf32, #tpu.memory_space<vmem>>[vector<16xi32>, vector<16xi32>], vector<16xf32>,
      %add3A_414 = arith.constant 64 : i32
      %add3A_415 = vector.broadcast %add3A_414 : i32 to vector<16xi32>
      %add3A_416 = arith.addi %add3A_381, %add3A_415 : vector<16xi32>
      tpu.vector_store_idx %arg10[%shift_right_logical3A_374, %add3A_416], %gather3A_413 : memref<8x1024xf32, #tpu.memory_space<vmem>>[vector<16xi32>, vector<16xi32>], vector<16xf32>,
      %add3A_417 = arith.constant 80 : i32
      %add3A_418 = vector.broadcast %add3A_417 : i32 to vector<16xi32>
      %add3A_419 = arith.addi %iota3A, %add3A_418 : vector<16xi32>
      %gather3A_420 = tpu.vector_load_idx %arg8[%add3A_419, %and3A_371] : memref<128x64xf32, #tpu.memory_space<vmem>>[vector<16xi32>, vector<16xi32>], vector<16xf32>,
      %add3A_421 = arith.constant 80 : i32
      %add3A_422 = vector.broadcast %add3A_421 : i32 to vector<16xi32>
      %add3A_423 = arith.addi %add3A_381, %add3A_422 : vector<16xi32>
      tpu.vector_store_idx %arg10[%shift_right_logical3A_374, %add3A_423], %gather3A_420 : memref<8x1024xf32, #tpu.memory_space<vmem>>[vector<16xi32>, vector<16xi32>], vector<16xf32>,
      %add3A_424 = arith.constant 96 : i32
      %add3A_425 = vector.broadcast %add3A_424 : i32 to vector<16xi32>
      %add3A_426 = arith.addi %iota3A, %add3A_425 : vector<16xi32>
      %gather3A_427 = tpu.vector_load_idx %arg8[%add3A_426, %and3A_371] : memref<128x64xf32, #tpu.memory_space<vmem>>[vector<16xi32>, vector<16xi32>], vector<16xf32>,
      %add3A_428 = arith.constant 96 : i32
      %add3A_429 = vector.broadcast %add3A_428 : i32 to vector<16xi32>
      %add3A_430 = arith.addi %add3A_381, %add3A_429 : vector<16xi32>
      tpu.vector_store_idx %arg10[%shift_right_logical3A_374, %add3A_430], %gather3A_427 : memref<8x1024xf32, #tpu.memory_space<vmem>>[vector<16xi32>, vector<16xi32>], vector<16xf32>,
      %add3A_431 = arith.constant 112 : i32
      %add3A_432 = vector.broadcast %add3A_431 : i32 to vector<16xi32>
      %add3A_433 = arith.addi %iota3A, %add3A_432 : vector<16xi32>
      %gather3A_434 = tpu.vector_load_idx %arg8[%add3A_433, %and3A_371] : memref<128x64xf32, #tpu.memory_space<vmem>>[vector<16xi32>, vector<16xi32>], vector<16xf32>,
      %add3A_435 = arith.constant 112 : i32
      %add3A_436 = vector.broadcast %add3A_435 : i32 to vector<16xi32>
      %add3A_437 = arith.addi %add3A_381, %add3A_436 : vector<16xi32>
      tpu.vector_store_idx %arg10[%shift_right_logical3A_374, %add3A_437], %gather3A_434 : memref<8x1024xf32, #tpu.memory_space<vmem>>[vector<16xi32>, vector<16xi32>], vector<16xf32>,
      %add3A_438 = vector.broadcast %add3A_291 : i32 to vector<16xi32>
      %add3A_439 = arith.addi %iota3A, %add3A_438 : vector<16xi32>
      %add3A_440 = arith.constant 2 : i32
      %add3A_441 = vector.broadcast %add3A_440 : i32 to vector<16xi32>
      %add3A_442 = arith.addi %add3A_439, %add3A_441 : vector<16xi32>
      %and3A_443 = arith.constant 63 : i32
      %and3A_444 = vector.broadcast %and3A_443 : i32 to vector<16xi32>
      %and3A_445 = arith.andi %add3A_442, %and3A_444 : vector<16xi32>
      %shift_right_logical3A_446 = arith.constant 3 : i32
      %shift_right_logical3A_447 = vector.broadcast %shift_right_logical3A_446 : i32 to vector<16xi32>
      %shift_right_logical3A_448 = arith.shrui %and3A_445, %shift_right_logical3A_447 : vector<16xi32>
      %and3A_449 = arith.constant 7 : i32
      %and3A_450 = vector.broadcast %and3A_449 : i32 to vector<16xi32>
      %and3A_451 = arith.andi %and3A_445, %and3A_450 : vector<16xi32>
      %shift_left3A_452 = arith.constant 7 : i32
      %shift_left3A_453 = vector.broadcast %shift_left3A_452 : i32 to vector<16xi32>
      %shift_left3A_454 = arith.shli %and3A_451, %shift_left3A_453 : vector<16xi32>
      %add3A_455 = arith.addi %shift_left3A_454, %iota3A : vector<16xi32>
      %add3A_456 = arith.constant 0 : i32
      %add3A_457 = vector.broadcast %add3A_456 : i32 to vector<16xi32>
      %add3A_458 = arith.addi %iota3A, %add3A_457 : vector<16xi32>
      %gather3A_459 = tpu.vector_load_idx %arg8[%add3A_458, %and3A_445] : memref<128x64xf32, #tpu.memory_space<vmem>>[vector<16xi32>, vector<16xi32>], vector<16xf32>,
      %add3A_460 = arith.constant 0 : i32
      %add3A_461 = vector.broadcast %add3A_460 : i32 to vector<16xi32>
      %add3A_462 = arith.addi %add3A_455, %add3A_461 : vector<16xi32>
      tpu.vector_store_idx %arg10[%shift_right_logical3A_448, %add3A_462], %gather3A_459 : memref<8x1024xf32, #tpu.memory_space<vmem>>[vector<16xi32>, vector<16xi32>], vector<16xf32>,
      %add3A_463 = arith.constant 16 : i32
      %add3A_464 = vector.broadcast %add3A_463 : i32 to vector<16xi32>
      %add3A_465 = arith.addi %iota3A, %add3A_464 : vector<16xi32>
      %gather3A_466 = tpu.vector_load_idx %arg8[%add3A_465, %and3A_445] : memref<128x64xf32, #tpu.memory_space<vmem>>[vector<16xi32>, vector<16xi32>], vector<16xf32>,
      %add3A_467 = arith.constant 16 : i32
      %add3A_468 = vector.broadcast %add3A_467 : i32 to vector<16xi32>
      %add3A_469 = arith.addi %add3A_455, %add3A_468 : vector<16xi32>
      tpu.vector_store_idx %arg10[%shift_right_logical3A_448, %add3A_469], %gather3A_466 : memref<8x1024xf32, #tpu.memory_space<vmem>>[vector<16xi32>, vector<16xi32>], vector<16xf32>,
      %add3A_470 = arith.constant 32 : i32
      %add3A_471 = vector.broadcast %add3A_470 : i32 to vector<16xi32>
      %add3A_472 = arith.addi %iota3A, %add3A_471 : vector<16xi32>
      %gather3A_473 = tpu.vector_load_idx %arg8[%add3A_472, %and3A_445] : memref<128x64xf32, #tpu.memory_space<vmem>>[vector<16xi32>, vector<16xi32>], vector<16xf32>,
      %add3A_474 = arith.constant 32 : i32
      %add3A_475 = vector.broadcast %add3A_474 : i32 to vector<16xi32>
      %add3A_476 = arith.addi %add3A_455, %add3A_475 : vector<16xi32>
      tpu.vector_store_idx %arg10[%shift_right_logical3A_448, %add3A_476], %gather3A_473 : memref<8x1024xf32, #tpu.memory_space<vmem>>[vector<16xi32>, vector<16xi32>], vector<16xf32>,
      %add3A_477 = arith.constant 48 : i32
      %add3A_478 = vector.broadcast %add3A_477 : i32 to vector<16xi32>
      %add3A_479 = arith.addi %iota3A, %add3A_478 : vector<16xi32>
      %gather3A_480 = tpu.vector_load_idx %arg8[%add3A_479, %and3A_445] : memref<128x64xf32, #tpu.memory_space<vmem>>[vector<16xi32>, vector<16xi32>], vector<16xf32>,
      %add3A_481 = arith.constant 48 : i32
      %add3A_482 = vector.broadcast %add3A_481 : i32 to vector<16xi32>
      %add3A_483 = arith.addi %add3A_455, %add3A_482 : vector<16xi32>
      tpu.vector_store_idx %arg10[%shift_right_logical3A_448, %add3A_483], %gather3A_480 : memref<8x1024xf32, #tpu.memory_space<vmem>>[vector<16xi32>, vector<16xi32>], vector<16xf32>,
      %add3A_484 = arith.constant 64 : i32
      %add3A_485 = vector.broadcast %add3A_484 : i32 to vector<16xi32>
      %add3A_486 = arith.addi %iota3A, %add3A_485 : vector<16xi32>
      %gather3A_487 = tpu.vector_load_idx %arg8[%add3A_486, %and3A_445] : memref<128x64xf32, #tpu.memory_space<vmem>>[vector<16xi32>, vector<16xi32>], vector<16xf32>,
      %add3A_488 = arith.constant 64 : i32
      %add3A_489 = vector.broadcast %add3A_488 : i32 to vector<16xi32>
      %add3A_490 = arith.addi %add3A_455, %add3A_489 : vector<16xi32>
      tpu.vector_store_idx %arg10[%shift_right_logical3A_448, %add3A_490], %gather3A_487 : memref<8x1024xf32, #tpu.memory_space<vmem>>[vector<16xi32>, vector<16xi32>], vector<16xf32>,
      %add3A_491 = arith.constant 80 : i32
      %add3A_492 = vector.broadcast %add3A_491 : i32 to vector<16xi32>
      %add3A_493 = arith.addi %iota3A, %add3A_492 : vector<16xi32>
      %gather3A_494 = tpu.vector_load_idx %arg8[%add3A_493, %and3A_445] : memref<128x64xf32, #tpu.memory_space<vmem>>[vector<16xi32>, vector<16xi32>], vector<16xf32>,
      %add3A_495 = arith.constant 80 : i32
      %add3A_496 = vector.broadcast %add3A_495 : i32 to vector<16xi32>
      %add3A_497 = arith.addi %add3A_455, %add3A_496 : vector<16xi32>
      tpu.vector_store_idx %arg10[%shift_right_logical3A_448, %add3A_497], %gather3A_494 : memref<8x1024xf32, #tpu.memory_space<vmem>>[vector<16xi32>, vector<16xi32>], vector<16xf32>,
      %add3A_498 = arith.constant 96 : i32
      %add3A_499 = vector.broadcast %add3A_498 : i32 to vector<16xi32>
      %add3A_500 = arith.addi %iota3A, %add3A_499 : vector<16xi32>
      %gather3A_501 = tpu.vector_load_idx %arg8[%add3A_500, %and3A_445] : memref<128x64xf32, #tpu.memory_space<vmem>>[vector<16xi32>, vector<16xi32>], vector<16xf32>,
      %add3A_502 = arith.constant 96 : i32
      %add3A_503 = vector.broadcast %add3A_502 : i32 to vector<16xi32>
      %add3A_504 = arith.addi %add3A_455, %add3A_503 : vector<16xi32>
      tpu.vector_store_idx %arg10[%shift_right_logical3A_448, %add3A_504], %gather3A_501 : memref<8x1024xf32, #tpu.memory_space<vmem>>[vector<16xi32>, vector<16xi32>], vector<16xf32>,
      %add3A_505 = arith.constant 112 : i32
      %add3A_506 = vector.broadcast %add3A_505 : i32 to vector<16xi32>
      %add3A_507 = arith.addi %iota3A, %add3A_506 : vector<16xi32>
      %gather3A_508 = tpu.vector_load_idx %arg8[%add3A_507, %and3A_445] : memref<128x64xf32, #tpu.memory_space<vmem>>[vector<16xi32>, vector<16xi32>], vector<16xf32>,
      %add3A_509 = arith.constant 112 : i32
      %add3A_510 = vector.broadcast %add3A_509 : i32 to vector<16xi32>
      %add3A_511 = arith.addi %add3A_455, %add3A_510 : vector<16xi32>
      tpu.vector_store_idx %arg10[%shift_right_logical3A_448, %add3A_511], %gather3A_508 : memref<8x1024xf32, #tpu.memory_space<vmem>>[vector<16xi32>, vector<16xi32>], vector<16xf32>,
      %add3A_512 = vector.broadcast %add3A_291 : i32 to vector<16xi32>
      %add3A_513 = arith.addi %iota3A, %add3A_512 : vector<16xi32>
      %add3A_514 = arith.constant 3 : i32
      %add3A_515 = vector.broadcast %add3A_514 : i32 to vector<16xi32>
      %add3A_516 = arith.addi %add3A_513, %add3A_515 : vector<16xi32>
      %and3A_517 = arith.constant 63 : i32
      %and3A_518 = vector.broadcast %and3A_517 : i32 to vector<16xi32>
      %and3A_519 = arith.andi %add3A_516, %and3A_518 : vector<16xi32>
      %shift_right_logical3A_520 = arith.constant 3 : i32
      %shift_right_logical3A_521 = vector.broadcast %shift_right_logical3A_520 : i32 to vector<16xi32>
      %shift_right_logical3A_522 = arith.shrui %and3A_519, %shift_right_logical3A_521 : vector<16xi32>
      %and3A_523 = arith.constant 7 : i32
      %and3A_524 = vector.broadcast %and3A_523 : i32 to vector<16xi32>
      %and3A_525 = arith.andi %and3A_519, %and3A_524 : vector<16xi32>
      %shift_left3A_526 = arith.constant 7 : i32
      %shift_left3A_527 = vector.broadcast %shift_left3A_526 : i32 to vector<16xi32>
      %shift_left3A_528 = arith.shli %and3A_525, %shift_left3A_527 : vector<16xi32>
      %add3A_529 = arith.addi %shift_left3A_528, %iota3A : vector<16xi32>
      %add3A_530 = arith.constant 0 : i32
      %add3A_531 = vector.broadcast %add3A_530 : i32 to vector<16xi32>
      %add3A_532 = arith.addi %iota3A, %add3A_531 : vector<16xi32>
      %gather3A_533 = tpu.vector_load_idx %arg8[%add3A_532, %and3A_519] : memref<128x64xf32, #tpu.memory_space<vmem>>[vector<16xi32>, vector<16xi32>], vector<16xf32>,
      %add3A_534 = arith.constant 0 : i32
      %add3A_535 = vector.broadcast %add3A_534 : i32 to vector<16xi32>
      %add3A_536 = arith.addi %add3A_529, %add3A_535 : vector<16xi32>
      tpu.vector_store_idx %arg10[%shift_right_logical3A_522, %add3A_536], %gather3A_533 : memref<8x1024xf32, #tpu.memory_space<vmem>>[vector<16xi32>, vector<16xi32>], vector<16xf32>,
      %add3A_537 = arith.constant 16 : i32
      %add3A_538 = vector.broadcast %add3A_537 : i32 to vector<16xi32>
      %add3A_539 = arith.addi %iota3A, %add3A_538 : vector<16xi32>
      %gather3A_540 = tpu.vector_load_idx %arg8[%add3A_539, %and3A_519] : memref<128x64xf32, #tpu.memory_space<vmem>>[vector<16xi32>, vector<16xi32>], vector<16xf32>,
      %add3A_541 = arith.constant 16 : i32
      %add3A_542 = vector.broadcast %add3A_541 : i32 to vector<16xi32>
      %add3A_543 = arith.addi %add3A_529, %add3A_542 : vector<16xi32>
      tpu.vector_store_idx %arg10[%shift_right_logical3A_522, %add3A_543], %gather3A_540 : memref<8x1024xf32, #tpu.memory_space<vmem>>[vector<16xi32>, vector<16xi32>], vector<16xf32>,
      %add3A_544 = arith.constant 32 : i32
      %add3A_545 = vector.broadcast %add3A_544 : i32 to vector<16xi32>
      %add3A_546 = arith.addi %iota3A, %add3A_545 : vector<16xi32>
      %gather3A_547 = tpu.vector_load_idx %arg8[%add3A_546, %and3A_519] : memref<128x64xf32, #tpu.memory_space<vmem>>[vector<16xi32>, vector<16xi32>], vector<16xf32>,
      %add3A_548 = arith.constant 32 : i32
      %add3A_549 = vector.broadcast %add3A_548 : i32 to vector<16xi32>
      %add3A_550 = arith.addi %add3A_529, %add3A_549 : vector<16xi32>
      tpu.vector_store_idx %arg10[%shift_right_logical3A_522, %add3A_550], %gather3A_547 : memref<8x1024xf32, #tpu.memory_space<vmem>>[vector<16xi32>, vector<16xi32>], vector<16xf32>,
      %add3A_551 = arith.constant 48 : i32
      %add3A_552 = vector.broadcast %add3A_551 : i32 to vector<16xi32>
      %add3A_553 = arith.addi %iota3A, %add3A_552 : vector<16xi32>
      %gather3A_554 = tpu.vector_load_idx %arg8[%add3A_553, %and3A_519] : memref<128x64xf32, #tpu.memory_space<vmem>>[vector<16xi32>, vector<16xi32>], vector<16xf32>,
      %add3A_555 = arith.constant 48 : i32
      %add3A_556 = vector.broadcast %add3A_555 : i32 to vector<16xi32>
      %add3A_557 = arith.addi %add3A_529, %add3A_556 : vector<16xi32>
      tpu.vector_store_idx %arg10[%shift_right_logical3A_522, %add3A_557], %gather3A_554 : memref<8x1024xf32, #tpu.memory_space<vmem>>[vector<16xi32>, vector<16xi32>], vector<16xf32>,
      %add3A_558 = arith.constant 64 : i32
      %add3A_559 = vector.broadcast %add3A_558 : i32 to vector<16xi32>
      %add3A_560 = arith.addi %iota3A, %add3A_559 : vector<16xi32>
      %gather3A_561 = tpu.vector_load_idx %arg8[%add3A_560, %and3A_519] : memref<128x64xf32, #tpu.memory_space<vmem>>[vector<16xi32>, vector<16xi32>], vector<16xf32>,
      %add3A_562 = arith.constant 64 : i32
      %add3A_563 = vector.broadcast %add3A_562 : i32 to vector<16xi32>
      %add3A_564 = arith.addi %add3A_529, %add3A_563 : vector<16xi32>
      tpu.vector_store_idx %arg10[%shift_right_logical3A_522, %add3A_564], %gather3A_561 : memref<8x1024xf32, #tpu.memory_space<vmem>>[vector<16xi32>, vector<16xi32>], vector<16xf32>,
      %add3A_565 = arith.constant 80 : i32
      %add3A_566 = vector.broadcast %add3A_565 : i32 to vector<16xi32>
      %add3A_567 = arith.addi %iota3A, %add3A_566 : vector<16xi32>
      %gather3A_568 = tpu.vector_load_idx %arg8[%add3A_567, %and3A_519] : memref<128x64xf32, #tpu.memory_space<vmem>>[vector<16xi32>, vector<16xi32>], vector<16xf32>,
      %add3A_569 = arith.constant 80 : i32
      %add3A_570 = vector.broadcast %add3A_569 : i32 to vector<16xi32>
      %add3A_571 = arith.addi %add3A_529, %add3A_570 : vector<16xi32>
      tpu.vector_store_idx %arg10[%shift_right_logical3A_522, %add3A_571], %gather3A_568 : memref<8x1024xf32, #tpu.memory_space<vmem>>[vector<16xi32>, vector<16xi32>], vector<16xf32>,
      %add3A_572 = arith.constant 96 : i32
      %add3A_573 = vector.broadcast %add3A_572 : i32 to vector<16xi32>
      %add3A_574 = arith.addi %iota3A, %add3A_573 : vector<16xi32>
      %gather3A_575 = tpu.vector_load_idx %arg8[%add3A_574, %and3A_519] : memref<128x64xf32, #tpu.memory_space<vmem>>[vector<16xi32>, vector<16xi32>], vector<16xf32>,
      %add3A_576 = arith.constant 96 : i32
      %add3A_577 = vector.broadcast %add3A_576 : i32 to vector<16xi32>
      %add3A_578 = arith.addi %add3A_529, %add3A_577 : vector<16xi32>
      tpu.vector_store_idx %arg10[%shift_right_logical3A_522, %add3A_578], %gather3A_575 : memref<8x1024xf32, #tpu.memory_space<vmem>>[vector<16xi32>, vector<16xi32>], vector<16xf32>,
      %add3A_579 = arith.constant 112 : i32
      %add3A_580 = vector.broadcast %add3A_579 : i32 to vector<16xi32>
      %add3A_581 = arith.addi %iota3A, %add3A_580 : vector<16xi32>
      %gather3A_582 = tpu.vector_load_idx %arg8[%add3A_581, %and3A_519] : memref<128x64xf32, #tpu.memory_space<vmem>>[vector<16xi32>, vector<16xi32>], vector<16xf32>,
      %add3A_583 = arith.constant 112 : i32
      %add3A_584 = vector.broadcast %add3A_583 : i32 to vector<16xi32>
      %add3A_585 = arith.addi %add3A_529, %add3A_584 : vector<16xi32>
      tpu.vector_store_idx %arg10[%shift_right_logical3A_522, %add3A_585], %gather3A_582 : memref<8x1024xf32, #tpu.memory_space<vmem>>[vector<16xi32>, vector<16xi32>], vector<16xf32>,
    }
    %scan3A_151 = arith.constant 16 : i32
    %add3A_152 = arith.constant 1 : i32
    %add3A_153 = arith.addi %mul3A_2, %add3A_152 : i32
    %shift_right_logical3A_154 = arith.constant 7 : i32
    %shift_right_logical3A_155 = arith.shrui %add3A_153, %shift_right_logical3A_154 : i32
    %and3A_156 = arith.constant 127 : i32
    %and3A_157 = arith.andi %add3A_153, %and3A_156 : i32
    %mul3A_158 = arith.constant 8 : i32
    %mul3A_159 = arith.muli %shift_right_logical3A_155, %mul3A_158 : i32
    %dma_start3A_160 = arith.constant 0 : i32
    %dma_start3A_161 = tpu.memref_slice %arg4[%mul3A_159, %and3A_157, %dma_start3A_160] : memref<1600x128x1024xf32, #tpu.memory_space<hbm>> -> memref<8x1x1024xf32, #tpu.memory_space<hbm>>
    %dma_start3A_162 = tpu.memref_squeeze %dma_start3A_161 : memref<8x1x1024xf32, #tpu.memory_space<hbm>> -> memref<8x1024xf32, #tpu.memory_space<hbm>>
    %dma_start3A_163 = arith.constant 0 : i32
    %dma_start3A_164 = tpu.memref_slice %arg4[%mul3A_159, %and3A_157, %dma_start3A_163] : memref<1600x128x1024xf32, #tpu.memory_space<hbm>> -> memref<8x1x1024xf32, #tpu.memory_space<hbm>>
    %dma_start3A_165 = tpu.memref_squeeze %dma_start3A_164 : memref<8x1x1024xf32, #tpu.memory_space<hbm>> -> memref<8x1024xf32, #tpu.memory_space<hbm>>
    tpu.enqueue_dma source(%arg10 : memref<8x1024xf32, #tpu.memory_space<vmem>>) target(%dma_start3A_165 : memref<8x1024xf32, #tpu.memory_space<hbm>>) target_semaphore(%arg16 : memref<!tpu.dma_semaphore, #tpu.memory_space<semaphore_mem>>)
    %scan3A_166 = arith.constant 0 : i32
    %scan3A_167 = arith.constant 398 : i32
    %scan3A_168 = arith.addi %scan3A_166, %scan3A_167 : i32
    %scan3A_169 = arith.constant 1 : i32
    scf.for %scan3A_287 = %scan3A_166 to %scan3A_168 step %scan3A_169  : i32 {
      %mul3A_288 = arith.constant 2 : i32
      %mul3A_289 = arith.muli %scan3A_287, %mul3A_288 : i32
      %add3A_290 = arith.constant 2 : i32
      %add3A_291 = arith.addi %add3A_290, %mul3A_289 : i32
      %dma_wait3A_292 = arith.constant 0 : i32
      %dma_wait3A_293 = arith.constant 0 : i32
      %dma_wait3A_294 = tpu.memref_slice %arg3[%dma_wait3A_292, %dma_wait3A_293] : memref<100000x64xf32, #tpu.memory_space<hbm>> -> memref<100000x64xf32, #tpu.memory_space<hbm>>
      tpu.wait_indirect_dma semaphore(%arg13 : memref<!tpu.dma_semaphore, #tpu.memory_space<semaphore_mem>>) src(%dma_wait3A_294 : memref<100000x64xf32, #tpu.memory_space<hbm>>) dst(%arg7 : memref<128x64xf32, #tpu.memory_space<vmem>>)
      %add3A_295 = arith.constant 2 : i32
      %add3A_296 = arith.addi %add3A_291, %add3A_295 : i32
      %add3A_297 = arith.addi %mul3A_2, %add3A_296 : i32
      %shift_right_logical3A_298 = arith.constant 7 : i32
      %shift_right_logical3A_299 = arith.shrui %add3A_297, %shift_right_logical3A_298 : i32
      %and3A_300 = arith.constant 127 : i32
      %and3A_301 = arith.andi %add3A_297, %and3A_300 : i32
      %mul3A_302 = arith.constant 16384 : i32
      %mul3A_303 = arith.muli %shift_right_logical3A_299, %mul3A_302 : i32
      %mul3A_304 = arith.constant 128 : i32
      %mul3A_305 = arith.muli %and3A_301, %mul3A_304 : i32
      %add3A_306 = arith.addi %mul3A_303, %mul3A_305 : i32
      %dma_start3A_307 = tpu.memref_slice %arg2[%add3A_306] : memref<3276800xi32, #tpu.memory_space<hbm>> -> memref<128xi32, #tpu.memory_space<hbm>>
      %dma_start3A_308 = tpu.memref_slice %arg2[%add3A_306] : memref<3276800xi32, #tpu.memory_space<hbm>> -> memref<128xi32, #tpu.memory_space<hbm>>
      tpu.enqueue_dma source(%dma_start3A_308 : memref<128xi32, #tpu.memory_space<hbm>>) target(%arg5 : memref<128xi32, #tpu.memory_space<vmem>>) target_semaphore(%arg11 : memref<!tpu.dma_semaphore, #tpu.memory_space<semaphore_mem>>)
      %add3A_309 = arith.constant 1 : i32
      %add3A_310 = arith.addi %add3A_291, %add3A_309 : i32
      %add3A_311 = arith.addi %mul3A_2, %add3A_310 : i32
      %shift_right_logical3A_312 = arith.constant 7 : i32
      %shift_right_logical3A_313 = arith.shrui %add3A_311, %shift_right_logical3A_312 : i32
      %and3A_314 = arith.constant 127 : i32
      %and3A_315 = arith.andi %add3A_311, %and3A_314 : i32
      %mul3A_316 = arith.constant 16384 : i32
      %mul3A_317 = arith.muli %shift_right_logical3A_313, %mul3A_316 : i32
      %mul3A_318 = arith.constant 128 : i32
      %mul3A_319 = arith.muli %and3A_315, %mul3A_318 : i32
      %add3A_320 = arith.addi %mul3A_317, %mul3A_319 : i32
      %dma_wait3A_321 = tpu.memref_slice %arg2[%add3A_320] : memref<3276800xi32, #tpu.memory_space<hbm>> -> memref<128xi32, #tpu.memory_space<hbm>>
      %dma_wait3A_322 = tpu.memref_slice %arg2[%add3A_320] : memref<3276800xi32, #tpu.memory_space<hbm>> -> memref<128xi32, #tpu.memory_space<hbm>>
      tpu.wait_dma2 semaphore(%arg12 : memref<!tpu.dma_semaphore, #tpu.memory_space<semaphore_mem>>) src(%dma_wait3A_322 : memref<128xi32, #tpu.memory_space<hbm>>) dst(%arg6 : memref<128xi32, #tpu.memory_space<vmem>>)
      %dma_start3A_323 = arith.constant 0 : i32
      %dma_start3A_324 = arith.constant 0 : i32
      %dma_start3A_325 = tpu.memref_slice %arg3[%dma_start3A_323, %dma_start3A_324] : memref<100000x64xf32, #tpu.memory_space<hbm>> -> memref<100000x64xf32, #tpu.memory_space<hbm>>
      tpu.enqueue_indirect_dma source(%dma_start3A_325 : memref<100000x64xf32, #tpu.memory_space<hbm>>) target(%arg8 : memref<128x64xf32, #tpu.memory_space<vmem>>) offsets(%arg6 : memref<128xi32, #tpu.memory_space<vmem>>) semaphore(%arg14 : memref<!tpu.dma_semaphore, #tpu.memory_space<semaphore_mem>>)
      %sub3A = arith.constant 2 : i32
      %sub3A_326 = arith.subi %add3A_291, %sub3A : i32
      %add3A_327 = arith.addi %mul3A_2, %sub3A_326 : i32
      %shift_right_logical3A_328 = arith.constant 7 : i32
      %shift_right_logical3A_329 = arith.shrui %add3A_327, %shift_right_logical3A_328 : i32
      %and3A_330 = arith.constant 127 : i32
      %and3A_331 = arith.andi %add3A_327, %and3A_330 : i32
      %mul3A_332 = arith.constant 8 : i32
      %mul3A_333 = arith.muli %shift_right_logical3A_329, %mul3A_332 : i32
      %dma_wait3A_334 = arith.constant 0 : i32
      %dma_wait3A_335 = tpu.memref_slice %arg4[%mul3A_333, %and3A_331, %dma_wait3A_334] : memref<1600x128x1024xf32, #tpu.memory_space<hbm>> -> memref<8x1x1024xf32, #tpu.memory_space<hbm>>
      %dma_wait3A_336 = tpu.memref_squeeze %dma_wait3A_335 : memref<8x1x1024xf32, #tpu.memory_space<hbm>> -> memref<8x1024xf32, #tpu.memory_space<hbm>>
      %dma_wait3A_337 = arith.constant 0 : i32
      %dma_wait3A_338 = tpu.memref_slice %arg4[%mul3A_333, %and3A_331, %dma_wait3A_337] : memref<1600x128x1024xf32, #tpu.memory_space<hbm>> -> memref<8x1x1024xf32, #tpu.memory_space<hbm>>
      %dma_wait3A_339 = tpu.memref_squeeze %dma_wait3A_338 : memref<8x1x1024xf32, #tpu.memory_space<hbm>> -> memref<8x1024xf32, #tpu.memory_space<hbm>>
      tpu.wait_dma2 semaphore(%arg15 : memref<!tpu.dma_semaphore, #tpu.memory_space<semaphore_mem>>) src(%arg9 : memref<8x1024xf32, #tpu.memory_space<vmem>>) dst(%dma_wait3A_339 : memref<8x1024xf32, #tpu.memory_space<hbm>>)
      %scan3A_340 = arith.constant 0 : i32
      %scan3A_341 = arith.constant 16 : i32
      %scan3A_342 = arith.addi %scan3A_340, %scan3A_341 : i32
      %scan3A_343 = arith.constant 1 : i32
      scf.for %scan3A_427 = %scan3A_340 to %scan3A_342 step %scan3A_343  : i32 {
        %mul3A_428 = arith.constant 4 : i32
        %mul3A_429 = arith.muli %scan3A_427, %mul3A_428 : i32
        %add3A_430 = arith.constant 0 : i32
        %add3A_431 = arith.addi %add3A_430, %mul3A_429 : i32
        %add3A_432 = vector.broadcast %add3A_431 : i32 to vector<16xi32>
        %add3A_433 = arith.addi %iota3A, %add3A_432 : vector<16xi32>
        %add3A_434 = arith.constant 0 : i32
        %add3A_435 = vector.broadcast %add3A_434 : i32 to vector<16xi32>
        %add3A_436 = arith.addi %add3A_433, %add3A_435 : vector<16xi32>
        %and3A_437 = arith.constant 63 : i32
        %and3A_438 = vector.broadcast %and3A_437 : i32 to vector<16xi32>
        %and3A_439 = arith.andi %add3A_436, %and3A_438 : vector<16xi32>
        %shift_right_logical3A_440 = arith.constant 3 : i32
        %shift_right_logical3A_441 = vector.broadcast %shift_right_logical3A_440 : i32 to vector<16xi32>
        %shift_right_logical3A_442 = arith.shrui %and3A_439, %shift_right_logical3A_441 : vector<16xi32>
        %and3A_443 = arith.constant 7 : i32
        %and3A_444 = vector.broadcast %and3A_443 : i32 to vector<16xi32>
        %and3A_445 = arith.andi %and3A_439, %and3A_444 : vector<16xi32>
        %shift_left3A = arith.constant 7 : i32
        %shift_left3A_446 = vector.broadcast %shift_left3A : i32 to vector<16xi32>
        %shift_left3A_447 = arith.shli %and3A_445, %shift_left3A_446 : vector<16xi32>
        %add3A_448 = arith.addi %shift_left3A_447, %iota3A : vector<16xi32>
        %add3A_449 = arith.constant 0 : i32
        %add3A_450 = vector.broadcast %add3A_449 : i32 to vector<16xi32>
        %add3A_451 = arith.addi %iota3A, %add3A_450 : vector<16xi32>
        %gather3A = tpu.vector_load_idx %arg7[%add3A_451, %and3A_439] : memref<128x64xf32, #tpu.memory_space<vmem>>[vector<16xi32>, vector<16xi32>], vector<16xf32>,
        %add3A_452 = arith.constant 0 : i32
        %add3A_453 = vector.broadcast %add3A_452 : i32 to vector<16xi32>
        %add3A_454 = arith.addi %add3A_448, %add3A_453 : vector<16xi32>
        tpu.vector_store_idx %arg9[%shift_right_logical3A_442, %add3A_454], %gather3A : memref<8x1024xf32, #tpu.memory_space<vmem>>[vector<16xi32>, vector<16xi32>], vector<16xf32>,
        %add3A_455 = arith.constant 16 : i32
        %add3A_456 = vector.broadcast %add3A_455 : i32 to vector<16xi32>
        %add3A_457 = arith.addi %iota3A, %add3A_456 : vector<16xi32>
        %gather3A_458 = tpu.vector_load_idx %arg7[%add3A_457, %and3A_439] : memref<128x64xf32, #tpu.memory_space<vmem>>[vector<16xi32>, vector<16xi32>], vector<16xf32>,
        %add3A_459 = arith.constant 16 : i32
        %add3A_460 = vector.broadcast %add3A_459 : i32 to vector<16xi32>
        %add3A_461 = arith.addi %add3A_448, %add3A_460 : vector<16xi32>
        tpu.vector_store_idx %arg9[%shift_right_logical3A_442, %add3A_461], %gather3A_458 : memref<8x1024xf32, #tpu.memory_space<vmem>>[vector<16xi32>, vector<16xi32>], vector<16xf32>,
        %add3A_462 = arith.constant 32 : i32
        %add3A_463 = vector.broadcast %add3A_462 : i32 to vector<16xi32>
        %add3A_464 = arith.addi %iota3A, %add3A_463 : vector<16xi32>
        %gather3A_465 = tpu.vector_load_idx %arg7[%add3A_464, %and3A_439] : memref<128x64xf32, #tpu.memory_space<vmem>>[vector<16xi32>, vector<16xi32>], vector<16xf32>,
        %add3A_466 = arith.constant 32 : i32
        %add3A_467 = vector.broadcast %add3A_466 : i32 to vector<16xi32>
        %add3A_468 = arith.addi %add3A_448, %add3A_467 : vector<16xi32>
        tpu.vector_store_idx %arg9[%shift_right_logical3A_442, %add3A_468], %gather3A_465 : memref<8x1024xf32, #tpu.memory_space<vmem>>[vector<16xi32>, vector<16xi32>], vector<16xf32>,
        %add3A_469 = arith.constant 48 : i32
        %add3A_470 = vector.broadcast %add3A_469 : i32 to vector<16xi32>
        %add3A_471 = arith.addi %iota3A, %add3A_470 : vector<16xi32>
        %gather3A_472 = tpu.vector_load_idx %arg7[%add3A_471, %and3A_439] : memref<128x64xf32, #tpu.memory_space<vmem>>[vector<16xi32>, vector<16xi32>], vector<16xf32>,
        %add3A_473 = arith.constant 48 : i32
        %add3A_474 = vector.broadcast %add3A_473 : i32 to vector<16xi32>
        %add3A_475 = arith.addi %add3A_448, %add3A_474 : vector<16xi32>
        tpu.vector_store_idx %arg9[%shift_right_logical3A_442, %add3A_475], %gather3A_472 : memref<8x1024xf32, #tpu.memory_space<vmem>>[vector<16xi32>, vector<16xi32>], vector<16xf32>,
        %add3A_476 = arith.constant 64 : i32
        %add3A_477 = vector.broadcast %add3A_476 : i32 to vector<16xi32>
        %add3A_478 = arith.addi %iota3A, %add3A_477 : vector<16xi32>
        %gather3A_479 = tpu.vector_load_idx %arg7[%add3A_478, %and3A_439] : memref<128x64xf32, #tpu.memory_space<vmem>>[vector<16xi32>, vector<16xi32>], vector<16xf32>,
        %add3A_480 = arith.constant 64 : i32
        %add3A_481 = vector.broadcast %add3A_480 : i32 to vector<16xi32>
        %add3A_482 = arith.addi %add3A_448, %add3A_481 : vector<16xi32>
        tpu.vector_store_idx %arg9[%shift_right_logical3A_442, %add3A_482], %gather3A_479 : memref<8x1024xf32, #tpu.memory_space<vmem>>[vector<16xi32>, vector<16xi32>], vector<16xf32>,
        %add3A_483 = arith.constant 80 : i32
        %add3A_484 = vector.broadcast %add3A_483 : i32 to vector<16xi32>
        %add3A_485 = arith.addi %iota3A, %add3A_484 : vector<16xi32>
        %gather3A_486 = tpu.vector_load_idx %arg7[%add3A_485, %and3A_439] : memref<128x64xf32, #tpu.memory_space<vmem>>[vector<16xi32>, vector<16xi32>], vector<16xf32>,
        %add3A_487 = arith.constant 80 : i32
        %add3A_488 = vector.broadcast %add3A_487 : i32 to vector<16xi32>
        %add3A_489 = arith.addi %add3A_448, %add3A_488 : vector<16xi32>
        tpu.vector_store_idx %arg9[%shift_right_logical3A_442, %add3A_489], %gather3A_486 : memref<8x1024xf32, #tpu.memory_space<vmem>>[vector<16xi32>, vector<16xi32>], vector<16xf32>,
        %add3A_490 = arith.constant 96 : i32
        %add3A_491 = vector.broadcast %add3A_490 : i32 to vector<16xi32>
        %add3A_492 = arith.addi %iota3A, %add3A_491 : vector<16xi32>
        %gather3A_493 = tpu.vector_load_idx %arg7[%add3A_492, %and3A_439] : memref<128x64xf32, #tpu.memory_space<vmem>>[vector<16xi32>, vector<16xi32>], vector<16xf32>,
        %add3A_494 = arith.constant 96 : i32
        %add3A_495 = vector.broadcast %add3A_494 : i32 to vector<16xi32>
        %add3A_496 = arith.addi %add3A_448, %add3A_495 : vector<16xi32>
        tpu.vector_store_idx %arg9[%shift_right_logical3A_442, %add3A_496], %gather3A_493 : memref<8x1024xf32, #tpu.memory_space<vmem>>[vector<16xi32>, vector<16xi32>], vector<16xf32>,
        %add3A_497 = arith.constant 112 : i32
        %add3A_498 = vector.broadcast %add3A_497 : i32 to vector<16xi32>
        %add3A_499 = arith.addi %iota3A, %add3A_498 : vector<16xi32>
        %gather3A_500 = tpu.vector_load_idx %arg7[%add3A_499, %and3A_439] : memref<128x64xf32, #tpu.memory_space<vmem>>[vector<16xi32>, vector<16xi32>], vector<16xf32>,
        %add3A_501 = arith.constant 112 : i32
        %add3A_502 = vector.broadcast %add3A_501 : i32 to vector<16xi32>
        %add3A_503 = arith.addi %add3A_448, %add3A_502 : vector<16xi32>
        tpu.vector_store_idx %arg9[%shift_right_logical3A_442, %add3A_503], %gather3A_500 : memref<8x1024xf32, #tpu.memory_space<vmem>>[vector<16xi32>, vector<16xi32>], vector<16xf32>,
        %add3A_504 = vector.broadcast %add3A_431 : i32 to vector<16xi32>
        %add3A_505 = arith.addi %iota3A, %add3A_504 : vector<16xi32>
        %add3A_506 = arith.constant 1 : i32
        %add3A_507 = vector.broadcast %add3A_506 : i32 to vector<16xi32>
        %add3A_508 = arith.addi %add3A_505, %add3A_507 : vector<16xi32>
        %and3A_509 = arith.constant 63 : i32
        %and3A_510 = vector.broadcast %and3A_509 : i32 to vector<16xi32>
        %and3A_511 = arith.andi %add3A_508, %and3A_510 : vector<16xi32>
        %shift_right_logical3A_512 = arith.constant 3 : i32
        %shift_right_logical3A_513 = vector.broadcast %shift_right_logical3A_512 : i32 to vector<16xi32>
        %shift_right_logical3A_514 = arith.shrui %and3A_511, %shift_right_logical3A_513 : vector<16xi32>
        %and3A_515 = arith.constant 7 : i32
        %and3A_516 = vector.broadcast %and3A_515 : i32 to vector<16xi32>
        %and3A_517 = arith.andi %and3A_511, %and3A_516 : vector<16xi32>
        %shift_left3A_518 = arith.constant 7 : i32
        %shift_left3A_519 = vector.broadcast %shift_left3A_518 : i32 to vector<16xi32>
        %shift_left3A_520 = arith.shli %and3A_517, %shift_left3A_519 : vector<16xi32>
        %add3A_521 = arith.addi %shift_left3A_520, %iota3A : vector<16xi32>
        %add3A_522 = arith.constant 0 : i32
        %add3A_523 = vector.broadcast %add3A_522 : i32 to vector<16xi32>
        %add3A_524 = arith.addi %iota3A, %add3A_523 : vector<16xi32>
        %gather3A_525 = tpu.vector_load_idx %arg7[%add3A_524, %and3A_511] : memref<128x64xf32, #tpu.memory_space<vmem>>[vector<16xi32>, vector<16xi32>], vector<16xf32>,
        %add3A_526 = arith.constant 0 : i32
        %add3A_527 = vector.broadcast %add3A_526 : i32 to vector<16xi32>
        %add3A_528 = arith.addi %add3A_521, %add3A_527 : vector<16xi32>
        tpu.vector_store_idx %arg9[%shift_right_logical3A_514, %add3A_528], %gather3A_525 : memref<8x1024xf32, #tpu.memory_space<vmem>>[vector<16xi32>, vector<16xi32>], vector<16xf32>,
        %add3A_529 = arith.constant 16 : i32
        %add3A_530 = vector.broadcast %add3A_529 : i32 to vector<16xi32>
        %add3A_531 = arith.addi %iota3A, %add3A_530 : vector<16xi32>
        %gather3A_532 = tpu.vector_load_idx %arg7[%add3A_531, %and3A_511] : memref<128x64xf32, #tpu.memory_space<vmem>>[vector<16xi32>, vector<16xi32>], vector<16xf32>,
        %add3A_533 = arith.constant 16 : i32
        %add3A_534 = vector.broadcast %add3A_533 : i32 to vector<16xi32>
        %add3A_535 = arith.addi %add3A_521, %add3A_534 : vector<16xi32>
        tpu.vector_store_idx %arg9[%shift_right_logical3A_514, %add3A_535], %gather3A_532 : memref<8x1024xf32, #tpu.memory_space<vmem>>[vector<16xi32>, vector<16xi32>], vector<16xf32>,
        %add3A_536 = arith.constant 32 : i32
        %add3A_537 = vector.broadcast %add3A_536 : i32 to vector<16xi32>
        %add3A_538 = arith.addi %iota3A, %add3A_537 : vector<16xi32>
        %gather3A_539 = tpu.vector_load_idx %arg7[%add3A_538, %and3A_511] : memref<128x64xf32, #tpu.memory_space<vmem>>[vector<16xi32>, vector<16xi32>], vector<16xf32>,
        %add3A_540 = arith.constant 32 : i32
        %add3A_541 = vector.broadcast %add3A_540 : i32 to vector<16xi32>
        %add3A_542 = arith.addi %add3A_521, %add3A_541 : vector<16xi32>
        tpu.vector_store_idx %arg9[%shift_right_logical3A_514, %add3A_542], %gather3A_539 : memref<8x1024xf32, #tpu.memory_space<vmem>>[vector<16xi32>, vector<16xi32>], vector<16xf32>,
        %add3A_543 = arith.constant 48 : i32
        %add3A_544 = vector.broadcast %add3A_543 : i32 to vector<16xi32>
        %add3A_545 = arith.addi %iota3A, %add3A_544 : vector<16xi32>
        %gather3A_546 = tpu.vector_load_idx %arg7[%add3A_545, %and3A_511] : memref<128x64xf32, #tpu.memory_space<vmem>>[vector<16xi32>, vector<16xi32>], vector<16xf32>,
        %add3A_547 = arith.constant 48 : i32
        %add3A_548 = vector.broadcast %add3A_547 : i32 to vector<16xi32>
        %add3A_549 = arith.addi %add3A_521, %add3A_548 : vector<16xi32>
        tpu.vector_store_idx %arg9[%shift_right_logical3A_514, %add3A_549], %gather3A_546 : memref<8x1024xf32, #tpu.memory_space<vmem>>[vector<16xi32>, vector<16xi32>], vector<16xf32>,
        %add3A_550 = arith.constant 64 : i32
        %add3A_551 = vector.broadcast %add3A_550 : i32 to vector<16xi32>
        %add3A_552 = arith.addi %iota3A, %add3A_551 : vector<16xi32>
        %gather3A_553 = tpu.vector_load_idx %arg7[%add3A_552, %and3A_511] : memref<128x64xf32, #tpu.memory_space<vmem>>[vector<16xi32>, vector<16xi32>], vector<16xf32>,
        %add3A_554 = arith.constant 64 : i32
        %add3A_555 = vector.broadcast %add3A_554 : i32 to vector<16xi32>
        %add3A_556 = arith.addi %add3A_521, %add3A_555 : vector<16xi32>
        tpu.vector_store_idx %arg9[%shift_right_logical3A_514, %add3A_556], %gather3A_553 : memref<8x1024xf32, #tpu.memory_space<vmem>>[vector<16xi32>, vector<16xi32>], vector<16xf32>,
        %add3A_557 = arith.constant 80 : i32
        %add3A_558 = vector.broadcast %add3A_557 : i32 to vector<16xi32>
        %add3A_559 = arith.addi %iota3A, %add3A_558 : vector<16xi32>
        %gather3A_560 = tpu.vector_load_idx %arg7[%add3A_559, %and3A_511] : memref<128x64xf32, #tpu.memory_space<vmem>>[vector<16xi32>, vector<16xi32>], vector<16xf32>,
        %add3A_561 = arith.constant 80 : i32
        %add3A_562 = vector.broadcast %add3A_561 : i32 to vector<16xi32>
        %add3A_563 = arith.addi %add3A_521, %add3A_562 : vector<16xi32>
        tpu.vector_store_idx %arg9[%shift_right_logical3A_514, %add3A_563], %gather3A_560 : memref<8x1024xf32, #tpu.memory_space<vmem>>[vector<16xi32>, vector<16xi32>], vector<16xf32>,
        %add3A_564 = arith.constant 96 : i32
        %add3A_565 = vector.broadcast %add3A_564 : i32 to vector<16xi32>
        %add3A_566 = arith.addi %iota3A, %add3A_565 : vector<16xi32>
        %gather3A_567 = tpu.vector_load_idx %arg7[%add3A_566, %and3A_511] : memref<128x64xf32, #tpu.memory_space<vmem>>[vector<16xi32>, vector<16xi32>], vector<16xf32>,
        %add3A_568 = arith.constant 96 : i32
        %add3A_569 = vector.broadcast %add3A_568 : i32 to vector<16xi32>
        %add3A_570 = arith.addi %add3A_521, %add3A_569 : vector<16xi32>
        tpu.vector_store_idx %arg9[%shift_right_logical3A_514, %add3A_570], %gather3A_567 : memref<8x1024xf32, #tpu.memory_space<vmem>>[vector<16xi32>, vector<16xi32>], vector<16xf32>,
        %add3A_571 = arith.constant 112 : i32
        %add3A_572 = vector.broadcast %add3A_571 : i32 to vector<16xi32>
        %add3A_573 = arith.addi %iota3A, %add3A_572 : vector<16xi32>
        %gather3A_574 = tpu.vector_load_idx %arg7[%add3A_573, %and3A_511] : memref<128x64xf32, #tpu.memory_space<vmem>>[vector<16xi32>, vector<16xi32>], vector<16xf32>,
        %add3A_575 = arith.constant 112 : i32
        %add3A_576 = vector.broadcast %add3A_575 : i32 to vector<16xi32>
        %add3A_577 = arith.addi %add3A_521, %add3A_576 : vector<16xi32>
        tpu.vector_store_idx %arg9[%shift_right_logical3A_514, %add3A_577], %gather3A_574 : memref<8x1024xf32, #tpu.memory_space<vmem>>[vector<16xi32>, vector<16xi32>], vector<16xf32>,
        %add3A_578 = vector.broadcast %add3A_431 : i32 to vector<16xi32>
        %add3A_579 = arith.addi %iota3A, %add3A_578 : vector<16xi32>
        %add3A_580 = arith.constant 2 : i32
        %add3A_581 = vector.broadcast %add3A_580 : i32 to vector<16xi32>
        %add3A_582 = arith.addi %add3A_579, %add3A_581 : vector<16xi32>
        %and3A_583 = arith.constant 63 : i32
        %and3A_584 = vector.broadcast %and3A_583 : i32 to vector<16xi32>
        %and3A_585 = arith.andi %add3A_582, %and3A_584 : vector<16xi32>
        %shift_right_logical3A_586 = arith.constant 3 : i32
        %shift_right_logical3A_587 = vector.broadcast %shift_right_logical3A_586 : i32 to vector<16xi32>
        %shift_right_logical3A_588 = arith.shrui %and3A_585, %shift_right_logical3A_587 : vector<16xi32>
        %and3A_589 = arith.constant 7 : i32
        %and3A_590 = vector.broadcast %and3A_589 : i32 to vector<16xi32>
        %and3A_591 = arith.andi %and3A_585, %and3A_590 : vector<16xi32>
        %shift_left3A_592 = arith.constant 7 : i32
        %shift_left3A_593 = vector.broadcast %shift_left3A_592 : i32 to vector<16xi32>
        %shift_left3A_594 = arith.shli %and3A_591, %shift_left3A_593 : vector<16xi32>
        %add3A_595 = arith.addi %shift_left3A_594, %iota3A : vector<16xi32>
        %add3A_596 = arith.constant 0 : i32
        %add3A_597 = vector.broadcast %add3A_596 : i32 to vector<16xi32>
        %add3A_598 = arith.addi %iota3A, %add3A_597 : vector<16xi32>
        %gather3A_599 = tpu.vector_load_idx %arg7[%add3A_598, %and3A_585] : memref<128x64xf32, #tpu.memory_space<vmem>>[vector<16xi32>, vector<16xi32>], vector<16xf32>,
        %add3A_600 = arith.constant 0 : i32
        %add3A_601 = vector.broadcast %add3A_600 : i32 to vector<16xi32>
        %add3A_602 = arith.addi %add3A_595, %add3A_601 : vector<16xi32>
        tpu.vector_store_idx %arg9[%shift_right_logical3A_588, %add3A_602], %gather3A_599 : memref<8x1024xf32, #tpu.memory_space<vmem>>[vector<16xi32>, vector<16xi32>], vector<16xf32>,
        %add3A_603 = arith.constant 16 : i32
        %add3A_604 = vector.broadcast %add3A_603 : i32 to vector<16xi32>
        %add3A_605 = arith.addi %iota3A, %add3A_604 : vector<16xi32>
        %gather3A_606 = tpu.vector_load_idx %arg7[%add3A_605, %and3A_585] : memref<128x64xf32, #tpu.memory_space<vmem>>[vector<16xi32>, vector<16xi32>], vector<16xf32>,
        %add3A_607 = arith.constant 16 : i32
        %add3A_608 = vector.broadcast %add3A_607 : i32 to vector<16xi32>
        %add3A_609 = arith.addi %add3A_595, %add3A_608 : vector<16xi32>
        tpu.vector_store_idx %arg9[%shift_right_logical3A_588, %add3A_609], %gather3A_606 : memref<8x1024xf32, #tpu.memory_space<vmem>>[vector<16xi32>, vector<16xi32>], vector<16xf32>,
        %add3A_610 = arith.constant 32 : i32
        %add3A_611 = vector.broadcast %add3A_610 : i32 to vector<16xi32>
        %add3A_612 = arith.addi %iota3A, %add3A_611 : vector<16xi32>
        %gather3A_613 = tpu.vector_load_idx %arg7[%add3A_612, %and3A_585] : memref<128x64xf32, #tpu.memory_space<vmem>>[vector<16xi32>, vector<16xi32>], vector<16xf32>,
        %add3A_614 = arith.constant 32 : i32
        %add3A_615 = vector.broadcast %add3A_614 : i32 to vector<16xi32>
        %add3A_616 = arith.addi %add3A_595, %add3A_615 : vector<16xi32>
        tpu.vector_store_idx %arg9[%shift_right_logical3A_588, %add3A_616], %gather3A_613 : memref<8x1024xf32, #tpu.memory_space<vmem>>[vector<16xi32>, vector<16xi32>], vector<16xf32>,
        %add3A_617 = arith.constant 48 : i32
        %add3A_618 = vector.broadcast %add3A_617 : i32 to vector<16xi32>
        %add3A_619 = arith.addi %iota3A, %add3A_618 : vector<16xi32>
        %gather3A_620 = tpu.vector_load_idx %arg7[%add3A_619, %and3A_585] : memref<128x64xf32, #tpu.memory_space<vmem>>[vector<16xi32>, vector<16xi32>], vector<16xf32>,
        %add3A_621 = arith.constant 48 : i32
        %add3A_622 = vector.broadcast %add3A_621 : i32 to vector<16xi32>
        %add3A_623 = arith.addi %add3A_595, %add3A_622 : vector<16xi32>
        tpu.vector_store_idx %arg9[%shift_right_logical3A_588, %add3A_623], %gather3A_620 : memref<8x1024xf32, #tpu.memory_space<vmem>>[vector<16xi32>, vector<16xi32>], vector<16xf32>,
        %add3A_624 = arith.constant 64 : i32
        %add3A_625 = vector.broadcast %add3A_624 : i32 to vector<16xi32>
        %add3A_626 = arith.addi %iota3A, %add3A_625 : vector<16xi32>
        %gather3A_627 = tpu.vector_load_idx %arg7[%add3A_626, %and3A_585] : memref<128x64xf32, #tpu.memory_space<vmem>>[vector<16xi32>, vector<16xi32>], vector<16xf32>,
        %add3A_628 = arith.constant 64 : i32
        %add3A_629 = vector.broadcast %add3A_628 : i32 to vector<16xi32>
        %add3A_630 = arith.addi %add3A_595, %add3A_629 : vector<16xi32>
        tpu.vector_store_idx %arg9[%shift_right_logical3A_588, %add3A_630], %gather3A_627 : memref<8x1024xf32, #tpu.memory_space<vmem>>[vector<16xi32>, vector<16xi32>], vector<16xf32>,
        %add3A_631 = arith.constant 80 : i32
        %add3A_632 = vector.broadcast %add3A_631 : i32 to vector<16xi32>
        %add3A_633 = arith.addi %iota3A, %add3A_632 : vector<16xi32>
        %gather3A_634 = tpu.vector_load_idx %arg7[%add3A_633, %and3A_585] : memref<128x64xf32, #tpu.memory_space<vmem>>[vector<16xi32>, vector<16xi32>], vector<16xf32>,
        %add3A_635 = arith.constant 80 : i32
        %add3A_636 = vector.broadcast %add3A_635 : i32 to vector<16xi32>
        %add3A_637 = arith.addi %add3A_595, %add3A_636 : vector<16xi32>
        tpu.vector_store_idx %arg9[%shift_right_logical3A_588, %add3A_637], %gather3A_634 : memref<8x1024xf32, #tpu.memory_space<vmem>>[vector<16xi32>, vector<16xi32>], vector<16xf32>,
        %add3A_638 = arith.constant 96 : i32
        %add3A_639 = vector.broadcast %add3A_638 : i32 to vector<16xi32>
        %add3A_640 = arith.addi %iota3A, %add3A_639 : vector<16xi32>
        %gather3A_641 = tpu.vector_load_idx %arg7[%add3A_640, %and3A_585] : memref<128x64xf32, #tpu.memory_space<vmem>>[vector<16xi32>, vector<16xi32>], vector<16xf32>,
        %add3A_642 = arith.constant 96 : i32
        %add3A_643 = vector.broadcast %add3A_642 : i32 to vector<16xi32>
        %add3A_644 = arith.addi %add3A_595, %add3A_643 : vector<16xi32>
        tpu.vector_store_idx %arg9[%shift_right_logical3A_588, %add3A_644], %gather3A_641 : memref<8x1024xf32, #tpu.memory_space<vmem>>[vector<16xi32>, vector<16xi32>], vector<16xf32>,
        %add3A_645 = arith.constant 112 : i32
        %add3A_646 = vector.broadcast %add3A_645 : i32 to vector<16xi32>
        %add3A_647 = arith.addi %iota3A, %add3A_646 : vector<16xi32>
        %gather3A_648 = tpu.vector_load_idx %arg7[%add3A_647, %and3A_585] : memref<128x64xf32, #tpu.memory_space<vmem>>[vector<16xi32>, vector<16xi32>], vector<16xf32>,
        %add3A_649 = arith.constant 112 : i32
        %add3A_650 = vector.broadcast %add3A_649 : i32 to vector<16xi32>
        %add3A_651 = arith.addi %add3A_595, %add3A_650 : vector<16xi32>
        tpu.vector_store_idx %arg9[%shift_right_logical3A_588, %add3A_651], %gather3A_648 : memref<8x1024xf32, #tpu.memory_space<vmem>>[vector<16xi32>, vector<16xi32>], vector<16xf32>,
        %add3A_652 = vector.broadcast %add3A_431 : i32 to vector<16xi32>
        %add3A_653 = arith.addi %iota3A, %add3A_652 : vector<16xi32>
        %add3A_654 = arith.constant 3 : i32
        %add3A_655 = vector.broadcast %add3A_654 : i32 to vector<16xi32>
        %add3A_656 = arith.addi %add3A_653, %add3A_655 : vector<16xi32>
        %and3A_657 = arith.constant 63 : i32
        %and3A_658 = vector.broadcast %and3A_657 : i32 to vector<16xi32>
        %and3A_659 = arith.andi %add3A_656, %and3A_658 : vector<16xi32>
        %shift_right_logical3A_660 = arith.constant 3 : i32
        %shift_right_logical3A_661 = vector.broadcast %shift_right_logical3A_660 : i32 to vector<16xi32>
        %shift_right_logical3A_662 = arith.shrui %and3A_659, %shift_right_logical3A_661 : vector<16xi32>
        %and3A_663 = arith.constant 7 : i32
        %and3A_664 = vector.broadcast %and3A_663 : i32 to vector<16xi32>
        %and3A_665 = arith.andi %and3A_659, %and3A_664 : vector<16xi32>
        %shift_left3A_666 = arith.constant 7 : i32
        %shift_left3A_667 = vector.broadcast %shift_left3A_666 : i32 to vector<16xi32>
        %shift_left3A_668 = arith.shli %and3A_665, %shift_left3A_667 : vector<16xi32>
        %add3A_669 = arith.addi %shift_left3A_668, %iota3A : vector<16xi32>
        %add3A_670 = arith.constant 0 : i32
        %add3A_671 = vector.broadcast %add3A_670 : i32 to vector<16xi32>
        %add3A_672 = arith.addi %iota3A, %add3A_671 : vector<16xi32>
        %gather3A_673 = tpu.vector_load_idx %arg7[%add3A_672, %and3A_659] : memref<128x64xf32, #tpu.memory_space<vmem>>[vector<16xi32>, vector<16xi32>], vector<16xf32>,
        %add3A_674 = arith.constant 0 : i32
        %add3A_675 = vector.broadcast %add3A_674 : i32 to vector<16xi32>
        %add3A_676 = arith.addi %add3A_669, %add3A_675 : vector<16xi32>
        tpu.vector_store_idx %arg9[%shift_right_logical3A_662, %add3A_676], %gather3A_673 : memref<8x1024xf32, #tpu.memory_space<vmem>>[vector<16xi32>, vector<16xi32>], vector<16xf32>,
        %add3A_677 = arith.constant 16 : i32
        %add3A_678 = vector.broadcast %add3A_677 : i32 to vector<16xi32>
        %add3A_679 = arith.addi %iota3A, %add3A_678 : vector<16xi32>
        %gather3A_680 = tpu.vector_load_idx %arg7[%add3A_679, %and3A_659] : memref<128x64xf32, #tpu.memory_space<vmem>>[vector<16xi32>, vector<16xi32>], vector<16xf32>,
        %add3A_681 = arith.constant 16 : i32
        %add3A_682 = vector.broadcast %add3A_681 : i32 to vector<16xi32>
        %add3A_683 = arith.addi %add3A_669, %add3A_682 : vector<16xi32>
        tpu.vector_store_idx %arg9[%shift_right_logical3A_662, %add3A_683], %gather3A_680 : memref<8x1024xf32, #tpu.memory_space<vmem>>[vector<16xi32>, vector<16xi32>], vector<16xf32>,
        %add3A_684 = arith.constant 32 : i32
        %add3A_685 = vector.broadcast %add3A_684 : i32 to vector<16xi32>
        %add3A_686 = arith.addi %iota3A, %add3A_685 : vector<16xi32>
        %gather3A_687 = tpu.vector_load_idx %arg7[%add3A_686, %and3A_659] : memref<128x64xf32, #tpu.memory_space<vmem>>[vector<16xi32>, vector<16xi32>], vector<16xf32>,
        %add3A_688 = arith.constant 32 : i32
        %add3A_689 = vector.broadcast %add3A_688 : i32 to vector<16xi32>
        %add3A_690 = arith.addi %add3A_669, %add3A_689 : vector<16xi32>
        tpu.vector_store_idx %arg9[%shift_right_logical3A_662, %add3A_690], %gather3A_687 : memref<8x1024xf32, #tpu.memory_space<vmem>>[vector<16xi32>, vector<16xi32>], vector<16xf32>,
        %add3A_691 = arith.constant 48 : i32
        %add3A_692 = vector.broadcast %add3A_691 : i32 to vector<16xi32>
        %add3A_693 = arith.addi %iota3A, %add3A_692 : vector<16xi32>
        %gather3A_694 = tpu.vector_load_idx %arg7[%add3A_693, %and3A_659] : memref<128x64xf32, #tpu.memory_space<vmem>>[vector<16xi32>, vector<16xi32>], vector<16xf32>,
        %add3A_695 = arith.constant 48 : i32
        %add3A_696 = vector.broadcast %add3A_695 : i32 to vector<16xi32>
        %add3A_697 = arith.addi %add3A_669, %add3A_696 : vector<16xi32>
        tpu.vector_store_idx %arg9[%shift_right_logical3A_662, %add3A_697], %gather3A_694 : memref<8x1024xf32, #tpu.memory_space<vmem>>[vector<16xi32>, vector<16xi32>], vector<16xf32>,
        %add3A_698 = arith.constant 64 : i32
        %add3A_699 = vector.broadcast %add3A_698 : i32 to vector<16xi32>
        %add3A_700 = arith.addi %iota3A, %add3A_699 : vector<16xi32>
        %gather3A_701 = tpu.vector_load_idx %arg7[%add3A_700, %and3A_659] : memref<128x64xf32, #tpu.memory_space<vmem>>[vector<16xi32>, vector<16xi32>], vector<16xf32>,
        %add3A_702 = arith.constant 64 : i32
        %add3A_703 = vector.broadcast %add3A_702 : i32 to vector<16xi32>
        %add3A_704 = arith.addi %add3A_669, %add3A_703 : vector<16xi32>
        tpu.vector_store_idx %arg9[%shift_right_logical3A_662, %add3A_704], %gather3A_701 : memref<8x1024xf32, #tpu.memory_space<vmem>>[vector<16xi32>, vector<16xi32>], vector<16xf32>,
        %add3A_705 = arith.constant 80 : i32
        %add3A_706 = vector.broadcast %add3A_705 : i32 to vector<16xi32>
        %add3A_707 = arith.addi %iota3A, %add3A_706 : vector<16xi32>
        %gather3A_708 = tpu.vector_load_idx %arg7[%add3A_707, %and3A_659] : memref<128x64xf32, #tpu.memory_space<vmem>>[vector<16xi32>, vector<16xi32>], vector<16xf32>,
        %add3A_709 = arith.constant 80 : i32
        %add3A_710 = vector.broadcast %add3A_709 : i32 to vector<16xi32>
        %add3A_711 = arith.addi %add3A_669, %add3A_710 : vector<16xi32>
        tpu.vector_store_idx %arg9[%shift_right_logical3A_662, %add3A_711], %gather3A_708 : memref<8x1024xf32, #tpu.memory_space<vmem>>[vector<16xi32>, vector<16xi32>], vector<16xf32>,
        %add3A_712 = arith.constant 96 : i32
        %add3A_713 = vector.broadcast %add3A_712 : i32 to vector<16xi32>
        %add3A_714 = arith.addi %iota3A, %add3A_713 : vector<16xi32>
        %gather3A_715 = tpu.vector_load_idx %arg7[%add3A_714, %and3A_659] : memref<128x64xf32, #tpu.memory_space<vmem>>[vector<16xi32>, vector<16xi32>], vector<16xf32>,
        %add3A_716 = arith.constant 96 : i32
        %add3A_717 = vector.broadcast %add3A_716 : i32 to vector<16xi32>
        %add3A_718 = arith.addi %add3A_669, %add3A_717 : vector<16xi32>
        tpu.vector_store_idx %arg9[%shift_right_logical3A_662, %add3A_718], %gather3A_715 : memref<8x1024xf32, #tpu.memory_space<vmem>>[vector<16xi32>, vector<16xi32>], vector<16xf32>,
        %add3A_719 = arith.constant 112 : i32
        %add3A_720 = vector.broadcast %add3A_719 : i32 to vector<16xi32>
        %add3A_721 = arith.addi %iota3A, %add3A_720 : vector<16xi32>
        %gather3A_722 = tpu.vector_load_idx %arg7[%add3A_721, %and3A_659] : memref<128x64xf32, #tpu.memory_space<vmem>>[vector<16xi32>, vector<16xi32>], vector<16xf32>,
        %add3A_723 = arith.constant 112 : i32
        %add3A_724 = vector.broadcast %add3A_723 : i32 to vector<16xi32>
        %add3A_725 = arith.addi %add3A_669, %add3A_724 : vector<16xi32>
        tpu.vector_store_idx %arg9[%shift_right_logical3A_662, %add3A_725], %gather3A_722 : memref<8x1024xf32, #tpu.memory_space<vmem>>[vector<16xi32>, vector<16xi32>], vector<16xf32>,
      }
      %scan3A_344 = arith.constant 16 : i32
      %add3A_345 = arith.addi %mul3A_2, %add3A_291 : i32
      %shift_right_logical3A_346 = arith.constant 7 : i32
      %shift_right_logical3A_347 = arith.shrui %add3A_345, %shift_right_logical3A_346 : i32
      %and3A_348 = arith.constant 127 : i32
      %and3A_349 = arith.andi %add3A_345, %and3A_348 : i32
      %mul3A_350 = arith.constant 8 : i32
      %mul3A_351 = arith.muli %shift_right_logical3A_347, %mul3A_350 : i32
      %dma_start3A_352 = arith.constant 0 : i32
      %dma_start3A_353 = tpu.memref_slice %arg4[%mul3A_351, %and3A_349, %dma_start3A_352] : memref<1600x128x1024xf32, #tpu.memory_space<hbm>> -> memref<8x1x1024xf32, #tpu.memory_space<hbm>>
      %dma_start3A_354 = tpu.memref_squeeze %dma_start3A_353 : memref<8x1x1024xf32, #tpu.memory_space<hbm>> -> memref<8x1024xf32, #tpu.memory_space<hbm>>
      %dma_start3A_355 = arith.constant 0 : i32
      %dma_start3A_356 = tpu.memref_slice %arg4[%mul3A_351, %and3A_349, %dma_start3A_355] : memref<1600x128x1024xf32, #tpu.memory_space<hbm>> -> memref<8x1x1024xf32, #tpu.memory_space<hbm>>
      %dma_start3A_357 = tpu.memref_squeeze %dma_start3A_356 : memref<8x1x1024xf32, #tpu.memory_space<hbm>> -> memref<8x1024xf32, #tpu.memory_space<hbm>>
      tpu.enqueue_dma source(%arg9 : memref<8x1024xf32, #tpu.memory_space<vmem>>) target(%dma_start3A_357 : memref<8x1024xf32, #tpu.memory_space<hbm>>) target_semaphore(%arg15 : memref<!tpu.dma_semaphore, #tpu.memory_space<semaphore_mem>>)
      %add3A_358 = arith.constant 1 : i32
      %add3A_359 = arith.addi %add3A_291, %add3A_358 : i32
      %dma_wait3A_360 = arith.constant 0 : i32
      %dma_wait3A_361 = arith.constant 0 : i32
      %dma_wait3A_362 = tpu.memref_slice %arg3[%dma_wait3A_360, %dma_wait3A_361] : memref<100000x64xf32, #tpu.memory_space<hbm>> -> memref<100000x64xf32, #tpu.memory_space<hbm>>
      tpu.wait_indirect_dma semaphore(%arg14 : memref<!tpu.dma_semaphore, #tpu.memory_space<semaphore_mem>>) src(%dma_wait3A_362 : memref<100000x64xf32, #tpu.memory_space<hbm>>) dst(%arg8 : memref<128x64xf32, #tpu.memory_space<vmem>>)
      %add3A_363 = arith.constant 2 : i32
      %add3A_364 = arith.addi %add3A_359, %add3A_363 : i32
      %add3A_365 = arith.addi %mul3A_2, %add3A_364 : i32
      %shift_right_logical3A_366 = arith.constant 7 : i32
      %shift_right_logical3A_367 = arith.shrui %add3A_365, %shift_right_logical3A_366 : i32
      %and3A_368 = arith.constant 127 : i32
      %and3A_369 = arith.andi %add3A_365, %and3A_368 : i32
      %mul3A_370 = arith.constant 16384 : i32
      %mul3A_371 = arith.muli %shift_right_logical3A_367, %mul3A_370 : i32
      %mul3A_372 = arith.constant 128 : i32
      %mul3A_373 = arith.muli %and3A_369, %mul3A_372 : i32
      %add3A_374 = arith.addi %mul3A_371, %mul3A_373 : i32
      %dma_start3A_375 = tpu.memref_slice %arg2[%add3A_374] : memref<3276800xi32, #tpu.memory_space<hbm>> -> memref<128xi32, #tpu.memory_space<hbm>>
      %dma_start3A_376 = tpu.memref_slice %arg2[%add3A_374] : memref<3276800xi32, #tpu.memory_space<hbm>> -> memref<128xi32, #tpu.memory_space<hbm>>
      tpu.enqueue_dma source(%dma_start3A_376 : memref<128xi32, #tpu.memory_space<hbm>>) target(%arg6 : memref<128xi32, #tpu.memory_space<vmem>>) target_semaphore(%arg12 : memref<!tpu.dma_semaphore, #tpu.memory_space<semaphore_mem>>)
      %add3A_377 = arith.constant 1 : i32
      %add3A_378 = arith.addi %add3A_359, %add3A_377 : i32
      %add3A_379 = arith.addi %mul3A_2, %add3A_378 : i32
      %shift_right_logical3A_380 = arith.constant 7 : i32
      %shift_right_logical3A_381 = arith.shrui %add3A_379, %shift_right_logical3A_380 : i32
      %and3A_382 = arith.constant 127 : i32
      %and3A_383 = arith.andi %add3A_379, %and3A_382 : i32
      %mul3A_384 = arith.constant 16384 : i32
      %mul3A_385 = arith.muli %shift_right_logical3A_381, %mul3A_384 : i32
      %mul3A_386 = arith.constant 128 : i32
      %mul3A_387 = arith.muli %and3A_383, %mul3A_386 : i32
      %add3A_388 = arith.addi %mul3A_385, %mul3A_387 : i32
      %dma_wait3A_389 = tpu.memref_slice %arg2[%add3A_388] : memref<3276800xi32, #tpu.memory_space<hbm>> -> memref<128xi32, #tpu.memory_space<hbm>>
      %dma_wait3A_390 = tpu.memref_slice %arg2[%add3A_388] : memref<3276800xi32, #tpu.memory_space<hbm>> -> memref<128xi32, #tpu.memory_space<hbm>>
      tpu.wait_dma2 semaphore(%arg11 : memref<!tpu.dma_semaphore, #tpu.memory_space<semaphore_mem>>) src(%dma_wait3A_390 : memref<128xi32, #tpu.memory_space<hbm>>) dst(%arg5 : memref<128xi32, #tpu.memory_space<vmem>>)
      %dma_start3A_391 = arith.constant 0 : i32
      %dma_start3A_392 = arith.constant 0 : i32
      %dma_start3A_393 = tpu.memref_slice %arg3[%dma_start3A_391, %dma_start3A_392] : memref<100000x64xf32, #tpu.memory_space<hbm>> -> memref<100000x64xf32, #tpu.memory_space<hbm>>
      tpu.enqueue_indirect_dma source(%dma_start3A_393 : memref<100000x64xf32, #tpu.memory_space<hbm>>) target(%arg7 : memref<128x64xf32, #tpu.memory_space<vmem>>) offsets(%arg5 : memref<128xi32, #tpu.memory_space<vmem>>) semaphore(%arg13 : memref<!tpu.dma_semaphore, #tpu.memory_space<semaphore_mem>>)
      %sub3A_394 = arith.constant 2 : i32
      %sub3A_395 = arith.subi %add3A_359, %sub3A_394 : i32
      %add3A_396 = arith.addi %mul3A_2, %sub3A_395 : i32
      %shift_right_logical3A_397 = arith.constant 7 : i32
      %shift_right_logical3A_398 = arith.shrui %add3A_396, %shift_right_logical3A_397 : i32
      %and3A_399 = arith.constant 127 : i32
      %and3A_400 = arith.andi %add3A_396, %and3A_399 : i32
      %mul3A_401 = arith.constant 8 : i32
      %mul3A_402 = arith.muli %shift_right_logical3A_398, %mul3A_401 : i32
      %dma_wait3A_403 = arith.constant 0 : i32
      %dma_wait3A_404 = tpu.memref_slice %arg4[%mul3A_402, %and3A_400, %dma_wait3A_403] : memref<1600x128x1024xf32, #tpu.memory_space<hbm>> -> memref<8x1x1024xf32, #tpu.memory_space<hbm>>
      %dma_wait3A_405 = tpu.memref_squeeze %dma_wait3A_404 : memref<8x1x1024xf32, #tpu.memory_space<hbm>> -> memref<8x1024xf32, #tpu.memory_space<hbm>>
      %dma_wait3A_406 = arith.constant 0 : i32
      %dma_wait3A_407 = tpu.memref_slice %arg4[%mul3A_402, %and3A_400, %dma_wait3A_406] : memref<1600x128x1024xf32, #tpu.memory_space<hbm>> -> memref<8x1x1024xf32, #tpu.memory_space<hbm>>
      %dma_wait3A_408 = tpu.memref_squeeze %dma_wait3A_407 : memref<8x1x1024xf32, #tpu.memory_space<hbm>> -> memref<8x1024xf32, #tpu.memory_space<hbm>>
      tpu.wait_dma2 semaphore(%arg16 : memref<!tpu.dma_semaphore, #tpu.memory_space<semaphore_mem>>) src(%arg10 : memref<8x1024xf32, #tpu.memory_space<vmem>>) dst(%dma_wait3A_408 : memref<8x1024xf32, #tpu.memory_space<hbm>>)
      %scan3A_409 = arith.constant 0 : i32
      %scan3A_410 = arith.constant 16 : i32
      %scan3A_411 = arith.addi %scan3A_409, %scan3A_410 : i32
      %scan3A_412 = arith.constant 1 : i32
      scf.for %scan3A_427 = %scan3A_409 to %scan3A_411 step %scan3A_412  : i32 {
        %mul3A_428 = arith.constant 4 : i32
        %mul3A_429 = arith.muli %scan3A_427, %mul3A_428 : i32
        %add3A_430 = arith.constant 0 : i32
        %add3A_431 = arith.addi %add3A_430, %mul3A_429 : i32
        %add3A_432 = vector.broadcast %add3A_431 : i32 to vector<16xi32>
        %add3A_433 = arith.addi %iota3A, %add3A_432 : vector<16xi32>
        %add3A_434 = arith.constant 0 : i32
        %add3A_435 = vector.broadcast %add3A_434 : i32 to vector<16xi32>
        %add3A_436 = arith.addi %add3A_433, %add3A_435 : vector<16xi32>
        %and3A_437 = arith.constant 63 : i32
        %and3A_438 = vector.broadcast %and3A_437 : i32 to vector<16xi32>
        %and3A_439 = arith.andi %add3A_436, %and3A_438 : vector<16xi32>
        %shift_right_logical3A_440 = arith.constant 3 : i32
        %shift_right_logical3A_441 = vector.broadcast %shift_right_logical3A_440 : i32 to vector<16xi32>
        %shift_right_logical3A_442 = arith.shrui %and3A_439, %shift_right_logical3A_441 : vector<16xi32>
        %and3A_443 = arith.constant 7 : i32
        %and3A_444 = vector.broadcast %and3A_443 : i32 to vector<16xi32>
        %and3A_445 = arith.andi %and3A_439, %and3A_444 : vector<16xi32>
        %shift_left3A = arith.constant 7 : i32
        %shift_left3A_446 = vector.broadcast %shift_left3A : i32 to vector<16xi32>
        %shift_left3A_447 = arith.shli %and3A_445, %shift_left3A_446 : vector<16xi32>
        %add3A_448 = arith.addi %shift_left3A_447, %iota3A : vector<16xi32>
        %add3A_449 = arith.constant 0 : i32
        %add3A_450 = vector.broadcast %add3A_449 : i32 to vector<16xi32>
        %add3A_451 = arith.addi %iota3A, %add3A_450 : vector<16xi32>
        %gather3A = tpu.vector_load_idx %arg8[%add3A_451, %and3A_439] : memref<128x64xf32, #tpu.memory_space<vmem>>[vector<16xi32>, vector<16xi32>], vector<16xf32>,
        %add3A_452 = arith.constant 0 : i32
        %add3A_453 = vector.broadcast %add3A_452 : i32 to vector<16xi32>
        %add3A_454 = arith.addi %add3A_448, %add3A_453 : vector<16xi32>
        tpu.vector_store_idx %arg10[%shift_right_logical3A_442, %add3A_454], %gather3A : memref<8x1024xf32, #tpu.memory_space<vmem>>[vector<16xi32>, vector<16xi32>], vector<16xf32>,
        %add3A_455 = arith.constant 16 : i32
        %add3A_456 = vector.broadcast %add3A_455 : i32 to vector<16xi32>
        %add3A_457 = arith.addi %iota3A, %add3A_456 : vector<16xi32>
        %gather3A_458 = tpu.vector_load_idx %arg8[%add3A_457, %and3A_439] : memref<128x64xf32, #tpu.memory_space<vmem>>[vector<16xi32>, vector<16xi32>], vector<16xf32>,
        %add3A_459 = arith.constant 16 : i32
        %add3A_460 = vector.broadcast %add3A_459 : i32 to vector<16xi32>
        %add3A_461 = arith.addi %add3A_448, %add3A_460 : vector<16xi32>
        tpu.vector_store_idx %arg10[%shift_right_logical3A_442, %add3A_461], %gather3A_458 : memref<8x1024xf32, #tpu.memory_space<vmem>>[vector<16xi32>, vector<16xi32>], vector<16xf32>,
        %add3A_462 = arith.constant 32 : i32
        %add3A_463 = vector.broadcast %add3A_462 : i32 to vector<16xi32>
        %add3A_464 = arith.addi %iota3A, %add3A_463 : vector<16xi32>
        %gather3A_465 = tpu.vector_load_idx %arg8[%add3A_464, %and3A_439] : memref<128x64xf32, #tpu.memory_space<vmem>>[vector<16xi32>, vector<16xi32>], vector<16xf32>,
        %add3A_466 = arith.constant 32 : i32
        %add3A_467 = vector.broadcast %add3A_466 : i32 to vector<16xi32>
        %add3A_468 = arith.addi %add3A_448, %add3A_467 : vector<16xi32>
        tpu.vector_store_idx %arg10[%shift_right_logical3A_442, %add3A_468], %gather3A_465 : memref<8x1024xf32, #tpu.memory_space<vmem>>[vector<16xi32>, vector<16xi32>], vector<16xf32>,
        %add3A_469 = arith.constant 48 : i32
        %add3A_470 = vector.broadcast %add3A_469 : i32 to vector<16xi32>
        %add3A_471 = arith.addi %iota3A, %add3A_470 : vector<16xi32>
        %gather3A_472 = tpu.vector_load_idx %arg8[%add3A_471, %and3A_439] : memref<128x64xf32, #tpu.memory_space<vmem>>[vector<16xi32>, vector<16xi32>], vector<16xf32>,
        %add3A_473 = arith.constant 48 : i32
        %add3A_474 = vector.broadcast %add3A_473 : i32 to vector<16xi32>
        %add3A_475 = arith.addi %add3A_448, %add3A_474 : vector<16xi32>
        tpu.vector_store_idx %arg10[%shift_right_logical3A_442, %add3A_475], %gather3A_472 : memref<8x1024xf32, #tpu.memory_space<vmem>>[vector<16xi32>, vector<16xi32>], vector<16xf32>,
        %add3A_476 = arith.constant 64 : i32
        %add3A_477 = vector.broadcast %add3A_476 : i32 to vector<16xi32>
        %add3A_478 = arith.addi %iota3A, %add3A_477 : vector<16xi32>
        %gather3A_479 = tpu.vector_load_idx %arg8[%add3A_478, %and3A_439] : memref<128x64xf32, #tpu.memory_space<vmem>>[vector<16xi32>, vector<16xi32>], vector<16xf32>,
        %add3A_480 = arith.constant 64 : i32
        %add3A_481 = vector.broadcast %add3A_480 : i32 to vector<16xi32>
        %add3A_482 = arith.addi %add3A_448, %add3A_481 : vector<16xi32>
        tpu.vector_store_idx %arg10[%shift_right_logical3A_442, %add3A_482], %gather3A_479 : memref<8x1024xf32, #tpu.memory_space<vmem>>[vector<16xi32>, vector<16xi32>], vector<16xf32>,
        %add3A_483 = arith.constant 80 : i32
        %add3A_484 = vector.broadcast %add3A_483 : i32 to vector<16xi32>
        %add3A_485 = arith.addi %iota3A, %add3A_484 : vector<16xi32>
        %gather3A_486 = tpu.vector_load_idx %arg8[%add3A_485, %and3A_439] : memref<128x64xf32, #tpu.memory_space<vmem>>[vector<16xi32>, vector<16xi32>], vector<16xf32>,
        %add3A_487 = arith.constant 80 : i32
        %add3A_488 = vector.broadcast %add3A_487 : i32 to vector<16xi32>
        %add3A_489 = arith.addi %add3A_448, %add3A_488 : vector<16xi32>
        tpu.vector_store_idx %arg10[%shift_right_logical3A_442, %add3A_489], %gather3A_486 : memref<8x1024xf32, #tpu.memory_space<vmem>>[vector<16xi32>, vector<16xi32>], vector<16xf32>,
        %add3A_490 = arith.constant 96 : i32
        %add3A_491 = vector.broadcast %add3A_490 : i32 to vector<16xi32>
        %add3A_492 = arith.addi %iota3A, %add3A_491 : vector<16xi32>
        %gather3A_493 = tpu.vector_load_idx %arg8[%add3A_492, %and3A_439] : memref<128x64xf32, #tpu.memory_space<vmem>>[vector<16xi32>, vector<16xi32>], vector<16xf32>,
        %add3A_494 = arith.constant 96 : i32
        %add3A_495 = vector.broadcast %add3A_494 : i32 to vector<16xi32>
        %add3A_496 = arith.addi %add3A_448, %add3A_495 : vector<16xi32>
        tpu.vector_store_idx %arg10[%shift_right_logical3A_442, %add3A_496], %gather3A_493 : memref<8x1024xf32, #tpu.memory_space<vmem>>[vector<16xi32>, vector<16xi32>], vector<16xf32>,
        %add3A_497 = arith.constant 112 : i32
        %add3A_498 = vector.broadcast %add3A_497 : i32 to vector<16xi32>
        %add3A_499 = arith.addi %iota3A, %add3A_498 : vector<16xi32>
        %gather3A_500 = tpu.vector_load_idx %arg8[%add3A_499, %and3A_439] : memref<128x64xf32, #tpu.memory_space<vmem>>[vector<16xi32>, vector<16xi32>], vector<16xf32>,
        %add3A_501 = arith.constant 112 : i32
        %add3A_502 = vector.broadcast %add3A_501 : i32 to vector<16xi32>
        %add3A_503 = arith.addi %add3A_448, %add3A_502 : vector<16xi32>
        tpu.vector_store_idx %arg10[%shift_right_logical3A_442, %add3A_503], %gather3A_500 : memref<8x1024xf32, #tpu.memory_space<vmem>>[vector<16xi32>, vector<16xi32>], vector<16xf32>,
        %add3A_504 = vector.broadcast %add3A_431 : i32 to vector<16xi32>
        %add3A_505 = arith.addi %iota3A, %add3A_504 : vector<16xi32>
        %add3A_506 = arith.constant 1 : i32
        %add3A_507 = vector.broadcast %add3A_506 : i32 to vector<16xi32>
        %add3A_508 = arith.addi %add3A_505, %add3A_507 : vector<16xi32>
        %and3A_509 = arith.constant 63 : i32
        %and3A_510 = vector.broadcast %and3A_509 : i32 to vector<16xi32>
        %and3A_511 = arith.andi %add3A_508, %and3A_510 : vector<16xi32>
        %shift_right_logical3A_512 = arith.constant 3 : i32
        %shift_right_logical3A_513 = vector.broadcast %shift_right_logical3A_512 : i32 to vector<16xi32>
        %shift_right_logical3A_514 = arith.shrui %and3A_511, %shift_right_logical3A_513 : vector<16xi32>
        %and3A_515 = arith.constant 7 : i32
        %and3A_516 = vector.broadcast %and3A_515 : i32 to vector<16xi32>
        %and3A_517 = arith.andi %and3A_511, %and3A_516 : vector<16xi32>
        %shift_left3A_518 = arith.constant 7 : i32
        %shift_left3A_519 = vector.broadcast %shift_left3A_518 : i32 to vector<16xi32>
        %shift_left3A_520 = arith.shli %and3A_517, %shift_left3A_519 : vector<16xi32>
        %add3A_521 = arith.addi %shift_left3A_520, %iota3A : vector<16xi32>
        %add3A_522 = arith.constant 0 : i32
        %add3A_523 = vector.broadcast %add3A_522 : i32 to vector<16xi32>
        %add3A_524 = arith.addi %iota3A, %add3A_523 : vector<16xi32>
        %gather3A_525 = tpu.vector_load_idx %arg8[%add3A_524, %and3A_511] : memref<128x64xf32, #tpu.memory_space<vmem>>[vector<16xi32>, vector<16xi32>], vector<16xf32>,
        %add3A_526 = arith.constant 0 : i32
        %add3A_527 = vector.broadcast %add3A_526 : i32 to vector<16xi32>
        %add3A_528 = arith.addi %add3A_521, %add3A_527 : vector<16xi32>
        tpu.vector_store_idx %arg10[%shift_right_logical3A_514, %add3A_528], %gather3A_525 : memref<8x1024xf32, #tpu.memory_space<vmem>>[vector<16xi32>, vector<16xi32>], vector<16xf32>,
        %add3A_529 = arith.constant 16 : i32
        %add3A_530 = vector.broadcast %add3A_529 : i32 to vector<16xi32>
        %add3A_531 = arith.addi %iota3A, %add3A_530 : vector<16xi32>
        %gather3A_532 = tpu.vector_load_idx %arg8[%add3A_531, %and3A_511] : memref<128x64xf32, #tpu.memory_space<vmem>>[vector<16xi32>, vector<16xi32>], vector<16xf32>,
        %add3A_533 = arith.constant 16 : i32
        %add3A_534 = vector.broadcast %add3A_533 : i32 to vector<16xi32>
        %add3A_535 = arith.addi %add3A_521, %add3A_534 : vector<16xi32>
        tpu.vector_store_idx %arg10[%shift_right_logical3A_514, %add3A_535], %gather3A_532 : memref<8x1024xf32, #tpu.memory_space<vmem>>[vector<16xi32>, vector<16xi32>], vector<16xf32>,
        %add3A_536 = arith.constant 32 : i32
        %add3A_537 = vector.broadcast %add3A_536 : i32 to vector<16xi32>
        %add3A_538 = arith.addi %iota3A, %add3A_537 : vector<16xi32>
        %gather3A_539 = tpu.vector_load_idx %arg8[%add3A_538, %and3A_511] : memref<128x64xf32, #tpu.memory_space<vmem>>[vector<16xi32>, vector<16xi32>], vector<16xf32>,
        %add3A_540 = arith.constant 32 : i32
        %add3A_541 = vector.broadcast %add3A_540 : i32 to vector<16xi32>
        %add3A_542 = arith.addi %add3A_521, %add3A_541 : vector<16xi32>
        tpu.vector_store_idx %arg10[%shift_right_logical3A_514, %add3A_542], %gather3A_539 : memref<8x1024xf32, #tpu.memory_space<vmem>>[vector<16xi32>, vector<16xi32>], vector<16xf32>,
        %add3A_543 = arith.constant 48 : i32
        %add3A_544 = vector.broadcast %add3A_543 : i32 to vector<16xi32>
        %add3A_545 = arith.addi %iota3A, %add3A_544 : vector<16xi32>
        %gather3A_546 = tpu.vector_load_idx %arg8[%add3A_545, %and3A_511] : memref<128x64xf32, #tpu.memory_space<vmem>>[vector<16xi32>, vector<16xi32>], vector<16xf32>,
        %add3A_547 = arith.constant 48 : i32
        %add3A_548 = vector.broadcast %add3A_547 : i32 to vector<16xi32>
        %add3A_549 = arith.addi %add3A_521, %add3A_548 : vector<16xi32>
        tpu.vector_store_idx %arg10[%shift_right_logical3A_514, %add3A_549], %gather3A_546 : memref<8x1024xf32, #tpu.memory_space<vmem>>[vector<16xi32>, vector<16xi32>], vector<16xf32>,
        %add3A_550 = arith.constant 64 : i32
        %add3A_551 = vector.broadcast %add3A_550 : i32 to vector<16xi32>
        %add3A_552 = arith.addi %iota3A, %add3A_551 : vector<16xi32>
        %gather3A_553 = tpu.vector_load_idx %arg8[%add3A_552, %and3A_511] : memref<128x64xf32, #tpu.memory_space<vmem>>[vector<16xi32>, vector<16xi32>], vector<16xf32>,
        %add3A_554 = arith.constant 64 : i32
        %add3A_555 = vector.broadcast %add3A_554 : i32 to vector<16xi32>
        %add3A_556 = arith.addi %add3A_521, %add3A_555 : vector<16xi32>
        tpu.vector_store_idx %arg10[%shift_right_logical3A_514, %add3A_556], %gather3A_553 : memref<8x1024xf32, #tpu.memory_space<vmem>>[vector<16xi32>, vector<16xi32>], vector<16xf32>,
        %add3A_557 = arith.constant 80 : i32
        %add3A_558 = vector.broadcast %add3A_557 : i32 to vector<16xi32>
        %add3A_559 = arith.addi %iota3A, %add3A_558 : vector<16xi32>
        %gather3A_560 = tpu.vector_load_idx %arg8[%add3A_559, %and3A_511] : memref<128x64xf32, #tpu.memory_space<vmem>>[vector<16xi32>, vector<16xi32>], vector<16xf32>,
        %add3A_561 = arith.constant 80 : i32
        %add3A_562 = vector.broadcast %add3A_561 : i32 to vector<16xi32>
        %add3A_563 = arith.addi %add3A_521, %add3A_562 : vector<16xi32>
        tpu.vector_store_idx %arg10[%shift_right_logical3A_514, %add3A_563], %gather3A_560 : memref<8x1024xf32, #tpu.memory_space<vmem>>[vector<16xi32>, vector<16xi32>], vector<16xf32>,
        %add3A_564 = arith.constant 96 : i32
        %add3A_565 = vector.broadcast %add3A_564 : i32 to vector<16xi32>
        %add3A_566 = arith.addi %iota3A, %add3A_565 : vector<16xi32>
        %gather3A_567 = tpu.vector_load_idx %arg8[%add3A_566, %and3A_511] : memref<128x64xf32, #tpu.memory_space<vmem>>[vector<16xi32>, vector<16xi32>], vector<16xf32>,
        %add3A_568 = arith.constant 96 : i32
        %add3A_569 = vector.broadcast %add3A_568 : i32 to vector<16xi32>
        %add3A_570 = arith.addi %add3A_521, %add3A_569 : vector<16xi32>
        tpu.vector_store_idx %arg10[%shift_right_logical3A_514, %add3A_570], %gather3A_567 : memref<8x1024xf32, #tpu.memory_space<vmem>>[vector<16xi32>, vector<16xi32>], vector<16xf32>,
        %add3A_571 = arith.constant 112 : i32
        %add3A_572 = vector.broadcast %add3A_571 : i32 to vector<16xi32>
        %add3A_573 = arith.addi %iota3A, %add3A_572 : vector<16xi32>
        %gather3A_574 = tpu.vector_load_idx %arg8[%add3A_573, %and3A_511] : memref<128x64xf32, #tpu.memory_space<vmem>>[vector<16xi32>, vector<16xi32>], vector<16xf32>,
        %add3A_575 = arith.constant 112 : i32
        %add3A_576 = vector.broadcast %add3A_575 : i32 to vector<16xi32>
        %add3A_577 = arith.addi %add3A_521, %add3A_576 : vector<16xi32>
        tpu.vector_store_idx %arg10[%shift_right_logical3A_514, %add3A_577], %gather3A_574 : memref<8x1024xf32, #tpu.memory_space<vmem>>[vector<16xi32>, vector<16xi32>], vector<16xf32>,
        %add3A_578 = vector.broadcast %add3A_431 : i32 to vector<16xi32>
        %add3A_579 = arith.addi %iota3A, %add3A_578 : vector<16xi32>
        %add3A_580 = arith.constant 2 : i32
        %add3A_581 = vector.broadcast %add3A_580 : i32 to vector<16xi32>
        %add3A_582 = arith.addi %add3A_579, %add3A_581 : vector<16xi32>
        %and3A_583 = arith.constant 63 : i32
        %and3A_584 = vector.broadcast %and3A_583 : i32 to vector<16xi32>
        %and3A_585 = arith.andi %add3A_582, %and3A_584 : vector<16xi32>
        %shift_right_logical3A_586 = arith.constant 3 : i32
        %shift_right_logical3A_587 = vector.broadcast %shift_right_logical3A_586 : i32 to vector<16xi32>
        %shift_right_logical3A_588 = arith.shrui %and3A_585, %shift_right_logical3A_587 : vector<16xi32>
        %and3A_589 = arith.constant 7 : i32
        %and3A_590 = vector.broadcast %and3A_589 : i32 to vector<16xi32>
        %and3A_591 = arith.andi %and3A_585, %and3A_590 : vector<16xi32>
        %shift_left3A_592 = arith.constant 7 : i32
        %shift_left3A_593 = vector.broadcast %shift_left3A_592 : i32 to vector<16xi32>
        %shift_left3A_594 = arith.shli %and3A_591, %shift_left3A_593 : vector<16xi32>
        %add3A_595 = arith.addi %shift_left3A_594, %iota3A : vector<16xi32>
        %add3A_596 = arith.constant 0 : i32
        %add3A_597 = vector.broadcast %add3A_596 : i32 to vector<16xi32>
        %add3A_598 = arith.addi %iota3A, %add3A_597 : vector<16xi32>
        %gather3A_599 = tpu.vector_load_idx %arg8[%add3A_598, %and3A_585] : memref<128x64xf32, #tpu.memory_space<vmem>>[vector<16xi32>, vector<16xi32>], vector<16xf32>,
        %add3A_600 = arith.constant 0 : i32
        %add3A_601 = vector.broadcast %add3A_600 : i32 to vector<16xi32>
        %add3A_602 = arith.addi %add3A_595, %add3A_601 : vector<16xi32>
        tpu.vector_store_idx %arg10[%shift_right_logical3A_588, %add3A_602], %gather3A_599 : memref<8x1024xf32, #tpu.memory_space<vmem>>[vector<16xi32>, vector<16xi32>], vector<16xf32>,
        %add3A_603 = arith.constant 16 : i32
        %add3A_604 = vector.broadcast %add3A_603 : i32 to vector<16xi32>
        %add3A_605 = arith.addi %iota3A, %add3A_604 : vector<16xi32>
        %gather3A_606 = tpu.vector_load_idx %arg8[%add3A_605, %and3A_585] : memref<128x64xf32, #tpu.memory_space<vmem>>[vector<16xi32>, vector<16xi32>], vector<16xf32>,
        %add3A_607 = arith.constant 16 : i32
        %add3A_608 = vector.broadcast %add3A_607 : i32 to vector<16xi32>
        %add3A_609 = arith.addi %add3A_595, %add3A_608 : vector<16xi32>
        tpu.vector_store_idx %arg10[%shift_right_logical3A_588, %add3A_609], %gather3A_606 : memref<8x1024xf32, #tpu.memory_space<vmem>>[vector<16xi32>, vector<16xi32>], vector<16xf32>,
        %add3A_610 = arith.constant 32 : i32
        %add3A_611 = vector.broadcast %add3A_610 : i32 to vector<16xi32>
        %add3A_612 = arith.addi %iota3A, %add3A_611 : vector<16xi32>
        %gather3A_613 = tpu.vector_load_idx %arg8[%add3A_612, %and3A_585] : memref<128x64xf32, #tpu.memory_space<vmem>>[vector<16xi32>, vector<16xi32>], vector<16xf32>,
        %add3A_614 = arith.constant 32 : i32
        %add3A_615 = vector.broadcast %add3A_614 : i32 to vector<16xi32>
        %add3A_616 = arith.addi %add3A_595, %add3A_615 : vector<16xi32>
        tpu.vector_store_idx %arg10[%shift_right_logical3A_588, %add3A_616], %gather3A_613 : memref<8x1024xf32, #tpu.memory_space<vmem>>[vector<16xi32>, vector<16xi32>], vector<16xf32>,
        %add3A_617 = arith.constant 48 : i32
        %add3A_618 = vector.broadcast %add3A_617 : i32 to vector<16xi32>
        %add3A_619 = arith.addi %iota3A, %add3A_618 : vector<16xi32>
        %gather3A_620 = tpu.vector_load_idx %arg8[%add3A_619, %and3A_585] : memref<128x64xf32, #tpu.memory_space<vmem>>[vector<16xi32>, vector<16xi32>], vector<16xf32>,
        %add3A_621 = arith.constant 48 : i32
        %add3A_622 = vector.broadcast %add3A_621 : i32 to vector<16xi32>
        %add3A_623 = arith.addi %add3A_595, %add3A_622 : vector<16xi32>
        tpu.vector_store_idx %arg10[%shift_right_logical3A_588, %add3A_623], %gather3A_620 : memref<8x1024xf32, #tpu.memory_space<vmem>>[vector<16xi32>, vector<16xi32>], vector<16xf32>,
        %add3A_624 = arith.constant 64 : i32
        %add3A_625 = vector.broadcast %add3A_624 : i32 to vector<16xi32>
        %add3A_626 = arith.addi %iota3A, %add3A_625 : vector<16xi32>
        %gather3A_627 = tpu.vector_load_idx %arg8[%add3A_626, %and3A_585] : memref<128x64xf32, #tpu.memory_space<vmem>>[vector<16xi32>, vector<16xi32>], vector<16xf32>,
        %add3A_628 = arith.constant 64 : i32
        %add3A_629 = vector.broadcast %add3A_628 : i32 to vector<16xi32>
        %add3A_630 = arith.addi %add3A_595, %add3A_629 : vector<16xi32>
        tpu.vector_store_idx %arg10[%shift_right_logical3A_588, %add3A_630], %gather3A_627 : memref<8x1024xf32, #tpu.memory_space<vmem>>[vector<16xi32>, vector<16xi32>], vector<16xf32>,
        %add3A_631 = arith.constant 80 : i32
        %add3A_632 = vector.broadcast %add3A_631 : i32 to vector<16xi32>
        %add3A_633 = arith.addi %iota3A, %add3A_632 : vector<16xi32>
        %gather3A_634 = tpu.vector_load_idx %arg8[%add3A_633, %and3A_585] : memref<128x64xf32, #tpu.memory_space<vmem>>[vector<16xi32>, vector<16xi32>], vector<16xf32>,
        %add3A_635 = arith.constant 80 : i32
        %add3A_636 = vector.broadcast %add3A_635 : i32 to vector<16xi32>
        %add3A_637 = arith.addi %add3A_595, %add3A_636 : vector<16xi32>
        tpu.vector_store_idx %arg10[%shift_right_logical3A_588, %add3A_637], %gather3A_634 : memref<8x1024xf32, #tpu.memory_space<vmem>>[vector<16xi32>, vector<16xi32>], vector<16xf32>,
        %add3A_638 = arith.constant 96 : i32
        %add3A_639 = vector.broadcast %add3A_638 : i32 to vector<16xi32>
        %add3A_640 = arith.addi %iota3A, %add3A_639 : vector<16xi32>
        %gather3A_641 = tpu.vector_load_idx %arg8[%add3A_640, %and3A_585] : memref<128x64xf32, #tpu.memory_space<vmem>>[vector<16xi32>, vector<16xi32>], vector<16xf32>,
        %add3A_642 = arith.constant 96 : i32
        %add3A_643 = vector.broadcast %add3A_642 : i32 to vector<16xi32>
        %add3A_644 = arith.addi %add3A_595, %add3A_643 : vector<16xi32>
        tpu.vector_store_idx %arg10[%shift_right_logical3A_588, %add3A_644], %gather3A_641 : memref<8x1024xf32, #tpu.memory_space<vmem>>[vector<16xi32>, vector<16xi32>], vector<16xf32>,
        %add3A_645 = arith.constant 112 : i32
        %add3A_646 = vector.broadcast %add3A_645 : i32 to vector<16xi32>
        %add3A_647 = arith.addi %iota3A, %add3A_646 : vector<16xi32>
        %gather3A_648 = tpu.vector_load_idx %arg8[%add3A_647, %and3A_585] : memref<128x64xf32, #tpu.memory_space<vmem>>[vector<16xi32>, vector<16xi32>], vector<16xf32>,
        %add3A_649 = arith.constant 112 : i32
        %add3A_650 = vector.broadcast %add3A_649 : i32 to vector<16xi32>
        %add3A_651 = arith.addi %add3A_595, %add3A_650 : vector<16xi32>
        tpu.vector_store_idx %arg10[%shift_right_logical3A_588, %add3A_651], %gather3A_648 : memref<8x1024xf32, #tpu.memory_space<vmem>>[vector<16xi32>, vector<16xi32>], vector<16xf32>,
        %add3A_652 = vector.broadcast %add3A_431 : i32 to vector<16xi32>
        %add3A_653 = arith.addi %iota3A, %add3A_652 : vector<16xi32>
        %add3A_654 = arith.constant 3 : i32
        %add3A_655 = vector.broadcast %add3A_654 : i32 to vector<16xi32>
        %add3A_656 = arith.addi %add3A_653, %add3A_655 : vector<16xi32>
        %and3A_657 = arith.constant 63 : i32
        %and3A_658 = vector.broadcast %and3A_657 : i32 to vector<16xi32>
        %and3A_659 = arith.andi %add3A_656, %and3A_658 : vector<16xi32>
        %shift_right_logical3A_660 = arith.constant 3 : i32
        %shift_right_logical3A_661 = vector.broadcast %shift_right_logical3A_660 : i32 to vector<16xi32>
        %shift_right_logical3A_662 = arith.shrui %and3A_659, %shift_right_logical3A_661 : vector<16xi32>
        %and3A_663 = arith.constant 7 : i32
        %and3A_664 = vector.broadcast %and3A_663 : i32 to vector<16xi32>
        %and3A_665 = arith.andi %and3A_659, %and3A_664 : vector<16xi32>
        %shift_left3A_666 = arith.constant 7 : i32
        %shift_left3A_667 = vector.broadcast %shift_left3A_666 : i32 to vector<16xi32>
        %shift_left3A_668 = arith.shli %and3A_665, %shift_left3A_667 : vector<16xi32>
        %add3A_669 = arith.addi %shift_left3A_668, %iota3A : vector<16xi32>
        %add3A_670 = arith.constant 0 : i32
        %add3A_671 = vector.broadcast %add3A_670 : i32 to vector<16xi32>
        %add3A_672 = arith.addi %iota3A, %add3A_671 : vector<16xi32>
        %gather3A_673 = tpu.vector_load_idx %arg8[%add3A_672, %and3A_659] : memref<128x64xf32, #tpu.memory_space<vmem>>[vector<16xi32>, vector<16xi32>], vector<16xf32>,
        %add3A_674 = arith.constant 0 : i32
        %add3A_675 = vector.broadcast %add3A_674 : i32 to vector<16xi32>
        %add3A_676 = arith.addi %add3A_669, %add3A_675 : vector<16xi32>
        tpu.vector_store_idx %arg10[%shift_right_logical3A_662, %add3A_676], %gather3A_673 : memref<8x1024xf32, #tpu.memory_space<vmem>>[vector<16xi32>, vector<16xi32>], vector<16xf32>,
        %add3A_677 = arith.constant 16 : i32
        %add3A_678 = vector.broadcast %add3A_677 : i32 to vector<16xi32>
        %add3A_679 = arith.addi %iota3A, %add3A_678 : vector<16xi32>
        %gather3A_680 = tpu.vector_load_idx %arg8[%add3A_679, %and3A_659] : memref<128x64xf32, #tpu.memory_space<vmem>>[vector<16xi32>, vector<16xi32>], vector<16xf32>,
        %add3A_681 = arith.constant 16 : i32
        %add3A_682 = vector.broadcast %add3A_681 : i32 to vector<16xi32>
        %add3A_683 = arith.addi %add3A_669, %add3A_682 : vector<16xi32>
        tpu.vector_store_idx %arg10[%shift_right_logical3A_662, %add3A_683], %gather3A_680 : memref<8x1024xf32, #tpu.memory_space<vmem>>[vector<16xi32>, vector<16xi32>], vector<16xf32>,
        %add3A_684 = arith.constant 32 : i32
        %add3A_685 = vector.broadcast %add3A_684 : i32 to vector<16xi32>
        %add3A_686 = arith.addi %iota3A, %add3A_685 : vector<16xi32>
        %gather3A_687 = tpu.vector_load_idx %arg8[%add3A_686, %and3A_659] : memref<128x64xf32, #tpu.memory_space<vmem>>[vector<16xi32>, vector<16xi32>], vector<16xf32>,
        %add3A_688 = arith.constant 32 : i32
        %add3A_689 = vector.broadcast %add3A_688 : i32 to vector<16xi32>
        %add3A_690 = arith.addi %add3A_669, %add3A_689 : vector<16xi32>
        tpu.vector_store_idx %arg10[%shift_right_logical3A_662, %add3A_690], %gather3A_687 : memref<8x1024xf32, #tpu.memory_space<vmem>>[vector<16xi32>, vector<16xi32>], vector<16xf32>,
        %add3A_691 = arith.constant 48 : i32
        %add3A_692 = vector.broadcast %add3A_691 : i32 to vector<16xi32>
        %add3A_693 = arith.addi %iota3A, %add3A_692 : vector<16xi32>
        %gather3A_694 = tpu.vector_load_idx %arg8[%add3A_693, %and3A_659] : memref<128x64xf32, #tpu.memory_space<vmem>>[vector<16xi32>, vector<16xi32>], vector<16xf32>,
        %add3A_695 = arith.constant 48 : i32
        %add3A_696 = vector.broadcast %add3A_695 : i32 to vector<16xi32>
        %add3A_697 = arith.addi %add3A_669, %add3A_696 : vector<16xi32>
        tpu.vector_store_idx %arg10[%shift_right_logical3A_662, %add3A_697], %gather3A_694 : memref<8x1024xf32, #tpu.memory_space<vmem>>[vector<16xi32>, vector<16xi32>], vector<16xf32>,
        %add3A_698 = arith.constant 64 : i32
        %add3A_699 = vector.broadcast %add3A_698 : i32 to vector<16xi32>
        %add3A_700 = arith.addi %iota3A, %add3A_699 : vector<16xi32>
        %gather3A_701 = tpu.vector_load_idx %arg8[%add3A_700, %and3A_659] : memref<128x64xf32, #tpu.memory_space<vmem>>[vector<16xi32>, vector<16xi32>], vector<16xf32>,
        %add3A_702 = arith.constant 64 : i32
        %add3A_703 = vector.broadcast %add3A_702 : i32 to vector<16xi32>
        %add3A_704 = arith.addi %add3A_669, %add3A_703 : vector<16xi32>
        tpu.vector_store_idx %arg10[%shift_right_logical3A_662, %add3A_704], %gather3A_701 : memref<8x1024xf32, #tpu.memory_space<vmem>>[vector<16xi32>, vector<16xi32>], vector<16xf32>,
        %add3A_705 = arith.constant 80 : i32
        %add3A_706 = vector.broadcast %add3A_705 : i32 to vector<16xi32>
        %add3A_707 = arith.addi %iota3A, %add3A_706 : vector<16xi32>
        %gather3A_708 = tpu.vector_load_idx %arg8[%add3A_707, %and3A_659] : memref<128x64xf32, #tpu.memory_space<vmem>>[vector<16xi32>, vector<16xi32>], vector<16xf32>,
        %add3A_709 = arith.constant 80 : i32
        %add3A_710 = vector.broadcast %add3A_709 : i32 to vector<16xi32>
        %add3A_711 = arith.addi %add3A_669, %add3A_710 : vector<16xi32>
        tpu.vector_store_idx %arg10[%shift_right_logical3A_662, %add3A_711], %gather3A_708 : memref<8x1024xf32, #tpu.memory_space<vmem>>[vector<16xi32>, vector<16xi32>], vector<16xf32>,
        %add3A_712 = arith.constant 96 : i32
        %add3A_713 = vector.broadcast %add3A_712 : i32 to vector<16xi32>
        %add3A_714 = arith.addi %iota3A, %add3A_713 : vector<16xi32>
        %gather3A_715 = tpu.vector_load_idx %arg8[%add3A_714, %and3A_659] : memref<128x64xf32, #tpu.memory_space<vmem>>[vector<16xi32>, vector<16xi32>], vector<16xf32>,
        %add3A_716 = arith.constant 96 : i32
        %add3A_717 = vector.broadcast %add3A_716 : i32 to vector<16xi32>
        %add3A_718 = arith.addi %add3A_669, %add3A_717 : vector<16xi32>
        tpu.vector_store_idx %arg10[%shift_right_logical3A_662, %add3A_718], %gather3A_715 : memref<8x1024xf32, #tpu.memory_space<vmem>>[vector<16xi32>, vector<16xi32>], vector<16xf32>,
        %add3A_719 = arith.constant 112 : i32
        %add3A_720 = vector.broadcast %add3A_719 : i32 to vector<16xi32>
        %add3A_721 = arith.addi %iota3A, %add3A_720 : vector<16xi32>
        %gather3A_722 = tpu.vector_load_idx %arg8[%add3A_721, %and3A_659] : memref<128x64xf32, #tpu.memory_space<vmem>>[vector<16xi32>, vector<16xi32>], vector<16xf32>,
        %add3A_723 = arith.constant 112 : i32
        %add3A_724 = vector.broadcast %add3A_723 : i32 to vector<16xi32>
        %add3A_725 = arith.addi %add3A_669, %add3A_724 : vector<16xi32>
        tpu.vector_store_idx %arg10[%shift_right_logical3A_662, %add3A_725], %gather3A_722 : memref<8x1024xf32, #tpu.memory_space<vmem>>[vector<16xi32>, vector<16xi32>], vector<16xf32>,
      }
      %scan3A_413 = arith.constant 16 : i32
      %add3A_414 = arith.addi %mul3A_2, %add3A_359 : i32
      %shift_right_logical3A_415 = arith.constant 7 : i32
      %shift_right_logical3A_416 = arith.shrui %add3A_414, %shift_right_logical3A_415 : i32
      %and3A_417 = arith.constant 127 : i32
      %and3A_418 = arith.andi %add3A_414, %and3A_417 : i32
      %mul3A_419 = arith.constant 8 : i32
      %mul3A_420 = arith.muli %shift_right_logical3A_416, %mul3A_419 : i32
      %dma_start3A_421 = arith.constant 0 : i32
      %dma_start3A_422 = tpu.memref_slice %arg4[%mul3A_420, %and3A_418, %dma_start3A_421] : memref<1600x128x1024xf32, #tpu.memory_space<hbm>> -> memref<8x1x1024xf32, #tpu.memory_space<hbm>>
      %dma_start3A_423 = tpu.memref_squeeze %dma_start3A_422 : memref<8x1x1024xf32, #tpu.memory_space<hbm>> -> memref<8x1024xf32, #tpu.memory_space<hbm>>
      %dma_start3A_424 = arith.constant 0 : i32
      %dma_start3A_425 = tpu.memref_slice %arg4[%mul3A_420, %and3A_418, %dma_start3A_424] : memref<1600x128x1024xf32, #tpu.memory_space<hbm>> -> memref<8x1x1024xf32, #tpu.memory_space<hbm>>
      %dma_start3A_426 = tpu.memref_squeeze %dma_start3A_425 : memref<8x1x1024xf32, #tpu.memory_space<hbm>> -> memref<8x1024xf32, #tpu.memory_space<hbm>>
      tpu.enqueue_dma source(%arg10 : memref<8x1024xf32, #tpu.memory_space<vmem>>) target(%dma_start3A_426 : memref<8x1024xf32, #tpu.memory_space<hbm>>) target_semaphore(%arg16 : memref<!tpu.dma_semaphore, #tpu.memory_space<semaphore_mem>>)
    }
    %scan3A_170 = arith.constant 398 : i32
    %dma_wait3A_171 = arith.constant 0 : i32
    %dma_wait3A_172 = arith.constant 0 : i32
    %dma_wait3A_173 = tpu.memref_slice %arg3[%dma_wait3A_171, %dma_wait3A_172] : memref<100000x64xf32, #tpu.memory_space<hbm>> -> memref<100000x64xf32, #tpu.memory_space<hbm>>
    tpu.wait_indirect_dma semaphore(%arg13 : memref<!tpu.dma_semaphore, #tpu.memory_space<semaphore_mem>>) src(%dma_wait3A_173 : memref<100000x64xf32, #tpu.memory_space<hbm>>) dst(%arg7 : memref<128x64xf32, #tpu.memory_space<vmem>>)
    %add3A_174 = arith.constant 799 : i32
    %add3A_175 = arith.addi %mul3A_2, %add3A_174 : i32
    %shift_right_logical3A_176 = arith.constant 7 : i32
    %shift_right_logical3A_177 = arith.shrui %add3A_175, %shift_right_logical3A_176 : i32
    %and3A_178 = arith.constant 127 : i32
    %and3A_179 = arith.andi %add3A_175, %and3A_178 : i32
    %mul3A_180 = arith.constant 16384 : i32
    %mul3A_181 = arith.muli %shift_right_logical3A_177, %mul3A_180 : i32
    %mul3A_182 = arith.constant 128 : i32
    %mul3A_183 = arith.muli %and3A_179, %mul3A_182 : i32
    %add3A_184 = arith.addi %mul3A_181, %mul3A_183 : i32
    %dma_wait3A_185 = tpu.memref_slice %arg2[%add3A_184] : memref<3276800xi32, #tpu.memory_space<hbm>> -> memref<128xi32, #tpu.memory_space<hbm>>
    %dma_wait3A_186 = tpu.memref_slice %arg2[%add3A_184] : memref<3276800xi32, #tpu.memory_space<hbm>> -> memref<128xi32, #tpu.memory_space<hbm>>
    tpu.wait_dma2 semaphore(%arg12 : memref<!tpu.dma_semaphore, #tpu.memory_space<semaphore_mem>>) src(%dma_wait3A_186 : memref<128xi32, #tpu.memory_space<hbm>>) dst(%arg6 : memref<128xi32, #tpu.memory_space<vmem>>)
    %dma_start3A_187 = arith.constant 0 : i32
    %dma_start3A_188 = arith.constant 0 : i32
    %dma_start3A_189 = tpu.memref_slice %arg3[%dma_start3A_187, %dma_start3A_188] : memref<100000x64xf32, #tpu.memory_space<hbm>> -> memref<100000x64xf32, #tpu.memory_space<hbm>>
    tpu.enqueue_indirect_dma source(%dma_start3A_189 : memref<100000x64xf32, #tpu.memory_space<hbm>>) target(%arg8 : memref<128x64xf32, #tpu.memory_space<vmem>>) offsets(%arg6 : memref<128xi32, #tpu.memory_space<vmem>>) semaphore(%arg14 : memref<!tpu.dma_semaphore, #tpu.memory_space<semaphore_mem>>)
    %add3A_190 = arith.constant 796 : i32
    %add3A_191 = arith.addi %mul3A_2, %add3A_190 : i32
    %shift_right_logical3A_192 = arith.constant 7 : i32
    %shift_right_logical3A_193 = arith.shrui %add3A_191, %shift_right_logical3A_192 : i32
    %and3A_194 = arith.constant 127 : i32
    %and3A_195 = arith.andi %add3A_191, %and3A_194 : i32
    %mul3A_196 = arith.constant 8 : i32
    %mul3A_197 = arith.muli %shift_right_logical3A_193, %mul3A_196 : i32
    %dma_wait3A_198 = arith.constant 0 : i32
    %dma_wait3A_199 = tpu.memref_slice %arg4[%mul3A_197, %and3A_195, %dma_wait3A_198] : memref<1600x128x1024xf32, #tpu.memory_space<hbm>> -> memref<8x1x1024xf32, #tpu.memory_space<hbm>>
    %dma_wait3A_200 = tpu.memref_squeeze %dma_wait3A_199 : memref<8x1x1024xf32, #tpu.memory_space<hbm>> -> memref<8x1024xf32, #tpu.memory_space<hbm>>
    %dma_wait3A_201 = arith.constant 0 : i32
    %dma_wait3A_202 = tpu.memref_slice %arg4[%mul3A_197, %and3A_195, %dma_wait3A_201] : memref<1600x128x1024xf32, #tpu.memory_space<hbm>> -> memref<8x1x1024xf32, #tpu.memory_space<hbm>>
    %dma_wait3A_203 = tpu.memref_squeeze %dma_wait3A_202 : memref<8x1x1024xf32, #tpu.memory_space<hbm>> -> memref<8x1024xf32, #tpu.memory_space<hbm>>
    tpu.wait_dma2 semaphore(%arg15 : memref<!tpu.dma_semaphore, #tpu.memory_space<semaphore_mem>>) src(%arg9 : memref<8x1024xf32, #tpu.memory_space<vmem>>) dst(%dma_wait3A_203 : memref<8x1024xf32, #tpu.memory_space<hbm>>)
    %scan3A_204 = arith.constant 0 : i32
    %scan3A_205 = arith.constant 16 : i32
    %scan3A_206 = arith.addi %scan3A_204, %scan3A_205 : i32
    %scan3A_207 = arith.constant 1 : i32
    scf.for %scan3A_287 = %scan3A_204 to %scan3A_206 step %scan3A_207  : i32 {
      %mul3A_288 = arith.constant 4 : i32
      %mul3A_289 = arith.muli %scan3A_287, %mul3A_288 : i32
      %add3A_290 = arith.constant 0 : i32
      %add3A_291 = arith.addi %add3A_290, %mul3A_289 : i32
      %add3A_292 = vector.broadcast %add3A_291 : i32 to vector<16xi32>
      %add3A_293 = arith.addi %iota3A, %add3A_292 : vector<16xi32>
      %add3A_294 = arith.constant 0 : i32
      %add3A_295 = vector.broadcast %add3A_294 : i32 to vector<16xi32>
      %add3A_296 = arith.addi %add3A_293, %add3A_295 : vector<16xi32>
      %and3A_297 = arith.constant 63 : i32
      %and3A_298 = vector.broadcast %and3A_297 : i32 to vector<16xi32>
      %and3A_299 = arith.andi %add3A_296, %and3A_298 : vector<16xi32>
      %shift_right_logical3A_300 = arith.constant 3 : i32
      %shift_right_logical3A_301 = vector.broadcast %shift_right_logical3A_300 : i32 to vector<16xi32>
      %shift_right_logical3A_302 = arith.shrui %and3A_299, %shift_right_logical3A_301 : vector<16xi32>
      %and3A_303 = arith.constant 7 : i32
      %and3A_304 = vector.broadcast %and3A_303 : i32 to vector<16xi32>
      %and3A_305 = arith.andi %and3A_299, %and3A_304 : vector<16xi32>
      %shift_left3A = arith.constant 7 : i32
      %shift_left3A_306 = vector.broadcast %shift_left3A : i32 to vector<16xi32>
      %shift_left3A_307 = arith.shli %and3A_305, %shift_left3A_306 : vector<16xi32>
      %add3A_308 = arith.addi %shift_left3A_307, %iota3A : vector<16xi32>
      %add3A_309 = arith.constant 0 : i32
      %add3A_310 = vector.broadcast %add3A_309 : i32 to vector<16xi32>
      %add3A_311 = arith.addi %iota3A, %add3A_310 : vector<16xi32>
      %gather3A = tpu.vector_load_idx %arg7[%add3A_311, %and3A_299] : memref<128x64xf32, #tpu.memory_space<vmem>>[vector<16xi32>, vector<16xi32>], vector<16xf32>,
      %add3A_312 = arith.constant 0 : i32
      %add3A_313 = vector.broadcast %add3A_312 : i32 to vector<16xi32>
      %add3A_314 = arith.addi %add3A_308, %add3A_313 : vector<16xi32>
      tpu.vector_store_idx %arg9[%shift_right_logical3A_302, %add3A_314], %gather3A : memref<8x1024xf32, #tpu.memory_space<vmem>>[vector<16xi32>, vector<16xi32>], vector<16xf32>,
      %add3A_315 = arith.constant 16 : i32
      %add3A_316 = vector.broadcast %add3A_315 : i32 to vector<16xi32>
      %add3A_317 = arith.addi %iota3A, %add3A_316 : vector<16xi32>
      %gather3A_318 = tpu.vector_load_idx %arg7[%add3A_317, %and3A_299] : memref<128x64xf32, #tpu.memory_space<vmem>>[vector<16xi32>, vector<16xi32>], vector<16xf32>,
      %add3A_319 = arith.constant 16 : i32
      %add3A_320 = vector.broadcast %add3A_319 : i32 to vector<16xi32>
      %add3A_321 = arith.addi %add3A_308, %add3A_320 : vector<16xi32>
      tpu.vector_store_idx %arg9[%shift_right_logical3A_302, %add3A_321], %gather3A_318 : memref<8x1024xf32, #tpu.memory_space<vmem>>[vector<16xi32>, vector<16xi32>], vector<16xf32>,
      %add3A_322 = arith.constant 32 : i32
      %add3A_323 = vector.broadcast %add3A_322 : i32 to vector<16xi32>
      %add3A_324 = arith.addi %iota3A, %add3A_323 : vector<16xi32>
      %gather3A_325 = tpu.vector_load_idx %arg7[%add3A_324, %and3A_299] : memref<128x64xf32, #tpu.memory_space<vmem>>[vector<16xi32>, vector<16xi32>], vector<16xf32>,
      %add3A_326 = arith.constant 32 : i32
      %add3A_327 = vector.broadcast %add3A_326 : i32 to vector<16xi32>
      %add3A_328 = arith.addi %add3A_308, %add3A_327 : vector<16xi32>
      tpu.vector_store_idx %arg9[%shift_right_logical3A_302, %add3A_328], %gather3A_325 : memref<8x1024xf32, #tpu.memory_space<vmem>>[vector<16xi32>, vector<16xi32>], vector<16xf32>,
      %add3A_329 = arith.constant 48 : i32
      %add3A_330 = vector.broadcast %add3A_329 : i32 to vector<16xi32>
      %add3A_331 = arith.addi %iota3A, %add3A_330 : vector<16xi32>
      %gather3A_332 = tpu.vector_load_idx %arg7[%add3A_331, %and3A_299] : memref<128x64xf32, #tpu.memory_space<vmem>>[vector<16xi32>, vector<16xi32>], vector<16xf32>,
      %add3A_333 = arith.constant 48 : i32
      %add3A_334 = vector.broadcast %add3A_333 : i32 to vector<16xi32>
      %add3A_335 = arith.addi %add3A_308, %add3A_334 : vector<16xi32>
      tpu.vector_store_idx %arg9[%shift_right_logical3A_302, %add3A_335], %gather3A_332 : memref<8x1024xf32, #tpu.memory_space<vmem>>[vector<16xi32>, vector<16xi32>], vector<16xf32>,
      %add3A_336 = arith.constant 64 : i32
      %add3A_337 = vector.broadcast %add3A_336 : i32 to vector<16xi32>
      %add3A_338 = arith.addi %iota3A, %add3A_337 : vector<16xi32>
      %gather3A_339 = tpu.vector_load_idx %arg7[%add3A_338, %and3A_299] : memref<128x64xf32, #tpu.memory_space<vmem>>[vector<16xi32>, vector<16xi32>], vector<16xf32>,
      %add3A_340 = arith.constant 64 : i32
      %add3A_341 = vector.broadcast %add3A_340 : i32 to vector<16xi32>
      %add3A_342 = arith.addi %add3A_308, %add3A_341 : vector<16xi32>
      tpu.vector_store_idx %arg9[%shift_right_logical3A_302, %add3A_342], %gather3A_339 : memref<8x1024xf32, #tpu.memory_space<vmem>>[vector<16xi32>, vector<16xi32>], vector<16xf32>,
      %add3A_343 = arith.constant 80 : i32
      %add3A_344 = vector.broadcast %add3A_343 : i32 to vector<16xi32>
      %add3A_345 = arith.addi %iota3A, %add3A_344 : vector<16xi32>
      %gather3A_346 = tpu.vector_load_idx %arg7[%add3A_345, %and3A_299] : memref<128x64xf32, #tpu.memory_space<vmem>>[vector<16xi32>, vector<16xi32>], vector<16xf32>,
      %add3A_347 = arith.constant 80 : i32
      %add3A_348 = vector.broadcast %add3A_347 : i32 to vector<16xi32>
      %add3A_349 = arith.addi %add3A_308, %add3A_348 : vector<16xi32>
      tpu.vector_store_idx %arg9[%shift_right_logical3A_302, %add3A_349], %gather3A_346 : memref<8x1024xf32, #tpu.memory_space<vmem>>[vector<16xi32>, vector<16xi32>], vector<16xf32>,
      %add3A_350 = arith.constant 96 : i32
      %add3A_351 = vector.broadcast %add3A_350 : i32 to vector<16xi32>
      %add3A_352 = arith.addi %iota3A, %add3A_351 : vector<16xi32>
      %gather3A_353 = tpu.vector_load_idx %arg7[%add3A_352, %and3A_299] : memref<128x64xf32, #tpu.memory_space<vmem>>[vector<16xi32>, vector<16xi32>], vector<16xf32>,
      %add3A_354 = arith.constant 96 : i32
      %add3A_355 = vector.broadcast %add3A_354 : i32 to vector<16xi32>
      %add3A_356 = arith.addi %add3A_308, %add3A_355 : vector<16xi32>
      tpu.vector_store_idx %arg9[%shift_right_logical3A_302, %add3A_356], %gather3A_353 : memref<8x1024xf32, #tpu.memory_space<vmem>>[vector<16xi32>, vector<16xi32>], vector<16xf32>,
      %add3A_357 = arith.constant 112 : i32
      %add3A_358 = vector.broadcast %add3A_357 : i32 to vector<16xi32>
      %add3A_359 = arith.addi %iota3A, %add3A_358 : vector<16xi32>
      %gather3A_360 = tpu.vector_load_idx %arg7[%add3A_359, %and3A_299] : memref<128x64xf32, #tpu.memory_space<vmem>>[vector<16xi32>, vector<16xi32>], vector<16xf32>,
      %add3A_361 = arith.constant 112 : i32
      %add3A_362 = vector.broadcast %add3A_361 : i32 to vector<16xi32>
      %add3A_363 = arith.addi %add3A_308, %add3A_362 : vector<16xi32>
      tpu.vector_store_idx %arg9[%shift_right_logical3A_302, %add3A_363], %gather3A_360 : memref<8x1024xf32, #tpu.memory_space<vmem>>[vector<16xi32>, vector<16xi32>], vector<16xf32>,
      %add3A_364 = vector.broadcast %add3A_291 : i32 to vector<16xi32>
      %add3A_365 = arith.addi %iota3A, %add3A_364 : vector<16xi32>
      %add3A_366 = arith.constant 1 : i32
      %add3A_367 = vector.broadcast %add3A_366 : i32 to vector<16xi32>
      %add3A_368 = arith.addi %add3A_365, %add3A_367 : vector<16xi32>
      %and3A_369 = arith.constant 63 : i32
      %and3A_370 = vector.broadcast %and3A_369 : i32 to vector<16xi32>
      %and3A_371 = arith.andi %add3A_368, %and3A_370 : vector<16xi32>
      %shift_right_logical3A_372 = arith.constant 3 : i32
      %shift_right_logical3A_373 = vector.broadcast %shift_right_logical3A_372 : i32 to vector<16xi32>
      %shift_right_logical3A_374 = arith.shrui %and3A_371, %shift_right_logical3A_373 : vector<16xi32>
      %and3A_375 = arith.constant 7 : i32
      %and3A_376 = vector.broadcast %and3A_375 : i32 to vector<16xi32>
      %and3A_377 = arith.andi %and3A_371, %and3A_376 : vector<16xi32>
      %shift_left3A_378 = arith.constant 7 : i32
      %shift_left3A_379 = vector.broadcast %shift_left3A_378 : i32 to vector<16xi32>
      %shift_left3A_380 = arith.shli %and3A_377, %shift_left3A_379 : vector<16xi32>
      %add3A_381 = arith.addi %shift_left3A_380, %iota3A : vector<16xi32>
      %add3A_382 = arith.constant 0 : i32
      %add3A_383 = vector.broadcast %add3A_382 : i32 to vector<16xi32>
      %add3A_384 = arith.addi %iota3A, %add3A_383 : vector<16xi32>
      %gather3A_385 = tpu.vector_load_idx %arg7[%add3A_384, %and3A_371] : memref<128x64xf32, #tpu.memory_space<vmem>>[vector<16xi32>, vector<16xi32>], vector<16xf32>,
      %add3A_386 = arith.constant 0 : i32
      %add3A_387 = vector.broadcast %add3A_386 : i32 to vector<16xi32>
      %add3A_388 = arith.addi %add3A_381, %add3A_387 : vector<16xi32>
      tpu.vector_store_idx %arg9[%shift_right_logical3A_374, %add3A_388], %gather3A_385 : memref<8x1024xf32, #tpu.memory_space<vmem>>[vector<16xi32>, vector<16xi32>], vector<16xf32>,
      %add3A_389 = arith.constant 16 : i32
      %add3A_390 = vector.broadcast %add3A_389 : i32 to vector<16xi32>
      %add3A_391 = arith.addi %iota3A, %add3A_390 : vector<16xi32>
      %gather3A_392 = tpu.vector_load_idx %arg7[%add3A_391, %and3A_371] : memref<128x64xf32, #tpu.memory_space<vmem>>[vector<16xi32>, vector<16xi32>], vector<16xf32>,
      %add3A_393 = arith.constant 16 : i32
      %add3A_394 = vector.broadcast %add3A_393 : i32 to vector<16xi32>
      %add3A_395 = arith.addi %add3A_381, %add3A_394 : vector<16xi32>
      tpu.vector_store_idx %arg9[%shift_right_logical3A_374, %add3A_395], %gather3A_392 : memref<8x1024xf32, #tpu.memory_space<vmem>>[vector<16xi32>, vector<16xi32>], vector<16xf32>,
      %add3A_396 = arith.constant 32 : i32
      %add3A_397 = vector.broadcast %add3A_396 : i32 to vector<16xi32>
      %add3A_398 = arith.addi %iota3A, %add3A_397 : vector<16xi32>
      %gather3A_399 = tpu.vector_load_idx %arg7[%add3A_398, %and3A_371] : memref<128x64xf32, #tpu.memory_space<vmem>>[vector<16xi32>, vector<16xi32>], vector<16xf32>,
      %add3A_400 = arith.constant 32 : i32
      %add3A_401 = vector.broadcast %add3A_400 : i32 to vector<16xi32>
      %add3A_402 = arith.addi %add3A_381, %add3A_401 : vector<16xi32>
      tpu.vector_store_idx %arg9[%shift_right_logical3A_374, %add3A_402], %gather3A_399 : memref<8x1024xf32, #tpu.memory_space<vmem>>[vector<16xi32>, vector<16xi32>], vector<16xf32>,
      %add3A_403 = arith.constant 48 : i32
      %add3A_404 = vector.broadcast %add3A_403 : i32 to vector<16xi32>
      %add3A_405 = arith.addi %iota3A, %add3A_404 : vector<16xi32>
      %gather3A_406 = tpu.vector_load_idx %arg7[%add3A_405, %and3A_371] : memref<128x64xf32, #tpu.memory_space<vmem>>[vector<16xi32>, vector<16xi32>], vector<16xf32>,
      %add3A_407 = arith.constant 48 : i32
      %add3A_408 = vector.broadcast %add3A_407 : i32 to vector<16xi32>
      %add3A_409 = arith.addi %add3A_381, %add3A_408 : vector<16xi32>
      tpu.vector_store_idx %arg9[%shift_right_logical3A_374, %add3A_409], %gather3A_406 : memref<8x1024xf32, #tpu.memory_space<vmem>>[vector<16xi32>, vector<16xi32>], vector<16xf32>,
      %add3A_410 = arith.constant 64 : i32
      %add3A_411 = vector.broadcast %add3A_410 : i32 to vector<16xi32>
      %add3A_412 = arith.addi %iota3A, %add3A_411 : vector<16xi32>
      %gather3A_413 = tpu.vector_load_idx %arg7[%add3A_412, %and3A_371] : memref<128x64xf32, #tpu.memory_space<vmem>>[vector<16xi32>, vector<16xi32>], vector<16xf32>,
      %add3A_414 = arith.constant 64 : i32
      %add3A_415 = vector.broadcast %add3A_414 : i32 to vector<16xi32>
      %add3A_416 = arith.addi %add3A_381, %add3A_415 : vector<16xi32>
      tpu.vector_store_idx %arg9[%shift_right_logical3A_374, %add3A_416], %gather3A_413 : memref<8x1024xf32, #tpu.memory_space<vmem>>[vector<16xi32>, vector<16xi32>], vector<16xf32>,
      %add3A_417 = arith.constant 80 : i32
      %add3A_418 = vector.broadcast %add3A_417 : i32 to vector<16xi32>
      %add3A_419 = arith.addi %iota3A, %add3A_418 : vector<16xi32>
      %gather3A_420 = tpu.vector_load_idx %arg7[%add3A_419, %and3A_371] : memref<128x64xf32, #tpu.memory_space<vmem>>[vector<16xi32>, vector<16xi32>], vector<16xf32>,
      %add3A_421 = arith.constant 80 : i32
      %add3A_422 = vector.broadcast %add3A_421 : i32 to vector<16xi32>
      %add3A_423 = arith.addi %add3A_381, %add3A_422 : vector<16xi32>
      tpu.vector_store_idx %arg9[%shift_right_logical3A_374, %add3A_423], %gather3A_420 : memref<8x1024xf32, #tpu.memory_space<vmem>>[vector<16xi32>, vector<16xi32>], vector<16xf32>,
      %add3A_424 = arith.constant 96 : i32
      %add3A_425 = vector.broadcast %add3A_424 : i32 to vector<16xi32>
      %add3A_426 = arith.addi %iota3A, %add3A_425 : vector<16xi32>
      %gather3A_427 = tpu.vector_load_idx %arg7[%add3A_426, %and3A_371] : memref<128x64xf32, #tpu.memory_space<vmem>>[vector<16xi32>, vector<16xi32>], vector<16xf32>,
      %add3A_428 = arith.constant 96 : i32
      %add3A_429 = vector.broadcast %add3A_428 : i32 to vector<16xi32>
      %add3A_430 = arith.addi %add3A_381, %add3A_429 : vector<16xi32>
      tpu.vector_store_idx %arg9[%shift_right_logical3A_374, %add3A_430], %gather3A_427 : memref<8x1024xf32, #tpu.memory_space<vmem>>[vector<16xi32>, vector<16xi32>], vector<16xf32>,
      %add3A_431 = arith.constant 112 : i32
      %add3A_432 = vector.broadcast %add3A_431 : i32 to vector<16xi32>
      %add3A_433 = arith.addi %iota3A, %add3A_432 : vector<16xi32>
      %gather3A_434 = tpu.vector_load_idx %arg7[%add3A_433, %and3A_371] : memref<128x64xf32, #tpu.memory_space<vmem>>[vector<16xi32>, vector<16xi32>], vector<16xf32>,
      %add3A_435 = arith.constant 112 : i32
      %add3A_436 = vector.broadcast %add3A_435 : i32 to vector<16xi32>
      %add3A_437 = arith.addi %add3A_381, %add3A_436 : vector<16xi32>
      tpu.vector_store_idx %arg9[%shift_right_logical3A_374, %add3A_437], %gather3A_434 : memref<8x1024xf32, #tpu.memory_space<vmem>>[vector<16xi32>, vector<16xi32>], vector<16xf32>,
      %add3A_438 = vector.broadcast %add3A_291 : i32 to vector<16xi32>
      %add3A_439 = arith.addi %iota3A, %add3A_438 : vector<16xi32>
      %add3A_440 = arith.constant 2 : i32
      %add3A_441 = vector.broadcast %add3A_440 : i32 to vector<16xi32>
      %add3A_442 = arith.addi %add3A_439, %add3A_441 : vector<16xi32>
      %and3A_443 = arith.constant 63 : i32
      %and3A_444 = vector.broadcast %and3A_443 : i32 to vector<16xi32>
      %and3A_445 = arith.andi %add3A_442, %and3A_444 : vector<16xi32>
      %shift_right_logical3A_446 = arith.constant 3 : i32
      %shift_right_logical3A_447 = vector.broadcast %shift_right_logical3A_446 : i32 to vector<16xi32>
      %shift_right_logical3A_448 = arith.shrui %and3A_445, %shift_right_logical3A_447 : vector<16xi32>
      %and3A_449 = arith.constant 7 : i32
      %and3A_450 = vector.broadcast %and3A_449 : i32 to vector<16xi32>
      %and3A_451 = arith.andi %and3A_445, %and3A_450 : vector<16xi32>
      %shift_left3A_452 = arith.constant 7 : i32
      %shift_left3A_453 = vector.broadcast %shift_left3A_452 : i32 to vector<16xi32>
      %shift_left3A_454 = arith.shli %and3A_451, %shift_left3A_453 : vector<16xi32>
      %add3A_455 = arith.addi %shift_left3A_454, %iota3A : vector<16xi32>
      %add3A_456 = arith.constant 0 : i32
      %add3A_457 = vector.broadcast %add3A_456 : i32 to vector<16xi32>
      %add3A_458 = arith.addi %iota3A, %add3A_457 : vector<16xi32>
      %gather3A_459 = tpu.vector_load_idx %arg7[%add3A_458, %and3A_445] : memref<128x64xf32, #tpu.memory_space<vmem>>[vector<16xi32>, vector<16xi32>], vector<16xf32>,
      %add3A_460 = arith.constant 0 : i32
      %add3A_461 = vector.broadcast %add3A_460 : i32 to vector<16xi32>
      %add3A_462 = arith.addi %add3A_455, %add3A_461 : vector<16xi32>
      tpu.vector_store_idx %arg9[%shift_right_logical3A_448, %add3A_462], %gather3A_459 : memref<8x1024xf32, #tpu.memory_space<vmem>>[vector<16xi32>, vector<16xi32>], vector<16xf32>,
      %add3A_463 = arith.constant 16 : i32
      %add3A_464 = vector.broadcast %add3A_463 : i32 to vector<16xi32>
      %add3A_465 = arith.addi %iota3A, %add3A_464 : vector<16xi32>
      %gather3A_466 = tpu.vector_load_idx %arg7[%add3A_465, %and3A_445] : memref<128x64xf32, #tpu.memory_space<vmem>>[vector<16xi32>, vector<16xi32>], vector<16xf32>,
      %add3A_467 = arith.constant 16 : i32
      %add3A_468 = vector.broadcast %add3A_467 : i32 to vector<16xi32>
      %add3A_469 = arith.addi %add3A_455, %add3A_468 : vector<16xi32>
      tpu.vector_store_idx %arg9[%shift_right_logical3A_448, %add3A_469], %gather3A_466 : memref<8x1024xf32, #tpu.memory_space<vmem>>[vector<16xi32>, vector<16xi32>], vector<16xf32>,
      %add3A_470 = arith.constant 32 : i32
      %add3A_471 = vector.broadcast %add3A_470 : i32 to vector<16xi32>
      %add3A_472 = arith.addi %iota3A, %add3A_471 : vector<16xi32>
      %gather3A_473 = tpu.vector_load_idx %arg7[%add3A_472, %and3A_445] : memref<128x64xf32, #tpu.memory_space<vmem>>[vector<16xi32>, vector<16xi32>], vector<16xf32>,
      %add3A_474 = arith.constant 32 : i32
      %add3A_475 = vector.broadcast %add3A_474 : i32 to vector<16xi32>
      %add3A_476 = arith.addi %add3A_455, %add3A_475 : vector<16xi32>
      tpu.vector_store_idx %arg9[%shift_right_logical3A_448, %add3A_476], %gather3A_473 : memref<8x1024xf32, #tpu.memory_space<vmem>>[vector<16xi32>, vector<16xi32>], vector<16xf32>,
      %add3A_477 = arith.constant 48 : i32
      %add3A_478 = vector.broadcast %add3A_477 : i32 to vector<16xi32>
      %add3A_479 = arith.addi %iota3A, %add3A_478 : vector<16xi32>
      %gather3A_480 = tpu.vector_load_idx %arg7[%add3A_479, %and3A_445] : memref<128x64xf32, #tpu.memory_space<vmem>>[vector<16xi32>, vector<16xi32>], vector<16xf32>,
      %add3A_481 = arith.constant 48 : i32
      %add3A_482 = vector.broadcast %add3A_481 : i32 to vector<16xi32>
      %add3A_483 = arith.addi %add3A_455, %add3A_482 : vector<16xi32>
      tpu.vector_store_idx %arg9[%shift_right_logical3A_448, %add3A_483], %gather3A_480 : memref<8x1024xf32, #tpu.memory_space<vmem>>[vector<16xi32>, vector<16xi32>], vector<16xf32>,
      %add3A_484 = arith.constant 64 : i32
      %add3A_485 = vector.broadcast %add3A_484 : i32 to vector<16xi32>
      %add3A_486 = arith.addi %iota3A, %add3A_485 : vector<16xi32>
      %gather3A_487 = tpu.vector_load_idx %arg7[%add3A_486, %and3A_445] : memref<128x64xf32, #tpu.memory_space<vmem>>[vector<16xi32>, vector<16xi32>], vector<16xf32>,
      %add3A_488 = arith.constant 64 : i32
      %add3A_489 = vector.broadcast %add3A_488 : i32 to vector<16xi32>
      %add3A_490 = arith.addi %add3A_455, %add3A_489 : vector<16xi32>
      tpu.vector_store_idx %arg9[%shift_right_logical3A_448, %add3A_490], %gather3A_487 : memref<8x1024xf32, #tpu.memory_space<vmem>>[vector<16xi32>, vector<16xi32>], vector<16xf32>,
      %add3A_491 = arith.constant 80 : i32
      %add3A_492 = vector.broadcast %add3A_491 : i32 to vector<16xi32>
      %add3A_493 = arith.addi %iota3A, %add3A_492 : vector<16xi32>
      %gather3A_494 = tpu.vector_load_idx %arg7[%add3A_493, %and3A_445] : memref<128x64xf32, #tpu.memory_space<vmem>>[vector<16xi32>, vector<16xi32>], vector<16xf32>,
      %add3A_495 = arith.constant 80 : i32
      %add3A_496 = vector.broadcast %add3A_495 : i32 to vector<16xi32>
      %add3A_497 = arith.addi %add3A_455, %add3A_496 : vector<16xi32>
      tpu.vector_store_idx %arg9[%shift_right_logical3A_448, %add3A_497], %gather3A_494 : memref<8x1024xf32, #tpu.memory_space<vmem>>[vector<16xi32>, vector<16xi32>], vector<16xf32>,
      %add3A_498 = arith.constant 96 : i32
      %add3A_499 = vector.broadcast %add3A_498 : i32 to vector<16xi32>
      %add3A_500 = arith.addi %iota3A, %add3A_499 : vector<16xi32>
      %gather3A_501 = tpu.vector_load_idx %arg7[%add3A_500, %and3A_445] : memref<128x64xf32, #tpu.memory_space<vmem>>[vector<16xi32>, vector<16xi32>], vector<16xf32>,
      %add3A_502 = arith.constant 96 : i32
      %add3A_503 = vector.broadcast %add3A_502 : i32 to vector<16xi32>
      %add3A_504 = arith.addi %add3A_455, %add3A_503 : vector<16xi32>
      tpu.vector_store_idx %arg9[%shift_right_logical3A_448, %add3A_504], %gather3A_501 : memref<8x1024xf32, #tpu.memory_space<vmem>>[vector<16xi32>, vector<16xi32>], vector<16xf32>,
      %add3A_505 = arith.constant 112 : i32
      %add3A_506 = vector.broadcast %add3A_505 : i32 to vector<16xi32>
      %add3A_507 = arith.addi %iota3A, %add3A_506 : vector<16xi32>
      %gather3A_508 = tpu.vector_load_idx %arg7[%add3A_507, %and3A_445] : memref<128x64xf32, #tpu.memory_space<vmem>>[vector<16xi32>, vector<16xi32>], vector<16xf32>,
      %add3A_509 = arith.constant 112 : i32
      %add3A_510 = vector.broadcast %add3A_509 : i32 to vector<16xi32>
      %add3A_511 = arith.addi %add3A_455, %add3A_510 : vector<16xi32>
      tpu.vector_store_idx %arg9[%shift_right_logical3A_448, %add3A_511], %gather3A_508 : memref<8x1024xf32, #tpu.memory_space<vmem>>[vector<16xi32>, vector<16xi32>], vector<16xf32>,
      %add3A_512 = vector.broadcast %add3A_291 : i32 to vector<16xi32>
      %add3A_513 = arith.addi %iota3A, %add3A_512 : vector<16xi32>
      %add3A_514 = arith.constant 3 : i32
      %add3A_515 = vector.broadcast %add3A_514 : i32 to vector<16xi32>
      %add3A_516 = arith.addi %add3A_513, %add3A_515 : vector<16xi32>
      %and3A_517 = arith.constant 63 : i32
      %and3A_518 = vector.broadcast %and3A_517 : i32 to vector<16xi32>
      %and3A_519 = arith.andi %add3A_516, %and3A_518 : vector<16xi32>
      %shift_right_logical3A_520 = arith.constant 3 : i32
      %shift_right_logical3A_521 = vector.broadcast %shift_right_logical3A_520 : i32 to vector<16xi32>
      %shift_right_logical3A_522 = arith.shrui %and3A_519, %shift_right_logical3A_521 : vector<16xi32>
      %and3A_523 = arith.constant 7 : i32
      %and3A_524 = vector.broadcast %and3A_523 : i32 to vector<16xi32>
      %and3A_525 = arith.andi %and3A_519, %and3A_524 : vector<16xi32>
      %shift_left3A_526 = arith.constant 7 : i32
      %shift_left3A_527 = vector.broadcast %shift_left3A_526 : i32 to vector<16xi32>
      %shift_left3A_528 = arith.shli %and3A_525, %shift_left3A_527 : vector<16xi32>
      %add3A_529 = arith.addi %shift_left3A_528, %iota3A : vector<16xi32>
      %add3A_530 = arith.constant 0 : i32
      %add3A_531 = vector.broadcast %add3A_530 : i32 to vector<16xi32>
      %add3A_532 = arith.addi %iota3A, %add3A_531 : vector<16xi32>
      %gather3A_533 = tpu.vector_load_idx %arg7[%add3A_532, %and3A_519] : memref<128x64xf32, #tpu.memory_space<vmem>>[vector<16xi32>, vector<16xi32>], vector<16xf32>,
      %add3A_534 = arith.constant 0 : i32
      %add3A_535 = vector.broadcast %add3A_534 : i32 to vector<16xi32>
      %add3A_536 = arith.addi %add3A_529, %add3A_535 : vector<16xi32>
      tpu.vector_store_idx %arg9[%shift_right_logical3A_522, %add3A_536], %gather3A_533 : memref<8x1024xf32, #tpu.memory_space<vmem>>[vector<16xi32>, vector<16xi32>], vector<16xf32>,
      %add3A_537 = arith.constant 16 : i32
      %add3A_538 = vector.broadcast %add3A_537 : i32 to vector<16xi32>
      %add3A_539 = arith.addi %iota3A, %add3A_538 : vector<16xi32>
      %gather3A_540 = tpu.vector_load_idx %arg7[%add3A_539, %and3A_519] : memref<128x64xf32, #tpu.memory_space<vmem>>[vector<16xi32>, vector<16xi32>], vector<16xf32>,
      %add3A_541 = arith.constant 16 : i32
      %add3A_542 = vector.broadcast %add3A_541 : i32 to vector<16xi32>
      %add3A_543 = arith.addi %add3A_529, %add3A_542 : vector<16xi32>
      tpu.vector_store_idx %arg9[%shift_right_logical3A_522, %add3A_543], %gather3A_540 : memref<8x1024xf32, #tpu.memory_space<vmem>>[vector<16xi32>, vector<16xi32>], vector<16xf32>,
      %add3A_544 = arith.constant 32 : i32
      %add3A_545 = vector.broadcast %add3A_544 : i32 to vector<16xi32>
      %add3A_546 = arith.addi %iota3A, %add3A_545 : vector<16xi32>
      %gather3A_547 = tpu.vector_load_idx %arg7[%add3A_546, %and3A_519] : memref<128x64xf32, #tpu.memory_space<vmem>>[vector<16xi32>, vector<16xi32>], vector<16xf32>,
      %add3A_548 = arith.constant 32 : i32
      %add3A_549 = vector.broadcast %add3A_548 : i32 to vector<16xi32>
      %add3A_550 = arith.addi %add3A_529, %add3A_549 : vector<16xi32>
      tpu.vector_store_idx %arg9[%shift_right_logical3A_522, %add3A_550], %gather3A_547 : memref<8x1024xf32, #tpu.memory_space<vmem>>[vector<16xi32>, vector<16xi32>], vector<16xf32>,
      %add3A_551 = arith.constant 48 : i32
      %add3A_552 = vector.broadcast %add3A_551 : i32 to vector<16xi32>
      %add3A_553 = arith.addi %iota3A, %add3A_552 : vector<16xi32>
      %gather3A_554 = tpu.vector_load_idx %arg7[%add3A_553, %and3A_519] : memref<128x64xf32, #tpu.memory_space<vmem>>[vector<16xi32>, vector<16xi32>], vector<16xf32>,
      %add3A_555 = arith.constant 48 : i32
      %add3A_556 = vector.broadcast %add3A_555 : i32 to vector<16xi32>
      %add3A_557 = arith.addi %add3A_529, %add3A_556 : vector<16xi32>
      tpu.vector_store_idx %arg9[%shift_right_logical3A_522, %add3A_557], %gather3A_554 : memref<8x1024xf32, #tpu.memory_space<vmem>>[vector<16xi32>, vector<16xi32>], vector<16xf32>,
      %add3A_558 = arith.constant 64 : i32
      %add3A_559 = vector.broadcast %add3A_558 : i32 to vector<16xi32>
      %add3A_560 = arith.addi %iota3A, %add3A_559 : vector<16xi32>
      %gather3A_561 = tpu.vector_load_idx %arg7[%add3A_560, %and3A_519] : memref<128x64xf32, #tpu.memory_space<vmem>>[vector<16xi32>, vector<16xi32>], vector<16xf32>,
      %add3A_562 = arith.constant 64 : i32
      %add3A_563 = vector.broadcast %add3A_562 : i32 to vector<16xi32>
      %add3A_564 = arith.addi %add3A_529, %add3A_563 : vector<16xi32>
      tpu.vector_store_idx %arg9[%shift_right_logical3A_522, %add3A_564], %gather3A_561 : memref<8x1024xf32, #tpu.memory_space<vmem>>[vector<16xi32>, vector<16xi32>], vector<16xf32>,
      %add3A_565 = arith.constant 80 : i32
      %add3A_566 = vector.broadcast %add3A_565 : i32 to vector<16xi32>
      %add3A_567 = arith.addi %iota3A, %add3A_566 : vector<16xi32>
      %gather3A_568 = tpu.vector_load_idx %arg7[%add3A_567, %and3A_519] : memref<128x64xf32, #tpu.memory_space<vmem>>[vector<16xi32>, vector<16xi32>], vector<16xf32>,
      %add3A_569 = arith.constant 80 : i32
      %add3A_570 = vector.broadcast %add3A_569 : i32 to vector<16xi32>
      %add3A_571 = arith.addi %add3A_529, %add3A_570 : vector<16xi32>
      tpu.vector_store_idx %arg9[%shift_right_logical3A_522, %add3A_571], %gather3A_568 : memref<8x1024xf32, #tpu.memory_space<vmem>>[vector<16xi32>, vector<16xi32>], vector<16xf32>,
      %add3A_572 = arith.constant 96 : i32
      %add3A_573 = vector.broadcast %add3A_572 : i32 to vector<16xi32>
      %add3A_574 = arith.addi %iota3A, %add3A_573 : vector<16xi32>
      %gather3A_575 = tpu.vector_load_idx %arg7[%add3A_574, %and3A_519] : memref<128x64xf32, #tpu.memory_space<vmem>>[vector<16xi32>, vector<16xi32>], vector<16xf32>,
      %add3A_576 = arith.constant 96 : i32
      %add3A_577 = vector.broadcast %add3A_576 : i32 to vector<16xi32>
      %add3A_578 = arith.addi %add3A_529, %add3A_577 : vector<16xi32>
      tpu.vector_store_idx %arg9[%shift_right_logical3A_522, %add3A_578], %gather3A_575 : memref<8x1024xf32, #tpu.memory_space<vmem>>[vector<16xi32>, vector<16xi32>], vector<16xf32>,
      %add3A_579 = arith.constant 112 : i32
      %add3A_580 = vector.broadcast %add3A_579 : i32 to vector<16xi32>
      %add3A_581 = arith.addi %iota3A, %add3A_580 : vector<16xi32>
      %gather3A_582 = tpu.vector_load_idx %arg7[%add3A_581, %and3A_519] : memref<128x64xf32, #tpu.memory_space<vmem>>[vector<16xi32>, vector<16xi32>], vector<16xf32>,
      %add3A_583 = arith.constant 112 : i32
      %add3A_584 = vector.broadcast %add3A_583 : i32 to vector<16xi32>
      %add3A_585 = arith.addi %add3A_529, %add3A_584 : vector<16xi32>
      tpu.vector_store_idx %arg9[%shift_right_logical3A_522, %add3A_585], %gather3A_582 : memref<8x1024xf32, #tpu.memory_space<vmem>>[vector<16xi32>, vector<16xi32>], vector<16xf32>,
    }
    %scan3A_208 = arith.constant 16 : i32
    %add3A_209 = arith.constant 798 : i32
    %add3A_210 = arith.addi %mul3A_2, %add3A_209 : i32
    %shift_right_logical3A_211 = arith.constant 7 : i32
    %shift_right_logical3A_212 = arith.shrui %add3A_210, %shift_right_logical3A_211 : i32
    %and3A_213 = arith.constant 127 : i32
    %and3A_214 = arith.andi %add3A_210, %and3A_213 : i32
    %mul3A_215 = arith.constant 8 : i32
    %mul3A_216 = arith.muli %shift_right_logical3A_212, %mul3A_215 : i32
    %dma_start3A_217 = arith.constant 0 : i32
    %dma_start3A_218 = tpu.memref_slice %arg4[%mul3A_216, %and3A_214, %dma_start3A_217] : memref<1600x128x1024xf32, #tpu.memory_space<hbm>> -> memref<8x1x1024xf32, #tpu.memory_space<hbm>>
    %dma_start3A_219 = tpu.memref_squeeze %dma_start3A_218 : memref<8x1x1024xf32, #tpu.memory_space<hbm>> -> memref<8x1024xf32, #tpu.memory_space<hbm>>
    %dma_start3A_220 = arith.constant 0 : i32
    %dma_start3A_221 = tpu.memref_slice %arg4[%mul3A_216, %and3A_214, %dma_start3A_220] : memref<1600x128x1024xf32, #tpu.memory_space<hbm>> -> memref<8x1x1024xf32, #tpu.memory_space<hbm>>
    %dma_start3A_222 = tpu.memref_squeeze %dma_start3A_221 : memref<8x1x1024xf32, #tpu.memory_space<hbm>> -> memref<8x1024xf32, #tpu.memory_space<hbm>>
    tpu.enqueue_dma source(%arg9 : memref<8x1024xf32, #tpu.memory_space<vmem>>) target(%dma_start3A_222 : memref<8x1024xf32, #tpu.memory_space<hbm>>) target_semaphore(%arg15 : memref<!tpu.dma_semaphore, #tpu.memory_space<semaphore_mem>>)
    %dma_wait3A_223 = arith.constant 0 : i32
    %dma_wait3A_224 = arith.constant 0 : i32
    %dma_wait3A_225 = tpu.memref_slice %arg3[%dma_wait3A_223, %dma_wait3A_224] : memref<100000x64xf32, #tpu.memory_space<hbm>> -> memref<100000x64xf32, #tpu.memory_space<hbm>>
    tpu.wait_indirect_dma semaphore(%arg14 : memref<!tpu.dma_semaphore, #tpu.memory_space<semaphore_mem>>) src(%dma_wait3A_225 : memref<100000x64xf32, #tpu.memory_space<hbm>>) dst(%arg8 : memref<128x64xf32, #tpu.memory_space<vmem>>)
    %add3A_226 = arith.constant 797 : i32
    %add3A_227 = arith.addi %mul3A_2, %add3A_226 : i32
    %shift_right_logical3A_228 = arith.constant 7 : i32
    %shift_right_logical3A_229 = arith.shrui %add3A_227, %shift_right_logical3A_228 : i32
    %and3A_230 = arith.constant 127 : i32
    %and3A_231 = arith.andi %add3A_227, %and3A_230 : i32
    %mul3A_232 = arith.constant 8 : i32
    %mul3A_233 = arith.muli %shift_right_logical3A_229, %mul3A_232 : i32
    %dma_wait3A_234 = arith.constant 0 : i32
    %dma_wait3A_235 = tpu.memref_slice %arg4[%mul3A_233, %and3A_231, %dma_wait3A_234] : memref<1600x128x1024xf32, #tpu.memory_space<hbm>> -> memref<8x1x1024xf32, #tpu.memory_space<hbm>>
    %dma_wait3A_236 = tpu.memref_squeeze %dma_wait3A_235 : memref<8x1x1024xf32, #tpu.memory_space<hbm>> -> memref<8x1024xf32, #tpu.memory_space<hbm>>
    %dma_wait3A_237 = arith.constant 0 : i32
    %dma_wait3A_238 = tpu.memref_slice %arg4[%mul3A_233, %and3A_231, %dma_wait3A_237] : memref<1600x128x1024xf32, #tpu.memory_space<hbm>> -> memref<8x1x1024xf32, #tpu.memory_space<hbm>>
    %dma_wait3A_239 = tpu.memref_squeeze %dma_wait3A_238 : memref<8x1x1024xf32, #tpu.memory_space<hbm>> -> memref<8x1024xf32, #tpu.memory_space<hbm>>
    tpu.wait_dma2 semaphore(%arg16 : memref<!tpu.dma_semaphore, #tpu.memory_space<semaphore_mem>>) src(%arg10 : memref<8x1024xf32, #tpu.memory_space<vmem>>) dst(%dma_wait3A_239 : memref<8x1024xf32, #tpu.memory_space<hbm>>)
    %scan3A_240 = arith.constant 0 : i32
    %scan3A_241 = arith.constant 16 : i32
    %scan3A_242 = arith.addi %scan3A_240, %scan3A_241 : i32
    %scan3A_243 = arith.constant 1 : i32
    scf.for %scan3A_287 = %scan3A_240 to %scan3A_242 step %scan3A_243  : i32 {
      %mul3A_288 = arith.constant 4 : i32
      %mul3A_289 = arith.muli %scan3A_287, %mul3A_288 : i32
      %add3A_290 = arith.constant 0 : i32
      %add3A_291 = arith.addi %add3A_290, %mul3A_289 : i32
      %add3A_292 = vector.broadcast %add3A_291 : i32 to vector<16xi32>
      %add3A_293 = arith.addi %iota3A, %add3A_292 : vector<16xi32>
      %add3A_294 = arith.constant 0 : i32
      %add3A_295 = vector.broadcast %add3A_294 : i32 to vector<16xi32>
      %add3A_296 = arith.addi %add3A_293, %add3A_295 : vector<16xi32>
      %and3A_297 = arith.constant 63 : i32
      %and3A_298 = vector.broadcast %and3A_297 : i32 to vector<16xi32>
      %and3A_299 = arith.andi %add3A_296, %and3A_298 : vector<16xi32>
      %shift_right_logical3A_300 = arith.constant 3 : i32
      %shift_right_logical3A_301 = vector.broadcast %shift_right_logical3A_300 : i32 to vector<16xi32>
      %shift_right_logical3A_302 = arith.shrui %and3A_299, %shift_right_logical3A_301 : vector<16xi32>
      %and3A_303 = arith.constant 7 : i32
      %and3A_304 = vector.broadcast %and3A_303 : i32 to vector<16xi32>
      %and3A_305 = arith.andi %and3A_299, %and3A_304 : vector<16xi32>
      %shift_left3A = arith.constant 7 : i32
      %shift_left3A_306 = vector.broadcast %shift_left3A : i32 to vector<16xi32>
      %shift_left3A_307 = arith.shli %and3A_305, %shift_left3A_306 : vector<16xi32>
      %add3A_308 = arith.addi %shift_left3A_307, %iota3A : vector<16xi32>
      %add3A_309 = arith.constant 0 : i32
      %add3A_310 = vector.broadcast %add3A_309 : i32 to vector<16xi32>
      %add3A_311 = arith.addi %iota3A, %add3A_310 : vector<16xi32>
      %gather3A = tpu.vector_load_idx %arg8[%add3A_311, %and3A_299] : memref<128x64xf32, #tpu.memory_space<vmem>>[vector<16xi32>, vector<16xi32>], vector<16xf32>,
      %add3A_312 = arith.constant 0 : i32
      %add3A_313 = vector.broadcast %add3A_312 : i32 to vector<16xi32>
      %add3A_314 = arith.addi %add3A_308, %add3A_313 : vector<16xi32>
      tpu.vector_store_idx %arg10[%shift_right_logical3A_302, %add3A_314], %gather3A : memref<8x1024xf32, #tpu.memory_space<vmem>>[vector<16xi32>, vector<16xi32>], vector<16xf32>,
      %add3A_315 = arith.constant 16 : i32
      %add3A_316 = vector.broadcast %add3A_315 : i32 to vector<16xi32>
      %add3A_317 = arith.addi %iota3A, %add3A_316 : vector<16xi32>
      %gather3A_318 = tpu.vector_load_idx %arg8[%add3A_317, %and3A_299] : memref<128x64xf32, #tpu.memory_space<vmem>>[vector<16xi32>, vector<16xi32>], vector<16xf32>,
      %add3A_319 = arith.constant 16 : i32
      %add3A_320 = vector.broadcast %add3A_319 : i32 to vector<16xi32>
      %add3A_321 = arith.addi %add3A_308, %add3A_320 : vector<16xi32>
      tpu.vector_store_idx %arg10[%shift_right_logical3A_302, %add3A_321], %gather3A_318 : memref<8x1024xf32, #tpu.memory_space<vmem>>[vector<16xi32>, vector<16xi32>], vector<16xf32>,
      %add3A_322 = arith.constant 32 : i32
      %add3A_323 = vector.broadcast %add3A_322 : i32 to vector<16xi32>
      %add3A_324 = arith.addi %iota3A, %add3A_323 : vector<16xi32>
      %gather3A_325 = tpu.vector_load_idx %arg8[%add3A_324, %and3A_299] : memref<128x64xf32, #tpu.memory_space<vmem>>[vector<16xi32>, vector<16xi32>], vector<16xf32>,
      %add3A_326 = arith.constant 32 : i32
      %add3A_327 = vector.broadcast %add3A_326 : i32 to vector<16xi32>
      %add3A_328 = arith.addi %add3A_308, %add3A_327 : vector<16xi32>
      tpu.vector_store_idx %arg10[%shift_right_logical3A_302, %add3A_328], %gather3A_325 : memref<8x1024xf32, #tpu.memory_space<vmem>>[vector<16xi32>, vector<16xi32>], vector<16xf32>,
      %add3A_329 = arith.constant 48 : i32
      %add3A_330 = vector.broadcast %add3A_329 : i32 to vector<16xi32>
      %add3A_331 = arith.addi %iota3A, %add3A_330 : vector<16xi32>
      %gather3A_332 = tpu.vector_load_idx %arg8[%add3A_331, %and3A_299] : memref<128x64xf32, #tpu.memory_space<vmem>>[vector<16xi32>, vector<16xi32>], vector<16xf32>,
      %add3A_333 = arith.constant 48 : i32
      %add3A_334 = vector.broadcast %add3A_333 : i32 to vector<16xi32>
      %add3A_335 = arith.addi %add3A_308, %add3A_334 : vector<16xi32>
      tpu.vector_store_idx %arg10[%shift_right_logical3A_302, %add3A_335], %gather3A_332 : memref<8x1024xf32, #tpu.memory_space<vmem>>[vector<16xi32>, vector<16xi32>], vector<16xf32>,
      %add3A_336 = arith.constant 64 : i32
      %add3A_337 = vector.broadcast %add3A_336 : i32 to vector<16xi32>
      %add3A_338 = arith.addi %iota3A, %add3A_337 : vector<16xi32>
      %gather3A_339 = tpu.vector_load_idx %arg8[%add3A_338, %and3A_299] : memref<128x64xf32, #tpu.memory_space<vmem>>[vector<16xi32>, vector<16xi32>], vector<16xf32>,
      %add3A_340 = arith.constant 64 : i32
      %add3A_341 = vector.broadcast %add3A_340 : i32 to vector<16xi32>
      %add3A_342 = arith.addi %add3A_308, %add3A_341 : vector<16xi32>
      tpu.vector_store_idx %arg10[%shift_right_logical3A_302, %add3A_342], %gather3A_339 : memref<8x1024xf32, #tpu.memory_space<vmem>>[vector<16xi32>, vector<16xi32>], vector<16xf32>,
      %add3A_343 = arith.constant 80 : i32
      %add3A_344 = vector.broadcast %add3A_343 : i32 to vector<16xi32>
      %add3A_345 = arith.addi %iota3A, %add3A_344 : vector<16xi32>
      %gather3A_346 = tpu.vector_load_idx %arg8[%add3A_345, %and3A_299] : memref<128x64xf32, #tpu.memory_space<vmem>>[vector<16xi32>, vector<16xi32>], vector<16xf32>,
      %add3A_347 = arith.constant 80 : i32
      %add3A_348 = vector.broadcast %add3A_347 : i32 to vector<16xi32>
      %add3A_349 = arith.addi %add3A_308, %add3A_348 : vector<16xi32>
      tpu.vector_store_idx %arg10[%shift_right_logical3A_302, %add3A_349], %gather3A_346 : memref<8x1024xf32, #tpu.memory_space<vmem>>[vector<16xi32>, vector<16xi32>], vector<16xf32>,
      %add3A_350 = arith.constant 96 : i32
      %add3A_351 = vector.broadcast %add3A_350 : i32 to vector<16xi32>
      %add3A_352 = arith.addi %iota3A, %add3A_351 : vector<16xi32>
      %gather3A_353 = tpu.vector_load_idx %arg8[%add3A_352, %and3A_299] : memref<128x64xf32, #tpu.memory_space<vmem>>[vector<16xi32>, vector<16xi32>], vector<16xf32>,
      %add3A_354 = arith.constant 96 : i32
      %add3A_355 = vector.broadcast %add3A_354 : i32 to vector<16xi32>
      %add3A_356 = arith.addi %add3A_308, %add3A_355 : vector<16xi32>
      tpu.vector_store_idx %arg10[%shift_right_logical3A_302, %add3A_356], %gather3A_353 : memref<8x1024xf32, #tpu.memory_space<vmem>>[vector<16xi32>, vector<16xi32>], vector<16xf32>,
      %add3A_357 = arith.constant 112 : i32
      %add3A_358 = vector.broadcast %add3A_357 : i32 to vector<16xi32>
      %add3A_359 = arith.addi %iota3A, %add3A_358 : vector<16xi32>
      %gather3A_360 = tpu.vector_load_idx %arg8[%add3A_359, %and3A_299] : memref<128x64xf32, #tpu.memory_space<vmem>>[vector<16xi32>, vector<16xi32>], vector<16xf32>,
      %add3A_361 = arith.constant 112 : i32
      %add3A_362 = vector.broadcast %add3A_361 : i32 to vector<16xi32>
      %add3A_363 = arith.addi %add3A_308, %add3A_362 : vector<16xi32>
      tpu.vector_store_idx %arg10[%shift_right_logical3A_302, %add3A_363], %gather3A_360 : memref<8x1024xf32, #tpu.memory_space<vmem>>[vector<16xi32>, vector<16xi32>], vector<16xf32>,
      %add3A_364 = vector.broadcast %add3A_291 : i32 to vector<16xi32>
      %add3A_365 = arith.addi %iota3A, %add3A_364 : vector<16xi32>
      %add3A_366 = arith.constant 1 : i32
      %add3A_367 = vector.broadcast %add3A_366 : i32 to vector<16xi32>
      %add3A_368 = arith.addi %add3A_365, %add3A_367 : vector<16xi32>
      %and3A_369 = arith.constant 63 : i32
      %and3A_370 = vector.broadcast %and3A_369 : i32 to vector<16xi32>
      %and3A_371 = arith.andi %add3A_368, %and3A_370 : vector<16xi32>
      %shift_right_logical3A_372 = arith.constant 3 : i32
      %shift_right_logical3A_373 = vector.broadcast %shift_right_logical3A_372 : i32 to vector<16xi32>
      %shift_right_logical3A_374 = arith.shrui %and3A_371, %shift_right_logical3A_373 : vector<16xi32>
      %and3A_375 = arith.constant 7 : i32
      %and3A_376 = vector.broadcast %and3A_375 : i32 to vector<16xi32>
      %and3A_377 = arith.andi %and3A_371, %and3A_376 : vector<16xi32>
      %shift_left3A_378 = arith.constant 7 : i32
      %shift_left3A_379 = vector.broadcast %shift_left3A_378 : i32 to vector<16xi32>
      %shift_left3A_380 = arith.shli %and3A_377, %shift_left3A_379 : vector<16xi32>
      %add3A_381 = arith.addi %shift_left3A_380, %iota3A : vector<16xi32>
      %add3A_382 = arith.constant 0 : i32
      %add3A_383 = vector.broadcast %add3A_382 : i32 to vector<16xi32>
      %add3A_384 = arith.addi %iota3A, %add3A_383 : vector<16xi32>
      %gather3A_385 = tpu.vector_load_idx %arg8[%add3A_384, %and3A_371] : memref<128x64xf32, #tpu.memory_space<vmem>>[vector<16xi32>, vector<16xi32>], vector<16xf32>,
      %add3A_386 = arith.constant 0 : i32
      %add3A_387 = vector.broadcast %add3A_386 : i32 to vector<16xi32>
      %add3A_388 = arith.addi %add3A_381, %add3A_387 : vector<16xi32>
      tpu.vector_store_idx %arg10[%shift_right_logical3A_374, %add3A_388], %gather3A_385 : memref<8x1024xf32, #tpu.memory_space<vmem>>[vector<16xi32>, vector<16xi32>], vector<16xf32>,
      %add3A_389 = arith.constant 16 : i32
      %add3A_390 = vector.broadcast %add3A_389 : i32 to vector<16xi32>
      %add3A_391 = arith.addi %iota3A, %add3A_390 : vector<16xi32>
      %gather3A_392 = tpu.vector_load_idx %arg8[%add3A_391, %and3A_371] : memref<128x64xf32, #tpu.memory_space<vmem>>[vector<16xi32>, vector<16xi32>], vector<16xf32>,
      %add3A_393 = arith.constant 16 : i32
      %add3A_394 = vector.broadcast %add3A_393 : i32 to vector<16xi32>
      %add3A_395 = arith.addi %add3A_381, %add3A_394 : vector<16xi32>
      tpu.vector_store_idx %arg10[%shift_right_logical3A_374, %add3A_395], %gather3A_392 : memref<8x1024xf32, #tpu.memory_space<vmem>>[vector<16xi32>, vector<16xi32>], vector<16xf32>,
      %add3A_396 = arith.constant 32 : i32
      %add3A_397 = vector.broadcast %add3A_396 : i32 to vector<16xi32>
      %add3A_398 = arith.addi %iota3A, %add3A_397 : vector<16xi32>
      %gather3A_399 = tpu.vector_load_idx %arg8[%add3A_398, %and3A_371] : memref<128x64xf32, #tpu.memory_space<vmem>>[vector<16xi32>, vector<16xi32>], vector<16xf32>,
      %add3A_400 = arith.constant 32 : i32
      %add3A_401 = vector.broadcast %add3A_400 : i32 to vector<16xi32>
      %add3A_402 = arith.addi %add3A_381, %add3A_401 : vector<16xi32>
      tpu.vector_store_idx %arg10[%shift_right_logical3A_374, %add3A_402], %gather3A_399 : memref<8x1024xf32, #tpu.memory_space<vmem>>[vector<16xi32>, vector<16xi32>], vector<16xf32>,
      %add3A_403 = arith.constant 48 : i32
      %add3A_404 = vector.broadcast %add3A_403 : i32 to vector<16xi32>
      %add3A_405 = arith.addi %iota3A, %add3A_404 : vector<16xi32>
      %gather3A_406 = tpu.vector_load_idx %arg8[%add3A_405, %and3A_371] : memref<128x64xf32, #tpu.memory_space<vmem>>[vector<16xi32>, vector<16xi32>], vector<16xf32>,
      %add3A_407 = arith.constant 48 : i32
      %add3A_408 = vector.broadcast %add3A_407 : i32 to vector<16xi32>
      %add3A_409 = arith.addi %add3A_381, %add3A_408 : vector<16xi32>
      tpu.vector_store_idx %arg10[%shift_right_logical3A_374, %add3A_409], %gather3A_406 : memref<8x1024xf32, #tpu.memory_space<vmem>>[vector<16xi32>, vector<16xi32>], vector<16xf32>,
      %add3A_410 = arith.constant 64 : i32
      %add3A_411 = vector.broadcast %add3A_410 : i32 to vector<16xi32>
      %add3A_412 = arith.addi %iota3A, %add3A_411 : vector<16xi32>
      %gather3A_413 = tpu.vector_load_idx %arg8[%add3A_412, %and3A_371] : memref<128x64xf32, #tpu.memory_space<vmem>>[vector<16xi32>, vector<16xi32>], vector<16xf32>,
      %add3A_414 = arith.constant 64 : i32
      %add3A_415 = vector.broadcast %add3A_414 : i32 to vector<16xi32>
      %add3A_416 = arith.addi %add3A_381, %add3A_415 : vector<16xi32>
      tpu.vector_store_idx %arg10[%shift_right_logical3A_374, %add3A_416], %gather3A_413 : memref<8x1024xf32, #tpu.memory_space<vmem>>[vector<16xi32>, vector<16xi32>], vector<16xf32>,
      %add3A_417 = arith.constant 80 : i32
      %add3A_418 = vector.broadcast %add3A_417 : i32 to vector<16xi32>
      %add3A_419 = arith.addi %iota3A, %add3A_418 : vector<16xi32>
      %gather3A_420 = tpu.vector_load_idx %arg8[%add3A_419, %and3A_371] : memref<128x64xf32, #tpu.memory_space<vmem>>[vector<16xi32>, vector<16xi32>], vector<16xf32>,
      %add3A_421 = arith.constant 80 : i32
      %add3A_422 = vector.broadcast %add3A_421 : i32 to vector<16xi32>
      %add3A_423 = arith.addi %add3A_381, %add3A_422 : vector<16xi32>
      tpu.vector_store_idx %arg10[%shift_right_logical3A_374, %add3A_423], %gather3A_420 : memref<8x1024xf32, #tpu.memory_space<vmem>>[vector<16xi32>, vector<16xi32>], vector<16xf32>,
      %add3A_424 = arith.constant 96 : i32
      %add3A_425 = vector.broadcast %add3A_424 : i32 to vector<16xi32>
      %add3A_426 = arith.addi %iota3A, %add3A_425 : vector<16xi32>
      %gather3A_427 = tpu.vector_load_idx %arg8[%add3A_426, %and3A_371] : memref<128x64xf32, #tpu.memory_space<vmem>>[vector<16xi32>, vector<16xi32>], vector<16xf32>,
      %add3A_428 = arith.constant 96 : i32
      %add3A_429 = vector.broadcast %add3A_428 : i32 to vector<16xi32>
      %add3A_430 = arith.addi %add3A_381, %add3A_429 : vector<16xi32>
      tpu.vector_store_idx %arg10[%shift_right_logical3A_374, %add3A_430], %gather3A_427 : memref<8x1024xf32, #tpu.memory_space<vmem>>[vector<16xi32>, vector<16xi32>], vector<16xf32>,
      %add3A_431 = arith.constant 112 : i32
      %add3A_432 = vector.broadcast %add3A_431 : i32 to vector<16xi32>
      %add3A_433 = arith.addi %iota3A, %add3A_432 : vector<16xi32>
      %gather3A_434 = tpu.vector_load_idx %arg8[%add3A_433, %and3A_371] : memref<128x64xf32, #tpu.memory_space<vmem>>[vector<16xi32>, vector<16xi32>], vector<16xf32>,
      %add3A_435 = arith.constant 112 : i32
      %add3A_436 = vector.broadcast %add3A_435 : i32 to vector<16xi32>
      %add3A_437 = arith.addi %add3A_381, %add3A_436 : vector<16xi32>
      tpu.vector_store_idx %arg10[%shift_right_logical3A_374, %add3A_437], %gather3A_434 : memref<8x1024xf32, #tpu.memory_space<vmem>>[vector<16xi32>, vector<16xi32>], vector<16xf32>,
      %add3A_438 = vector.broadcast %add3A_291 : i32 to vector<16xi32>
      %add3A_439 = arith.addi %iota3A, %add3A_438 : vector<16xi32>
      %add3A_440 = arith.constant 2 : i32
      %add3A_441 = vector.broadcast %add3A_440 : i32 to vector<16xi32>
      %add3A_442 = arith.addi %add3A_439, %add3A_441 : vector<16xi32>
      %and3A_443 = arith.constant 63 : i32
      %and3A_444 = vector.broadcast %and3A_443 : i32 to vector<16xi32>
      %and3A_445 = arith.andi %add3A_442, %and3A_444 : vector<16xi32>
      %shift_right_logical3A_446 = arith.constant 3 : i32
      %shift_right_logical3A_447 = vector.broadcast %shift_right_logical3A_446 : i32 to vector<16xi32>
      %shift_right_logical3A_448 = arith.shrui %and3A_445, %shift_right_logical3A_447 : vector<16xi32>
      %and3A_449 = arith.constant 7 : i32
      %and3A_450 = vector.broadcast %and3A_449 : i32 to vector<16xi32>
      %and3A_451 = arith.andi %and3A_445, %and3A_450 : vector<16xi32>
      %shift_left3A_452 = arith.constant 7 : i32
      %shift_left3A_453 = vector.broadcast %shift_left3A_452 : i32 to vector<16xi32>
      %shift_left3A_454 = arith.shli %and3A_451, %shift_left3A_453 : vector<16xi32>
      %add3A_455 = arith.addi %shift_left3A_454, %iota3A : vector<16xi32>
      %add3A_456 = arith.constant 0 : i32
      %add3A_457 = vector.broadcast %add3A_456 : i32 to vector<16xi32>
      %add3A_458 = arith.addi %iota3A, %add3A_457 : vector<16xi32>
      %gather3A_459 = tpu.vector_load_idx %arg8[%add3A_458, %and3A_445] : memref<128x64xf32, #tpu.memory_space<vmem>>[vector<16xi32>, vector<16xi32>], vector<16xf32>,
      %add3A_460 = arith.constant 0 : i32
      %add3A_461 = vector.broadcast %add3A_460 : i32 to vector<16xi32>
      %add3A_462 = arith.addi %add3A_455, %add3A_461 : vector<16xi32>
      tpu.vector_store_idx %arg10[%shift_right_logical3A_448, %add3A_462], %gather3A_459 : memref<8x1024xf32, #tpu.memory_space<vmem>>[vector<16xi32>, vector<16xi32>], vector<16xf32>,
      %add3A_463 = arith.constant 16 : i32
      %add3A_464 = vector.broadcast %add3A_463 : i32 to vector<16xi32>
      %add3A_465 = arith.addi %iota3A, %add3A_464 : vector<16xi32>
      %gather3A_466 = tpu.vector_load_idx %arg8[%add3A_465, %and3A_445] : memref<128x64xf32, #tpu.memory_space<vmem>>[vector<16xi32>, vector<16xi32>], vector<16xf32>,
      %add3A_467 = arith.constant 16 : i32
      %add3A_468 = vector.broadcast %add3A_467 : i32 to vector<16xi32>
      %add3A_469 = arith.addi %add3A_455, %add3A_468 : vector<16xi32>
      tpu.vector_store_idx %arg10[%shift_right_logical3A_448, %add3A_469], %gather3A_466 : memref<8x1024xf32, #tpu.memory_space<vmem>>[vector<16xi32>, vector<16xi32>], vector<16xf32>,
      %add3A_470 = arith.constant 32 : i32
      %add3A_471 = vector.broadcast %add3A_470 : i32 to vector<16xi32>
      %add3A_472 = arith.addi %iota3A, %add3A_471 : vector<16xi32>
      %gather3A_473 = tpu.vector_load_idx %arg8[%add3A_472, %and3A_445] : memref<128x64xf32, #tpu.memory_space<vmem>>[vector<16xi32>, vector<16xi32>], vector<16xf32>,
      %add3A_474 = arith.constant 32 : i32
      %add3A_475 = vector.broadcast %add3A_474 : i32 to vector<16xi32>
      %add3A_476 = arith.addi %add3A_455, %add3A_475 : vector<16xi32>
      tpu.vector_store_idx %arg10[%shift_right_logical3A_448, %add3A_476], %gather3A_473 : memref<8x1024xf32, #tpu.memory_space<vmem>>[vector<16xi32>, vector<16xi32>], vector<16xf32>,
      %add3A_477 = arith.constant 48 : i32
      %add3A_478 = vector.broadcast %add3A_477 : i32 to vector<16xi32>
      %add3A_479 = arith.addi %iota3A, %add3A_478 : vector<16xi32>
      %gather3A_480 = tpu.vector_load_idx %arg8[%add3A_479, %and3A_445] : memref<128x64xf32, #tpu.memory_space<vmem>>[vector<16xi32>, vector<16xi32>], vector<16xf32>,
      %add3A_481 = arith.constant 48 : i32
      %add3A_482 = vector.broadcast %add3A_481 : i32 to vector<16xi32>
      %add3A_483 = arith.addi %add3A_455, %add3A_482 : vector<16xi32>
      tpu.vector_store_idx %arg10[%shift_right_logical3A_448, %add3A_483], %gather3A_480 : memref<8x1024xf32, #tpu.memory_space<vmem>>[vector<16xi32>, vector<16xi32>], vector<16xf32>,
      %add3A_484 = arith.constant 64 : i32
      %add3A_485 = vector.broadcast %add3A_484 : i32 to vector<16xi32>
      %add3A_486 = arith.addi %iota3A, %add3A_485 : vector<16xi32>
      %gather3A_487 = tpu.vector_load_idx %arg8[%add3A_486, %and3A_445] : memref<128x64xf32, #tpu.memory_space<vmem>>[vector<16xi32>, vector<16xi32>], vector<16xf32>,
      %add3A_488 = arith.constant 64 : i32
      %add3A_489 = vector.broadcast %add3A_488 : i32 to vector<16xi32>
      %add3A_490 = arith.addi %add3A_455, %add3A_489 : vector<16xi32>
      tpu.vector_store_idx %arg10[%shift_right_logical3A_448, %add3A_490], %gather3A_487 : memref<8x1024xf32, #tpu.memory_space<vmem>>[vector<16xi32>, vector<16xi32>], vector<16xf32>,
      %add3A_491 = arith.constant 80 : i32
      %add3A_492 = vector.broadcast %add3A_491 : i32 to vector<16xi32>
      %add3A_493 = arith.addi %iota3A, %add3A_492 : vector<16xi32>
      %gather3A_494 = tpu.vector_load_idx %arg8[%add3A_493, %and3A_445] : memref<128x64xf32, #tpu.memory_space<vmem>>[vector<16xi32>, vector<16xi32>], vector<16xf32>,
      %add3A_495 = arith.constant 80 : i32
      %add3A_496 = vector.broadcast %add3A_495 : i32 to vector<16xi32>
      %add3A_497 = arith.addi %add3A_455, %add3A_496 : vector<16xi32>
      tpu.vector_store_idx %arg10[%shift_right_logical3A_448, %add3A_497], %gather3A_494 : memref<8x1024xf32, #tpu.memory_space<vmem>>[vector<16xi32>, vector<16xi32>], vector<16xf32>,
      %add3A_498 = arith.constant 96 : i32
      %add3A_499 = vector.broadcast %add3A_498 : i32 to vector<16xi32>
      %add3A_500 = arith.addi %iota3A, %add3A_499 : vector<16xi32>
      %gather3A_501 = tpu.vector_load_idx %arg8[%add3A_500, %and3A_445] : memref<128x64xf32, #tpu.memory_space<vmem>>[vector<16xi32>, vector<16xi32>], vector<16xf32>,
      %add3A_502 = arith.constant 96 : i32
      %add3A_503 = vector.broadcast %add3A_502 : i32 to vector<16xi32>
      %add3A_504 = arith.addi %add3A_455, %add3A_503 : vector<16xi32>
      tpu.vector_store_idx %arg10[%shift_right_logical3A_448, %add3A_504], %gather3A_501 : memref<8x1024xf32, #tpu.memory_space<vmem>>[vector<16xi32>, vector<16xi32>], vector<16xf32>,
      %add3A_505 = arith.constant 112 : i32
      %add3A_506 = vector.broadcast %add3A_505 : i32 to vector<16xi32>
      %add3A_507 = arith.addi %iota3A, %add3A_506 : vector<16xi32>
      %gather3A_508 = tpu.vector_load_idx %arg8[%add3A_507, %and3A_445] : memref<128x64xf32, #tpu.memory_space<vmem>>[vector<16xi32>, vector<16xi32>], vector<16xf32>,
      %add3A_509 = arith.constant 112 : i32
      %add3A_510 = vector.broadcast %add3A_509 : i32 to vector<16xi32>
      %add3A_511 = arith.addi %add3A_455, %add3A_510 : vector<16xi32>
      tpu.vector_store_idx %arg10[%shift_right_logical3A_448, %add3A_511], %gather3A_508 : memref<8x1024xf32, #tpu.memory_space<vmem>>[vector<16xi32>, vector<16xi32>], vector<16xf32>,
      %add3A_512 = vector.broadcast %add3A_291 : i32 to vector<16xi32>
      %add3A_513 = arith.addi %iota3A, %add3A_512 : vector<16xi32>
      %add3A_514 = arith.constant 3 : i32
      %add3A_515 = vector.broadcast %add3A_514 : i32 to vector<16xi32>
      %add3A_516 = arith.addi %add3A_513, %add3A_515 : vector<16xi32>
      %and3A_517 = arith.constant 63 : i32
      %and3A_518 = vector.broadcast %and3A_517 : i32 to vector<16xi32>
      %and3A_519 = arith.andi %add3A_516, %and3A_518 : vector<16xi32>
      %shift_right_logical3A_520 = arith.constant 3 : i32
      %shift_right_logical3A_521 = vector.broadcast %shift_right_logical3A_520 : i32 to vector<16xi32>
      %shift_right_logical3A_522 = arith.shrui %and3A_519, %shift_right_logical3A_521 : vector<16xi32>
      %and3A_523 = arith.constant 7 : i32
      %and3A_524 = vector.broadcast %and3A_523 : i32 to vector<16xi32>
      %and3A_525 = arith.andi %and3A_519, %and3A_524 : vector<16xi32>
      %shift_left3A_526 = arith.constant 7 : i32
      %shift_left3A_527 = vector.broadcast %shift_left3A_526 : i32 to vector<16xi32>
      %shift_left3A_528 = arith.shli %and3A_525, %shift_left3A_527 : vector<16xi32>
      %add3A_529 = arith.addi %shift_left3A_528, %iota3A : vector<16xi32>
      %add3A_530 = arith.constant 0 : i32
      %add3A_531 = vector.broadcast %add3A_530 : i32 to vector<16xi32>
      %add3A_532 = arith.addi %iota3A, %add3A_531 : vector<16xi32>
      %gather3A_533 = tpu.vector_load_idx %arg8[%add3A_532, %and3A_519] : memref<128x64xf32, #tpu.memory_space<vmem>>[vector<16xi32>, vector<16xi32>], vector<16xf32>,
      %add3A_534 = arith.constant 0 : i32
      %add3A_535 = vector.broadcast %add3A_534 : i32 to vector<16xi32>
      %add3A_536 = arith.addi %add3A_529, %add3A_535 : vector<16xi32>
      tpu.vector_store_idx %arg10[%shift_right_logical3A_522, %add3A_536], %gather3A_533 : memref<8x1024xf32, #tpu.memory_space<vmem>>[vector<16xi32>, vector<16xi32>], vector<16xf32>,
      %add3A_537 = arith.constant 16 : i32
      %add3A_538 = vector.broadcast %add3A_537 : i32 to vector<16xi32>
      %add3A_539 = arith.addi %iota3A, %add3A_538 : vector<16xi32>
      %gather3A_540 = tpu.vector_load_idx %arg8[%add3A_539, %and3A_519] : memref<128x64xf32, #tpu.memory_space<vmem>>[vector<16xi32>, vector<16xi32>], vector<16xf32>,
      %add3A_541 = arith.constant 16 : i32
      %add3A_542 = vector.broadcast %add3A_541 : i32 to vector<16xi32>
      %add3A_543 = arith.addi %add3A_529, %add3A_542 : vector<16xi32>
      tpu.vector_store_idx %arg10[%shift_right_logical3A_522, %add3A_543], %gather3A_540 : memref<8x1024xf32, #tpu.memory_space<vmem>>[vector<16xi32>, vector<16xi32>], vector<16xf32>,
      %add3A_544 = arith.constant 32 : i32
      %add3A_545 = vector.broadcast %add3A_544 : i32 to vector<16xi32>
      %add3A_546 = arith.addi %iota3A, %add3A_545 : vector<16xi32>
      %gather3A_547 = tpu.vector_load_idx %arg8[%add3A_546, %and3A_519] : memref<128x64xf32, #tpu.memory_space<vmem>>[vector<16xi32>, vector<16xi32>], vector<16xf32>,
      %add3A_548 = arith.constant 32 : i32
      %add3A_549 = vector.broadcast %add3A_548 : i32 to vector<16xi32>
      %add3A_550 = arith.addi %add3A_529, %add3A_549 : vector<16xi32>
      tpu.vector_store_idx %arg10[%shift_right_logical3A_522, %add3A_550], %gather3A_547 : memref<8x1024xf32, #tpu.memory_space<vmem>>[vector<16xi32>, vector<16xi32>], vector<16xf32>,
      %add3A_551 = arith.constant 48 : i32
      %add3A_552 = vector.broadcast %add3A_551 : i32 to vector<16xi32>
      %add3A_553 = arith.addi %iota3A, %add3A_552 : vector<16xi32>
      %gather3A_554 = tpu.vector_load_idx %arg8[%add3A_553, %and3A_519] : memref<128x64xf32, #tpu.memory_space<vmem>>[vector<16xi32>, vector<16xi32>], vector<16xf32>,
      %add3A_555 = arith.constant 48 : i32
      %add3A_556 = vector.broadcast %add3A_555 : i32 to vector<16xi32>
      %add3A_557 = arith.addi %add3A_529, %add3A_556 : vector<16xi32>
      tpu.vector_store_idx %arg10[%shift_right_logical3A_522, %add3A_557], %gather3A_554 : memref<8x1024xf32, #tpu.memory_space<vmem>>[vector<16xi32>, vector<16xi32>], vector<16xf32>,
      %add3A_558 = arith.constant 64 : i32
      %add3A_559 = vector.broadcast %add3A_558 : i32 to vector<16xi32>
      %add3A_560 = arith.addi %iota3A, %add3A_559 : vector<16xi32>
      %gather3A_561 = tpu.vector_load_idx %arg8[%add3A_560, %and3A_519] : memref<128x64xf32, #tpu.memory_space<vmem>>[vector<16xi32>, vector<16xi32>], vector<16xf32>,
      %add3A_562 = arith.constant 64 : i32
      %add3A_563 = vector.broadcast %add3A_562 : i32 to vector<16xi32>
      %add3A_564 = arith.addi %add3A_529, %add3A_563 : vector<16xi32>
      tpu.vector_store_idx %arg10[%shift_right_logical3A_522, %add3A_564], %gather3A_561 : memref<8x1024xf32, #tpu.memory_space<vmem>>[vector<16xi32>, vector<16xi32>], vector<16xf32>,
      %add3A_565 = arith.constant 80 : i32
      %add3A_566 = vector.broadcast %add3A_565 : i32 to vector<16xi32>
      %add3A_567 = arith.addi %iota3A, %add3A_566 : vector<16xi32>
      %gather3A_568 = tpu.vector_load_idx %arg8[%add3A_567, %and3A_519] : memref<128x64xf32, #tpu.memory_space<vmem>>[vector<16xi32>, vector<16xi32>], vector<16xf32>,
      %add3A_569 = arith.constant 80 : i32
      %add3A_570 = vector.broadcast %add3A_569 : i32 to vector<16xi32>
      %add3A_571 = arith.addi %add3A_529, %add3A_570 : vector<16xi32>
      tpu.vector_store_idx %arg10[%shift_right_logical3A_522, %add3A_571], %gather3A_568 : memref<8x1024xf32, #tpu.memory_space<vmem>>[vector<16xi32>, vector<16xi32>], vector<16xf32>,
      %add3A_572 = arith.constant 96 : i32
      %add3A_573 = vector.broadcast %add3A_572 : i32 to vector<16xi32>
      %add3A_574 = arith.addi %iota3A, %add3A_573 : vector<16xi32>
      %gather3A_575 = tpu.vector_load_idx %arg8[%add3A_574, %and3A_519] : memref<128x64xf32, #tpu.memory_space<vmem>>[vector<16xi32>, vector<16xi32>], vector<16xf32>,
      %add3A_576 = arith.constant 96 : i32
      %add3A_577 = vector.broadcast %add3A_576 : i32 to vector<16xi32>
      %add3A_578 = arith.addi %add3A_529, %add3A_577 : vector<16xi32>
      tpu.vector_store_idx %arg10[%shift_right_logical3A_522, %add3A_578], %gather3A_575 : memref<8x1024xf32, #tpu.memory_space<vmem>>[vector<16xi32>, vector<16xi32>], vector<16xf32>,
      %add3A_579 = arith.constant 112 : i32
      %add3A_580 = vector.broadcast %add3A_579 : i32 to vector<16xi32>
      %add3A_581 = arith.addi %iota3A, %add3A_580 : vector<16xi32>
      %gather3A_582 = tpu.vector_load_idx %arg8[%add3A_581, %and3A_519] : memref<128x64xf32, #tpu.memory_space<vmem>>[vector<16xi32>, vector<16xi32>], vector<16xf32>,
      %add3A_583 = arith.constant 112 : i32
      %add3A_584 = vector.broadcast %add3A_583 : i32 to vector<16xi32>
      %add3A_585 = arith.addi %add3A_529, %add3A_584 : vector<16xi32>
      tpu.vector_store_idx %arg10[%shift_right_logical3A_522, %add3A_585], %gather3A_582 : memref<8x1024xf32, #tpu.memory_space<vmem>>[vector<16xi32>, vector<16xi32>], vector<16xf32>,
    }
    %scan3A_244 = arith.constant 16 : i32
    %add3A_245 = arith.constant 799 : i32
    %add3A_246 = arith.addi %mul3A_2, %add3A_245 : i32
    %shift_right_logical3A_247 = arith.constant 7 : i32
    %shift_right_logical3A_248 = arith.shrui %add3A_246, %shift_right_logical3A_247 : i32
    %and3A_249 = arith.constant 127 : i32
    %and3A_250 = arith.andi %add3A_246, %and3A_249 : i32
    %mul3A_251 = arith.constant 8 : i32
    %mul3A_252 = arith.muli %shift_right_logical3A_248, %mul3A_251 : i32
    %dma_start3A_253 = arith.constant 0 : i32
    %dma_start3A_254 = tpu.memref_slice %arg4[%mul3A_252, %and3A_250, %dma_start3A_253] : memref<1600x128x1024xf32, #tpu.memory_space<hbm>> -> memref<8x1x1024xf32, #tpu.memory_space<hbm>>
    %dma_start3A_255 = tpu.memref_squeeze %dma_start3A_254 : memref<8x1x1024xf32, #tpu.memory_space<hbm>> -> memref<8x1024xf32, #tpu.memory_space<hbm>>
    %dma_start3A_256 = arith.constant 0 : i32
    %dma_start3A_257 = tpu.memref_slice %arg4[%mul3A_252, %and3A_250, %dma_start3A_256] : memref<1600x128x1024xf32, #tpu.memory_space<hbm>> -> memref<8x1x1024xf32, #tpu.memory_space<hbm>>
    %dma_start3A_258 = tpu.memref_squeeze %dma_start3A_257 : memref<8x1x1024xf32, #tpu.memory_space<hbm>> -> memref<8x1024xf32, #tpu.memory_space<hbm>>
    tpu.enqueue_dma source(%arg10 : memref<8x1024xf32, #tpu.memory_space<vmem>>) target(%dma_start3A_258 : memref<8x1024xf32, #tpu.memory_space<hbm>>) target_semaphore(%arg16 : memref<!tpu.dma_semaphore, #tpu.memory_space<semaphore_mem>>)
    %add3A_259 = arith.constant 798 : i32
    %add3A_260 = arith.addi %mul3A_2, %add3A_259 : i32
    %shift_right_logical3A_261 = arith.constant 7 : i32
    %shift_right_logical3A_262 = arith.shrui %add3A_260, %shift_right_logical3A_261 : i32
    %and3A_263 = arith.constant 127 : i32
    %and3A_264 = arith.andi %add3A_260, %and3A_263 : i32
    %mul3A_265 = arith.constant 8 : i32
    %mul3A_266 = arith.muli %shift_right_logical3A_262, %mul3A_265 : i32
    %dma_wait3A_267 = arith.constant 0 : i32
    %dma_wait3A_268 = tpu.memref_slice %arg4[%mul3A_266, %and3A_264, %dma_wait3A_267] : memref<1600x128x1024xf32, #tpu.memory_space<hbm>> -> memref<8x1x1024xf32, #tpu.memory_space<hbm>>
    %dma_wait3A_269 = tpu.memref_squeeze %dma_wait3A_268 : memref<8x1x1024xf32, #tpu.memory_space<hbm>> -> memref<8x1024xf32, #tpu.memory_space<hbm>>
    %dma_wait3A_270 = arith.constant 0 : i32
    %dma_wait3A_271 = tpu.memref_slice %arg4[%mul3A_266, %and3A_264, %dma_wait3A_270] : memref<1600x128x1024xf32, #tpu.memory_space<hbm>> -> memref<8x1x1024xf32, #tpu.memory_space<hbm>>
    %dma_wait3A_272 = tpu.memref_squeeze %dma_wait3A_271 : memref<8x1x1024xf32, #tpu.memory_space<hbm>> -> memref<8x1024xf32, #tpu.memory_space<hbm>>
    tpu.wait_dma2 semaphore(%arg15 : memref<!tpu.dma_semaphore, #tpu.memory_space<semaphore_mem>>) src(%arg9 : memref<8x1024xf32, #tpu.memory_space<vmem>>) dst(%dma_wait3A_272 : memref<8x1024xf32, #tpu.memory_space<hbm>>)
    %add3A_273 = arith.constant 799 : i32
    %add3A_274 = arith.addi %mul3A_2, %add3A_273 : i32
    %shift_right_logical3A_275 = arith.constant 7 : i32
    %shift_right_logical3A_276 = arith.shrui %add3A_274, %shift_right_logical3A_275 : i32
    %and3A_277 = arith.constant 127 : i32
    %and3A_278 = arith.andi %add3A_274, %and3A_277 : i32
    %mul3A_279 = arith.constant 8 : i32
    %mul3A_280 = arith.muli %shift_right_logical3A_276, %mul3A_279 : i32
    %dma_wait3A_281 = arith.constant 0 : i32
    %dma_wait3A_282 = tpu.memref_slice %arg4[%mul3A_280, %and3A_278, %dma_wait3A_281] : memref<1600x128x1024xf32, #tpu.memory_space<hbm>> -> memref<8x1x1024xf32, #tpu.memory_space<hbm>>
    %dma_wait3A_283 = tpu.memref_squeeze %dma_wait3A_282 : memref<8x1x1024xf32, #tpu.memory_space<hbm>> -> memref<8x1024xf32, #tpu.memory_space<hbm>>
    %dma_wait3A_284 = arith.constant 0 : i32
    %dma_wait3A_285 = tpu.memref_slice %arg4[%mul3A_280, %and3A_278, %dma_wait3A_284] : memref<1600x128x1024xf32, #tpu.memory_space<hbm>> -> memref<8x1x1024xf32, #tpu.memory_space<hbm>>
    %dma_wait3A_286 = tpu.memref_squeeze %dma_wait3A_285 : memref<8x1x1024xf32, #tpu.memory_space<hbm>> -> memref<8x1024xf32, #tpu.memory_space<hbm>>
    tpu.wait_dma2 semaphore(%arg16 : memref<!tpu.dma_semaphore, #tpu.memory_space<semaphore_mem>>) src(%arg10 : memref<8x1024xf32, #tpu.memory_space<vmem>>) dst(%dma_wait3A_286 : memref<8x1024xf32, #tpu.memory_space<hbm>>)
    return
  }
}

</mosaic_0001>

<sc_bundles>
// kernel: kernel.3.cloned.1.call-start
scs
__scs_entry_jumppad:
0x0: {  	(pc) =	sbr.rel $0x88, $3  }
0x1: {  	(tag) =	ssettag $0x0;
	lr =	simm.s32 $0x1  }
0x2: {  	[smem:$0x3F9F] =	sst lr;
	_ =	strace $0xD0000000  }
0x3: {  	_ = 	snop  }
0x4: {  	_ = 	snop  }
0x5: {  	_ = 	snop  }
0x6: {  	_ = 	snop  }
0x7: {  	_ = 	snop  }
__scs_overlays_trampoline_lowered:
0x8: {  	[smem:$0x3FAE] =	sst s0  }
0x9: {  	[smem:$0x3FAF] =	sst s1  }
0xa: {  	[smem:$0x3FB0] =	sst s2  }
0xb: {  	[smem:$0x3FB1] =	sst s3  }
0xc: {  	[smem:$0x3FB2] =	sst s4  }
0xd: {  	[smem:$0x3FB3] =	sst s5  }
0xe: {  	[smem:$0x3FB4] =	sst s6  }
0xf: {  	[smem:$0x3FB5] =	sst s7  }
0x10: {  	[smem:$0x3FB6] =	sst s8  }
0x11: {  	[smem:$0x3FB7] =	sst s9;
	s0 =	simm.s32 @!p0 $0x0  }
0x12: {  	s1 =	sld [smem:$0x3F9D];
	s0 =	simm.s32 @p0 $0x1  }
0x13: {  	[smem:$0x3FB8] =	sst s0;
	s0 =	simm.s32 @!p1 $0x0  }
0x14: {  	s2 =	sld [smem:$0x3F9C];
	s0 =	simm.s32 @p1 $0x1  }
0x15: {  	[smem:$0x3FB9] =	sst s0;
	s0 =	simm.s32 @!p2 $0x0  }
0x16: {  	s3 =	sld [smem:$0x3FDB];
	s0 =	simm.s32 @p2 $0x1  }
0x17: {  	s4 =	simm.s32 $0x1BF5;
	[smem:$0x3FBB] =	sst s0  }
0x18: {  	s0 =	sld [smem:$0x3F9E];
	_ =	swait.ge [sflag:s4], $0x0  }
0x19: {  	s7 =	sld [smem:$0x3F9F]  }
0x1a: {  	s8 =	sadd.s32 $0xFFFFE003, lr  }
0x1b: {  	s9 =	sadd.s32 $0xFFFFFEF7, lr;
	s5 =	simm.s32 $0xFFFFFFFF;
	p2 =	slt.u32 s8, $0xFFFFF086  }
0x1c: {  	p1 =	slt.u32 s9, $0xF7A;
	s5 =	simm.s32 @!p2 $0x0  }
0x1d: {  	s5 =	simm.s32 @p1 $0x1;
	p0 =	seq.s32 s7, s2  }
0x1e: {  	s7 =	smul.u32 @!p0 $0xF7A, s2;
	p2 =	seq.s32 @!p0 s5, $0x0  }
0x1f: {  	s9 =	smul.u32 $0xF7A, s1;
	s8 =	simm.s32 @!p0 $0x1BF5;
	p2 =	por !p2, p0  }
0x20: {  	[sflag:s8] =	ssyncset.s32 @!p0 $0xFFFFF086;
	s6 =	sadd.s32 @!p0 s3, s7;
	s7 =	simm.s32 @!p0 $0x108  }
0x21: {  	s3 =	sadd.s32 s3, s9;
	s6 =	sadd.s32 @!p0 $0x88, s6;
	s7 =	simm.s32 @p2 $0x1082  }
0x22: {  	[simem:s7], [sflag:s8] =	dma.local @!p0 [hbm:s6], $0xF7A  }
0x23: {  	s9 =	sor.u32 $0xD0000000, s2;
	s6 =	simm.s32 $0x108;
	_ =	swait.ge @!p0 [sflag:s8], $0x0  }
0x24: {  	s3 =	sadd.s32 $0x88, s3;
	s6 =	simm.s32 @!p1 $0x1082;
	[sflag:s4] =	ssyncset.s32 $0xFFFFF086  }
0x25: {  	[simem:s6], [sflag:s4] =	dma.local [hbm:s3], $0xF7A  }
0x26: {  	[smem:$0x3F9F] =	sst s1;
	(tag) =	ssettag s2;
	_ =	strace s9  }
0x27: {  	s1 =	sld [smem:$0x3FAF]  }
0x28: {  	s2 =	sld [smem:$0x3FB0]  }
0x29: {  	s4 =	sld [smem:$0x3FB2]  }
0x2a: {  	p0 =	seq.s32 s5, $0x0;
	s5 =	sld [smem:$0x3FB3]  }
0x2b: {  	s6 =	sld [smem:$0x3FB4]  }
0x2c: {  	s7 =	sld [smem:$0x3FB5]  }
0x2d: {  	s3 =	simm.s32 $0x108;
	s8 =	sld [smem:$0x3FB6]  }
0x2e: {  	s3 =	simm.s32 @!p0 $0x1082;
	s9 =	sld [smem:$0x3FB7]  }
0x2f: {  	lr =	sadd.s32 s0, s3;
	s0 =	sld [smem:$0x3FAE]  }
0x30: {  	s3 =	sld [smem:$0x3FB1]  }
0x31: {  	[smem:$0x3FBA] =	sst s10  }
0x32: {  	s10 =	sld [smem:$0x3FB8];
	_ =	sdelay $0x3  }
0x33: {  	p0 =	seq.s32 s10, $0x1;
	s10 =	sld [smem:$0x3FBA];
	_ =	sdelay $0x3  }
0x34: {  	[smem:$0x3FBA] =	sst s10  }
0x35: {  	s10 =	sld [smem:$0x3FB9];
	_ =	sdelay $0x3  }
0x36: {  	p1 =	seq.s32 s10, $0x1;
	s10 =	sld [smem:$0x3FBA];
	_ =	sdelay $0x3  }
0x37: {  	[smem:$0x3FBA] =	sst s10  }
0x38: {  	s10 =	sld [smem:$0x3FBB]  }
0x39: {  	_ = 	snop;
	(pc) =	sbr.ind lr, $3  }
0x3a: {  	_ = 	snop  }
0x3b: {  	_ = 	snop  }
0x3c: {  	p2 =	seq.s32 s10, $0x1;
	s10 =	sld [smem:$0x3FBA]  }
0x3d: {  	_ =	shalt  }
0x3e: {  	_ =	shalt  }
0x3f: {  	_ =	shalt  }
0x40: {  	_ =	shalt  }
0x41: {  	_ =	shalt  }
0x42: {  	_ =	shalt  }
0x43: {  	_ =	shalt  }
0x44: {  	_ =	shalt  }
0x45: {  	_ =	shalt  }
0x46: {  	_ =	shalt  }
0x47: {  	_ =	shalt  }
0x48: {  	_ =	shalt  }
0x49: {  	_ =	shalt  }
0x4a: {  	_ =	shalt  }
0x4b: {  	_ =	shalt  }
0x4c: {  	_ =	shalt  }
0x4d: {  	_ =	shalt  }
0x4e: {  	_ =	shalt  }
0x4f: {  	_ =	shalt  }
0x50: {  	_ =	shalt  }
0x51: {  	_ =	shalt  }
0x52: {  	_ =	shalt  }
0x53: {  	_ =	shalt  }
0x54: {  	_ =	shalt  }
0x55: {  	_ =	shalt  }
0x56: {  	_ =	shalt  }
0x57: {  	_ =	shalt  }
0x58: {  	_ =	shalt  }
0x59: {  	_ =	shalt  }
0x5a: {  	_ =	shalt  }
0x5b: {  	_ =	shalt  }
0x5c: {  	_ =	shalt  }
0x5d: {  	_ =	shalt  }
0x5e: {  	_ =	shalt  }
0x5f: {  	_ =	shalt  }
0x60: {  	_ =	shalt  }
0x61: {  	_ =	shalt  }
0x62: {  	_ =	shalt  }
0x63: {  	_ =	shalt  }
0x64: {  	_ =	shalt  }
0x65: {  	_ =	shalt  }
0x66: {  	_ =	shalt  }
0x67: {  	_ =	shalt  }
0x68: {  	_ =	shalt  }
0x69: {  	_ =	shalt  }
0x6a: {  	_ =	shalt  }
0x6b: {  	_ =	shalt  }
0x6c: {  	_ =	shalt  }
0x6d: {  	_ =	shalt  }
0x6e: {  	_ =	shalt  }
0x6f: {  	_ =	shalt  }
0x70: {  	_ =	shalt  }
0x71: {  	_ =	shalt  }
0x72: {  	_ =	shalt  }
0x73: {  	_ =	shalt  }
0x74: {  	_ =	shalt  }
0x75: {  	_ =	shalt  }
0x76: {  	_ =	shalt  }
0x77: {  	_ =	shalt  }
0x78: {  	_ =	shalt  }
0x79: {  	_ =	shalt  }
0x7a: {  	_ =	shalt  }
0x7b: {  	_ =	shalt  }
0x7c: {  	_ =	shalt  }
0x7d: {  	_ =	shalt  }
0x7e: {  	_ =	shalt  }
0x7f: {  	_ =	shalt  }
0x80: {  	_ =	shalt  }
0x81: {  	_ =	shalt  }
0x82: {  	_ =	shalt  }
0x83: {  	_ =	shalt  }
0x84: {  	_ =	shalt  }
0x85: {  	_ =	shalt  }
0x86: {  	_ =	shalt  }
0x87: {  	_ =	shalt  }
.Lfunc_end0:
.L_simem_size_0:
called_computation_lowered:
.L_overlay_start_0:
0x88: {  	s2 =	sld [smem:$0x3FD9]  }
0x89: {  	s3 =	sld [smem:$0x3FFE];
	_ =	sdelay $0x1  }
0x8a: {  	s1 =	srdreg.scid  }
0x8b: {  	s0 =	sand.u32 $0x1, s1  }
0x8c: {  	s17 =	sshll.u32 s0, $0xA;
	s2 =	sadd.s32 s3, s2  }
0x8d: {  	s2 =	sadd.s32 s2, s17  }
0x8e: {  	[smem:$0x3FC6] =	sst s2  }
0x8f: {  	_ = 	snop  }
0x90: {  	s2 =	sld [smem:$0x3FD0];
	(tm) =	ssettm $0x1  }
0x91: {  	s18 =	sld [smem:$0x3FFB];
	_ =	sdelay $0x3  }
0x92: {  	_ =	strace s18  }
0x93: {  	s3 =	sld [smem:$0x3FFC];
	_ =	sdelay $0x3  }
0x94: {  	_ =	strace s3  }
0x95: {  	s3 =	sld [smem:$0x3FFD];
	_ =	sdelay $0x3  }
0x96: {  	_ =	strace s3  }
0x97: {  	_ =	strace $0x8FFFFFFF  }
0x98: {  	s19 =	sld [smem:$0x3FDB];
	_ =	sdelay $0x1  }
0x99: {  	s4 =	simm.s32 $_scs_section_size  }
0x9a: {  	s5 =	simm.s32 $_size__tile_overlayer_lowered;
	s6 =	simm.s32 $_tile_overlayer_lowered  }
0x9b: {  	s22 =	simm.s32 $0x1BFF;
	s21 =	sshll.u32 s6, $0x1;
	s3 =	sadd.s32 s4, s19  }
0x9c: {  	s7 =	simm.s32 $0x0;
	s20 =	sshll.u32 s5, $0x1;
	s5 =	sadd.s32 s21, s3  }
0x9d: {  	[timem:s7], [sflag:s22] =	dma.local [hbm:s5], s20  }
0x9e: {  	_ =	swait.ge [sflag:s22], s20  }
0x9f: {  	s4 =	ssub.s32 $0x0, s20;
	[sflag:s22] =	ssyncset.done $0x0  }
0xa0: {  	[sflag:s22] =	ssyncadd.s32 s4;
	_ =	sdelay $0x1  }
0xa1: {  	s23 =	simm.s32 $0x1B8B  }
0xa2: {  	_ =	swait.ge [sflag:s23], $0x1  }
0xa3: {  	[sflag:s23] =	ssyncset.done $0x0  }
0xa4: {  	s25 =	simm.s32 $0x1B8E;
	s24 =	sld [smem:$0x3FFE];
	[sflag:s23] =	ssyncadd.s32 $0xFFFFFFFF  }
0xa5: {  	s26 =	simm.s32 $execute0_lowered;
	[smem:$0x3FD2] =	sst s25  }
0xa6: {  	s5 =	sshll.u32 s26, $0x1;
	_ =	strace $0x80000046;
	[dreg:$0x1] =	wrdreg $0xFFFFFFFF  }
0xa7: {  	s28 =	simm.s32 $_size_execute0_lowered;
	s3 =	sadd.s32 s3, s5;
	[dreg:$0x0] =	wrdreg $0x0  }
0xa8: {  	s5 =	sshll.u32 s28, $0x1;
	[dreg:$0x2] =	wrdreg s3  }
0xa9: {  	[dreg:$0x3] =	wrdreg s5  }
0xaa: {  	[dreg:$0x4] =	wrdreg $0xC0  }
0xab: {  	_ =	task [dreg:s7], $0x5FFFF  }
0xac: {  	[dreg:$0x1] =	wrdreg $0xFFFFFFFF  }
0xad: {  	[dreg:$0x0] =	wrdreg $0x60  }
0xae: {  	[dreg:$0x2] =	wrdreg s24  }
0xaf: {  	[dreg:$0x3] =	wrdreg s2  }
0xb0: {  	[dreg:$0x4] =	wrdreg $0x9  }
0xb1: {  	_ =	task.clear_ibuf [dreg:s7], $0x5FFFF;
	_ =	strace $0x90000046  }
0xb2: {  	s29 =	simm.s32 $0x9;
	_ =	strace $0x80000048  }
0xb3: {  	_ =	swait.ge [sflag:s29], $0x1  }
0xb4: {  	[sflag:s29] =	ssyncadd.s32 $0xFFFFFFFF  }
0xb5: {  	_ =	strace $0x90000048  }
0xb6: {  	_ =	sfence  }
0xb7: {  	s30 =	sld [smem:$0x0];
	_ =	sdelay $0x2  }
0xb8: {  	s31 =	sshll.u32 s1, $0xD;
	s1 =	sshrl.u32 s1, $0x2  }
0xb9: {  	s3 =	sand.u32 $0x4000, s31;
	s1 =	sadd.s32 s1, s30  }
0xba: {  	s0 =	sor.u32 s3, s0;
	s1 =	sshll.u32 s1, $0x11  }
0xbb: {  	s0 =	sor.u32 s1, s0  }
0xbc: {  	s0 =	sadd.s32 $0x8F2B, s0  }
0xbd: {  	[sflag:s0] =	ssyncadd.remote.s32 $0x1  }
0xbe: {  	_ =	sfence.sel $0xFFFF  }
0xbf: {  	[dreg:$0x0] =	wrdreg $0xFFFFFFFF;
	(pc) =	sbr.abs _section_cstart, $3  }
0xc0: {  	[dreg:$0x1] =	wrdreg $0xFFFFFFFF  }
0xc1: {  	_ =	task.clear_ibuf [dreg:s7], $0x2FFFF;
	_ =	strace $0x9FFFFFFF  }
0xc2: {  	(tm) =	ssettm $0x7FFFFFFF  }
0xc3: {  	_ =	shalt  }
tec
execute0_lowered:
.L_overlay_start_1:
0x0: {  	(tag) =	ssettag $0x1  }
0x1: {  	s0 =	rddreg [dreg:$0x0]  }
0x2: {  	s1 =	srdreg.scid;
	s3 =	stileid.u32  }
0x3: {  	s2 =	rddreg [dreg:$0x1];
	s28 =	simm.s32 $0x20000;
	s29 =	simm.s32 $0x4  }
0x4: {  	s30 =	simm.s32 $0x6100;
	s31 =	simm.s32 $0x5;
	s1 =	sand.u32 $0x1, s1  }
0x5: {  	s4 =	sshll.u32 s3, $0x1;
	s3 =	simm.s32 $0x0;
	s5 =	sadd.s32 $0x66000, s0  }
0x6: {  	s6 =	sor.u32 s1, s4;
	[smem:$0x7FF] =	sst s3;
	s4 =	sadd.s32 $0x2000, s0  }
0x7: {  	s1 =	ssub.s32 $0x2, s1;
	s7 =	smul.u32 $0x320, s6;
	_ =	strace $0x80000047  }
0x8: {  	s18 =	sshrl.u32 s1, $0x1;
	s12 =	smul.u32 $0x19000, s6;
	s6 =	sshll.u32 s6, $0xC  }
0x9: {  	s0 =	ssub.s32 s1, s18;
	s6 =	sand.u32 $0x3000, s6;
	s8 =	sshrl.u32 s7, $0x7  }
0xa: {  	s19 =	sand.u32 $0x60, s7;
	s12 =	sand.u32 $0x3FC000, s12;
	s23 =	sadd.s32 $0x31E, s7  }
0xb: {  	s14 =	sor.u32 $0x2, s7;
	s24 =	sadd.s32 $0x31F, s7;
	s15 =	sor.u32 $0x5, s7  }
0xc: {  	s18 =	smax.u32 s0, $0x1;
	s0 =	simm.s32 $0x0;
	s9 =	sshll.u32 s8, $0xE  }
0xd: {  	s10 =	sshll.u32 s19, $0x7;
	s11 =	sor.u32 $0x1, s19;
	s6 =	sor.u32 s6, s12  }
0xe: {  	s8 =	sshll.u32 s8, $0x14;
	s1 =	sshll.u32 s19, $0xA;
	s12 =	sor.u32 $0x4, s7  }
0xf: {  	s25 =	sshll.u32 s23, $0xA;
	s26 =	sshll.u32 s24, $0x7;
	s19 =	simm.s32 $0x80  }
0x10: {  	s10 =	sor.u32 s10, s9;
	s13 =	sshll.u32 s11, $0x7;
	s6 =	sshrl.u32 s6, $0x3  }
0x11: {  	s20 =	sshll.u32 s11, $0xA;
	s1 =	sor.u32 s1, s8;
	s9 =	sor.u32 s9, s13  }
0x12: {  	s10 =	sshrl.u32 s10, $0x3;
	s6 =	sadd.s32 s6, s4;
	s8 =	sor.u32 s8, s20  }
0x13: {  	s1 =	sshrl.u32 s1, $0x3;
	s13 =	sor.u32 $0x3, s7;
	s20 =	simm.s32 $0x1  }
0x14: {  	s9 =	sshrl.u32 s9, $0x3;
	s10 =	sadd.s32 s4, s10;
	s21 =	sadd.s32 $0x20, s6  }
0x15: {  	s8 =	sshrl.u32 s8, $0x3;
	s1 =	sadd.s32 s2, s1;
	[dreg:$0x3] =	wrdreg s10  }
0x16: {  	v0 =	vlaneseq.u32;
	s22 =	sadd.s32 $0x30, s6;
	s6 =	sshll.u32 s24, $0xA;
	[dreg:$0x5] =	wrdreg s21  }
0x17: {  	v1 =	vmul.u32 $0x40, v0;
	s24 =	simm.s32 $0x2100;
	s9 =	sadd.s32 s4, s9;
	[dreg:$0x6] =	wrdreg s1  }
0x18: {  	v3 =	vor.u32 $0x10, v0;
	v4 =	vand.u32 $0x7, v0;
	v6 =	vor.u32 $0x20, v0;
	[dreg:$0x7] =	wrdreg s22;
	s11 =	sadd.s32 s2, s8;
	s8 =	sand.u32 $0x3FE0000, s25  }
0x19: {  	v8 =	vor.u32 $0x30, v0;
	v10 =	vor.u32 $0x40, v0;
	v12 =	vor.u32 $0x50, v0;
	s1 =	sshll.u32 s23, $0x7;
	s6 =	sand.u32 $0x3FE0000, s6;
	s21 =	simm.s32 $0x100  }
0x1a: {  	v14 =	vor.u32 $0x60, v0;
	v16 =	vor.u32 $0x70, v0;
	v17 =	vadd.s32 $0x1, v0;
	s22 =	simm.s32 $0x3;
	s23 =	simm.s32 $0x2;
	s25 =	simm.s32 $0x4100  }
0x1b: {  	v18 =	vadd.s32 $0x2, v0;
	v19 =	vadd.s32 $0x3, v0;
	v2 =	vor.u32 $0x400, v1;
	[dreg:$0x4] =	wrdreg s9;
	s1 =	sand.u32 $0x3F00, s1;
	s9 =	sand.u32 $0x3F80, s26  }
0x1c: {  	v5 =	vor.u32 $0x800, v1;
	v7 =	vor.u32 $0xC00, v1;
	v9 =	vor.u32 $0x1000, v1;
	s26 =	simm.s32 $0x400;
	s1 =	sadd.s32 s2, s1;
	s9 =	sadd.s32 s2, s9  }
0x1d: {  	v11 =	vor.u32 $0x1400, v1;
	v13 =	vor.u32 $0x1800, v1;
	v15 =	vor.u32 $0x1C00, v1;
	s16 =	sadd.s32 s8, s1;
	s17 =	sadd.s32 s6, s9;
	s1 =	simm.s32 $0x6  }
.LBB2_1:
0x1e: {  	s6 =	rddreg [dreg:$0x3]  }
0x1f: {  	[tilespmem:s3], [sflag:$0x1] =	stream.linear.gather [hbm4b:s6+s3], $0x80, $0x38;
	[tilespmem:$0x8100] =	vst v63  }
0x20: {  	s9 =	rddreg [dreg:$0x4]  }
0x21: {  	[tilespmem:s19], [sflag:$0x2] =	stream.linear.gather [hbm4b:s9+s3], $0x80, $0x38;
	[tilespmem:$0x8100] =	vst v63  }
0x22: {  	_ =	swait.ge [sflag:s20], $0x80  }
0x23: {  	[sflag:s20] =	ssyncset.done $0x0  }
0x24: {  	[sflag:s20] =	ssyncadd.s32 $0xFFFFFF80  }
0x25: {  	[tilespmem:s21], [sflag:$0x3] =	stream.indirect.gather [hbm4b:s5+s19], $0x40, s3, s19, $0xb8;
	[tilespmem:$0x8100] =	vst v63  }
0x26: {  	_ =	swait.ge [sflag:s22], $0x2000  }
0x27: {  	v20 =	vadd.s32 s3, v0;
	[sflag:s22] =	ssyncset.done $0x0  }
0x28: {  	v21 =	vand.u32 $0x3F, v20;
	s10 =	rddreg [dreg:$0x5];
	[sflag:s22] =	ssyncadd.s32 $0xFFFFE000  }
0x29: {  	v22 =	vor.u32 v1, v21;
	[tilespmem:s3], [sflag:$0x1] =	stream.linear.gather [hbm4b:s10+s3], $0x80, $0x38;
	[tilespmem:$0x8100] =	vst v63  }
0x2a: {  	_ =	swait.ge [sflag:s23], $0x80  }
0x2b: {  	[sflag:s23] =	ssyncset.done $0x0  }
0x2c: {  	v20 =	vshll.u32 v20, $0x7;
	[sflag:s23] =	ssyncadd.s32 $0xFFFFFF80  }
0x2d: {  	v23 =	vand.u32 $0x1F80, v20;
	[tilespmem:s24], [sflag:$0x4] =	stream.indirect.gather [hbm4b:s5+s19], $0x40, s19, s19, $0xb8;
	[tilespmem:$0x8100] =	vst v63  }
0x2e: {  	v23 =	vor.u32 v0, v23;
	v22 =	vld.idx.msk [tilespmem:v22+s21+$0x0], $0xffff  }
0x2f: {  	v24 =	vor.u32 v2, v21;
	_ =	sdelay $0x2  }
0x30: {  	v25 =	vand.u32 $0x1C00, v20;
	v26 =	vor.u32 v3, v20  }
0x31: {  	[tilespmem:v23+s25+$0x0] =	vst.idx.msk $0xffff, v22;
	v22 =	vand.u32 $0x398, v26;
	v23 =	vor.u32 v4, v25  }
0x32: {  	v24 =	vld.idx.msk [tilespmem:v24+s21+$0x0], $0xffff;
	v22 =	vor.u32 v22, v23  }
0x33: {  	v47 =	vor.u32 v5, v21;
	_ =	sdelay $0x2  }
0x34: {  	v48 =	vor.u32 v6, v20  }
0x35: {  	[tilespmem:v22+s25+$0x0] =	vst.idx.msk $0xffff, v24;
	v22 =	vand.u32 $0x3A8, v48  }
0x36: {  	v24 =	vld.idx.msk [tilespmem:v47+s21+$0x0], $0xffff;
	v22 =	vor.u32 v22, v23  }
0x37: {  	v49 =	vor.u32 v7, v21;
	_ =	sdelay $0x2  }
0x38: {  	v50 =	vor.u32 v8, v20  }
0x39: {  	[tilespmem:v22+s25+$0x0] =	vst.idx.msk $0xffff, v24;
	v22 =	vand.u32 $0x3B8, v50  }
0x3a: {  	v24 =	vld.idx.msk [tilespmem:v49+s21+$0x0], $0xffff;
	v22 =	vor.u32 v22, v23  }
0x3b: {  	v51 =	vor.u32 v9, v21;
	_ =	sdelay $0x2  }
0x3c: {  	v52 =	vor.u32 v10, v20  }
0x3d: {  	[tilespmem:v22+s25+$0x0] =	vst.idx.msk $0xffff, v24;
	v22 =	vand.u32 $0x3C8, v52  }
0x3e: {  	v24 =	vld.idx.msk [tilespmem:v51+s21+$0x0], $0xffff;
	v22 =	vor.u32 v22, v23  }
0x3f: {  	v53 =	vor.u32 v11, v21;
	_ =	sdelay $0x2  }
0x40: {  	v54 =	vor.u32 v12, v20  }
0x41: {  	[tilespmem:v22+s25+$0x0] =	vst.idx.msk $0xffff, v24;
	v22 =	vand.u32 $0x3D8, v54  }
0x42: {  	v24 =	vld.idx.msk [tilespmem:v53+s21+$0x0], $0xffff;
	v22 =	vor.u32 v22, v23  }
0x43: {  	v55 =	vor.u32 v13, v21;
	_ =	sdelay $0x2  }
0x44: {  	v56 =	vor.u32 v14, v20  }
0x45: {  	[tilespmem:v22+s25+$0x0] =	vst.idx.msk $0xffff, v24;
	v22 =	vand.u32 $0x3E8, v56  }
0x46: {  	v24 =	vld.idx.msk [tilespmem:v55+s21+$0x0], $0xffff;
	v22 =	vor.u32 v22, v23  }
0x47: {  	v21 =	vor.u32 v15, v21;
	_ =	sdelay $0x2  }
0x48: {  	v20 =	vor.u32 v16, v20  }
0x49: {  	v20 =	vand.u32 $0x3F8, v20;
	[tilespmem:v22+s25+$0x0] =	vst.idx.msk $0xffff, v24;
	v22 =	vadd.s32 s3, v17  }
0x4a: {  	v20 =	vor.u32 v20, v23;
	v21 =	vld.idx.msk [tilespmem:v21+s21+$0x0], $0xffff;
	v23 =	vand.u32 $0x3F, v22  }
0x4b: {  	v57 =	vor.u32 v1, v23;
	_ =	sdelay $0x2  }
0x4c: {  	v22 =	vshll.u32 v22, $0x7  }
0x4d: {  	[tilespmem:v20+s25+$0x0] =	vst.idx.msk $0xffff, v21;
	v20 =	vand.u32 $0x1F80, v22  }
0x4e: {  	v21 =	vld.idx.msk [tilespmem:v57+s21+$0x0], $0xffff;
	v20 =	vor.u32 v0, v20  }
0x4f: {  	v58 =	vor.u32 v2, v23;
	_ =	sdelay $0x2  }
0x50: {  	v59 =	vand.u32 $0x1C00, v22;
	v60 =	vor.u32 v3, v22  }
0x51: {  	[tilespmem:v20+s25+$0x0] =	vst.idx.msk $0xffff, v21;
	v20 =	vand.u32 $0x398, v60;
	v21 =	vor.u32 v4, v59  }
0x52: {  	v24 =	vld.idx.msk [tilespmem:v58+s21+$0x0], $0xffff;
	v20 =	vor.u32 v20, v21  }
0x53: {  	v61 =	vor.u32 v5, v23;
	_ =	sdelay $0x2  }
0x54: {  	v62 =	vor.u32 v6, v22  }
0x55: {  	[tilespmem:v20+s25+$0x0] =	vst.idx.msk $0xffff, v24;
	v20 =	vand.u32 $0x3A8, v62  }
0x56: {  	v24 =	vld.idx.msk [tilespmem:v61+s21+$0x0], $0xffff;
	v20 =	vor.u32 v20, v21  }
0x57: {  	v63 =	vor.u32 v7, v23;
	_ =	sdelay $0x2  }
0x58: {  	v28 =	vor.u32 v8, v22  }
0x59: {  	[tilespmem:v20+s25+$0x0] =	vst.idx.msk $0xffff, v24;
	v20 =	vand.u32 $0x3B8, v28  }
0x5a: {  	v24 =	vld.idx.msk [tilespmem:v63+s21+$0x0], $0xffff;
	v20 =	vor.u32 v20, v21  }
0x5b: {  	v29 =	vor.u32 v9, v23;
	_ =	sdelay $0x2  }
0x5c: {  	v30 =	vor.u32 v10, v22  }
0x5d: {  	[tilespmem:v20+s25+$0x0] =	vst.idx.msk $0xffff, v24;
	v20 =	vand.u32 $0x3C8, v30  }
0x5e: {  	v24 =	vld.idx.msk [tilespmem:v29+s21+$0x0], $0xffff;
	v20 =	vor.u32 v20, v21  }
0x5f: {  	v31 =	vor.u32 v11, v23;
	_ =	sdelay $0x2  }
0x60: {  	v32 =	vor.u32 v12, v22  }
0x61: {  	[tilespmem:v20+s25+$0x0] =	vst.idx.msk $0xffff, v24;
	v20 =	vand.u32 $0x3D8, v32  }
0x62: {  	v24 =	vld.idx.msk [tilespmem:v31+s21+$0x0], $0xffff;
	v20 =	vor.u32 v20, v21  }
0x63: {  	v33 =	vor.u32 v13, v23;
	_ =	sdelay $0x2  }
0x64: {  	v34 =	vor.u32 v14, v22  }
0x65: {  	[tilespmem:v20+s25+$0x0] =	vst.idx.msk $0xffff, v24;
	v20 =	vand.u32 $0x3E8, v34  }
0x66: {  	v24 =	vld.idx.msk [tilespmem:v33+s21+$0x0], $0xffff;
	v20 =	vor.u32 v20, v21  }
0x67: {  	v23 =	vor.u32 v15, v23;
	_ =	sdelay $0x2  }
0x68: {  	v22 =	vor.u32 v16, v22  }
0x69: {  	[tilespmem:v20+s25+$0x0] =	vst.idx.msk $0xffff, v24;
	v20 =	vand.u32 $0x3F8, v22;
	v22 =	vadd.s32 s3, v18  }
0x6a: {  	v23 =	vld.idx.msk [tilespmem:v23+s21+$0x0], $0xffff;
	v20 =	vor.u32 v20, v21;
	v21 =	vand.u32 $0x3F, v22  }
0x6b: {  	v35 =	vor.u32 v1, v21;
	_ =	sdelay $0x2  }
0x6c: {  	v22 =	vshll.u32 v22, $0x7  }
0x6d: {  	[tilespmem:v20+s25+$0x0] =	vst.idx.msk $0xffff, v23;
	v20 =	vand.u32 $0x1F80, v22  }
0x6e: {  	v23 =	vld.idx.msk [tilespmem:v35+s21+$0x0], $0xffff;
	v20 =	vor.u32 v0, v20  }
0x6f: {  	v36 =	vor.u32 v2, v21;
	_ =	sdelay $0x2  }
0x70: {  	v37 =	vand.u32 $0x1C00, v22;
	v38 =	vor.u32 v3, v22  }
0x71: {  	[tilespmem:v20+s25+$0x0] =	vst.idx.msk $0xffff, v23;
	v20 =	vand.u32 $0x398, v38;
	v23 =	vor.u32 v4, v37  }
0x72: {  	v24 =	vld.idx.msk [tilespmem:v36+s21+$0x0], $0xffff;
	v20 =	vor.u32 v20, v23  }
0x73: {  	v39 =	vor.u32 v5, v21;
	_ =	sdelay $0x2  }
0x74: {  	v40 =	vor.u32 v6, v22  }
0x75: {  	[tilespmem:v20+s25+$0x0] =	vst.idx.msk $0xffff, v24;
	v20 =	vand.u32 $0x3A8, v40  }
0x76: {  	v24 =	vld.idx.msk [tilespmem:v39+s21+$0x0], $0xffff;
	v20 =	vor.u32 v20, v23  }
0x77: {  	v41 =	vor.u32 v7, v21;
	_ =	sdelay $0x2  }
0x78: {  	v42 =	vor.u32 v8, v22  }
0x79: {  	[tilespmem:v20+s25+$0x0] =	vst.idx.msk $0xffff, v24;
	v20 =	vand.u32 $0x3B8, v42  }
0x7a: {  	v24 =	vld.idx.msk [tilespmem:v41+s21+$0x0], $0xffff;
	v20 =	vor.u32 v20, v23  }
0x7b: {  	v43 =	vor.u32 v9, v21;
	_ =	sdelay $0x2  }
0x7c: {  	v44 =	vor.u32 v10, v22  }
0x7d: {  	[tilespmem:v20+s25+$0x0] =	vst.idx.msk $0xffff, v24;
	v20 =	vand.u32 $0x3C8, v44  }
0x7e: {  	v24 =	vld.idx.msk [tilespmem:v43+s21+$0x0], $0xffff;
	v20 =	vor.u32 v20, v23  }
0x7f: {  	v45 =	vor.u32 v11, v21;
	_ =	sdelay $0x2  }
0x80: {  	v46 =	vor.u32 v12, v22  }
0x81: {  	[tilespmem:v20+s25+$0x0] =	vst.idx.msk $0xffff, v24;
	v20 =	vand.u32 $0x3D8, v46  }
0x82: {  	v24 =	vld.idx.msk [tilespmem:v45+s21+$0x0], $0xffff;
	v20 =	vor.u32 v20, v23  }
0x83: {  	v47 =	vor.u32 v13, v21;
	_ =	sdelay $0x2  }
0x84: {  	v48 =	vor.u32 v14, v22  }
0x85: {  	[tilespmem:v20+s25+$0x0] =	vst.idx.msk $0xffff, v24;
	v20 =	vand.u32 $0x3E8, v48  }
0x86: {  	v24 =	vld.idx.msk [tilespmem:v47+s21+$0x0], $0xffff;
	v20 =	vor.u32 v20, v23  }
0x87: {  	v21 =	vor.u32 v15, v21;
	_ =	sdelay $0x2  }
0x88: {  	v22 =	vor.u32 v16, v22  }
0x89: {  	[tilespmem:v20+s25+$0x0] =	vst.idx.msk $0xffff, v24;
	v20 =	vand.u32 $0x3F8, v22;
	v22 =	vadd.s32 s3, v19  }
0x8a: {  	v21 =	vld.idx.msk [tilespmem:v21+s21+$0x0], $0xffff;
	v20 =	vor.u32 v20, v23;
	v23 =	vand.u32 $0x3F, v22  }
0x8b: {  	v49 =	vor.u32 v1, v23;
	_ =	sdelay $0x2  }
0x8c: {  	v22 =	vshll.u32 v22, $0x7  }
0x8d: {  	[tilespmem:v20+s25+$0x0] =	vst.idx.msk $0xffff, v21;
	v20 =	vand.u32 $0x1F80, v22  }
0x8e: {  	v21 =	vld.idx.msk [tilespmem:v49+s21+$0x0], $0xffff;
	v20 =	vor.u32 v0, v20  }
0x8f: {  	v50 =	vor.u32 v2, v23;
	_ =	sdelay $0x2  }
0x90: {  	v51 =	vand.u32 $0x1C00, v22;
	v52 =	vor.u32 v3, v22  }
0x91: {  	[tilespmem:v20+s25+$0x0] =	vst.idx.msk $0xffff, v21;
	v21 =	vand.u32 $0x398, v52;
	v20 =	vor.u32 v4, v51  }
0x92: {  	v24 =	vld.idx.msk [tilespmem:v50+s21+$0x0], $0xffff;
	v21 =	vor.u32 v21, v20  }
0x93: {  	v53 =	vor.u32 v5, v23;
	_ =	sdelay $0x2  }
0x94: {  	v54 =	vor.u32 v6, v22  }
0x95: {  	[tilespmem:v21+s25+$0x0] =	vst.idx.msk $0xffff, v24;
	v21 =	vand.u32 $0x3A8, v54  }
0x96: {  	v24 =	vld.idx.msk [tilespmem:v53+s21+$0x0], $0xffff;
	v21 =	vor.u32 v21, v20  }
0x97: {  	v55 =	vor.u32 v7, v23;
	_ =	sdelay $0x2  }
0x98: {  	v56 =	vor.u32 v8, v22  }
0x99: {  	[tilespmem:v21+s25+$0x0] =	vst.idx.msk $0xffff, v24;
	v21 =	vand.u32 $0x3B8, v56  }
0x9a: {  	v24 =	vld.idx.msk [tilespmem:v55+s21+$0x0], $0xffff;
	v21 =	vor.u32 v21, v20  }
0x9b: {  	v57 =	vor.u32 v9, v23;
	_ =	sdelay $0x2  }
0x9c: {  	v58 =	vor.u32 v10, v22  }
0x9d: {  	[tilespmem:v21+s25+$0x0] =	vst.idx.msk $0xffff, v24;
	v21 =	vand.u32 $0x3C8, v58  }
0x9e: {  	v24 =	vld.idx.msk [tilespmem:v57+s21+$0x0], $0xffff;
	v21 =	vor.u32 v21, v20  }
0x9f: {  	v59 =	vor.u32 v11, v23;
	_ =	sdelay $0x2  }
0xa0: {  	v60 =	vor.u32 v12, v22  }
0xa1: {  	[tilespmem:v21+s25+$0x0] =	vst.idx.msk $0xffff, v24;
	v21 =	vand.u32 $0x3D8, v60  }
0xa2: {  	v24 =	vld.idx.msk [tilespmem:v59+s21+$0x0], $0xffff;
	v21 =	vor.u32 v21, v20  }
0xa3: {  	v61 =	vor.u32 v13, v23;
	_ =	sdelay $0x2  }
0xa4: {  	v62 =	vor.u32 v14, v22  }
0xa5: {  	[tilespmem:v21+s25+$0x0] =	vst.idx.msk $0xffff, v24;
	v21 =	vand.u32 $0x3E8, v62  }
0xa6: {  	v24 =	vld.idx.msk [tilespmem:v61+s21+$0x0], $0xffff;
	v21 =	vor.u32 v21, v20  }
0xa7: {  	v23 =	vor.u32 v15, v23;
	_ =	sdelay $0x3  }
0xa8: {  	s6 =	simm.s32 $0x4;
	v63 =	vor.u32 v16, v22;
	[tilespmem:v21+s25+$0x0] =	vst.idx.msk $0xffff, v24  }
0xa9: {  	s7 =	simm.s32 $0x8;
	v21 =	vadd.s32 s6, v0;
	v22 =	vld.idx.msk [tilespmem:v23+s21+$0x0], $0xffff;
	v23 =	vand.u32 $0x3F8, v63  }
.LBB2_2:
0xaa: {  	p0 =	sne.s32 s7, $0x3C;
	v24 =	vand.u32 $0x3F, v21;
	v20 =	vor.u32 v23, v20  }
0xab: {  	v23 =	vor.u32 v1, v24;
	_ =	sdelay $0x3  }
0xac: {  	v21 =	vshll.u32 v21, $0x7;
	[tilespmem:v20+s25+$0x0] =	vst.idx.msk $0xffff, v22  }
0xad: {  	v22 =	vand.u32 $0x1F80, v21;
	v20 =	vld.idx.msk [tilespmem:v23+s21+$0x0], $0xffff  }
0xae: {  	v22 =	vor.u32 v0, v22  }
0xaf: {  	v23 =	vor.u32 v2, v24;
	_ =	sdelay $0x3  }
0xb0: {  	v25 =	vand.u32 $0x1C00, v21;
	[tilespmem:v22+s25+$0x0] =	vst.idx.msk $0xffff, v20;
	v20 =	vor.u32 v3, v21  }
0xb1: {  	v22 =	vld.idx.msk [tilespmem:v23+s21+$0x0], $0xffff;
	v20 =	vand.u32 $0x398, v20;
	v23 =	vor.u32 v4, v25  }
0xb2: {  	v20 =	vor.u32 v20, v23  }
0xb3: {  	v25 =	vor.u32 v5, v24;
	_ =	sdelay $0x3  }
0xb4: {  	[tilespmem:v20+s25+$0x0] =	vst.idx.msk $0xffff, v22;
	v20 =	vor.u32 v6, v21  }
0xb5: {  	v22 =	vld.idx.msk [tilespmem:v25+s21+$0x0], $0xffff;
	v20 =	vand.u32 $0x3A8, v20  }
0xb6: {  	v20 =	vor.u32 v20, v23  }
0xb7: {  	v25 =	vor.u32 v7, v24;
	_ =	sdelay $0x3  }
0xb8: {  	[tilespmem:v20+s25+$0x0] =	vst.idx.msk $0xffff, v22;
	v20 =	vor.u32 v8, v21  }
0xb9: {  	v22 =	vld.idx.msk [tilespmem:v25+s21+$0x0], $0xffff;
	v20 =	vand.u32 $0x3B8, v20  }
0xba: {  	v20 =	vor.u32 v20, v23  }
0xbb: {  	v25 =	vor.u32 v9, v24;
	_ =	sdelay $0x3  }
0xbc: {  	[tilespmem:v20+s25+$0x0] =	vst.idx.msk $0xffff, v22;
	v20 =	vor.u32 v10, v21  }
0xbd: {  	v22 =	vld.idx.msk [tilespmem:v25+s21+$0x0], $0xffff;
	v20 =	vand.u32 $0x3C8, v20  }
0xbe: {  	v20 =	vor.u32 v20, v23  }
0xbf: {  	v25 =	vor.u32 v11, v24;
	_ =	sdelay $0x3  }
0xc0: {  	[tilespmem:v20+s25+$0x0] =	vst.idx.msk $0xffff, v22;
	v20 =	vor.u32 v12, v21  }
0xc1: {  	v22 =	vld.idx.msk [tilespmem:v25+s21+$0x0], $0xffff;
	v20 =	vand.u32 $0x3D8, v20  }
0xc2: {  	v20 =	vor.u32 v20, v23  }
0xc3: {  	v25 =	vor.u32 v13, v24;
	_ =	sdelay $0x3  }
0xc4: {  	[tilespmem:v20+s25+$0x0] =	vst.idx.msk $0xffff, v22;
	v20 =	vor.u32 v14, v21  }
0xc5: {  	v22 =	vld.idx.msk [tilespmem:v25+s21+$0x0], $0xffff;
	v20 =	vand.u32 $0x3E8, v20  }
0xc6: {  	v20 =	vor.u32 v20, v23  }
0xc7: {  	v24 =	vor.u32 v15, v24;
	_ =	sdelay $0x3  }
0xc8: {  	[tilespmem:v20+s25+$0x0] =	vst.idx.msk $0xffff, v22;
	v20 =	vor.u32 v16, v21  }
0xc9: {  	v22 =	vadd.s32 s6, v17;
	v21 =	vld.idx.msk [tilespmem:v24+s21+$0x0], $0xffff;
	v20 =	vand.u32 $0x3F8, v20  }
0xca: {  	v20 =	vor.u32 v20, v23;
	v23 =	vand.u32 $0x3F, v22  }
0xcb: {  	v24 =	vor.u32 v1, v23;
	_ =	sdelay $0x3  }
0xcc: {  	[tilespmem:v20+s25+$0x0] =	vst.idx.msk $0xffff, v21;
	v20 =	vshll.u32 v22, $0x7  }
0xcd: {  	v21 =	vld.idx.msk [tilespmem:v24+s21+$0x0], $0xffff;
	v22 =	vand.u32 $0x1F80, v20  }
0xce: {  	v22 =	vor.u32 v0, v22  }
0xcf: {  	v24 =	vor.u32 v2, v23;
	_ =	sdelay $0x3  }
0xd0: {  	v25 =	vand.u32 $0x1C00, v20;
	[tilespmem:v22+s25+$0x0] =	vst.idx.msk $0xffff, v21;
	v21 =	vor.u32 v3, v20  }
0xd1: {  	v22 =	vld.idx.msk [tilespmem:v24+s21+$0x0], $0xffff;
	v21 =	vand.u32 $0x398, v21;
	v24 =	vor.u32 v4, v25  }
0xd2: {  	v21 =	vor.u32 v21, v24  }
0xd3: {  	v25 =	vor.u32 v5, v23;
	_ =	sdelay $0x3  }
0xd4: {  	[tilespmem:v21+s25+$0x0] =	vst.idx.msk $0xffff, v22;
	v21 =	vor.u32 v6, v20  }
0xd5: {  	v22 =	vld.idx.msk [tilespmem:v25+s21+$0x0], $0xffff;
	v21 =	vand.u32 $0x3A8, v21  }
0xd6: {  	v21 =	vor.u32 v21, v24  }
0xd7: {  	v25 =	vor.u32 v7, v23;
	_ =	sdelay $0x3  }
0xd8: {  	[tilespmem:v21+s25+$0x0] =	vst.idx.msk $0xffff, v22;
	v21 =	vor.u32 v8, v20  }
0xd9: {  	v22 =	vld.idx.msk [tilespmem:v25+s21+$0x0], $0xffff;
	v21 =	vand.u32 $0x3B8, v21  }
0xda: {  	v21 =	vor.u32 v21, v24  }
0xdb: {  	v25 =	vor.u32 v9, v23;
	_ =	sdelay $0x3  }
0xdc: {  	[tilespmem:v21+s25+$0x0] =	vst.idx.msk $0xffff, v22;
	v21 =	vor.u32 v10, v20  }
0xdd: {  	v22 =	vld.idx.msk [tilespmem:v25+s21+$0x0], $0xffff;
	v21 =	vand.u32 $0x3C8, v21  }
0xde: {  	v21 =	vor.u32 v21, v24  }
0xdf: {  	v25 =	vor.u32 v11, v23;
	_ =	sdelay $0x3  }
0xe0: {  	[tilespmem:v21+s25+$0x0] =	vst.idx.msk $0xffff, v22;
	v21 =	vor.u32 v12, v20  }
0xe1: {  	v22 =	vld.idx.msk [tilespmem:v25+s21+$0x0], $0xffff;
	v21 =	vand.u32 $0x3D8, v21  }
0xe2: {  	v21 =	vor.u32 v21, v24  }
0xe3: {  	v25 =	vor.u32 v13, v23;
	_ =	sdelay $0x3  }
0xe4: {  	[tilespmem:v21+s25+$0x0] =	vst.idx.msk $0xffff, v22;
	v21 =	vor.u32 v14, v20  }
0xe5: {  	v22 =	vld.idx.msk [tilespmem:v25+s21+$0x0], $0xffff;
	v21 =	vand.u32 $0x3E8, v21  }
0xe6: {  	v21 =	vor.u32 v21, v24  }
0xe7: {  	v23 =	vor.u32 v15, v23;
	_ =	sdelay $0x3  }
0xe8: {  	v20 =	vor.u32 v16, v20;
	[tilespmem:v21+s25+$0x0] =	vst.idx.msk $0xffff, v22  }
0xe9: {  	v20 =	vand.u32 $0x3F8, v20;
	v22 =	vadd.s32 s6, v18;
	v21 =	vld.idx.msk [tilespmem:v23+s21+$0x0], $0xffff  }
0xea: {  	v20 =	vor.u32 v20, v24;
	v23 =	vand.u32 $0x3F, v22  }
0xeb: {  	v24 =	vor.u32 v1, v23;
	_ =	sdelay $0x3  }
0xec: {  	[tilespmem:v20+s25+$0x0] =	vst.idx.msk $0xffff, v21;
	v20 =	vshll.u32 v22, $0x7  }
0xed: {  	v21 =	vld.idx.msk [tilespmem:v24+s21+$0x0], $0xffff;
	v22 =	vand.u32 $0x1F80, v20  }
0xee: {  	v22 =	vor.u32 v0, v22  }
0xef: {  	v24 =	vor.u32 v2, v23;
	_ =	sdelay $0x3  }
0xf0: {  	v25 =	vand.u32 $0x1C00, v20;
	[tilespmem:v22+s25+$0x0] =	vst.idx.msk $0xffff, v21;
	v21 =	vor.u32 v3, v20  }
0xf1: {  	v22 =	vld.idx.msk [tilespmem:v24+s21+$0x0], $0xffff;
	v21 =	vand.u32 $0x398, v21;
	v24 =	vor.u32 v4, v25  }
0xf2: {  	v21 =	vor.u32 v21, v24  }
0xf3: {  	v25 =	vor.u32 v5, v23;
	_ =	sdelay $0x3  }
0xf4: {  	[tilespmem:v21+s25+$0x0] =	vst.idx.msk $0xffff, v22;
	v21 =	vor.u32 v6, v20  }
0xf5: {  	v22 =	vld.idx.msk [tilespmem:v25+s21+$0x0], $0xffff;
	v21 =	vand.u32 $0x3A8, v21  }
0xf6: {  	v21 =	vor.u32 v21, v24  }
0xf7: {  	v25 =	vor.u32 v7, v23;
	_ =	sdelay $0x3  }
0xf8: {  	[tilespmem:v21+s25+$0x0] =	vst.idx.msk $0xffff, v22;
	v21 =	vor.u32 v8, v20  }
0xf9: {  	v22 =	vld.idx.msk [tilespmem:v25+s21+$0x0], $0xffff;
	v21 =	vand.u32 $0x3B8, v21  }
0xfa: {  	v21 =	vor.u32 v21, v24  }
0xfb: {  	v25 =	vor.u32 v9, v23;
	_ =	sdelay $0x3  }
0xfc: {  	[tilespmem:v21+s25+$0x0] =	vst.idx.msk $0xffff, v22;
	v21 =	vor.u32 v10, v20  }
0xfd: {  	v22 =	vld.idx.msk [tilespmem:v25+s21+$0x0], $0xffff;
	v21 =	vand.u32 $0x3C8, v21  }
0xfe: {  	v21 =	vor.u32 v21, v24  }
0xff: {  	v25 =	vor.u32 v11, v23;
	_ =	sdelay $0x3  }
0x100: {  	[tilespmem:v21+s25+$0x0] =	vst.idx.msk $0xffff, v22;
	v21 =	vor.u32 v12, v20  }
0x101: {  	v22 =	vld.idx.msk [tilespmem:v25+s21+$0x0], $0xffff;
	v21 =	vand.u32 $0x3D8, v21  }
0x102: {  	v21 =	vor.u32 v21, v24  }
0x103: {  	v25 =	vor.u32 v13, v23;
	_ =	sdelay $0x3  }
0x104: {  	[tilespmem:v21+s25+$0x0] =	vst.idx.msk $0xffff, v22;
	v21 =	vor.u32 v14, v20  }
0x105: {  	v22 =	vld.idx.msk [tilespmem:v25+s21+$0x0], $0xffff;
	v21 =	vand.u32 $0x3E8, v21  }
0x106: {  	v21 =	vor.u32 v21, v24  }
0x107: {  	v23 =	vor.u32 v15, v23;
	_ =	sdelay $0x3  }
0x108: {  	v20 =	vor.u32 v16, v20;
	[tilespmem:v21+s25+$0x0] =	vst.idx.msk $0xffff, v22  }
0x109: {  	v20 =	vand.u32 $0x3F8, v20;
	v22 =	vadd.s32 s6, v19;
	s6 =	smov.u32 s7;
	v21 =	vld.idx.msk [tilespmem:v23+s21+$0x0], $0xffff  }
0x10a: {  	v20 =	vor.u32 v20, v24;
	v23 =	vand.u32 $0x3F, v22  }
0x10b: {  	v24 =	vor.u32 v1, v23;
	_ =	sdelay $0x3  }
0x10c: {  	[tilespmem:v20+s25+$0x0] =	vst.idx.msk $0xffff, v21;
	v21 =	vshll.u32 v22, $0x7  }
0x10d: {  	v20 =	vld.idx.msk [tilespmem:v24+s21+$0x0], $0xffff;
	v22 =	vand.u32 $0x1F80, v21  }
0x10e: {  	v22 =	vor.u32 v0, v22  }
0x10f: {  	v24 =	vor.u32 v2, v23;
	_ =	sdelay $0x3  }
0x110: {  	v25 =	vand.u32 $0x1C00, v21;
	[tilespmem:v22+s25+$0x0] =	vst.idx.msk $0xffff, v20;
	v20 =	vor.u32 v3, v21  }
0x111: {  	v22 =	vld.idx.msk [tilespmem:v24+s21+$0x0], $0xffff;
	v24 =	vand.u32 $0x398, v20;
	v20 =	vor.u32 v4, v25  }
0x112: {  	v24 =	vor.u32 v24, v20  }
0x113: {  	v25 =	vor.u32 v5, v23;
	_ =	sdelay $0x3  }
0x114: {  	[tilespmem:v24+s25+$0x0] =	vst.idx.msk $0xffff, v22;
	v22 =	vor.u32 v6, v21  }
0x115: {  	v24 =	vld.idx.msk [tilespmem:v25+s21+$0x0], $0xffff;
	v22 =	vand.u32 $0x3A8, v22  }
0x116: {  	v22 =	vor.u32 v22, v20  }
0x117: {  	v25 =	vor.u32 v7, v23;
	_ =	sdelay $0x3  }
0x118: {  	[tilespmem:v22+s25+$0x0] =	vst.idx.msk $0xffff, v24;
	v22 =	vor.u32 v8, v21  }
0x119: {  	v24 =	vld.idx.msk [tilespmem:v25+s21+$0x0], $0xffff;
	v22 =	vand.u32 $0x3B8, v22  }
0x11a: {  	v22 =	vor.u32 v22, v20  }
0x11b: {  	v25 =	vor.u32 v9, v23;
	_ =	sdelay $0x3  }
0x11c: {  	[tilespmem:v22+s25+$0x0] =	vst.idx.msk $0xffff, v24;
	v22 =	vor.u32 v10, v21  }
0x11d: {  	v24 =	vld.idx.msk [tilespmem:v25+s21+$0x0], $0xffff;
	v22 =	vand.u32 $0x3C8, v22  }
0x11e: {  	v22 =	vor.u32 v22, v20  }
0x11f: {  	v25 =	vor.u32 v11, v23;
	_ =	sdelay $0x3  }
0x120: {  	[tilespmem:v22+s25+$0x0] =	vst.idx.msk $0xffff, v24;
	v22 =	vor.u32 v12, v21  }
0x121: {  	v24 =	vld.idx.msk [tilespmem:v25+s21+$0x0], $0xffff;
	v22 =	vand.u32 $0x3D8, v22  }
0x122: {  	v22 =	vor.u32 v22, v20  }
0x123: {  	v25 =	vor.u32 v13, v23;
	_ =	sdelay $0x3  }
0x124: {  	[tilespmem:v22+s25+$0x0] =	vst.idx.msk $0xffff, v24;
	v22 =	vor.u32 v14, v21  }
0x125: {  	v24 =	vld.idx.msk [tilespmem:v25+s21+$0x0], $0xffff;
	v22 =	vand.u32 $0x3E8, v22  }
0x126: {  	v22 =	vor.u32 v22, v20  }
0x127: {  	v23 =	vor.u32 v15, v23  }
.Ltmp0:
0x128: {  	(pc) =	sbr.rel @p0 .LBB2_2-.Ltmp0, $3  }
0x129: {  	_ =	sdelay $0x1  }
0x12a: {  	[tilespmem:v22+s25+$0x0] =	vst.idx.msk $0xffff, v24;
	v24 =	vor.u32 v16, v21  }
0x12b: {  	s7 =	sadd.s32 $0x4, s7;
	v21 =	vadd.s32 s6, v0;
	v22 =	vld.idx.msk [tilespmem:v23+s21+$0x0], $0xffff;
	v23 =	vand.u32 $0x3F8, v24  }
0x12c: {  	v24 =	vand.u32 $0x3F, v21;
	v20 =	vor.u32 v23, v20  }
0x12d: {  	v23 =	vor.u32 v1, v24;
	_ =	sdelay $0x2  }
0x12e: {  	v21 =	vshll.u32 v21, $0x7  }
0x12f: {  	[tilespmem:v20+s25+$0x0] =	vst.idx.msk $0xffff, v22;
	v20 =	vand.u32 $0x1F80, v21  }
0x130: {  	v22 =	vld.idx.msk [tilespmem:v23+s21+$0x0], $0xffff;
	v20 =	vor.u32 v0, v20  }
0x131: {  	v23 =	vor.u32 v2, v24;
	_ =	sdelay $0x2  }
0x132: {  	v25 =	vand.u32 $0x1C00, v21;
	v26 =	vor.u32 v3, v21  }
0x133: {  	[tilespmem:v20+s25+$0x0] =	vst.idx.msk $0xffff, v22;
	v20 =	vand.u32 $0x398, v26;
	v22 =	vor.u32 v4, v25  }
0x134: {  	v23 =	vld.idx.msk [tilespmem:v23+s21+$0x0], $0xffff;
	v20 =	vor.u32 v20, v22  }
0x135: {  	v28 =	vor.u32 v5, v24;
	_ =	sdelay $0x2  }
0x136: {  	v29 =	vor.u32 v6, v21  }
0x137: {  	[tilespmem:v20+s25+$0x0] =	vst.idx.msk $0xffff, v23;
	v20 =	vand.u32 $0x3A8, v29  }
0x138: {  	v23 =	vld.idx.msk [tilespmem:v28+s21+$0x0], $0xffff;
	v20 =	vor.u32 v20, v22  }
0x139: {  	v30 =	vor.u32 v7, v24;
	_ =	sdelay $0x2  }
0x13a: {  	v31 =	vor.u32 v8, v21  }
0x13b: {  	[tilespmem:v20+s25+$0x0] =	vst.idx.msk $0xffff, v23;
	v20 =	vand.u32 $0x3B8, v31  }
0x13c: {  	v23 =	vld.idx.msk [tilespmem:v30+s21+$0x0], $0xffff;
	v20 =	vor.u32 v20, v22  }
0x13d: {  	v32 =	vor.u32 v9, v24;
	_ =	sdelay $0x2  }
0x13e: {  	v33 =	vor.u32 v10, v21  }
0x13f: {  	[tilespmem:v20+s25+$0x0] =	vst.idx.msk $0xffff, v23;
	v20 =	vand.u32 $0x3C8, v33  }
0x140: {  	v23 =	vld.idx.msk [tilespmem:v32+s21+$0x0], $0xffff;
	v20 =	vor.u32 v20, v22  }
0x141: {  	v34 =	vor.u32 v11, v24;
	_ =	sdelay $0x2  }
0x142: {  	v35 =	vor.u32 v12, v21  }
0x143: {  	[tilespmem:v20+s25+$0x0] =	vst.idx.msk $0xffff, v23;
	v20 =	vand.u32 $0x3D8, v35  }
0x144: {  	v23 =	vld.idx.msk [tilespmem:v34+s21+$0x0], $0xffff;
	v20 =	vor.u32 v20, v22  }
0x145: {  	v36 =	vor.u32 v13, v24;
	_ =	sdelay $0x2  }
0x146: {  	v37 =	vor.u32 v14, v21  }
0x147: {  	[tilespmem:v20+s25+$0x0] =	vst.idx.msk $0xffff, v23;
	v20 =	vand.u32 $0x3E8, v37  }
0x148: {  	v23 =	vld.idx.msk [tilespmem:v36+s21+$0x0], $0xffff;
	v20 =	vor.u32 v20, v22  }
0x149: {  	v24 =	vor.u32 v15, v24;
	_ =	sdelay $0x2  }
0x14a: {  	v21 =	vor.u32 v16, v21  }
0x14b: {  	[tilespmem:v20+s25+$0x0] =	vst.idx.msk $0xffff, v23;
	v20 =	vand.u32 $0x3F8, v21;
	v21 =	vadd.s32 s6, v17  }
0x14c: {  	v23 =	vld.idx.msk [tilespmem:v24+s21+$0x0], $0xffff;
	v20 =	vor.u32 v20, v22;
	v22 =	vand.u32 $0x3F, v21  }
0x14d: {  	v38 =	vor.u32 v1, v22;
	_ =	sdelay $0x2  }
0x14e: {  	v21 =	vshll.u32 v21, $0x7  }
0x14f: {  	[tilespmem:v20+s25+$0x0] =	vst.idx.msk $0xffff, v23;
	v20 =	vand.u32 $0x1F80, v21  }
0x150: {  	v23 =	vld.idx.msk [tilespmem:v38+s21+$0x0], $0xffff;
	v20 =	vor.u32 v0, v20  }
0x151: {  	v39 =	vor.u32 v2, v22;
	_ =	sdelay $0x2  }
0x152: {  	v40 =	vand.u32 $0x1C00, v21;
	v41 =	vor.u32 v3, v21  }
0x153: {  	[tilespmem:v20+s25+$0x0] =	vst.idx.msk $0xffff, v23;
	v20 =	vand.u32 $0x398, v41;
	v23 =	vor.u32 v4, v40  }
0x154: {  	v24 =	vld.idx.msk [tilespmem:v39+s21+$0x0], $0xffff;
	v20 =	vor.u32 v20, v23  }
0x155: {  	v42 =	vor.u32 v5, v22;
	_ =	sdelay $0x2  }
0x156: {  	v43 =	vor.u32 v6, v21  }
0x157: {  	[tilespmem:v20+s25+$0x0] =	vst.idx.msk $0xffff, v24;
	v20 =	vand.u32 $0x3A8, v43  }
0x158: {  	v24 =	vld.idx.msk [tilespmem:v42+s21+$0x0], $0xffff;
	v20 =	vor.u32 v20, v23  }
0x159: {  	v44 =	vor.u32 v7, v22;
	_ =	sdelay $0x2  }
0x15a: {  	v45 =	vor.u32 v8, v21  }
0x15b: {  	[tilespmem:v20+s25+$0x0] =	vst.idx.msk $0xffff, v24;
	v20 =	vand.u32 $0x3B8, v45  }
0x15c: {  	v24 =	vld.idx.msk [tilespmem:v44+s21+$0x0], $0xffff;
	v20 =	vor.u32 v20, v23  }
0x15d: {  	v46 =	vor.u32 v9, v22;
	_ =	sdelay $0x2  }
0x15e: {  	v47 =	vor.u32 v10, v21  }
0x15f: {  	[tilespmem:v20+s25+$0x0] =	vst.idx.msk $0xffff, v24;
	v20 =	vand.u32 $0x3C8, v47  }
0x160: {  	v24 =	vld.idx.msk [tilespmem:v46+s21+$0x0], $0xffff;
	v20 =	vor.u32 v20, v23  }
0x161: {  	v48 =	vor.u32 v11, v22;
	_ =	sdelay $0x2  }
0x162: {  	v49 =	vor.u32 v12, v21  }
0x163: {  	[tilespmem:v20+s25+$0x0] =	vst.idx.msk $0xffff, v24;
	v20 =	vand.u32 $0x3D8, v49  }
0x164: {  	v24 =	vld.idx.msk [tilespmem:v48+s21+$0x0], $0xffff;
	v20 =	vor.u32 v20, v23  }
0x165: {  	v50 =	vor.u32 v13, v22;
	_ =	sdelay $0x2  }
0x166: {  	v51 =	vor.u32 v14, v21  }
0x167: {  	[tilespmem:v20+s25+$0x0] =	vst.idx.msk $0xffff, v24;
	v20 =	vand.u32 $0x3E8, v51  }
0x168: {  	v24 =	vld.idx.msk [tilespmem:v50+s21+$0x0], $0xffff;
	v20 =	vor.u32 v20, v23  }
0x169: {  	v22 =	vor.u32 v15, v22;
	_ =	sdelay $0x2  }
0x16a: {  	v21 =	vor.u32 v16, v21  }
0x16b: {  	[tilespmem:v20+s25+$0x0] =	vst.idx.msk $0xffff, v24;
	v20 =	vand.u32 $0x3F8, v21;
	v21 =	vadd.s32 s6, v18  }
0x16c: {  	v22 =	vld.idx.msk [tilespmem:v22+s21+$0x0], $0xffff;
	v20 =	vor.u32 v20, v23;
	v23 =	vand.u32 $0x3F, v21  }
0x16d: {  	v52 =	vor.u32 v1, v23;
	_ =	sdelay $0x2  }
0x16e: {  	v21 =	vshll.u32 v21, $0x7  }
0x16f: {  	[tilespmem:v20+s25+$0x0] =	vst.idx.msk $0xffff, v22;
	v20 =	vand.u32 $0x1F80, v21  }
0x170: {  	v22 =	vld.idx.msk [tilespmem:v52+s21+$0x0], $0xffff;
	v20 =	vor.u32 v0, v20  }
0x171: {  	v53 =	vor.u32 v2, v23;
	_ =	sdelay $0x2  }
0x172: {  	v54 =	vand.u32 $0x1C00, v21;
	v55 =	vor.u32 v3, v21  }
0x173: {  	[tilespmem:v20+s25+$0x0] =	vst.idx.msk $0xffff, v22;
	v20 =	vand.u32 $0x398, v55;
	v22 =	vor.u32 v4, v54  }
0x174: {  	v24 =	vld.idx.msk [tilespmem:v53+s21+$0x0], $0xffff;
	v20 =	vor.u32 v20, v22  }
0x175: {  	v56 =	vor.u32 v5, v23;
	_ =	sdelay $0x2  }
0x176: {  	v57 =	vor.u32 v6, v21  }
0x177: {  	[tilespmem:v20+s25+$0x0] =	vst.idx.msk $0xffff, v24;
	v20 =	vand.u32 $0x3A8, v57  }
0x178: {  	v24 =	vld.idx.msk [tilespmem:v56+s21+$0x0], $0xffff;
	v20 =	vor.u32 v20, v22  }
0x179: {  	v58 =	vor.u32 v7, v23;
	_ =	sdelay $0x2  }
0x17a: {  	v59 =	vor.u32 v8, v21  }
0x17b: {  	[tilespmem:v20+s25+$0x0] =	vst.idx.msk $0xffff, v24;
	v20 =	vand.u32 $0x3B8, v59  }
0x17c: {  	v24 =	vld.idx.msk [tilespmem:v58+s21+$0x0], $0xffff;
	v20 =	vor.u32 v20, v22  }
0x17d: {  	v60 =	vor.u32 v9, v23;
	_ =	sdelay $0x2  }
0x17e: {  	v61 =	vor.u32 v10, v21  }
0x17f: {  	[tilespmem:v20+s25+$0x0] =	vst.idx.msk $0xffff, v24;
	v20 =	vand.u32 $0x3C8, v61  }
0x180: {  	v24 =	vld.idx.msk [tilespmem:v60+s21+$0x0], $0xffff;
	v20 =	vor.u32 v20, v22  }
0x181: {  	v62 =	vor.u32 v11, v23;
	_ =	sdelay $0x2  }
0x182: {  	v63 =	vor.u32 v12, v21  }
0x183: {  	[tilespmem:v20+s25+$0x0] =	vst.idx.msk $0xffff, v24;
	v20 =	vand.u32 $0x3D8, v63  }
0x184: {  	v24 =	vld.idx.msk [tilespmem:v62+s21+$0x0], $0xffff;
	v20 =	vor.u32 v20, v22  }
0x185: {  	v28 =	vor.u32 v13, v23;
	_ =	sdelay $0x2  }
0x186: {  	v29 =	vor.u32 v14, v21  }
0x187: {  	[tilespmem:v20+s25+$0x0] =	vst.idx.msk $0xffff, v24;
	v20 =	vand.u32 $0x3E8, v29  }
0x188: {  	v24 =	vld.idx.msk [tilespmem:v28+s21+$0x0], $0xffff;
	v20 =	vor.u32 v20, v22  }
0x189: {  	v23 =	vor.u32 v15, v23;
	_ =	sdelay $0x2  }
0x18a: {  	v21 =	vor.u32 v16, v21  }
0x18b: {  	[tilespmem:v20+s25+$0x0] =	vst.idx.msk $0xffff, v24;
	v20 =	vand.u32 $0x3F8, v21;
	v21 =	vadd.s32 s6, v19  }
0x18c: {  	v23 =	vld.idx.msk [tilespmem:v23+s21+$0x0], $0xffff;
	v20 =	vor.u32 v20, v22;
	v22 =	vand.u32 $0x3F, v21  }
0x18d: {  	v30 =	vor.u32 v1, v22;
	_ =	sdelay $0x2  }
0x18e: {  	v21 =	vshll.u32 v21, $0x7  }
0x18f: {  	[tilespmem:v20+s25+$0x0] =	vst.idx.msk $0xffff, v23;
	v20 =	vand.u32 $0x1F80, v21  }
0x190: {  	v23 =	vld.idx.msk [tilespmem:v30+s21+$0x0], $0xffff;
	v20 =	vor.u32 v0, v20  }
0x191: {  	v31 =	vor.u32 v2, v22;
	_ =	sdelay $0x2  }
0x192: {  	v32 =	vand.u32 $0x1C00, v21;
	v33 =	vor.u32 v3, v21  }
0x193: {  	[tilespmem:v20+s25+$0x0] =	vst.idx.msk $0xffff, v23;
	v20 =	vand.u32 $0x398, v33;
	v23 =	vor.u32 v4, v32  }
0x194: {  	v24 =	vld.idx.msk [tilespmem:v31+s21+$0x0], $0xffff;
	v20 =	vor.u32 v20, v23  }
0x195: {  	v34 =	vor.u32 v5, v22;
	_ =	sdelay $0x2  }
0x196: {  	v35 =	vor.u32 v6, v21  }
0x197: {  	[tilespmem:v20+s25+$0x0] =	vst.idx.msk $0xffff, v24;
	v20 =	vand.u32 $0x3A8, v35  }
0x198: {  	v24 =	vld.idx.msk [tilespmem:v34+s21+$0x0], $0xffff;
	v20 =	vor.u32 v20, v23  }
0x199: {  	v36 =	vor.u32 v7, v22;
	_ =	sdelay $0x2  }
0x19a: {  	v37 =	vor.u32 v8, v21  }
0x19b: {  	[tilespmem:v20+s25+$0x0] =	vst.idx.msk $0xffff, v24;
	v20 =	vand.u32 $0x3B8, v37  }
0x19c: {  	v24 =	vld.idx.msk [tilespmem:v36+s21+$0x0], $0xffff;
	v20 =	vor.u32 v20, v23  }
0x19d: {  	v38 =	vor.u32 v9, v22;
	_ =	sdelay $0x2  }
0x19e: {  	v39 =	vor.u32 v10, v21  }
0x19f: {  	[tilespmem:v20+s25+$0x0] =	vst.idx.msk $0xffff, v24;
	v20 =	vand.u32 $0x3C8, v39  }
0x1a0: {  	v24 =	vld.idx.msk [tilespmem:v38+s21+$0x0], $0xffff;
	v20 =	vor.u32 v20, v23  }
0x1a1: {  	v40 =	vor.u32 v11, v22;
	_ =	sdelay $0x2  }
0x1a2: {  	v41 =	vor.u32 v12, v21  }
0x1a3: {  	[tilespmem:v20+s25+$0x0] =	vst.idx.msk $0xffff, v24;
	v20 =	vand.u32 $0x3D8, v41  }
0x1a4: {  	v24 =	vld.idx.msk [tilespmem:v40+s21+$0x0], $0xffff;
	v20 =	vor.u32 v20, v23  }
0x1a5: {  	v42 =	vor.u32 v13, v22;
	_ =	sdelay $0x2  }
0x1a6: {  	v43 =	vor.u32 v14, v21  }
0x1a7: {  	[tilespmem:v20+s25+$0x0] =	vst.idx.msk $0xffff, v24;
	v20 =	vand.u32 $0x3E8, v43  }
0x1a8: {  	v24 =	vld.idx.msk [tilespmem:v42+s21+$0x0], $0xffff;
	v20 =	vor.u32 v20, v23  }
0x1a9: {  	v22 =	vor.u32 v15, v22;
	_ =	sdelay $0x2  }
0x1aa: {  	v21 =	vor.u32 v16, v21  }
0x1ab: {  	[tilespmem:v20+s25+$0x0] =	vst.idx.msk $0xffff, v24;
	v20 =	vand.u32 $0x3F8, v21  }
0x1ac: {  	v21 =	vld.idx.msk [tilespmem:v22+s21+$0x0], $0xffff;
	v20 =	vor.u32 v20, v23;
	_ =	sdelay $0x4  }
0x1ad: {  	s9 =	rddreg [dreg:$0x6];
	[tilespmem:v20+s25+$0x0] =	vst.idx.msk $0xffff, v21  }
0x1ae: {  	[hbm4b:s9+s26] =	stream.strided.scatter [tilespmem:s25], [sflag:$0x5], $0x2000, s28, s26, $0x38;
	[tilespmem:$0x8100] =	vst v63  }
0x1af: {  	s10 =	simm.s32 $0x0;
	_ =	swait.ge [sflag:s29], $0x2000  }
0x1b0: {  	v20 =	vadd.s32 s10, v0;
	[sflag:s29] =	ssyncset.done $0x0  }
0x1b1: {  	v21 =	vand.u32 $0x3F, v20;
	s7 =	rddreg [dreg:$0x7];
	[sflag:s29] =	ssyncadd.s32 $0xFFFFE000  }
0x1b2: {  	v22 =	vor.u32 v1, v21;
	[tilespmem:s19], [sflag:$0x2] =	stream.linear.gather [hbm4b:s7+s10], $0x80, $0x38;
	[tilespmem:$0x8100] =	vst v63  }
0x1b3: {  	_ =	swait.ge [sflag:s20], $0x80  }
0x1b4: {  	[sflag:s20] =	ssyncset.done $0x0  }
0x1b5: {  	v20 =	vshll.u32 v20, $0x7;
	[sflag:s20] =	ssyncadd.s32 $0xFFFFFF80  }
0x1b6: {  	v23 =	vand.u32 $0x1F80, v20;
	[tilespmem:s21], [sflag:$0x3] =	stream.indirect.gather [hbm4b:s5+s19], $0x40, s10, s19, $0xb8;
	[tilespmem:$0x8100] =	vst v63  }
0x1b7: {  	v23 =	vor.u32 v0, v23;
	v22 =	vld.idx.msk [tilespmem:v22+s24+$0x0], $0xffff  }
0x1b8: {  	v44 =	vor.u32 v2, v21;
	_ =	sdelay $0x2  }
0x1b9: {  	v45 =	vand.u32 $0x1C00, v20;
	v46 =	vor.u32 v3, v20  }
0x1ba: {  	[tilespmem:v23+s30+$0x0] =	vst.idx.msk $0xffff, v22;
	v22 =	vand.u32 $0x398, v46;
	v23 =	vor.u32 v4, v45  }
0x1bb: {  	v24 =	vld.idx.msk [tilespmem:v44+s24+$0x0], $0xffff;
	v22 =	vor.u32 v22, v23  }
0x1bc: {  	v47 =	vor.u32 v5, v21;
	_ =	sdelay $0x2  }
0x1bd: {  	v48 =	vor.u32 v6, v20  }
0x1be: {  	[tilespmem:v22+s30+$0x0] =	vst.idx.msk $0xffff, v24;
	v22 =	vand.u32 $0x3A8, v48  }
0x1bf: {  	v24 =	vld.idx.msk [tilespmem:v47+s24+$0x0], $0xffff;
	v22 =	vor.u32 v22, v23  }
0x1c0: {  	v49 =	vor.u32 v7, v21;
	_ =	sdelay $0x2  }
0x1c1: {  	v50 =	vor.u32 v8, v20  }
0x1c2: {  	[tilespmem:v22+s30+$0x0] =	vst.idx.msk $0xffff, v24;
	v22 =	vand.u32 $0x3B8, v50  }
0x1c3: {  	v24 =	vld.idx.msk [tilespmem:v49+s24+$0x0], $0xffff;
	v22 =	vor.u32 v22, v23  }
0x1c4: {  	v51 =	vor.u32 v9, v21;
	_ =	sdelay $0x2  }
0x1c5: {  	v52 =	vor.u32 v10, v20  }
0x1c6: {  	[tilespmem:v22+s30+$0x0] =	vst.idx.msk $0xffff, v24;
	v22 =	vand.u32 $0x3C8, v52  }
0x1c7: {  	v24 =	vld.idx.msk [tilespmem:v51+s24+$0x0], $0xffff;
	v22 =	vor.u32 v22, v23  }
0x1c8: {  	v53 =	vor.u32 v11, v21;
	_ =	sdelay $0x2  }
0x1c9: {  	v54 =	vor.u32 v12, v20  }
0x1ca: {  	[tilespmem:v22+s30+$0x0] =	vst.idx.msk $0xffff, v24;
	v22 =	vand.u32 $0x3D8, v54  }
0x1cb: {  	v24 =	vld.idx.msk [tilespmem:v53+s24+$0x0], $0xffff;
	v22 =	vor.u32 v22, v23  }
0x1cc: {  	v55 =	vor.u32 v13, v21;
	_ =	sdelay $0x2  }
0x1cd: {  	v56 =	vor.u32 v14, v20  }
0x1ce: {  	[tilespmem:v22+s30+$0x0] =	vst.idx.msk $0xffff, v24;
	v22 =	vand.u32 $0x3E8, v56  }
0x1cf: {  	v24 =	vld.idx.msk [tilespmem:v55+s24+$0x0], $0xffff;
	v22 =	vor.u32 v22, v23  }
0x1d0: {  	v21 =	vor.u32 v15, v21;
	_ =	sdelay $0x2  }
0x1d1: {  	v20 =	vor.u32 v16, v20  }
0x1d2: {  	v20 =	vand.u32 $0x3F8, v20;
	[tilespmem:v22+s30+$0x0] =	vst.idx.msk $0xffff, v24;
	v22 =	vadd.s32 s10, v17  }
0x1d3: {  	v20 =	vor.u32 v20, v23;
	v21 =	vld.idx.msk [tilespmem:v21+s24+$0x0], $0xffff;
	v23 =	vand.u32 $0x3F, v22  }
0x1d4: {  	v57 =	vor.u32 v1, v23;
	_ =	sdelay $0x2  }
0x1d5: {  	v22 =	vshll.u32 v22, $0x7  }
0x1d6: {  	[tilespmem:v20+s30+$0x0] =	vst.idx.msk $0xffff, v21;
	v20 =	vand.u32 $0x1F80, v22  }
0x1d7: {  	v21 =	vld.idx.msk [tilespmem:v57+s24+$0x0], $0xffff;
	v20 =	vor.u32 v0, v20  }
0x1d8: {  	v58 =	vor.u32 v2, v23;
	_ =	sdelay $0x2  }
0x1d9: {  	v59 =	vand.u32 $0x1C00, v22;
	v60 =	vor.u32 v3, v22  }
0x1da: {  	[tilespmem:v20+s30+$0x0] =	vst.idx.msk $0xffff, v21;
	v20 =	vand.u32 $0x398, v60;
	v21 =	vor.u32 v4, v59  }
0x1db: {  	v24 =	vld.idx.msk [tilespmem:v58+s24+$0x0], $0xffff;
	v20 =	vor.u32 v20, v21  }
0x1dc: {  	v61 =	vor.u32 v5, v23;
	_ =	sdelay $0x2  }
0x1dd: {  	v62 =	vor.u32 v6, v22  }
0x1de: {  	[tilespmem:v20+s30+$0x0] =	vst.idx.msk $0xffff, v24;
	v20 =	vand.u32 $0x3A8, v62  }
0x1df: {  	v24 =	vld.idx.msk [tilespmem:v61+s24+$0x0], $0xffff;
	v20 =	vor.u32 v20, v21  }
0x1e0: {  	v63 =	vor.u32 v7, v23;
	_ =	sdelay $0x2  }
0x1e1: {  	v28 =	vor.u32 v8, v22  }
0x1e2: {  	[tilespmem:v20+s30+$0x0] =	vst.idx.msk $0xffff, v24;
	v20 =	vand.u32 $0x3B8, v28  }
0x1e3: {  	v24 =	vld.idx.msk [tilespmem:v63+s24+$0x0], $0xffff;
	v20 =	vor.u32 v20, v21  }
0x1e4: {  	v29 =	vor.u32 v9, v23;
	_ =	sdelay $0x2  }
0x1e5: {  	v30 =	vor.u32 v10, v22  }
0x1e6: {  	[tilespmem:v20+s30+$0x0] =	vst.idx.msk $0xffff, v24;
	v20 =	vand.u32 $0x3C8, v30  }
0x1e7: {  	v24 =	vld.idx.msk [tilespmem:v29+s24+$0x0], $0xffff;
	v20 =	vor.u32 v20, v21  }
0x1e8: {  	v31 =	vor.u32 v11, v23;
	_ =	sdelay $0x2  }
0x1e9: {  	v32 =	vor.u32 v12, v22  }
0x1ea: {  	[tilespmem:v20+s30+$0x0] =	vst.idx.msk $0xffff, v24;
	v20 =	vand.u32 $0x3D8, v32  }
0x1eb: {  	v24 =	vld.idx.msk [tilespmem:v31+s24+$0x0], $0xffff;
	v20 =	vor.u32 v20, v21  }
0x1ec: {  	v33 =	vor.u32 v13, v23;
	_ =	sdelay $0x2  }
0x1ed: {  	v34 =	vor.u32 v14, v22  }
0x1ee: {  	[tilespmem:v20+s30+$0x0] =	vst.idx.msk $0xffff, v24;
	v20 =	vand.u32 $0x3E8, v34  }
0x1ef: {  	v24 =	vld.idx.msk [tilespmem:v33+s24+$0x0], $0xffff;
	v20 =	vor.u32 v20, v21  }
0x1f0: {  	v23 =	vor.u32 v15, v23;
	_ =	sdelay $0x2  }
0x1f1: {  	v22 =	vor.u32 v16, v22  }
0x1f2: {  	[tilespmem:v20+s30+$0x0] =	vst.idx.msk $0xffff, v24;
	v20 =	vand.u32 $0x3F8, v22;
	v22 =	vadd.s32 s10, v18  }
0x1f3: {  	v23 =	vld.idx.msk [tilespmem:v23+s24+$0x0], $0xffff;
	v20 =	vor.u32 v20, v21;
	v21 =	vand.u32 $0x3F, v22  }
0x1f4: {  	v35 =	vor.u32 v1, v21;
	_ =	sdelay $0x2  }
0x1f5: {  	v22 =	vshll.u32 v22, $0x7  }
0x1f6: {  	[tilespmem:v20+s30+$0x0] =	vst.idx.msk $0xffff, v23;
	v20 =	vand.u32 $0x1F80, v22  }
0x1f7: {  	v23 =	vld.idx.msk [tilespmem:v35+s24+$0x0], $0xffff;
	v20 =	vor.u32 v0, v20  }
0x1f8: {  	v36 =	vor.u32 v2, v21;
	_ =	sdelay $0x2  }
0x1f9: {  	v37 =	vand.u32 $0x1C00, v22;
	v38 =	vor.u32 v3, v22  }
0x1fa: {  	[tilespmem:v20+s30+$0x0] =	vst.idx.msk $0xffff, v23;
	v20 =	vand.u32 $0x398, v38;
	v23 =	vor.u32 v4, v37  }
0x1fb: {  	v24 =	vld.idx.msk [tilespmem:v36+s24+$0x0], $0xffff;
	v20 =	vor.u32 v20, v23  }
0x1fc: {  	v39 =	vor.u32 v5, v21;
	_ =	sdelay $0x2  }
0x1fd: {  	v40 =	vor.u32 v6, v22  }
0x1fe: {  	[tilespmem:v20+s30+$0x0] =	vst.idx.msk $0xffff, v24;
	v20 =	vand.u32 $0x3A8, v40  }
0x1ff: {  	v24 =	vld.idx.msk [tilespmem:v39+s24+$0x0], $0xffff;
	v20 =	vor.u32 v20, v23  }
0x200: {  	v41 =	vor.u32 v7, v21;
	_ =	sdelay $0x2  }
0x201: {  	v42 =	vor.u32 v8, v22  }
0x202: {  	[tilespmem:v20+s30+$0x0] =	vst.idx.msk $0xffff, v24;
	v20 =	vand.u32 $0x3B8, v42  }
0x203: {  	v24 =	vld.idx.msk [tilespmem:v41+s24+$0x0], $0xffff;
	v20 =	vor.u32 v20, v23  }
0x204: {  	v43 =	vor.u32 v9, v21;
	_ =	sdelay $0x2  }
0x205: {  	v44 =	vor.u32 v10, v22  }
0x206: {  	[tilespmem:v20+s30+$0x0] =	vst.idx.msk $0xffff, v24;
	v20 =	vand.u32 $0x3C8, v44  }
0x207: {  	v24 =	vld.idx.msk [tilespmem:v43+s24+$0x0], $0xffff;
	v20 =	vor.u32 v20, v23  }
0x208: {  	v45 =	vor.u32 v11, v21;
	_ =	sdelay $0x2  }
0x209: {  	v46 =	vor.u32 v12, v22  }
0x20a: {  	[tilespmem:v20+s30+$0x0] =	vst.idx.msk $0xffff, v24;
	v20 =	vand.u32 $0x3D8, v46  }
0x20b: {  	v24 =	vld.idx.msk [tilespmem:v45+s24+$0x0], $0xffff;
	v20 =	vor.u32 v20, v23  }
0x20c: {  	v47 =	vor.u32 v13, v21;
	_ =	sdelay $0x2  }
0x20d: {  	v48 =	vor.u32 v14, v22  }
0x20e: {  	[tilespmem:v20+s30+$0x0] =	vst.idx.msk $0xffff, v24;
	v20 =	vand.u32 $0x3E8, v48  }
0x20f: {  	v24 =	vld.idx.msk [tilespmem:v47+s24+$0x0], $0xffff;
	v20 =	vor.u32 v20, v23  }
0x210: {  	v21 =	vor.u32 v15, v21;
	_ =	sdelay $0x2  }
0x211: {  	v22 =	vor.u32 v16, v22  }
0x212: {  	[tilespmem:v20+s30+$0x0] =	vst.idx.msk $0xffff, v24;
	v20 =	vand.u32 $0x3F8, v22;
	v22 =	vadd.s32 s10, v19  }
0x213: {  	v21 =	vld.idx.msk [tilespmem:v21+s24+$0x0], $0xffff;
	v20 =	vor.u32 v20, v23;
	v23 =	vand.u32 $0x3F, v22  }
0x214: {  	v49 =	vor.u32 v1, v23;
	_ =	sdelay $0x2  }
0x215: {  	v22 =	vshll.u32 v22, $0x7  }
0x216: {  	[tilespmem:v20+s30+$0x0] =	vst.idx.msk $0xffff, v21;
	v20 =	vand.u32 $0x1F80, v22  }
0x217: {  	v21 =	vld.idx.msk [tilespmem:v49+s24+$0x0], $0xffff;
	v20 =	vor.u32 v0, v20  }
0x218: {  	v50 =	vor.u32 v2, v23;
	_ =	sdelay $0x2  }
0x219: {  	v51 =	vand.u32 $0x1C00, v22;
	v52 =	vor.u32 v3, v22  }
0x21a: {  	[tilespmem:v20+s30+$0x0] =	vst.idx.msk $0xffff, v21;
	v21 =	vand.u32 $0x398, v52;
	v20 =	vor.u32 v4, v51  }
0x21b: {  	v24 =	vld.idx.msk [tilespmem:v50+s24+$0x0], $0xffff;
	v21 =	vor.u32 v21, v20  }
0x21c: {  	v53 =	vor.u32 v5, v23;
	_ =	sdelay $0x2  }
0x21d: {  	v54 =	vor.u32 v6, v22  }
0x21e: {  	[tilespmem:v21+s30+$0x0] =	vst.idx.msk $0xffff, v24;
	v21 =	vand.u32 $0x3A8, v54  }
0x21f: {  	v24 =	vld.idx.msk [tilespmem:v53+s24+$0x0], $0xffff;
	v21 =	vor.u32 v21, v20  }
0x220: {  	v55 =	vor.u32 v7, v23;
	_ =	sdelay $0x2  }
0x221: {  	v56 =	vor.u32 v8, v22  }
0x222: {  	[tilespmem:v21+s30+$0x0] =	vst.idx.msk $0xffff, v24;
	v21 =	vand.u32 $0x3B8, v56  }
0x223: {  	v24 =	vld.idx.msk [tilespmem:v55+s24+$0x0], $0xffff;
	v21 =	vor.u32 v21, v20  }
0x224: {  	v57 =	vor.u32 v9, v23;
	_ =	sdelay $0x2  }
0x225: {  	v58 =	vor.u32 v10, v22  }
0x226: {  	[tilespmem:v21+s30+$0x0] =	vst.idx.msk $0xffff, v24;
	v21 =	vand.u32 $0x3C8, v58  }
0x227: {  	v24 =	vld.idx.msk [tilespmem:v57+s24+$0x0], $0xffff;
	v21 =	vor.u32 v21, v20  }
0x228: {  	v59 =	vor.u32 v11, v23;
	_ =	sdelay $0x2  }
0x229: {  	v60 =	vor.u32 v12, v22  }
0x22a: {  	[tilespmem:v21+s30+$0x0] =	vst.idx.msk $0xffff, v24;
	v21 =	vand.u32 $0x3D8, v60  }
0x22b: {  	v24 =	vld.idx.msk [tilespmem:v59+s24+$0x0], $0xffff;
	v21 =	vor.u32 v21, v20  }
0x22c: {  	v61 =	vor.u32 v13, v23;
	_ =	sdelay $0x2  }
0x22d: {  	v62 =	vor.u32 v14, v22  }
0x22e: {  	[tilespmem:v21+s30+$0x0] =	vst.idx.msk $0xffff, v24;
	v21 =	vand.u32 $0x3E8, v62  }
0x22f: {  	v24 =	vld.idx.msk [tilespmem:v61+s24+$0x0], $0xffff;
	v21 =	vor.u32 v21, v20  }
0x230: {  	v23 =	vor.u32 v15, v23;
	_ =	sdelay $0x3  }
0x231: {  	s6 =	simm.s32 $0x4;
	v63 =	vor.u32 v16, v22;
	[tilespmem:v21+s30+$0x0] =	vst.idx.msk $0xffff, v24  }
0x232: {  	s7 =	simm.s32 $0x8;
	v21 =	vadd.s32 s6, v0;
	v22 =	vld.idx.msk [tilespmem:v23+s24+$0x0], $0xffff;
	v23 =	vand.u32 $0x3F8, v63  }
.LBB2_4:
0x233: {  	p0 =	sne.s32 s7, $0x3C;
	v24 =	vand.u32 $0x3F, v21;
	v20 =	vor.u32 v23, v20  }
0x234: {  	v23 =	vor.u32 v1, v24;
	_ =	sdelay $0x3  }
0x235: {  	v21 =	vshll.u32 v21, $0x7;
	[tilespmem:v20+s30+$0x0] =	vst.idx.msk $0xffff, v22  }
0x236: {  	v22 =	vand.u32 $0x1F80, v21;
	v20 =	vld.idx.msk [tilespmem:v23+s24+$0x0], $0xffff  }
0x237: {  	v22 =	vor.u32 v0, v22  }
0x238: {  	v23 =	vor.u32 v2, v24;
	_ =	sdelay $0x3  }
0x239: {  	v25 =	vand.u32 $0x1C00, v21;
	[tilespmem:v22+s30+$0x0] =	vst.idx.msk $0xffff, v20;
	v20 =	vor.u32 v3, v21  }
0x23a: {  	v22 =	vld.idx.msk [tilespmem:v23+s24+$0x0], $0xffff;
	v20 =	vand.u32 $0x398, v20;
	v23 =	vor.u32 v4, v25  }
0x23b: {  	v20 =	vor.u32 v20, v23  }
0x23c: {  	v25 =	vor.u32 v5, v24;
	_ =	sdelay $0x3  }
0x23d: {  	[tilespmem:v20+s30+$0x0] =	vst.idx.msk $0xffff, v22;
	v20 =	vor.u32 v6, v21  }
0x23e: {  	v22 =	vld.idx.msk [tilespmem:v25+s24+$0x0], $0xffff;
	v20 =	vand.u32 $0x3A8, v20  }
0x23f: {  	v20 =	vor.u32 v20, v23  }
0x240: {  	v25 =	vor.u32 v7, v24;
	_ =	sdelay $0x3  }
0x241: {  	[tilespmem:v20+s30+$0x0] =	vst.idx.msk $0xffff, v22;
	v20 =	vor.u32 v8, v21  }
0x242: {  	v22 =	vld.idx.msk [tilespmem:v25+s24+$0x0], $0xffff;
	v20 =	vand.u32 $0x3B8, v20  }
0x243: {  	v20 =	vor.u32 v20, v23  }
0x244: {  	v25 =	vor.u32 v9, v24;
	_ =	sdelay $0x3  }
0x245: {  	[tilespmem:v20+s30+$0x0] =	vst.idx.msk $0xffff, v22;
	v20 =	vor.u32 v10, v21  }
0x246: {  	v22 =	vld.idx.msk [tilespmem:v25+s24+$0x0], $0xffff;
	v20 =	vand.u32 $0x3C8, v20  }
0x247: {  	v20 =	vor.u32 v20, v23  }
0x248: {  	v25 =	vor.u32 v11, v24;
	_ =	sdelay $0x3  }
0x249: {  	[tilespmem:v20+s30+$0x0] =	vst.idx.msk $0xffff, v22;
	v20 =	vor.u32 v12, v21  }
0x24a: {  	v22 =	vld.idx.msk [tilespmem:v25+s24+$0x0], $0xffff;
	v20 =	vand.u32 $0x3D8, v20  }
0x24b: {  	v20 =	vor.u32 v20, v23  }
0x24c: {  	v25 =	vor.u32 v13, v24;
	_ =	sdelay $0x3  }
0x24d: {  	[tilespmem:v20+s30+$0x0] =	vst.idx.msk $0xffff, v22;
	v20 =	vor.u32 v14, v21  }
0x24e: {  	v22 =	vld.idx.msk [tilespmem:v25+s24+$0x0], $0xffff;
	v20 =	vand.u32 $0x3E8, v20  }
0x24f: {  	v20 =	vor.u32 v20, v23  }
0x250: {  	v24 =	vor.u32 v15, v24;
	_ =	sdelay $0x3  }
0x251: {  	[tilespmem:v20+s30+$0x0] =	vst.idx.msk $0xffff, v22;
	v20 =	vor.u32 v16, v21  }
0x252: {  	v22 =	vadd.s32 s6, v17;
	v21 =	vld.idx.msk [tilespmem:v24+s24+$0x0], $0xffff;
	v20 =	vand.u32 $0x3F8, v20  }
0x253: {  	v20 =	vor.u32 v20, v23;
	v23 =	vand.u32 $0x3F, v22  }
0x254: {  	v24 =	vor.u32 v1, v23;
	_ =	sdelay $0x3  }
0x255: {  	[tilespmem:v20+s30+$0x0] =	vst.idx.msk $0xffff, v21;
	v20 =	vshll.u32 v22, $0x7  }
0x256: {  	v21 =	vld.idx.msk [tilespmem:v24+s24+$0x0], $0xffff;
	v22 =	vand.u32 $0x1F80, v20  }
0x257: {  	v22 =	vor.u32 v0, v22  }
0x258: {  	v24 =	vor.u32 v2, v23;
	_ =	sdelay $0x3  }
0x259: {  	v25 =	vand.u32 $0x1C00, v20;
	[tilespmem:v22+s30+$0x0] =	vst.idx.msk $0xffff, v21;
	v21 =	vor.u32 v3, v20  }
0x25a: {  	v22 =	vld.idx.msk [tilespmem:v24+s24+$0x0], $0xffff;
	v21 =	vand.u32 $0x398, v21;
	v24 =	vor.u32 v4, v25  }
0x25b: {  	v21 =	vor.u32 v21, v24  }
0x25c: {  	v25 =	vor.u32 v5, v23;
	_ =	sdelay $0x3  }
0x25d: {  	[tilespmem:v21+s30+$0x0] =	vst.idx.msk $0xffff, v22;
	v21 =	vor.u32 v6, v20  }
0x25e: {  	v22 =	vld.idx.msk [tilespmem:v25+s24+$0x0], $0xffff;
	v21 =	vand.u32 $0x3A8, v21  }
0x25f: {  	v21 =	vor.u32 v21, v24  }
0x260: {  	v25 =	vor.u32 v7, v23;
	_ =	sdelay $0x3  }
0x261: {  	[tilespmem:v21+s30+$0x0] =	vst.idx.msk $0xffff, v22;
	v21 =	vor.u32 v8, v20  }
0x262: {  	v22 =	vld.idx.msk [tilespmem:v25+s24+$0x0], $0xffff;
	v21 =	vand.u32 $0x3B8, v21  }
0x263: {  	v21 =	vor.u32 v21, v24  }
0x264: {  	v25 =	vor.u32 v9, v23;
	_ =	sdelay $0x3  }
0x265: {  	[tilespmem:v21+s30+$0x0] =	vst.idx.msk $0xffff, v22;
	v21 =	vor.u32 v10, v20  }
0x266: {  	v22 =	vld.idx.msk [tilespmem:v25+s24+$0x0], $0xffff;
	v21 =	vand.u32 $0x3C8, v21  }
0x267: {  	v21 =	vor.u32 v21, v24  }
0x268: {  	v25 =	vor.u32 v11, v23;
	_ =	sdelay $0x3  }
0x269: {  	[tilespmem:v21+s30+$0x0] =	vst.idx.msk $0xffff, v22;
	v21 =	vor.u32 v12, v20  }
0x26a: {  	v22 =	vld.idx.msk [tilespmem:v25+s24+$0x0], $0xffff;
	v21 =	vand.u32 $0x3D8, v21  }
0x26b: {  	v21 =	vor.u32 v21, v24  }
0x26c: {  	v25 =	vor.u32 v13, v23;
	_ =	sdelay $0x3  }
0x26d: {  	[tilespmem:v21+s30+$0x0] =	vst.idx.msk $0xffff, v22;
	v21 =	vor.u32 v14, v20  }
0x26e: {  	v22 =	vld.idx.msk [tilespmem:v25+s24+$0x0], $0xffff;
	v21 =	vand.u32 $0x3E8, v21  }
0x26f: {  	v21 =	vor.u32 v21, v24  }
0x270: {  	v23 =	vor.u32 v15, v23;
	_ =	sdelay $0x3  }
0x271: {  	v20 =	vor.u32 v16, v20;
	[tilespmem:v21+s30+$0x0] =	vst.idx.msk $0xffff, v22  }
0x272: {  	v20 =	vand.u32 $0x3F8, v20;
	v22 =	vadd.s32 s6, v18;
	v21 =	vld.idx.msk [tilespmem:v23+s24+$0x0], $0xffff  }
0x273: {  	v20 =	vor.u32 v20, v24;
	v23 =	vand.u32 $0x3F, v22  }
0x274: {  	v24 =	vor.u32 v1, v23;
	_ =	sdelay $0x3  }
0x275: {  	[tilespmem:v20+s30+$0x0] =	vst.idx.msk $0xffff, v21;
	v20 =	vshll.u32 v22, $0x7  }
0x276: {  	v21 =	vld.idx.msk [tilespmem:v24+s24+$0x0], $0xffff;
	v22 =	vand.u32 $0x1F80, v20  }
0x277: {  	v22 =	vor.u32 v0, v22  }
0x278: {  	v24 =	vor.u32 v2, v23;
	_ =	sdelay $0x3  }
0x279: {  	v25 =	vand.u32 $0x1C00, v20;
	[tilespmem:v22+s30+$0x0] =	vst.idx.msk $0xffff, v21;
	v21 =	vor.u32 v3, v20  }
0x27a: {  	v22 =	vld.idx.msk [tilespmem:v24+s24+$0x0], $0xffff;
	v21 =	vand.u32 $0x398, v21;
	v24 =	vor.u32 v4, v25  }
0x27b: {  	v21 =	vor.u32 v21, v24  }
0x27c: {  	v25 =	vor.u32 v5, v23;
	_ =	sdelay $0x3  }
0x27d: {  	[tilespmem:v21+s30+$0x0] =	vst.idx.msk $0xffff, v22;
	v21 =	vor.u32 v6, v20  }
0x27e: {  	v22 =	vld.idx.msk [tilespmem:v25+s24+$0x0], $0xffff;
	v21 =	vand.u32 $0x3A8, v21  }
0x27f: {  	v21 =	vor.u32 v21, v24  }
0x280: {  	v25 =	vor.u32 v7, v23;
	_ =	sdelay $0x3  }
0x281: {  	[tilespmem:v21+s30+$0x0] =	vst.idx.msk $0xffff, v22;
	v21 =	vor.u32 v8, v20  }
0x282: {  	v22 =	vld.idx.msk [tilespmem:v25+s24+$0x0], $0xffff;
	v21 =	vand.u32 $0x3B8, v21  }
0x283: {  	v21 =	vor.u32 v21, v24  }
0x284: {  	v25 =	vor.u32 v9, v23;
	_ =	sdelay $0x3  }
0x285: {  	[tilespmem:v21+s30+$0x0] =	vst.idx.msk $0xffff, v22;
	v21 =	vor.u32 v10, v20  }
0x286: {  	v22 =	vld.idx.msk [tilespmem:v25+s24+$0x0], $0xffff;
	v21 =	vand.u32 $0x3C8, v21  }
0x287: {  	v21 =	vor.u32 v21, v24  }
0x288: {  	v25 =	vor.u32 v11, v23;
	_ =	sdelay $0x3  }
0x289: {  	[tilespmem:v21+s30+$0x0] =	vst.idx.msk $0xffff, v22;
	v21 =	vor.u32 v12, v20  }
0x28a: {  	v22 =	vld.idx.msk [tilespmem:v25+s24+$0x0], $0xffff;
	v21 =	vand.u32 $0x3D8, v21  }
0x28b: {  	v21 =	vor.u32 v21, v24  }
0x28c: {  	v25 =	vor.u32 v13, v23;
	_ =	sdelay $0x3  }
0x28d: {  	[tilespmem:v21+s30+$0x0] =	vst.idx.msk $0xffff, v22;
	v21 =	vor.u32 v14, v20  }
0x28e: {  	v22 =	vld.idx.msk [tilespmem:v25+s24+$0x0], $0xffff;
	v21 =	vand.u32 $0x3E8, v21  }
0x28f: {  	v21 =	vor.u32 v21, v24  }
0x290: {  	v23 =	vor.u32 v15, v23;
	_ =	sdelay $0x3  }
0x291: {  	v20 =	vor.u32 v16, v20;
	[tilespmem:v21+s30+$0x0] =	vst.idx.msk $0xffff, v22  }
0x292: {  	v20 =	vand.u32 $0x3F8, v20;
	v22 =	vadd.s32 s6, v19;
	s6 =	smov.u32 s7;
	v21 =	vld.idx.msk [tilespmem:v23+s24+$0x0], $0xffff  }
0x293: {  	v20 =	vor.u32 v20, v24;
	v23 =	vand.u32 $0x3F, v22  }
0x294: {  	v24 =	vor.u32 v1, v23;
	_ =	sdelay $0x3  }
0x295: {  	[tilespmem:v20+s30+$0x0] =	vst.idx.msk $0xffff, v21;
	v21 =	vshll.u32 v22, $0x7  }
0x296: {  	v20 =	vld.idx.msk [tilespmem:v24+s24+$0x0], $0xffff;
	v22 =	vand.u32 $0x1F80, v21  }
0x297: {  	v22 =	vor.u32 v0, v22  }
0x298: {  	v24 =	vor.u32 v2, v23;
	_ =	sdelay $0x3  }
0x299: {  	v25 =	vand.u32 $0x1C00, v21;
	[tilespmem:v22+s30+$0x0] =	vst.idx.msk $0xffff, v20;
	v20 =	vor.u32 v3, v21  }
0x29a: {  	v22 =	vld.idx.msk [tilespmem:v24+s24+$0x0], $0xffff;
	v24 =	vand.u32 $0x398, v20;
	v20 =	vor.u32 v4, v25  }
0x29b: {  	v24 =	vor.u32 v24, v20  }
0x29c: {  	v25 =	vor.u32 v5, v23;
	_ =	sdelay $0x3  }
0x29d: {  	[tilespmem:v24+s30+$0x0] =	vst.idx.msk $0xffff, v22;
	v22 =	vor.u32 v6, v21  }
0x29e: {  	v24 =	vld.idx.msk [tilespmem:v25+s24+$0x0], $0xffff;
	v22 =	vand.u32 $0x3A8, v22  }
0x29f: {  	v22 =	vor.u32 v22, v20  }
0x2a0: {  	v25 =	vor.u32 v7, v23;
	_ =	sdelay $0x3  }
0x2a1: {  	[tilespmem:v22+s30+$0x0] =	vst.idx.msk $0xffff, v24;
	v22 =	vor.u32 v8, v21  }
0x2a2: {  	v24 =	vld.idx.msk [tilespmem:v25+s24+$0x0], $0xffff;
	v22 =	vand.u32 $0x3B8, v22  }
0x2a3: {  	v22 =	vor.u32 v22, v20  }
0x2a4: {  	v25 =	vor.u32 v9, v23;
	_ =	sdelay $0x3  }
0x2a5: {  	[tilespmem:v22+s30+$0x0] =	vst.idx.msk $0xffff, v24;
	v22 =	vor.u32 v10, v21  }
0x2a6: {  	v24 =	vld.idx.msk [tilespmem:v25+s24+$0x0], $0xffff;
	v22 =	vand.u32 $0x3C8, v22  }
0x2a7: {  	v22 =	vor.u32 v22, v20  }
0x2a8: {  	v25 =	vor.u32 v11, v23;
	_ =	sdelay $0x3  }
0x2a9: {  	[tilespmem:v22+s30+$0x0] =	vst.idx.msk $0xffff, v24;
	v22 =	vor.u32 v12, v21  }
0x2aa: {  	v24 =	vld.idx.msk [tilespmem:v25+s24+$0x0], $0xffff;
	v22 =	vand.u32 $0x3D8, v22  }
0x2ab: {  	v22 =	vor.u32 v22, v20  }
0x2ac: {  	v25 =	vor.u32 v13, v23;
	_ =	sdelay $0x3  }
0x2ad: {  	[tilespmem:v22+s30+$0x0] =	vst.idx.msk $0xffff, v24;
	v22 =	vor.u32 v14, v21  }
0x2ae: {  	v24 =	vld.idx.msk [tilespmem:v25+s24+$0x0], $0xffff;
	v22 =	vand.u32 $0x3E8, v22  }
0x2af: {  	v22 =	vor.u32 v22, v20  }
0x2b0: {  	v23 =	vor.u32 v15, v23  }
.Ltmp1:
0x2b1: {  	(pc) =	sbr.rel @p0 .LBB2_4-.Ltmp1, $3  }
0x2b2: {  	_ =	sdelay $0x1  }
0x2b3: {  	[tilespmem:v22+s30+$0x0] =	vst.idx.msk $0xffff, v24;
	v24 =	vor.u32 v16, v21  }
0x2b4: {  	s7 =	sadd.s32 $0x4, s7;
	v21 =	vadd.s32 s6, v0;
	v22 =	vld.idx.msk [tilespmem:v23+s24+$0x0], $0xffff;
	v23 =	vand.u32 $0x3F8, v24  }
0x2b5: {  	v24 =	vand.u32 $0x3F, v21;
	v20 =	vor.u32 v23, v20  }
0x2b6: {  	v34 =	vor.u32 v1, v24;
	_ =	sdelay $0x2  }
0x2b7: {  	v35 =	vshll.u32 v21, $0x7  }
0x2b8: {  	[tilespmem:v20+s30+$0x0] =	vst.idx.msk $0xffff, v22;
	v20 =	vand.u32 $0x1F80, v35  }
0x2b9: {  	v22 =	vld.idx.msk [tilespmem:v34+s24+$0x0], $0xffff;
	v20 =	vor.u32 v0, v20  }
0x2ba: {  	v36 =	vor.u32 v2, v24;
	_ =	sdelay $0x2  }
0x2bb: {  	v25 =	vand.u32 $0x1C00, v35;
	v26 =	vor.u32 v3, v35  }
0x2bc: {  	v37 =	vor.u32 v4, v25;
	[tilespmem:v20+s30+$0x0] =	vst.idx.msk $0xffff, v22;
	v20 =	vand.u32 $0x398, v26  }
0x2bd: {  	v23 =	vld.idx.msk [tilespmem:v36+s24+$0x0], $0xffff;
	v20 =	vor.u32 v20, v37  }
0x2be: {  	v38 =	vor.u32 v5, v24;
	_ =	sdelay $0x2  }
0x2bf: {  	v39 =	vor.u32 v6, v35  }
0x2c0: {  	[tilespmem:v20+s30+$0x0] =	vst.idx.msk $0xffff, v23;
	v20 =	vand.u32 $0x3A8, v39  }
0x2c1: {  	v23 =	vld.idx.msk [tilespmem:v38+s24+$0x0], $0xffff;
	v20 =	vor.u32 v20, v37  }
0x2c2: {  	v40 =	vor.u32 v7, v24;
	_ =	sdelay $0x2  }
0x2c3: {  	v41 =	vor.u32 v8, v35  }
0x2c4: {  	[tilespmem:v20+s30+$0x0] =	vst.idx.msk $0xffff, v23;
	v20 =	vand.u32 $0x3B8, v41  }
0x2c5: {  	v23 =	vld.idx.msk [tilespmem:v40+s24+$0x0], $0xffff;
	v20 =	vor.u32 v20, v37  }
0x2c6: {  	v42 =	vor.u32 v9, v24;
	_ =	sdelay $0x2  }
0x2c7: {  	v43 =	vor.u32 v10, v35  }
0x2c8: {  	[tilespmem:v20+s30+$0x0] =	vst.idx.msk $0xffff, v23;
	v20 =	vand.u32 $0x3C8, v43  }
0x2c9: {  	v23 =	vld.idx.msk [tilespmem:v42+s24+$0x0], $0xffff;
	v20 =	vor.u32 v20, v37  }
0x2ca: {  	v44 =	vor.u32 v11, v24;
	_ =	sdelay $0x2  }
0x2cb: {  	v45 =	vor.u32 v12, v35  }
0x2cc: {  	[tilespmem:v20+s30+$0x0] =	vst.idx.msk $0xffff, v23;
	v20 =	vand.u32 $0x3D8, v45  }
0x2cd: {  	v23 =	vld.idx.msk [tilespmem:v44+s24+$0x0], $0xffff;
	v20 =	vor.u32 v20, v37  }
0x2ce: {  	v46 =	vor.u32 v13, v24;
	_ =	sdelay $0x2  }
0x2cf: {  	v47 =	vor.u32 v14, v35  }
0x2d0: {  	[tilespmem:v20+s30+$0x0] =	vst.idx.msk $0xffff, v23;
	v20 =	vand.u32 $0x3E8, v47  }
0x2d1: {  	v23 =	vld.idx.msk [tilespmem:v46+s24+$0x0], $0xffff;
	v20 =	vor.u32 v20, v37  }
0x2d2: {  	v24 =	vor.u32 v15, v24;
	_ =	sdelay $0x2  }
0x2d3: {  	v21 =	vor.u32 v16, v35  }
0x2d4: {  	v48 =	vadd.s32 s6, v17;
	[tilespmem:v20+s30+$0x0] =	vst.idx.msk $0xffff, v23;
	v20 =	vand.u32 $0x3F8, v21  }
0x2d5: {  	v49 =	vand.u32 $0x3F, v48;
	v23 =	vld.idx.msk [tilespmem:v24+s24+$0x0], $0xffff;
	v20 =	vor.u32 v20, v37  }
0x2d6: {  	v50 =	vor.u32 v1, v49;
	_ =	sdelay $0x2  }
0x2d7: {  	v21 =	vshll.u32 v48, $0x7  }
0x2d8: {  	[tilespmem:v20+s30+$0x0] =	vst.idx.msk $0xffff, v23;
	v20 =	vand.u32 $0x1F80, v21  }
0x2d9: {  	v23 =	vld.idx.msk [tilespmem:v50+s24+$0x0], $0xffff;
	v20 =	vor.u32 v0, v20  }
0x2da: {  	v51 =	vor.u32 v2, v49;
	_ =	sdelay $0x2  }
0x2db: {  	v52 =	vand.u32 $0x1C00, v21;
	v53 =	vor.u32 v3, v21  }
0x2dc: {  	v54 =	vor.u32 v4, v52;
	[tilespmem:v20+s30+$0x0] =	vst.idx.msk $0xffff, v23;
	v20 =	vand.u32 $0x398, v53  }
0x2dd: {  	v24 =	vld.idx.msk [tilespmem:v51+s24+$0x0], $0xffff;
	v20 =	vor.u32 v20, v54  }
0x2de: {  	v55 =	vor.u32 v5, v49;
	_ =	sdelay $0x2  }
0x2df: {  	v56 =	vor.u32 v6, v21  }
0x2e0: {  	[tilespmem:v20+s30+$0x0] =	vst.idx.msk $0xffff, v24;
	v20 =	vand.u32 $0x3A8, v56  }
0x2e1: {  	v24 =	vld.idx.msk [tilespmem:v55+s24+$0x0], $0xffff;
	v20 =	vor.u32 v20, v54  }
0x2e2: {  	v57 =	vor.u32 v7, v49;
	_ =	sdelay $0x2  }
0x2e3: {  	v58 =	vor.u32 v8, v21  }
0x2e4: {  	[tilespmem:v20+s30+$0x0] =	vst.idx.msk $0xffff, v24;
	v20 =	vand.u32 $0x3B8, v58  }
0x2e5: {  	v24 =	vld.idx.msk [tilespmem:v57+s24+$0x0], $0xffff;
	v20 =	vor.u32 v20, v54  }
0x2e6: {  	v59 =	vor.u32 v9, v49;
	_ =	sdelay $0x2  }
0x2e7: {  	v60 =	vor.u32 v10, v21  }
0x2e8: {  	[tilespmem:v20+s30+$0x0] =	vst.idx.msk $0xffff, v24;
	v20 =	vand.u32 $0x3C8, v60  }
0x2e9: {  	v24 =	vld.idx.msk [tilespmem:v59+s24+$0x0], $0xffff;
	v20 =	vor.u32 v20, v54  }
0x2ea: {  	v61 =	vor.u32 v11, v49;
	_ =	sdelay $0x2  }
0x2eb: {  	v62 =	vor.u32 v12, v21  }
0x2ec: {  	[tilespmem:v20+s30+$0x0] =	vst.idx.msk $0xffff, v24;
	v20 =	vand.u32 $0x3D8, v62  }
0x2ed: {  	v24 =	vld.idx.msk [tilespmem:v61+s24+$0x0], $0xffff;
	v20 =	vor.u32 v20, v54  }
0x2ee: {  	v63 =	vor.u32 v13, v49;
	_ =	sdelay $0x2  }
0x2ef: {  	v28 =	vor.u32 v14, v21  }
0x2f0: {  	[tilespmem:v20+s30+$0x0] =	vst.idx.msk $0xffff, v24;
	v20 =	vand.u32 $0x3E8, v28  }
0x2f1: {  	v24 =	vld.idx.msk [tilespmem:v63+s24+$0x0], $0xffff;
	v20 =	vor.u32 v20, v54  }
0x2f2: {  	v22 =	vor.u32 v15, v49;
	_ =	sdelay $0x2  }
0x2f3: {  	v21 =	vor.u32 v16, v21  }
0x2f4: {  	v29 =	vadd.s32 s6, v18;
	[tilespmem:v20+s30+$0x0] =	vst.idx.msk $0xffff, v24;
	v20 =	vand.u32 $0x3F8, v21  }
0x2f5: {  	v30 =	vand.u32 $0x3F, v29;
	v22 =	vld.idx.msk [tilespmem:v22+s24+$0x0], $0xffff;
	v20 =	vor.u32 v20, v54  }
0x2f6: {  	v31 =	vor.u32 v1, v30;
	_ =	sdelay $0x2  }
0x2f7: {  	v21 =	vshll.u32 v29, $0x7  }
0x2f8: {  	[tilespmem:v20+s30+$0x0] =	vst.idx.msk $0xffff, v22;
	v20 =	vand.u32 $0x1F80, v21  }
0x2f9: {  	v22 =	vld.idx.msk [tilespmem:v31+s24+$0x0], $0xffff;
	v20 =	vor.u32 v0, v20  }
0x2fa: {  	v32 =	vor.u32 v2, v30;
	_ =	sdelay $0x2  }
0x2fb: {  	v33 =	vand.u32 $0x1C00, v21;
	v34 =	vor.u32 v3, v21  }
0x2fc: {  	v35 =	vor.u32 v4, v33;
	[tilespmem:v20+s30+$0x0] =	vst.idx.msk $0xffff, v22;
	v20 =	vand.u32 $0x398, v34  }
0x2fd: {  	v24 =	vld.idx.msk [tilespmem:v32+s24+$0x0], $0xffff;
	v20 =	vor.u32 v20, v35  }
0x2fe: {  	v36 =	vor.u32 v5, v30;
	_ =	sdelay $0x2  }
0x2ff: {  	v37 =	vor.u32 v6, v21  }
0x300: {  	[tilespmem:v20+s30+$0x0] =	vst.idx.msk $0xffff, v24;
	v20 =	vand.u32 $0x3A8, v37  }
0x301: {  	v24 =	vld.idx.msk [tilespmem:v36+s24+$0x0], $0xffff;
	v20 =	vor.u32 v20, v35  }
0x302: {  	v38 =	vor.u32 v7, v30;
	_ =	sdelay $0x2  }
0x303: {  	v39 =	vor.u32 v8, v21  }
0x304: {  	[tilespmem:v20+s30+$0x0] =	vst.idx.msk $0xffff, v24;
	v20 =	vand.u32 $0x3B8, v39  }
0x305: {  	v24 =	vld.idx.msk [tilespmem:v38+s24+$0x0], $0xffff;
	v20 =	vor.u32 v20, v35  }
0x306: {  	v40 =	vor.u32 v9, v30;
	_ =	sdelay $0x2  }
0x307: {  	v41 =	vor.u32 v10, v21  }
0x308: {  	[tilespmem:v20+s30+$0x0] =	vst.idx.msk $0xffff, v24;
	v20 =	vand.u32 $0x3C8, v41  }
0x309: {  	v24 =	vld.idx.msk [tilespmem:v40+s24+$0x0], $0xffff;
	v20 =	vor.u32 v20, v35  }
0x30a: {  	v42 =	vor.u32 v11, v30;
	_ =	sdelay $0x2  }
0x30b: {  	v43 =	vor.u32 v12, v21  }
0x30c: {  	[tilespmem:v20+s30+$0x0] =	vst.idx.msk $0xffff, v24;
	v20 =	vand.u32 $0x3D8, v43  }
0x30d: {  	v24 =	vld.idx.msk [tilespmem:v42+s24+$0x0], $0xffff;
	v20 =	vor.u32 v20, v35  }
0x30e: {  	v44 =	vor.u32 v13, v30;
	_ =	sdelay $0x2  }
0x30f: {  	v45 =	vor.u32 v14, v21  }
0x310: {  	[tilespmem:v20+s30+$0x0] =	vst.idx.msk $0xffff, v24;
	v20 =	vand.u32 $0x3E8, v45  }
0x311: {  	v24 =	vld.idx.msk [tilespmem:v44+s24+$0x0], $0xffff;
	v20 =	vor.u32 v20, v35  }
0x312: {  	v23 =	vor.u32 v15, v30;
	_ =	sdelay $0x2  }
0x313: {  	v21 =	vor.u32 v16, v21  }
0x314: {  	v46 =	vadd.s32 s6, v19;
	[tilespmem:v20+s30+$0x0] =	vst.idx.msk $0xffff, v24;
	v20 =	vand.u32 $0x3F8, v21  }
0x315: {  	v47 =	vand.u32 $0x3F, v46;
	v23 =	vld.idx.msk [tilespmem:v23+s24+$0x0], $0xffff;
	v20 =	vor.u32 v20, v35  }
0x316: {  	v48 =	vor.u32 v1, v47;
	_ =	sdelay $0x2  }
0x317: {  	v21 =	vshll.u32 v46, $0x7  }
0x318: {  	[tilespmem:v20+s30+$0x0] =	vst.idx.msk $0xffff, v23;
	v20 =	vand.u32 $0x1F80, v21  }
0x319: {  	v23 =	vld.idx.msk [tilespmem:v48+s24+$0x0], $0xffff;
	v20 =	vor.u32 v0, v20  }
0x31a: {  	v49 =	vor.u32 v2, v47;
	_ =	sdelay $0x2  }
0x31b: {  	v50 =	vand.u32 $0x1C00, v21;
	v51 =	vor.u32 v3, v21  }
0x31c: {  	v52 =	vor.u32 v4, v50;
	[tilespmem:v20+s30+$0x0] =	vst.idx.msk $0xffff, v23;
	v20 =	vand.u32 $0x398, v51  }
0x31d: {  	v24 =	vld.idx.msk [tilespmem:v49+s24+$0x0], $0xffff;
	v20 =	vor.u32 v20, v52  }
0x31e: {  	v53 =	vor.u32 v5, v47;
	_ =	sdelay $0x2  }
0x31f: {  	v54 =	vor.u32 v6, v21  }
0x320: {  	[tilespmem:v20+s30+$0x0] =	vst.idx.msk $0xffff, v24;
	v20 =	vand.u32 $0x3A8, v54  }
0x321: {  	v24 =	vld.idx.msk [tilespmem:v53+s24+$0x0], $0xffff;
	v20 =	vor.u32 v20, v52  }
0x322: {  	v55 =	vor.u32 v7, v47;
	_ =	sdelay $0x2  }
0x323: {  	v56 =	vor.u32 v8, v21  }
0x324: {  	[tilespmem:v20+s30+$0x0] =	vst.idx.msk $0xffff, v24;
	v20 =	vand.u32 $0x3B8, v56  }
0x325: {  	v24 =	vld.idx.msk [tilespmem:v55+s24+$0x0], $0xffff;
	v20 =	vor.u32 v20, v52  }
0x326: {  	v57 =	vor.u32 v9, v47;
	_ =	sdelay $0x2  }
0x327: {  	v58 =	vor.u32 v10, v21  }
0x328: {  	[tilespmem:v20+s30+$0x0] =	vst.idx.msk $0xffff, v24;
	v20 =	vand.u32 $0x3C8, v58  }
0x329: {  	v24 =	vld.idx.msk [tilespmem:v57+s24+$0x0], $0xffff;
	v20 =	vor.u32 v20, v52  }
0x32a: {  	v59 =	vor.u32 v11, v47;
	_ =	sdelay $0x2  }
0x32b: {  	v60 =	vor.u32 v12, v21  }
0x32c: {  	[tilespmem:v20+s30+$0x0] =	vst.idx.msk $0xffff, v24;
	v20 =	vand.u32 $0x3D8, v60  }
0x32d: {  	v24 =	vld.idx.msk [tilespmem:v59+s24+$0x0], $0xffff;
	v20 =	vor.u32 v20, v52  }
0x32e: {  	v61 =	vor.u32 v13, v47;
	_ =	sdelay $0x2  }
0x32f: {  	v62 =	vor.u32 v14, v21  }
0x330: {  	[tilespmem:v20+s30+$0x0] =	vst.idx.msk $0xffff, v24;
	v20 =	vand.u32 $0x3E8, v62  }
0x331: {  	v24 =	vld.idx.msk [tilespmem:v61+s24+$0x0], $0xffff;
	v20 =	vor.u32 v20, v52  }
0x332: {  	v22 =	vor.u32 v15, v47;
	_ =	sdelay $0x2  }
0x333: {  	v21 =	vor.u32 v16, v21  }
0x334: {  	[tilespmem:v20+s30+$0x0] =	vst.idx.msk $0xffff, v24;
	v20 =	vand.u32 $0x3F8, v21  }
0x335: {  	v63 =	vld.idx.msk [tilespmem:v22+s24+$0x0], $0xffff;
	v20 =	vor.u32 v20, v52;
	_ =	sdelay $0x4  }
0x336: {  	s7 =	simm.s32 $0x0;
	s6 =	simm.s32 $0x0;
	[tilespmem:v20+s30+$0x0] =	vst.idx.msk $0xffff, v63  }
0x337: {  	[hbm4b:s11+s26] =	stream.strided.scatter [tilespmem:s30], [sflag:$0x6], $0x2000, s28, s26, $0x38;
	[tilespmem:$0x8100] =	vst v63  }
.LBB2_6:
0x338: {  	s8 =	sshll.u32 s7, $0x1  }
0x339: {  	s9 =	sadd.s32 s8, s12  }
0x33a: {  	_ =	swait.ge [sflag:s22], $0x2000;
	s9 =	sshll.u32 s9, $0x4  }
0x33b: {  	[sflag:s22] =	ssyncset.done $0x0;
	s9 =	sand.u32 $0xFFFFFE0, s9  }
0x33c: {  	[sflag:s22] =	ssyncadd.s32 $0xFFFFE000;
	s9 =	sadd.s32 s4, s9  }
0x33d: {  	[tilespmem:s6], [sflag:$0x1] =	stream.linear.gather [hbm4b:s9+s6], $0x80, $0x38;
	[tilespmem:$0x8100] =	vst v63  }
0x33e: {  	v20 =	vadd.s32 s6, v0;
	_ =	swait.ge [sflag:s23], $0x80  }
0x33f: {  	v21 =	vand.u32 $0x3F, v20;
	[sflag:s23] =	ssyncset.done $0x0  }
0x340: {  	v22 =	vor.u32 v1, v21;
	[sflag:s23] =	ssyncadd.s32 $0xFFFFFF80  }
0x341: {  	[tilespmem:s24], [sflag:$0x4] =	stream.indirect.gather [hbm4b:s5+s19], $0x40, s19, s19, $0xb8;
	[tilespmem:$0x8100] =	vst v63  }
0x342: {  	_ =	swait.ge [sflag:s31], $0x2000  }
0x343: {  	v20 =	vshll.u32 v20, $0x7;
	[sflag:s31] =	ssyncset.done $0x0  }
0x344: {  	v23 =	vand.u32 $0x1F80, v20;
	[sflag:s31] =	ssyncadd.s32 $0xFFFFE000  }
0x345: {  	v23 =	vor.u32 v0, v23;
	v22 =	vld.idx.msk [tilespmem:v22+s21+$0x0], $0xffff  }
0x346: {  	v24 =	vor.u32 v2, v21;
	_ =	sdelay $0x2  }
0x347: {  	v25 =	vand.u32 $0x1C00, v20;
	v26 =	vor.u32 v3, v20  }
0x348: {  	[tilespmem:v23+s25+$0x0] =	vst.idx.msk $0xffff, v22;
	v22 =	vand.u32 $0x398, v26;
	v23 =	vor.u32 v4, v25  }
0x349: {  	v24 =	vld.idx.msk [tilespmem:v24+s21+$0x0], $0xffff;
	v22 =	vor.u32 v22, v23  }
0x34a: {  	v47 =	vor.u32 v5, v21;
	_ =	sdelay $0x2  }
0x34b: {  	v48 =	vor.u32 v6, v20  }
0x34c: {  	[tilespmem:v22+s25+$0x0] =	vst.idx.msk $0xffff, v24;
	v22 =	vand.u32 $0x3A8, v48  }
0x34d: {  	v24 =	vld.idx.msk [tilespmem:v47+s21+$0x0], $0xffff;
	v22 =	vor.u32 v22, v23  }
0x34e: {  	v49 =	vor.u32 v7, v21;
	_ =	sdelay $0x2  }
0x34f: {  	v50 =	vor.u32 v8, v20  }
0x350: {  	[tilespmem:v22+s25+$0x0] =	vst.idx.msk $0xffff, v24;
	v22 =	vand.u32 $0x3B8, v50  }
0x351: {  	v24 =	vld.idx.msk [tilespmem:v49+s21+$0x0], $0xffff;
	v22 =	vor.u32 v22, v23  }
0x352: {  	v51 =	vor.u32 v9, v21;
	_ =	sdelay $0x2  }
0x353: {  	v52 =	vor.u32 v10, v20  }
0x354: {  	[tilespmem:v22+s25+$0x0] =	vst.idx.msk $0xffff, v24;
	v22 =	vand.u32 $0x3C8, v52  }
0x355: {  	v24 =	vld.idx.msk [tilespmem:v51+s21+$0x0], $0xffff;
	v22 =	vor.u32 v22, v23  }
0x356: {  	v53 =	vor.u32 v11, v21;
	_ =	sdelay $0x2  }
0x357: {  	v54 =	vor.u32 v12, v20  }
0x358: {  	[tilespmem:v22+s25+$0x0] =	vst.idx.msk $0xffff, v24;
	v22 =	vand.u32 $0x3D8, v54  }
0x359: {  	v24 =	vld.idx.msk [tilespmem:v53+s21+$0x0], $0xffff;
	v22 =	vor.u32 v22, v23  }
0x35a: {  	v55 =	vor.u32 v13, v21;
	_ =	sdelay $0x2  }
0x35b: {  	v56 =	vor.u32 v14, v20  }
0x35c: {  	[tilespmem:v22+s25+$0x0] =	vst.idx.msk $0xffff, v24;
	v22 =	vand.u32 $0x3E8, v56  }
0x35d: {  	v24 =	vld.idx.msk [tilespmem:v55+s21+$0x0], $0xffff;
	v22 =	vor.u32 v22, v23  }
0x35e: {  	v21 =	vor.u32 v15, v21;
	_ =	sdelay $0x2  }
0x35f: {  	v20 =	vor.u32 v16, v20  }
0x360: {  	v20 =	vand.u32 $0x3F8, v20;
	[tilespmem:v22+s25+$0x0] =	vst.idx.msk $0xffff, v24;
	v22 =	vadd.s32 s6, v17  }
0x361: {  	v20 =	vor.u32 v20, v23;
	v21 =	vld.idx.msk [tilespmem:v21+s21+$0x0], $0xffff;
	v23 =	vand.u32 $0x3F, v22  }
0x362: {  	v57 =	vor.u32 v1, v23;
	_ =	sdelay $0x2  }
0x363: {  	v22 =	vshll.u32 v22, $0x7  }
0x364: {  	[tilespmem:v20+s25+$0x0] =	vst.idx.msk $0xffff, v21;
	v20 =	vand.u32 $0x1F80, v22  }
0x365: {  	v21 =	vld.idx.msk [tilespmem:v57+s21+$0x0], $0xffff;
	v20 =	vor.u32 v0, v20  }
0x366: {  	v58 =	vor.u32 v2, v23;
	_ =	sdelay $0x2  }
0x367: {  	v59 =	vand.u32 $0x1C00, v22;
	v60 =	vor.u32 v3, v22  }
0x368: {  	[tilespmem:v20+s25+$0x0] =	vst.idx.msk $0xffff, v21;
	v20 =	vand.u32 $0x398, v60;
	v21 =	vor.u32 v4, v59  }
0x369: {  	v24 =	vld.idx.msk [tilespmem:v58+s21+$0x0], $0xffff;
	v20 =	vor.u32 v20, v21  }
0x36a: {  	v61 =	vor.u32 v5, v23;
	_ =	sdelay $0x2  }
0x36b: {  	v62 =	vor.u32 v6, v22  }
0x36c: {  	[tilespmem:v20+s25+$0x0] =	vst.idx.msk $0xffff, v24;
	v20 =	vand.u32 $0x3A8, v62  }
0x36d: {  	v24 =	vld.idx.msk [tilespmem:v61+s21+$0x0], $0xffff;
	v20 =	vor.u32 v20, v21  }
0x36e: {  	v63 =	vor.u32 v7, v23;
	_ =	sdelay $0x2  }
0x36f: {  	v28 =	vor.u32 v8, v22  }
0x370: {  	[tilespmem:v20+s25+$0x0] =	vst.idx.msk $0xffff, v24;
	v20 =	vand.u32 $0x3B8, v28  }
0x371: {  	v24 =	vld.idx.msk [tilespmem:v63+s21+$0x0], $0xffff;
	v20 =	vor.u32 v20, v21  }
0x372: {  	v29 =	vor.u32 v9, v23;
	_ =	sdelay $0x2  }
0x373: {  	v30 =	vor.u32 v10, v22  }
0x374: {  	[tilespmem:v20+s25+$0x0] =	vst.idx.msk $0xffff, v24;
	v20 =	vand.u32 $0x3C8, v30  }
0x375: {  	v24 =	vld.idx.msk [tilespmem:v29+s21+$0x0], $0xffff;
	v20 =	vor.u32 v20, v21  }
0x376: {  	v31 =	vor.u32 v11, v23;
	_ =	sdelay $0x2  }
0x377: {  	v32 =	vor.u32 v12, v22  }
0x378: {  	[tilespmem:v20+s25+$0x0] =	vst.idx.msk $0xffff, v24;
	v20 =	vand.u32 $0x3D8, v32  }
0x379: {  	v24 =	vld.idx.msk [tilespmem:v31+s21+$0x0], $0xffff;
	v20 =	vor.u32 v20, v21  }
0x37a: {  	v33 =	vor.u32 v13, v23;
	_ =	sdelay $0x2  }
0x37b: {  	v34 =	vor.u32 v14, v22  }
0x37c: {  	[tilespmem:v20+s25+$0x0] =	vst.idx.msk $0xffff, v24;
	v20 =	vand.u32 $0x3E8, v34  }
0x37d: {  	v24 =	vld.idx.msk [tilespmem:v33+s21+$0x0], $0xffff;
	v20 =	vor.u32 v20, v21  }
0x37e: {  	v23 =	vor.u32 v15, v23;
	_ =	sdelay $0x2  }
0x37f: {  	v22 =	vor.u32 v16, v22  }
0x380: {  	[tilespmem:v20+s25+$0x0] =	vst.idx.msk $0xffff, v24;
	v20 =	vand.u32 $0x3F8, v22;
	v22 =	vadd.s32 s6, v18  }
0x381: {  	v23 =	vld.idx.msk [tilespmem:v23+s21+$0x0], $0xffff;
	v20 =	vor.u32 v20, v21;
	v21 =	vand.u32 $0x3F, v22  }
0x382: {  	v35 =	vor.u32 v1, v21;
	_ =	sdelay $0x2  }
0x383: {  	v22 =	vshll.u32 v22, $0x7  }
0x384: {  	[tilespmem:v20+s25+$0x0] =	vst.idx.msk $0xffff, v23;
	v20 =	vand.u32 $0x1F80, v22  }
0x385: {  	v23 =	vld.idx.msk [tilespmem:v35+s21+$0x0], $0xffff;
	v20 =	vor.u32 v0, v20  }
0x386: {  	v36 =	vor.u32 v2, v21;
	_ =	sdelay $0x2  }
0x387: {  	v37 =	vand.u32 $0x1C00, v22;
	v38 =	vor.u32 v3, v22  }
0x388: {  	[tilespmem:v20+s25+$0x0] =	vst.idx.msk $0xffff, v23;
	v20 =	vand.u32 $0x398, v38;
	v23 =	vor.u32 v4, v37  }
0x389: {  	v24 =	vld.idx.msk [tilespmem:v36+s21+$0x0], $0xffff;
	v20 =	vor.u32 v20, v23  }
0x38a: {  	v39 =	vor.u32 v5, v21;
	_ =	sdelay $0x2  }
0x38b: {  	v40 =	vor.u32 v6, v22  }
0x38c: {  	[tilespmem:v20+s25+$0x0] =	vst.idx.msk $0xffff, v24;
	v20 =	vand.u32 $0x3A8, v40  }
0x38d: {  	v24 =	vld.idx.msk [tilespmem:v39+s21+$0x0], $0xffff;
	v20 =	vor.u32 v20, v23  }
0x38e: {  	v41 =	vor.u32 v7, v21;
	_ =	sdelay $0x2  }
0x38f: {  	v42 =	vor.u32 v8, v22  }
0x390: {  	[tilespmem:v20+s25+$0x0] =	vst.idx.msk $0xffff, v24;
	v20 =	vand.u32 $0x3B8, v42  }
0x391: {  	v24 =	vld.idx.msk [tilespmem:v41+s21+$0x0], $0xffff;
	v20 =	vor.u32 v20, v23  }
0x392: {  	v43 =	vor.u32 v9, v21;
	_ =	sdelay $0x2  }
0x393: {  	v44 =	vor.u32 v10, v22  }
0x394: {  	[tilespmem:v20+s25+$0x0] =	vst.idx.msk $0xffff, v24;
	v20 =	vand.u32 $0x3C8, v44  }
0x395: {  	v24 =	vld.idx.msk [tilespmem:v43+s21+$0x0], $0xffff;
	v20 =	vor.u32 v20, v23  }
0x396: {  	v45 =	vor.u32 v11, v21;
	_ =	sdelay $0x2  }
0x397: {  	v46 =	vor.u32 v12, v22  }
0x398: {  	[tilespmem:v20+s25+$0x0] =	vst.idx.msk $0xffff, v24;
	v20 =	vand.u32 $0x3D8, v46  }
0x399: {  	v24 =	vld.idx.msk [tilespmem:v45+s21+$0x0], $0xffff;
	v20 =	vor.u32 v20, v23  }
0x39a: {  	v47 =	vor.u32 v13, v21;
	_ =	sdelay $0x2  }
0x39b: {  	v48 =	vor.u32 v14, v22  }
0x39c: {  	[tilespmem:v20+s25+$0x0] =	vst.idx.msk $0xffff, v24;
	v20 =	vand.u32 $0x3E8, v48  }
0x39d: {  	v24 =	vld.idx.msk [tilespmem:v47+s21+$0x0], $0xffff;
	v20 =	vor.u32 v20, v23  }
0x39e: {  	v21 =	vor.u32 v15, v21;
	_ =	sdelay $0x2  }
0x39f: {  	v22 =	vor.u32 v16, v22  }
0x3a0: {  	[tilespmem:v20+s25+$0x0] =	vst.idx.msk $0xffff, v24;
	v20 =	vand.u32 $0x3F8, v22;
	v22 =	vadd.s32 s6, v19  }
0x3a1: {  	v21 =	vld.idx.msk [tilespmem:v21+s21+$0x0], $0xffff;
	v20 =	vor.u32 v20, v23;
	v23 =	vand.u32 $0x3F, v22  }
0x3a2: {  	v49 =	vor.u32 v1, v23;
	_ =	sdelay $0x2  }
0x3a3: {  	v22 =	vshll.u32 v22, $0x7  }
0x3a4: {  	[tilespmem:v20+s25+$0x0] =	vst.idx.msk $0xffff, v21;
	v20 =	vand.u32 $0x1F80, v22  }
0x3a5: {  	v21 =	vld.idx.msk [tilespmem:v49+s21+$0x0], $0xffff;
	v20 =	vor.u32 v0, v20  }
0x3a6: {  	v50 =	vor.u32 v2, v23;
	_ =	sdelay $0x2  }
0x3a7: {  	v51 =	vand.u32 $0x1C00, v22;
	v52 =	vor.u32 v3, v22  }
0x3a8: {  	[tilespmem:v20+s25+$0x0] =	vst.idx.msk $0xffff, v21;
	v21 =	vand.u32 $0x398, v52;
	v20 =	vor.u32 v4, v51  }
0x3a9: {  	v24 =	vld.idx.msk [tilespmem:v50+s21+$0x0], $0xffff;
	v21 =	vor.u32 v21, v20  }
0x3aa: {  	v53 =	vor.u32 v5, v23;
	_ =	sdelay $0x2  }
0x3ab: {  	v54 =	vor.u32 v6, v22  }
0x3ac: {  	[tilespmem:v21+s25+$0x0] =	vst.idx.msk $0xffff, v24;
	v21 =	vand.u32 $0x3A8, v54  }
0x3ad: {  	v24 =	vld.idx.msk [tilespmem:v53+s21+$0x0], $0xffff;
	v21 =	vor.u32 v21, v20  }
0x3ae: {  	v55 =	vor.u32 v7, v23;
	_ =	sdelay $0x2  }
0x3af: {  	v56 =	vor.u32 v8, v22  }
0x3b0: {  	[tilespmem:v21+s25+$0x0] =	vst.idx.msk $0xffff, v24;
	v21 =	vand.u32 $0x3B8, v56  }
0x3b1: {  	v24 =	vld.idx.msk [tilespmem:v55+s21+$0x0], $0xffff;
	v21 =	vor.u32 v21, v20  }
0x3b2: {  	v57 =	vor.u32 v9, v23;
	_ =	sdelay $0x2  }
0x3b3: {  	v58 =	vor.u32 v10, v22  }
0x3b4: {  	[tilespmem:v21+s25+$0x0] =	vst.idx.msk $0xffff, v24;
	v21 =	vand.u32 $0x3C8, v58  }
0x3b5: {  	v24 =	vld.idx.msk [tilespmem:v57+s21+$0x0], $0xffff;
	v21 =	vor.u32 v21, v20  }
0x3b6: {  	v59 =	vor.u32 v11, v23;
	_ =	sdelay $0x2  }
0x3b7: {  	v60 =	vor.u32 v12, v22  }
0x3b8: {  	[tilespmem:v21+s25+$0x0] =	vst.idx.msk $0xffff, v24;
	v21 =	vand.u32 $0x3D8, v60  }
0x3b9: {  	v24 =	vld.idx.msk [tilespmem:v59+s21+$0x0], $0xffff;
	v21 =	vor.u32 v21, v20  }
0x3ba: {  	v61 =	vor.u32 v13, v23;
	_ =	sdelay $0x2  }
0x3bb: {  	v62 =	vor.u32 v14, v22  }
0x3bc: {  	[tilespmem:v21+s25+$0x0] =	vst.idx.msk $0xffff, v24;
	v21 =	vand.u32 $0x3E8, v62  }
0x3bd: {  	v24 =	vld.idx.msk [tilespmem:v61+s21+$0x0], $0xffff;
	v21 =	vor.u32 v21, v20  }
0x3be: {  	v23 =	vor.u32 v15, v23;
	_ =	sdelay $0x3  }
0x3bf: {  	s9 =	simm.s32 $0x4;
	v63 =	vor.u32 v16, v22;
	[tilespmem:v21+s25+$0x0] =	vst.idx.msk $0xffff, v24  }
0x3c0: {  	s10 =	simm.s32 $0x8;
	v21 =	vadd.s32 s9, v0;
	v22 =	vld.idx.msk [tilespmem:v23+s21+$0x0], $0xffff;
	v23 =	vand.u32 $0x3F8, v63  }
.LBB2_7:
0x3c1: {  	p0 =	sne.s32 s10, $0x3C;
	v24 =	vand.u32 $0x3F, v21;
	v20 =	vor.u32 v23, v20  }
0x3c2: {  	v23 =	vor.u32 v1, v24;
	_ =	sdelay $0x3  }
0x3c3: {  	v21 =	vshll.u32 v21, $0x7;
	[tilespmem:v20+s25+$0x0] =	vst.idx.msk $0xffff, v22  }
0x3c4: {  	v22 =	vand.u32 $0x1F80, v21;
	v20 =	vld.idx.msk [tilespmem:v23+s21+$0x0], $0xffff  }
0x3c5: {  	v22 =	vor.u32 v0, v22  }
0x3c6: {  	v23 =	vor.u32 v2, v24;
	_ =	sdelay $0x3  }
0x3c7: {  	v25 =	vand.u32 $0x1C00, v21;
	[tilespmem:v22+s25+$0x0] =	vst.idx.msk $0xffff, v20;
	v20 =	vor.u32 v3, v21  }
0x3c8: {  	v22 =	vld.idx.msk [tilespmem:v23+s21+$0x0], $0xffff;
	v20 =	vand.u32 $0x398, v20;
	v23 =	vor.u32 v4, v25  }
0x3c9: {  	v20 =	vor.u32 v20, v23  }
0x3ca: {  	v25 =	vor.u32 v5, v24;
	_ =	sdelay $0x3  }
0x3cb: {  	[tilespmem:v20+s25+$0x0] =	vst.idx.msk $0xffff, v22;
	v20 =	vor.u32 v6, v21  }
0x3cc: {  	v22 =	vld.idx.msk [tilespmem:v25+s21+$0x0], $0xffff;
	v20 =	vand.u32 $0x3A8, v20  }
0x3cd: {  	v20 =	vor.u32 v20, v23  }
0x3ce: {  	v25 =	vor.u32 v7, v24;
	_ =	sdelay $0x3  }
0x3cf: {  	[tilespmem:v20+s25+$0x0] =	vst.idx.msk $0xffff, v22;
	v20 =	vor.u32 v8, v21  }
0x3d0: {  	v22 =	vld.idx.msk [tilespmem:v25+s21+$0x0], $0xffff;
	v20 =	vand.u32 $0x3B8, v20  }
0x3d1: {  	v20 =	vor.u32 v20, v23  }
0x3d2: {  	v25 =	vor.u32 v9, v24;
	_ =	sdelay $0x3  }
0x3d3: {  	[tilespmem:v20+s25+$0x0] =	vst.idx.msk $0xffff, v22;
	v20 =	vor.u32 v10, v21  }
0x3d4: {  	v22 =	vld.idx.msk [tilespmem:v25+s21+$0x0], $0xffff;
	v20 =	vand.u32 $0x3C8, v20  }
0x3d5: {  	v20 =	vor.u32 v20, v23  }
0x3d6: {  	v25 =	vor.u32 v11, v24;
	_ =	sdelay $0x3  }
0x3d7: {  	[tilespmem:v20+s25+$0x0] =	vst.idx.msk $0xffff, v22;
	v20 =	vor.u32 v12, v21  }
0x3d8: {  	v22 =	vld.idx.msk [tilespmem:v25+s21+$0x0], $0xffff;
	v20 =	vand.u32 $0x3D8, v20  }
0x3d9: {  	v20 =	vor.u32 v20, v23  }
0x3da: {  	v25 =	vor.u32 v13, v24;
	_ =	sdelay $0x3  }
0x3db: {  	[tilespmem:v20+s25+$0x0] =	vst.idx.msk $0xffff, v22;
	v20 =	vor.u32 v14, v21  }
0x3dc: {  	v22 =	vld.idx.msk [tilespmem:v25+s21+$0x0], $0xffff;
	v20 =	vand.u32 $0x3E8, v20  }
0x3dd: {  	v20 =	vor.u32 v20, v23  }
0x3de: {  	v24 =	vor.u32 v15, v24;
	_ =	sdelay $0x3  }
0x3df: {  	[tilespmem:v20+s25+$0x0] =	vst.idx.msk $0xffff, v22;
	v20 =	vor.u32 v16, v21  }
0x3e0: {  	v22 =	vadd.s32 s9, v17;
	v21 =	vld.idx.msk [tilespmem:v24+s21+$0x0], $0xffff;
	v20 =	vand.u32 $0x3F8, v20  }
0x3e1: {  	v20 =	vor.u32 v20, v23;
	v23 =	vand.u32 $0x3F, v22  }
0x3e2: {  	v24 =	vor.u32 v1, v23;
	_ =	sdelay $0x3  }
0x3e3: {  	[tilespmem:v20+s25+$0x0] =	vst.idx.msk $0xffff, v21;
	v20 =	vshll.u32 v22, $0x7  }
0x3e4: {  	v21 =	vld.idx.msk [tilespmem:v24+s21+$0x0], $0xffff;
	v22 =	vand.u32 $0x1F80, v20  }
0x3e5: {  	v22 =	vor.u32 v0, v22  }
0x3e6: {  	v24 =	vor.u32 v2, v23;
	_ =	sdelay $0x3  }
0x3e7: {  	v25 =	vand.u32 $0x1C00, v20;
	[tilespmem:v22+s25+$0x0] =	vst.idx.msk $0xffff, v21;
	v21 =	vor.u32 v3, v20  }
0x3e8: {  	v22 =	vld.idx.msk [tilespmem:v24+s21+$0x0], $0xffff;
	v21 =	vand.u32 $0x398, v21;
	v24 =	vor.u32 v4, v25  }
0x3e9: {  	v21 =	vor.u32 v21, v24  }
0x3ea: {  	v25 =	vor.u32 v5, v23;
	_ =	sdelay $0x3  }
0x3eb: {  	[tilespmem:v21+s25+$0x0] =	vst.idx.msk $0xffff, v22;
	v21 =	vor.u32 v6, v20  }
0x3ec: {  	v22 =	vld.idx.msk [tilespmem:v25+s21+$0x0], $0xffff;
	v21 =	vand.u32 $0x3A8, v21  }
0x3ed: {  	v21 =	vor.u32 v21, v24  }
0x3ee: {  	v25 =	vor.u32 v7, v23;
	_ =	sdelay $0x3  }
0x3ef: {  	[tilespmem:v21+s25+$0x0] =	vst.idx.msk $0xffff, v22;
	v21 =	vor.u32 v8, v20  }
0x3f0: {  	v22 =	vld.idx.msk [tilespmem:v25+s21+$0x0], $0xffff;
	v21 =	vand.u32 $0x3B8, v21  }
0x3f1: {  	v21 =	vor.u32 v21, v24  }
0x3f2: {  	v25 =	vor.u32 v9, v23;
	_ =	sdelay $0x3  }
0x3f3: {  	[tilespmem:v21+s25+$0x0] =	vst.idx.msk $0xffff, v22;
	v21 =	vor.u32 v10, v20  }
0x3f4: {  	v22 =	vld.idx.msk [tilespmem:v25+s21+$0x0], $0xffff;
	v21 =	vand.u32 $0x3C8, v21  }
0x3f5: {  	v21 =	vor.u32 v21, v24  }
0x3f6: {  	v25 =	vor.u32 v11, v23;
	_ =	sdelay $0x3  }
0x3f7: {  	[tilespmem:v21+s25+$0x0] =	vst.idx.msk $0xffff, v22;
	v21 =	vor.u32 v12, v20  }
0x3f8: {  	v22 =	vld.idx.msk [tilespmem:v25+s21+$0x0], $0xffff;
	v21 =	vand.u32 $0x3D8, v21  }
0x3f9: {  	v21 =	vor.u32 v21, v24  }
0x3fa: {  	v25 =	vor.u32 v13, v23;
	_ =	sdelay $0x3  }
0x3fb: {  	[tilespmem:v21+s25+$0x0] =	vst.idx.msk $0xffff, v22;
	v21 =	vor.u32 v14, v20  }
0x3fc: {  	v22 =	vld.idx.msk [tilespmem:v25+s21+$0x0], $0xffff;
	v21 =	vand.u32 $0x3E8, v21  }
0x3fd: {  	v21 =	vor.u32 v21, v24  }
0x3fe: {  	v23 =	vor.u32 v15, v23;
	_ =	sdelay $0x3  }
0x3ff: {  	v20 =	vor.u32 v16, v20;
	[tilespmem:v21+s25+$0x0] =	vst.idx.msk $0xffff, v22  }
0x400: {  	v20 =	vand.u32 $0x3F8, v20;
	v22 =	vadd.s32 s9, v18;
	v21 =	vld.idx.msk [tilespmem:v23+s21+$0x0], $0xffff  }
0x401: {  	v20 =	vor.u32 v20, v24;
	v23 =	vand.u32 $0x3F, v22  }
0x402: {  	v24 =	vor.u32 v1, v23;
	_ =	sdelay $0x3  }
0x403: {  	[tilespmem:v20+s25+$0x0] =	vst.idx.msk $0xffff, v21;
	v20 =	vshll.u32 v22, $0x7  }
0x404: {  	v21 =	vld.idx.msk [tilespmem:v24+s21+$0x0], $0xffff;
	v22 =	vand.u32 $0x1F80, v20  }
0x405: {  	v22 =	vor.u32 v0, v22  }
0x406: {  	v24 =	vor.u32 v2, v23;
	_ =	sdelay $0x3  }
0x407: {  	v25 =	vand.u32 $0x1C00, v20;
	[tilespmem:v22+s25+$0x0] =	vst.idx.msk $0xffff, v21;
	v21 =	vor.u32 v3, v20  }
0x408: {  	v22 =	vld.idx.msk [tilespmem:v24+s21+$0x0], $0xffff;
	v21 =	vand.u32 $0x398, v21;
	v24 =	vor.u32 v4, v25  }
0x409: {  	v21 =	vor.u32 v21, v24  }
0x40a: {  	v25 =	vor.u32 v5, v23;
	_ =	sdelay $0x3  }
0x40b: {  	[tilespmem:v21+s25+$0x0] =	vst.idx.msk $0xffff, v22;
	v21 =	vor.u32 v6, v20  }
0x40c: {  	v22 =	vld.idx.msk [tilespmem:v25+s21+$0x0], $0xffff;
	v21 =	vand.u32 $0x3A8, v21  }
0x40d: {  	v21 =	vor.u32 v21, v24  }
0x40e: {  	v25 =	vor.u32 v7, v23;
	_ =	sdelay $0x3  }
0x40f: {  	[tilespmem:v21+s25+$0x0] =	vst.idx.msk $0xffff, v22;
	v21 =	vor.u32 v8, v20  }
0x410: {  	v22 =	vld.idx.msk [tilespmem:v25+s21+$0x0], $0xffff;
	v21 =	vand.u32 $0x3B8, v21  }
0x411: {  	v21 =	vor.u32 v21, v24  }
0x412: {  	v25 =	vor.u32 v9, v23;
	_ =	sdelay $0x3  }
0x413: {  	[tilespmem:v21+s25+$0x0] =	vst.idx.msk $0xffff, v22;
	v21 =	vor.u32 v10, v20  }
0x414: {  	v22 =	vld.idx.msk [tilespmem:v25+s21+$0x0], $0xffff;
	v21 =	vand.u32 $0x3C8, v21  }
0x415: {  	v21 =	vor.u32 v21, v24  }
0x416: {  	v25 =	vor.u32 v11, v23;
	_ =	sdelay $0x3  }
0x417: {  	[tilespmem:v21+s25+$0x0] =	vst.idx.msk $0xffff, v22;
	v21 =	vor.u32 v12, v20  }
0x418: {  	v22 =	vld.idx.msk [tilespmem:v25+s21+$0x0], $0xffff;
	v21 =	vand.u32 $0x3D8, v21  }
0x419: {  	v21 =	vor.u32 v21, v24  }
0x41a: {  	v25 =	vor.u32 v13, v23;
	_ =	sdelay $0x3  }
0x41b: {  	[tilespmem:v21+s25+$0x0] =	vst.idx.msk $0xffff, v22;
	v21 =	vor.u32 v14, v20  }
0x41c: {  	v22 =	vld.idx.msk [tilespmem:v25+s21+$0x0], $0xffff;
	v21 =	vand.u32 $0x3E8, v21  }
0x41d: {  	v21 =	vor.u32 v21, v24  }
0x41e: {  	v23 =	vor.u32 v15, v23;
	_ =	sdelay $0x3  }
0x41f: {  	v20 =	vor.u32 v16, v20;
	[tilespmem:v21+s25+$0x0] =	vst.idx.msk $0xffff, v22  }
0x420: {  	v20 =	vand.u32 $0x3F8, v20;
	v22 =	vadd.s32 s9, v19;
	s9 =	smov.u32 s10;
	v21 =	vld.idx.msk [tilespmem:v23+s21+$0x0], $0xffff  }
0x421: {  	v20 =	vor.u32 v20, v24;
	v23 =	vand.u32 $0x3F, v22  }
0x422: {  	v24 =	vor.u32 v1, v23;
	_ =	sdelay $0x3  }
0x423: {  	[tilespmem:v20+s25+$0x0] =	vst.idx.msk $0xffff, v21;
	v21 =	vshll.u32 v22, $0x7  }
0x424: {  	v20 =	vld.idx.msk [tilespmem:v24+s21+$0x0], $0xffff;
	v22 =	vand.u32 $0x1F80, v21  }
0x425: {  	v22 =	vor.u32 v0, v22  }
0x426: {  	v24 =	vor.u32 v2, v23;
	_ =	sdelay $0x3  }
0x427: {  	v25 =	vand.u32 $0x1C00, v21;
	[tilespmem:v22+s25+$0x0] =	vst.idx.msk $0xffff, v20;
	v20 =	vor.u32 v3, v21  }
0x428: {  	v22 =	vld.idx.msk [tilespmem:v24+s21+$0x0], $0xffff;
	v24 =	vand.u32 $0x398, v20;
	v20 =	vor.u32 v4, v25  }
0x429: {  	v24 =	vor.u32 v24, v20  }
0x42a: {  	v25 =	vor.u32 v5, v23;
	_ =	sdelay $0x3  }
0x42b: {  	[tilespmem:v24+s25+$0x0] =	vst.idx.msk $0xffff, v22;
	v22 =	vor.u32 v6, v21  }
0x42c: {  	v24 =	vld.idx.msk [tilespmem:v25+s21+$0x0], $0xffff;
	v22 =	vand.u32 $0x3A8, v22  }
0x42d: {  	v22 =	vor.u32 v22, v20  }
0x42e: {  	v25 =	vor.u32 v7, v23;
	_ =	sdelay $0x3  }
0x42f: {  	[tilespmem:v22+s25+$0x0] =	vst.idx.msk $0xffff, v24;
	v22 =	vor.u32 v8, v21  }
0x430: {  	v24 =	vld.idx.msk [tilespmem:v25+s21+$0x0], $0xffff;
	v22 =	vand.u32 $0x3B8, v22  }
0x431: {  	v22 =	vor.u32 v22, v20  }
0x432: {  	v25 =	vor.u32 v9, v23;
	_ =	sdelay $0x3  }
0x433: {  	[tilespmem:v22+s25+$0x0] =	vst.idx.msk $0xffff, v24;
	v22 =	vor.u32 v10, v21  }
0x434: {  	v24 =	vld.idx.msk [tilespmem:v25+s21+$0x0], $0xffff;
	v22 =	vand.u32 $0x3C8, v22  }
0x435: {  	v22 =	vor.u32 v22, v20  }
0x436: {  	v25 =	vor.u32 v11, v23;
	_ =	sdelay $0x3  }
0x437: {  	[tilespmem:v22+s25+$0x0] =	vst.idx.msk $0xffff, v24;
	v22 =	vor.u32 v12, v21  }
0x438: {  	v24 =	vld.idx.msk [tilespmem:v25+s21+$0x0], $0xffff;
	v22 =	vand.u32 $0x3D8, v22  }
0x439: {  	v22 =	vor.u32 v22, v20  }
0x43a: {  	v25 =	vor.u32 v13, v23;
	_ =	sdelay $0x3  }
0x43b: {  	[tilespmem:v22+s25+$0x0] =	vst.idx.msk $0xffff, v24;
	v22 =	vor.u32 v14, v21  }
0x43c: {  	v24 =	vld.idx.msk [tilespmem:v25+s21+$0x0], $0xffff;
	v22 =	vand.u32 $0x3E8, v22  }
0x43d: {  	v22 =	vor.u32 v22, v20  }
0x43e: {  	v23 =	vor.u32 v15, v23  }
.Ltmp2:
0x43f: {  	(pc) =	sbr.rel @p0 .LBB2_7-.Ltmp2, $3  }
0x440: {  	_ =	sdelay $0x1  }
0x441: {  	[tilespmem:v22+s25+$0x0] =	vst.idx.msk $0xffff, v24;
	v24 =	vor.u32 v16, v21  }
0x442: {  	s10 =	sadd.s32 $0x4, s10;
	v21 =	vadd.s32 s9, v0;
	v22 =	vld.idx.msk [tilespmem:v23+s21+$0x0], $0xffff;
	v23 =	vand.u32 $0x3F8, v24  }
0x443: {  	v24 =	vand.u32 $0x3F, v21;
	v20 =	vor.u32 v23, v20  }
0x444: {  	v23 =	vor.u32 v1, v24;
	_ =	sdelay $0x2  }
0x445: {  	v21 =	vshll.u32 v21, $0x7  }
0x446: {  	[tilespmem:v20+s25+$0x0] =	vst.idx.msk $0xffff, v22;
	v20 =	vand.u32 $0x1F80, v21  }
0x447: {  	v22 =	vld.idx.msk [tilespmem:v23+s21+$0x0], $0xffff;
	v20 =	vor.u32 v0, v20  }
0x448: {  	v23 =	vor.u32 v2, v24;
	_ =	sdelay $0x2  }
0x449: {  	v25 =	vand.u32 $0x1C00, v21;
	v26 =	vor.u32 v3, v21  }
0x44a: {  	[tilespmem:v20+s25+$0x0] =	vst.idx.msk $0xffff, v22;
	v20 =	vand.u32 $0x398, v26;
	v22 =	vor.u32 v4, v25  }
0x44b: {  	v23 =	vld.idx.msk [tilespmem:v23+s21+$0x0], $0xffff;
	v20 =	vor.u32 v20, v22  }
0x44c: {  	v28 =	vor.u32 v5, v24;
	_ =	sdelay $0x2  }
0x44d: {  	v29 =	vor.u32 v6, v21  }
0x44e: {  	[tilespmem:v20+s25+$0x0] =	vst.idx.msk $0xffff, v23;
	v20 =	vand.u32 $0x3A8, v29  }
0x44f: {  	v23 =	vld.idx.msk [tilespmem:v28+s21+$0x0], $0xffff;
	v20 =	vor.u32 v20, v22  }
0x450: {  	v30 =	vor.u32 v7, v24;
	_ =	sdelay $0x2  }
0x451: {  	v31 =	vor.u32 v8, v21  }
0x452: {  	[tilespmem:v20+s25+$0x0] =	vst.idx.msk $0xffff, v23;
	v20 =	vand.u32 $0x3B8, v31  }
0x453: {  	v23 =	vld.idx.msk [tilespmem:v30+s21+$0x0], $0xffff;
	v20 =	vor.u32 v20, v22  }
0x454: {  	v32 =	vor.u32 v9, v24;
	_ =	sdelay $0x2  }
0x455: {  	v33 =	vor.u32 v10, v21  }
0x456: {  	[tilespmem:v20+s25+$0x0] =	vst.idx.msk $0xffff, v23;
	v20 =	vand.u32 $0x3C8, v33  }
0x457: {  	v23 =	vld.idx.msk [tilespmem:v32+s21+$0x0], $0xffff;
	v20 =	vor.u32 v20, v22  }
0x458: {  	v34 =	vor.u32 v11, v24;
	_ =	sdelay $0x2  }
0x459: {  	v35 =	vor.u32 v12, v21  }
0x45a: {  	[tilespmem:v20+s25+$0x0] =	vst.idx.msk $0xffff, v23;
	v20 =	vand.u32 $0x3D8, v35  }
0x45b: {  	v23 =	vld.idx.msk [tilespmem:v34+s21+$0x0], $0xffff;
	v20 =	vor.u32 v20, v22  }
0x45c: {  	v36 =	vor.u32 v13, v24;
	_ =	sdelay $0x2  }
0x45d: {  	v37 =	vor.u32 v14, v21  }
0x45e: {  	[tilespmem:v20+s25+$0x0] =	vst.idx.msk $0xffff, v23;
	v20 =	vand.u32 $0x3E8, v37  }
0x45f: {  	v23 =	vld.idx.msk [tilespmem:v36+s21+$0x0], $0xffff;
	v20 =	vor.u32 v20, v22  }
0x460: {  	v24 =	vor.u32 v15, v24;
	_ =	sdelay $0x2  }
0x461: {  	v21 =	vor.u32 v16, v21  }
0x462: {  	[tilespmem:v20+s25+$0x0] =	vst.idx.msk $0xffff, v23;
	v20 =	vand.u32 $0x3F8, v21;
	v21 =	vadd.s32 s9, v17  }
0x463: {  	v23 =	vld.idx.msk [tilespmem:v24+s21+$0x0], $0xffff;
	v20 =	vor.u32 v20, v22;
	v22 =	vand.u32 $0x3F, v21  }
0x464: {  	v38 =	vor.u32 v1, v22;
	_ =	sdelay $0x2  }
0x465: {  	v21 =	vshll.u32 v21, $0x7  }
0x466: {  	[tilespmem:v20+s25+$0x0] =	vst.idx.msk $0xffff, v23;
	v20 =	vand.u32 $0x1F80, v21  }
0x467: {  	v23 =	vld.idx.msk [tilespmem:v38+s21+$0x0], $0xffff;
	v20 =	vor.u32 v0, v20  }
0x468: {  	v39 =	vor.u32 v2, v22;
	_ =	sdelay $0x2  }
0x469: {  	v40 =	vand.u32 $0x1C00, v21;
	v41 =	vor.u32 v3, v21  }
0x46a: {  	[tilespmem:v20+s25+$0x0] =	vst.idx.msk $0xffff, v23;
	v20 =	vand.u32 $0x398, v41;
	v23 =	vor.u32 v4, v40  }
0x46b: {  	v24 =	vld.idx.msk [tilespmem:v39+s21+$0x0], $0xffff;
	v20 =	vor.u32 v20, v23  }
0x46c: {  	v42 =	vor.u32 v5, v22;
	_ =	sdelay $0x2  }
0x46d: {  	v43 =	vor.u32 v6, v21  }
0x46e: {  	[tilespmem:v20+s25+$0x0] =	vst.idx.msk $0xffff, v24;
	v20 =	vand.u32 $0x3A8, v43  }
0x46f: {  	v24 =	vld.idx.msk [tilespmem:v42+s21+$0x0], $0xffff;
	v20 =	vor.u32 v20, v23  }
0x470: {  	v44 =	vor.u32 v7, v22;
	_ =	sdelay $0x2  }
0x471: {  	v45 =	vor.u32 v8, v21  }
0x472: {  	[tilespmem:v20+s25+$0x0] =	vst.idx.msk $0xffff, v24;
	v20 =	vand.u32 $0x3B8, v45  }
0x473: {  	v24 =	vld.idx.msk [tilespmem:v44+s21+$0x0], $0xffff;
	v20 =	vor.u32 v20, v23  }
0x474: {  	v46 =	vor.u32 v9, v22;
	_ =	sdelay $0x2  }
0x475: {  	v47 =	vor.u32 v10, v21  }
0x476: {  	[tilespmem:v20+s25+$0x0] =	vst.idx.msk $0xffff, v24;
	v20 =	vand.u32 $0x3C8, v47  }
0x477: {  	v24 =	vld.idx.msk [tilespmem:v46+s21+$0x0], $0xffff;
	v20 =	vor.u32 v20, v23  }
0x478: {  	v48 =	vor.u32 v11, v22;
	_ =	sdelay $0x2  }
0x479: {  	v49 =	vor.u32 v12, v21  }
0x47a: {  	[tilespmem:v20+s25+$0x0] =	vst.idx.msk $0xffff, v24;
	v20 =	vand.u32 $0x3D8, v49  }
0x47b: {  	v24 =	vld.idx.msk [tilespmem:v48+s21+$0x0], $0xffff;
	v20 =	vor.u32 v20, v23  }
0x47c: {  	v50 =	vor.u32 v13, v22;
	_ =	sdelay $0x2  }
0x47d: {  	v51 =	vor.u32 v14, v21  }
0x47e: {  	[tilespmem:v20+s25+$0x0] =	vst.idx.msk $0xffff, v24;
	v20 =	vand.u32 $0x3E8, v51  }
0x47f: {  	v24 =	vld.idx.msk [tilespmem:v50+s21+$0x0], $0xffff;
	v20 =	vor.u32 v20, v23  }
0x480: {  	v22 =	vor.u32 v15, v22;
	_ =	sdelay $0x2  }
0x481: {  	v21 =	vor.u32 v16, v21  }
0x482: {  	[tilespmem:v20+s25+$0x0] =	vst.idx.msk $0xffff, v24;
	v20 =	vand.u32 $0x3F8, v21;
	v21 =	vadd.s32 s9, v18  }
0x483: {  	v22 =	vld.idx.msk [tilespmem:v22+s21+$0x0], $0xffff;
	v20 =	vor.u32 v20, v23;
	v23 =	vand.u32 $0x3F, v21  }
0x484: {  	v52 =	vor.u32 v1, v23;
	_ =	sdelay $0x2  }
0x485: {  	v21 =	vshll.u32 v21, $0x7  }
0x486: {  	[tilespmem:v20+s25+$0x0] =	vst.idx.msk $0xffff, v22;
	v20 =	vand.u32 $0x1F80, v21  }
0x487: {  	v22 =	vld.idx.msk [tilespmem:v52+s21+$0x0], $0xffff;
	v20 =	vor.u32 v0, v20  }
0x488: {  	v53 =	vor.u32 v2, v23;
	_ =	sdelay $0x2  }
0x489: {  	v54 =	vand.u32 $0x1C00, v21;
	v55 =	vor.u32 v3, v21  }
0x48a: {  	[tilespmem:v20+s25+$0x0] =	vst.idx.msk $0xffff, v22;
	v20 =	vand.u32 $0x398, v55;
	v22 =	vor.u32 v4, v54  }
0x48b: {  	v24 =	vld.idx.msk [tilespmem:v53+s21+$0x0], $0xffff;
	v20 =	vor.u32 v20, v22  }
0x48c: {  	v56 =	vor.u32 v5, v23;
	_ =	sdelay $0x2  }
0x48d: {  	v57 =	vor.u32 v6, v21  }
0x48e: {  	[tilespmem:v20+s25+$0x0] =	vst.idx.msk $0xffff, v24;
	v20 =	vand.u32 $0x3A8, v57  }
0x48f: {  	v24 =	vld.idx.msk [tilespmem:v56+s21+$0x0], $0xffff;
	v20 =	vor.u32 v20, v22  }
0x490: {  	v58 =	vor.u32 v7, v23;
	_ =	sdelay $0x2  }
0x491: {  	v59 =	vor.u32 v8, v21  }
0x492: {  	[tilespmem:v20+s25+$0x0] =	vst.idx.msk $0xffff, v24;
	v20 =	vand.u32 $0x3B8, v59  }
0x493: {  	v24 =	vld.idx.msk [tilespmem:v58+s21+$0x0], $0xffff;
	v20 =	vor.u32 v20, v22  }
0x494: {  	v60 =	vor.u32 v9, v23;
	_ =	sdelay $0x2  }
0x495: {  	v61 =	vor.u32 v10, v21  }
0x496: {  	[tilespmem:v20+s25+$0x0] =	vst.idx.msk $0xffff, v24;
	v20 =	vand.u32 $0x3C8, v61  }
0x497: {  	v24 =	vld.idx.msk [tilespmem:v60+s21+$0x0], $0xffff;
	v20 =	vor.u32 v20, v22  }
0x498: {  	v62 =	vor.u32 v11, v23;
	_ =	sdelay $0x2  }
0x499: {  	v63 =	vor.u32 v12, v21  }
0x49a: {  	[tilespmem:v20+s25+$0x0] =	vst.idx.msk $0xffff, v24;
	v20 =	vand.u32 $0x3D8, v63  }
0x49b: {  	v24 =	vld.idx.msk [tilespmem:v62+s21+$0x0], $0xffff;
	v20 =	vor.u32 v20, v22  }
0x49c: {  	v28 =	vor.u32 v13, v23;
	_ =	sdelay $0x2  }
0x49d: {  	v29 =	vor.u32 v14, v21  }
0x49e: {  	[tilespmem:v20+s25+$0x0] =	vst.idx.msk $0xffff, v24;
	v20 =	vand.u32 $0x3E8, v29  }
0x49f: {  	v24 =	vld.idx.msk [tilespmem:v28+s21+$0x0], $0xffff;
	v20 =	vor.u32 v20, v22  }
0x4a0: {  	v23 =	vor.u32 v15, v23;
	_ =	sdelay $0x2  }
0x4a1: {  	v21 =	vor.u32 v16, v21  }
0x4a2: {  	[tilespmem:v20+s25+$0x0] =	vst.idx.msk $0xffff, v24;
	v20 =	vand.u32 $0x3F8, v21;
	v21 =	vadd.s32 s9, v19  }
0x4a3: {  	v23 =	vld.idx.msk [tilespmem:v23+s21+$0x0], $0xffff;
	v20 =	vor.u32 v20, v22;
	v22 =	vand.u32 $0x3F, v21  }
0x4a4: {  	v30 =	vor.u32 v1, v22;
	_ =	sdelay $0x2  }
0x4a5: {  	v21 =	vshll.u32 v21, $0x7  }
0x4a6: {  	[tilespmem:v20+s25+$0x0] =	vst.idx.msk $0xffff, v23;
	v20 =	vand.u32 $0x1F80, v21  }
0x4a7: {  	v23 =	vld.idx.msk [tilespmem:v30+s21+$0x0], $0xffff;
	v20 =	vor.u32 v0, v20  }
0x4a8: {  	v31 =	vor.u32 v2, v22;
	_ =	sdelay $0x2  }
0x4a9: {  	v32 =	vand.u32 $0x1C00, v21;
	v33 =	vor.u32 v3, v21  }
0x4aa: {  	[tilespmem:v20+s25+$0x0] =	vst.idx.msk $0xffff, v23;
	v20 =	vand.u32 $0x398, v33;
	v23 =	vor.u32 v4, v32  }
0x4ab: {  	v24 =	vld.idx.msk [tilespmem:v31+s21+$0x0], $0xffff;
	v20 =	vor.u32 v20, v23  }
0x4ac: {  	v34 =	vor.u32 v5, v22;
	_ =	sdelay $0x2  }
0x4ad: {  	v35 =	vor.u32 v6, v21  }
0x4ae: {  	[tilespmem:v20+s25+$0x0] =	vst.idx.msk $0xffff, v24;
	v20 =	vand.u32 $0x3A8, v35  }
0x4af: {  	v24 =	vld.idx.msk [tilespmem:v34+s21+$0x0], $0xffff;
	v20 =	vor.u32 v20, v23  }
0x4b0: {  	v36 =	vor.u32 v7, v22;
	_ =	sdelay $0x2  }
0x4b1: {  	v37 =	vor.u32 v8, v21  }
0x4b2: {  	[tilespmem:v20+s25+$0x0] =	vst.idx.msk $0xffff, v24;
	v20 =	vand.u32 $0x3B8, v37  }
0x4b3: {  	v24 =	vld.idx.msk [tilespmem:v36+s21+$0x0], $0xffff;
	v20 =	vor.u32 v20, v23  }
0x4b4: {  	v38 =	vor.u32 v9, v22;
	_ =	sdelay $0x2  }
0x4b5: {  	v39 =	vor.u32 v10, v21  }
0x4b6: {  	[tilespmem:v20+s25+$0x0] =	vst.idx.msk $0xffff, v24;
	v20 =	vand.u32 $0x3C8, v39  }
0x4b7: {  	v24 =	vld.idx.msk [tilespmem:v38+s21+$0x0], $0xffff;
	v20 =	vor.u32 v20, v23  }
0x4b8: {  	v40 =	vor.u32 v11, v22;
	_ =	sdelay $0x2  }
0x4b9: {  	v41 =	vor.u32 v12, v21  }
0x4ba: {  	[tilespmem:v20+s25+$0x0] =	vst.idx.msk $0xffff, v24;
	v20 =	vand.u32 $0x3D8, v41  }
0x4bb: {  	v24 =	vld.idx.msk [tilespmem:v40+s21+$0x0], $0xffff;
	v20 =	vor.u32 v20, v23  }
0x4bc: {  	v42 =	vor.u32 v13, v22;
	_ =	sdelay $0x2  }
0x4bd: {  	v43 =	vor.u32 v14, v21  }
0x4be: {  	[tilespmem:v20+s25+$0x0] =	vst.idx.msk $0xffff, v24;
	v20 =	vand.u32 $0x3E8, v43  }
0x4bf: {  	v24 =	vld.idx.msk [tilespmem:v42+s21+$0x0], $0xffff;
	v20 =	vor.u32 v20, v23  }
0x4c0: {  	v22 =	vor.u32 v15, v22;
	_ =	sdelay $0x2  }
0x4c1: {  	v21 =	vor.u32 v16, v21  }
0x4c2: {  	[tilespmem:v20+s25+$0x0] =	vst.idx.msk $0xffff, v24;
	v20 =	vand.u32 $0x3F8, v21  }
0x4c3: {  	v21 =	vld.idx.msk [tilespmem:v22+s21+$0x0], $0xffff;
	v20 =	vor.u32 v20, v23  }
0x4c4: {  	s9 =	sadd.s32 s8, s14  }
0x4c5: {  	s10 =	sshll.u32 s9, $0x7  }
0x4c6: {  	s9 =	sshll.u32 s9, $0xA;
	s10 =	sand.u32 $0x3F00, s10  }
0x4c7: {  	s9 =	sand.u32 $0xFFE0000, s9;
	s10 =	sadd.s32 s2, s10  }
0x4c8: {  	s9 =	sadd.s32 s9, s10;
	s10 =	sadd.s32 s8, s15;
	[tilespmem:v20+s25+$0x0] =	vst.idx.msk $0xffff, v21  }
0x4c9: {  	[hbm4b:s9+s26] =	stream.strided.scatter [tilespmem:s25], [sflag:$0x5], $0x2000, s28, s26, $0x38;
	[tilespmem:$0x8100] =	vst v63  }
0x4ca: {  	s9 =	sshll.u32 s10, $0x4;
	_ =	swait.ge [sflag:s29], $0x2000  }
0x4cb: {  	s9 =	sand.u32 $0xFFFFFF0, s9;
	[sflag:s29] =	ssyncset.done $0x0  }
0x4cc: {  	s10 =	sadd.s32 s4, s9;
	s9 =	simm.s32 $0x0;
	[sflag:s29] =	ssyncadd.s32 $0xFFFFE000  }
0x4cd: {  	[tilespmem:s19], [sflag:$0x2] =	stream.linear.gather [hbm4b:s10+s9], $0x80, $0x38;
	[tilespmem:$0x8100] =	vst v63  }
0x4ce: {  	v20 =	vadd.s32 s9, v0;
	_ =	swait.ge [sflag:s20], $0x80  }
0x4cf: {  	v21 =	vand.u32 $0x3F, v20;
	[sflag:s20] =	ssyncset.done $0x0  }
0x4d0: {  	v22 =	vor.u32 v1, v21;
	[sflag:s20] =	ssyncadd.s32 $0xFFFFFF80  }
0x4d1: {  	[tilespmem:s21], [sflag:$0x3] =	stream.indirect.gather [hbm4b:s5+s19], $0x40, s9, s19, $0xb8;
	[tilespmem:$0x8100] =	vst v63  }
0x4d2: {  	_ =	swait.ge [sflag:s1], $0x2000  }
0x4d3: {  	v20 =	vshll.u32 v20, $0x7;
	[sflag:s1] =	ssyncset.done $0x0  }
0x4d4: {  	v23 =	vand.u32 $0x1F80, v20;
	[sflag:s1] =	ssyncadd.s32 $0xFFFFE000  }
0x4d5: {  	v23 =	vor.u32 v0, v23;
	v22 =	vld.idx.msk [tilespmem:v22+s24+$0x0], $0xffff  }
0x4d6: {  	v44 =	vor.u32 v2, v21;
	_ =	sdelay $0x2  }
0x4d7: {  	v45 =	vand.u32 $0x1C00, v20;
	v46 =	vor.u32 v3, v20  }
0x4d8: {  	[tilespmem:v23+s30+$0x0] =	vst.idx.msk $0xffff, v22;
	v22 =	vand.u32 $0x398, v46;
	v23 =	vor.u32 v4, v45  }
0x4d9: {  	v24 =	vld.idx.msk [tilespmem:v44+s24+$0x0], $0xffff;
	v22 =	vor.u32 v22, v23  }
0x4da: {  	v47 =	vor.u32 v5, v21;
	_ =	sdelay $0x2  }
0x4db: {  	v48 =	vor.u32 v6, v20  }
0x4dc: {  	[tilespmem:v22+s30+$0x0] =	vst.idx.msk $0xffff, v24;
	v22 =	vand.u32 $0x3A8, v48  }
0x4dd: {  	v24 =	vld.idx.msk [tilespmem:v47+s24+$0x0], $0xffff;
	v22 =	vor.u32 v22, v23  }
0x4de: {  	v49 =	vor.u32 v7, v21;
	_ =	sdelay $0x2  }
0x4df: {  	v50 =	vor.u32 v8, v20  }
0x4e0: {  	[tilespmem:v22+s30+$0x0] =	vst.idx.msk $0xffff, v24;
	v22 =	vand.u32 $0x3B8, v50  }
0x4e1: {  	v24 =	vld.idx.msk [tilespmem:v49+s24+$0x0], $0xffff;
	v22 =	vor.u32 v22, v23  }
0x4e2: {  	v51 =	vor.u32 v9, v21;
	_ =	sdelay $0x2  }
0x4e3: {  	v52 =	vor.u32 v10, v20  }
0x4e4: {  	[tilespmem:v22+s30+$0x0] =	vst.idx.msk $0xffff, v24;
	v22 =	vand.u32 $0x3C8, v52  }
0x4e5: {  	v24 =	vld.idx.msk [tilespmem:v51+s24+$0x0], $0xffff;
	v22 =	vor.u32 v22, v23  }
0x4e6: {  	v53 =	vor.u32 v11, v21;
	_ =	sdelay $0x2  }
0x4e7: {  	v54 =	vor.u32 v12, v20  }
0x4e8: {  	[tilespmem:v22+s30+$0x0] =	vst.idx.msk $0xffff, v24;
	v22 =	vand.u32 $0x3D8, v54  }
0x4e9: {  	v24 =	vld.idx.msk [tilespmem:v53+s24+$0x0], $0xffff;
	v22 =	vor.u32 v22, v23  }
0x4ea: {  	v55 =	vor.u32 v13, v21;
	_ =	sdelay $0x2  }
0x4eb: {  	v56 =	vor.u32 v14, v20  }
0x4ec: {  	[tilespmem:v22+s30+$0x0] =	vst.idx.msk $0xffff, v24;
	v22 =	vand.u32 $0x3E8, v56  }
0x4ed: {  	v24 =	vld.idx.msk [tilespmem:v55+s24+$0x0], $0xffff;
	v22 =	vor.u32 v22, v23  }
0x4ee: {  	v21 =	vor.u32 v15, v21;
	_ =	sdelay $0x2  }
0x4ef: {  	v20 =	vor.u32 v16, v20  }
0x4f0: {  	v20 =	vand.u32 $0x3F8, v20;
	[tilespmem:v22+s30+$0x0] =	vst.idx.msk $0xffff, v24;
	v22 =	vadd.s32 s9, v17  }
0x4f1: {  	v20 =	vor.u32 v20, v23;
	v21 =	vld.idx.msk [tilespmem:v21+s24+$0x0], $0xffff;
	v23 =	vand.u32 $0x3F, v22  }
0x4f2: {  	v57 =	vor.u32 v1, v23;
	_ =	sdelay $0x2  }
0x4f3: {  	v22 =	vshll.u32 v22, $0x7  }
0x4f4: {  	[tilespmem:v20+s30+$0x0] =	vst.idx.msk $0xffff, v21;
	v20 =	vand.u32 $0x1F80, v22  }
0x4f5: {  	v21 =	vld.idx.msk [tilespmem:v57+s24+$0x0], $0xffff;
	v20 =	vor.u32 v0, v20  }
0x4f6: {  	v58 =	vor.u32 v2, v23;
	_ =	sdelay $0x2  }
0x4f7: {  	v59 =	vand.u32 $0x1C00, v22;
	v60 =	vor.u32 v3, v22  }
0x4f8: {  	[tilespmem:v20+s30+$0x0] =	vst.idx.msk $0xffff, v21;
	v20 =	vand.u32 $0x398, v60;
	v21 =	vor.u32 v4, v59  }
0x4f9: {  	v24 =	vld.idx.msk [tilespmem:v58+s24+$0x0], $0xffff;
	v20 =	vor.u32 v20, v21  }
0x4fa: {  	v61 =	vor.u32 v5, v23;
	_ =	sdelay $0x2  }
0x4fb: {  	v62 =	vor.u32 v6, v22  }
0x4fc: {  	[tilespmem:v20+s30+$0x0] =	vst.idx.msk $0xffff, v24;
	v20 =	vand.u32 $0x3A8, v62  }
0x4fd: {  	v24 =	vld.idx.msk [tilespmem:v61+s24+$0x0], $0xffff;
	v20 =	vor.u32 v20, v21  }
0x4fe: {  	v63 =	vor.u32 v7, v23;
	_ =	sdelay $0x2  }
0x4ff: {  	v28 =	vor.u32 v8, v22  }
0x500: {  	[tilespmem:v20+s30+$0x0] =	vst.idx.msk $0xffff, v24;
	v20 =	vand.u32 $0x3B8, v28  }
0x501: {  	v24 =	vld.idx.msk [tilespmem:v63+s24+$0x0], $0xffff;
	v20 =	vor.u32 v20, v21  }
0x502: {  	v29 =	vor.u32 v9, v23;
	_ =	sdelay $0x2  }
0x503: {  	v30 =	vor.u32 v10, v22  }
0x504: {  	[tilespmem:v20+s30+$0x0] =	vst.idx.msk $0xffff, v24;
	v20 =	vand.u32 $0x3C8, v30  }
0x505: {  	v24 =	vld.idx.msk [tilespmem:v29+s24+$0x0], $0xffff;
	v20 =	vor.u32 v20, v21  }
0x506: {  	v31 =	vor.u32 v11, v23;
	_ =	sdelay $0x2  }
0x507: {  	v32 =	vor.u32 v12, v22  }
0x508: {  	[tilespmem:v20+s30+$0x0] =	vst.idx.msk $0xffff, v24;
	v20 =	vand.u32 $0x3D8, v32  }
0x509: {  	v24 =	vld.idx.msk [tilespmem:v31+s24+$0x0], $0xffff;
	v20 =	vor.u32 v20, v21  }
0x50a: {  	v33 =	vor.u32 v13, v23;
	_ =	sdelay $0x2  }
0x50b: {  	v34 =	vor.u32 v14, v22  }
0x50c: {  	[tilespmem:v20+s30+$0x0] =	vst.idx.msk $0xffff, v24;
	v20 =	vand.u32 $0x3E8, v34  }
0x50d: {  	v24 =	vld.idx.msk [tilespmem:v33+s24+$0x0], $0xffff;
	v20 =	vor.u32 v20, v21  }
0x50e: {  	v23 =	vor.u32 v15, v23;
	_ =	sdelay $0x2  }
0x50f: {  	v22 =	vor.u32 v16, v22  }
0x510: {  	[tilespmem:v20+s30+$0x0] =	vst.idx.msk $0xffff, v24;
	v20 =	vand.u32 $0x3F8, v22;
	v22 =	vadd.s32 s9, v18  }
0x511: {  	v23 =	vld.idx.msk [tilespmem:v23+s24+$0x0], $0xffff;
	v20 =	vor.u32 v20, v21;
	v21 =	vand.u32 $0x3F, v22  }
0x512: {  	v35 =	vor.u32 v1, v21;
	_ =	sdelay $0x2  }
0x513: {  	v22 =	vshll.u32 v22, $0x7  }
0x514: {  	[tilespmem:v20+s30+$0x0] =	vst.idx.msk $0xffff, v23;
	v20 =	vand.u32 $0x1F80, v22  }
0x515: {  	v23 =	vld.idx.msk [tilespmem:v35+s24+$0x0], $0xffff;
	v20 =	vor.u32 v0, v20  }
0x516: {  	v36 =	vor.u32 v2, v21;
	_ =	sdelay $0x2  }
0x517: {  	v37 =	vand.u32 $0x1C00, v22;
	v38 =	vor.u32 v3, v22  }
0x518: {  	[tilespmem:v20+s30+$0x0] =	vst.idx.msk $0xffff, v23;
	v20 =	vand.u32 $0x398, v38;
	v23 =	vor.u32 v4, v37  }
0x519: {  	v24 =	vld.idx.msk [tilespmem:v36+s24+$0x0], $0xffff;
	v20 =	vor.u32 v20, v23  }
0x51a: {  	v39 =	vor.u32 v5, v21;
	_ =	sdelay $0x2  }
0x51b: {  	v40 =	vor.u32 v6, v22  }
0x51c: {  	[tilespmem:v20+s30+$0x0] =	vst.idx.msk $0xffff, v24;
	v20 =	vand.u32 $0x3A8, v40  }
0x51d: {  	v24 =	vld.idx.msk [tilespmem:v39+s24+$0x0], $0xffff;
	v20 =	vor.u32 v20, v23  }
0x51e: {  	v41 =	vor.u32 v7, v21;
	_ =	sdelay $0x2  }
0x51f: {  	v42 =	vor.u32 v8, v22  }
0x520: {  	[tilespmem:v20+s30+$0x0] =	vst.idx.msk $0xffff, v24;
	v20 =	vand.u32 $0x3B8, v42  }
0x521: {  	v24 =	vld.idx.msk [tilespmem:v41+s24+$0x0], $0xffff;
	v20 =	vor.u32 v20, v23  }
0x522: {  	v43 =	vor.u32 v9, v21;
	_ =	sdelay $0x2  }
0x523: {  	v44 =	vor.u32 v10, v22  }
0x524: {  	[tilespmem:v20+s30+$0x0] =	vst.idx.msk $0xffff, v24;
	v20 =	vand.u32 $0x3C8, v44  }
0x525: {  	v24 =	vld.idx.msk [tilespmem:v43+s24+$0x0], $0xffff;
	v20 =	vor.u32 v20, v23  }
0x526: {  	v45 =	vor.u32 v11, v21;
	_ =	sdelay $0x2  }
0x527: {  	v46 =	vor.u32 v12, v22  }
0x528: {  	[tilespmem:v20+s30+$0x0] =	vst.idx.msk $0xffff, v24;
	v20 =	vand.u32 $0x3D8, v46  }
0x529: {  	v24 =	vld.idx.msk [tilespmem:v45+s24+$0x0], $0xffff;
	v20 =	vor.u32 v20, v23  }
0x52a: {  	v47 =	vor.u32 v13, v21;
	_ =	sdelay $0x2  }
0x52b: {  	v48 =	vor.u32 v14, v22  }
0x52c: {  	[tilespmem:v20+s30+$0x0] =	vst.idx.msk $0xffff, v24;
	v20 =	vand.u32 $0x3E8, v48  }
0x52d: {  	v24 =	vld.idx.msk [tilespmem:v47+s24+$0x0], $0xffff;
	v20 =	vor.u32 v20, v23  }
0x52e: {  	v21 =	vor.u32 v15, v21;
	_ =	sdelay $0x2  }
0x52f: {  	v22 =	vor.u32 v16, v22  }
0x530: {  	[tilespmem:v20+s30+$0x0] =	vst.idx.msk $0xffff, v24;
	v20 =	vand.u32 $0x3F8, v22;
	v22 =	vadd.s32 s9, v19  }
0x531: {  	v21 =	vld.idx.msk [tilespmem:v21+s24+$0x0], $0xffff;
	v20 =	vor.u32 v20, v23;
	v23 =	vand.u32 $0x3F, v22  }
0x532: {  	v49 =	vor.u32 v1, v23;
	_ =	sdelay $0x2  }
0x533: {  	v22 =	vshll.u32 v22, $0x7  }
0x534: {  	[tilespmem:v20+s30+$0x0] =	vst.idx.msk $0xffff, v21;
	v20 =	vand.u32 $0x1F80, v22  }
0x535: {  	v21 =	vld.idx.msk [tilespmem:v49+s24+$0x0], $0xffff;
	v20 =	vor.u32 v0, v20  }
0x536: {  	v50 =	vor.u32 v2, v23;
	_ =	sdelay $0x2  }
0x537: {  	v51 =	vand.u32 $0x1C00, v22;
	v52 =	vor.u32 v3, v22  }
0x538: {  	[tilespmem:v20+s30+$0x0] =	vst.idx.msk $0xffff, v21;
	v21 =	vand.u32 $0x398, v52;
	v20 =	vor.u32 v4, v51  }
0x539: {  	v24 =	vld.idx.msk [tilespmem:v50+s24+$0x0], $0xffff;
	v21 =	vor.u32 v21, v20  }
0x53a: {  	v53 =	vor.u32 v5, v23;
	_ =	sdelay $0x2  }
0x53b: {  	v54 =	vor.u32 v6, v22  }
0x53c: {  	[tilespmem:v21+s30+$0x0] =	vst.idx.msk $0xffff, v24;
	v21 =	vand.u32 $0x3A8, v54  }
0x53d: {  	v24 =	vld.idx.msk [tilespmem:v53+s24+$0x0], $0xffff;
	v21 =	vor.u32 v21, v20  }
0x53e: {  	v55 =	vor.u32 v7, v23;
	_ =	sdelay $0x2  }
0x53f: {  	v56 =	vor.u32 v8, v22  }
0x540: {  	[tilespmem:v21+s30+$0x0] =	vst.idx.msk $0xffff, v24;
	v21 =	vand.u32 $0x3B8, v56  }
0x541: {  	v24 =	vld.idx.msk [tilespmem:v55+s24+$0x0], $0xffff;
	v21 =	vor.u32 v21, v20  }
0x542: {  	v57 =	vor.u32 v9, v23;
	_ =	sdelay $0x2  }
0x543: {  	v58 =	vor.u32 v10, v22  }
0x544: {  	[tilespmem:v21+s30+$0x0] =	vst.idx.msk $0xffff, v24;
	v21 =	vand.u32 $0x3C8, v58  }
0x545: {  	v24 =	vld.idx.msk [tilespmem:v57+s24+$0x0], $0xffff;
	v21 =	vor.u32 v21, v20  }
0x546: {  	v59 =	vor.u32 v11, v23;
	_ =	sdelay $0x2  }
0x547: {  	v60 =	vor.u32 v12, v22  }
0x548: {  	[tilespmem:v21+s30+$0x0] =	vst.idx.msk $0xffff, v24;
	v21 =	vand.u32 $0x3D8, v60  }
0x549: {  	v24 =	vld.idx.msk [tilespmem:v59+s24+$0x0], $0xffff;
	v21 =	vor.u32 v21, v20  }
0x54a: {  	v61 =	vor.u32 v13, v23;
	_ =	sdelay $0x2  }
0x54b: {  	v62 =	vor.u32 v14, v22  }
0x54c: {  	[tilespmem:v21+s30+$0x0] =	vst.idx.msk $0xffff, v24;
	v21 =	vand.u32 $0x3E8, v62  }
0x54d: {  	v24 =	vld.idx.msk [tilespmem:v61+s24+$0x0], $0xffff;
	v21 =	vor.u32 v21, v20  }
0x54e: {  	v23 =	vor.u32 v15, v23;
	_ =	sdelay $0x3  }
0x54f: {  	s9 =	simm.s32 $0x4;
	v63 =	vor.u32 v16, v22;
	[tilespmem:v21+s30+$0x0] =	vst.idx.msk $0xffff, v24  }
0x550: {  	s10 =	simm.s32 $0x8;
	v21 =	vadd.s32 s9, v0;
	v22 =	vld.idx.msk [tilespmem:v23+s24+$0x0], $0xffff;
	v23 =	vand.u32 $0x3F8, v63  }
.LBB2_9:
0x551: {  	p0 =	sne.s32 s10, $0x3C;
	v24 =	vand.u32 $0x3F, v21;
	v20 =	vor.u32 v23, v20  }
0x552: {  	v23 =	vor.u32 v1, v24;
	_ =	sdelay $0x3  }
0x553: {  	v21 =	vshll.u32 v21, $0x7;
	[tilespmem:v20+s30+$0x0] =	vst.idx.msk $0xffff, v22  }
0x554: {  	v22 =	vand.u32 $0x1F80, v21;
	v20 =	vld.idx.msk [tilespmem:v23+s24+$0x0], $0xffff  }
0x555: {  	v22 =	vor.u32 v0, v22  }
0x556: {  	v23 =	vor.u32 v2, v24;
	_ =	sdelay $0x3  }
0x557: {  	v25 =	vand.u32 $0x1C00, v21;
	[tilespmem:v22+s30+$0x0] =	vst.idx.msk $0xffff, v20;
	v20 =	vor.u32 v3, v21  }
0x558: {  	v22 =	vld.idx.msk [tilespmem:v23+s24+$0x0], $0xffff;
	v20 =	vand.u32 $0x398, v20;
	v23 =	vor.u32 v4, v25  }
0x559: {  	v20 =	vor.u32 v20, v23  }
0x55a: {  	v25 =	vor.u32 v5, v24;
	_ =	sdelay $0x3  }
0x55b: {  	[tilespmem:v20+s30+$0x0] =	vst.idx.msk $0xffff, v22;
	v20 =	vor.u32 v6, v21  }
0x55c: {  	v22 =	vld.idx.msk [tilespmem:v25+s24+$0x0], $0xffff;
	v20 =	vand.u32 $0x3A8, v20  }
0x55d: {  	v20 =	vor.u32 v20, v23  }
0x55e: {  	v25 =	vor.u32 v7, v24;
	_ =	sdelay $0x3  }
0x55f: {  	[tilespmem:v20+s30+$0x0] =	vst.idx.msk $0xffff, v22;
	v20 =	vor.u32 v8, v21  }
0x560: {  	v22 =	vld.idx.msk [tilespmem:v25+s24+$0x0], $0xffff;
	v20 =	vand.u32 $0x3B8, v20  }
0x561: {  	v20 =	vor.u32 v20, v23  }
0x562: {  	v25 =	vor.u32 v9, v24;
	_ =	sdelay $0x3  }
0x563: {  	[tilespmem:v20+s30+$0x0] =	vst.idx.msk $0xffff, v22;
	v20 =	vor.u32 v10, v21  }
0x564: {  	v22 =	vld.idx.msk [tilespmem:v25+s24+$0x0], $0xffff;
	v20 =	vand.u32 $0x3C8, v20  }
0x565: {  	v20 =	vor.u32 v20, v23  }
0x566: {  	v25 =	vor.u32 v11, v24;
	_ =	sdelay $0x3  }
0x567: {  	[tilespmem:v20+s30+$0x0] =	vst.idx.msk $0xffff, v22;
	v20 =	vor.u32 v12, v21  }
0x568: {  	v22 =	vld.idx.msk [tilespmem:v25+s24+$0x0], $0xffff;
	v20 =	vand.u32 $0x3D8, v20  }
0x569: {  	v20 =	vor.u32 v20, v23  }
0x56a: {  	v25 =	vor.u32 v13, v24;
	_ =	sdelay $0x3  }
0x56b: {  	[tilespmem:v20+s30+$0x0] =	vst.idx.msk $0xffff, v22;
	v20 =	vor.u32 v14, v21  }
0x56c: {  	v22 =	vld.idx.msk [tilespmem:v25+s24+$0x0], $0xffff;
	v20 =	vand.u32 $0x3E8, v20  }
0x56d: {  	v20 =	vor.u32 v20, v23  }
0x56e: {  	v24 =	vor.u32 v15, v24;
	_ =	sdelay $0x3  }
0x56f: {  	[tilespmem:v20+s30+$0x0] =	vst.idx.msk $0xffff, v22;
	v20 =	vor.u32 v16, v21  }
0x570: {  	v22 =	vadd.s32 s9, v17;
	v21 =	vld.idx.msk [tilespmem:v24+s24+$0x0], $0xffff;
	v20 =	vand.u32 $0x3F8, v20  }
0x571: {  	v20 =	vor.u32 v20, v23;
	v23 =	vand.u32 $0x3F, v22  }
0x572: {  	v24 =	vor.u32 v1, v23;
	_ =	sdelay $0x3  }
0x573: {  	[tilespmem:v20+s30+$0x0] =	vst.idx.msk $0xffff, v21;
	v20 =	vshll.u32 v22, $0x7  }
0x574: {  	v21 =	vld.idx.msk [tilespmem:v24+s24+$0x0], $0xffff;
	v22 =	vand.u32 $0x1F80, v20  }
0x575: {  	v22 =	vor.u32 v0, v22  }
0x576: {  	v24 =	vor.u32 v2, v23;
	_ =	sdelay $0x3  }
0x577: {  	v25 =	vand.u32 $0x1C00, v20;
	[tilespmem:v22+s30+$0x0] =	vst.idx.msk $0xffff, v21;
	v21 =	vor.u32 v3, v20  }
0x578: {  	v22 =	vld.idx.msk [tilespmem:v24+s24+$0x0], $0xffff;
	v21 =	vand.u32 $0x398, v21;
	v24 =	vor.u32 v4, v25  }
0x579: {  	v21 =	vor.u32 v21, v24  }
0x57a: {  	v25 =	vor.u32 v5, v23;
	_ =	sdelay $0x3  }
0x57b: {  	[tilespmem:v21+s30+$0x0] =	vst.idx.msk $0xffff, v22;
	v21 =	vor.u32 v6, v20  }
0x57c: {  	v22 =	vld.idx.msk [tilespmem:v25+s24+$0x0], $0xffff;
	v21 =	vand.u32 $0x3A8, v21  }
0x57d: {  	v21 =	vor.u32 v21, v24  }
0x57e: {  	v25 =	vor.u32 v7, v23;
	_ =	sdelay $0x3  }
0x57f: {  	[tilespmem:v21+s30+$0x0] =	vst.idx.msk $0xffff, v22;
	v21 =	vor.u32 v8, v20  }
0x580: {  	v22 =	vld.idx.msk [tilespmem:v25+s24+$0x0], $0xffff;
	v21 =	vand.u32 $0x3B8, v21  }
0x581: {  	v21 =	vor.u32 v21, v24  }
0x582: {  	v25 =	vor.u32 v9, v23;
	_ =	sdelay $0x3  }
0x583: {  	[tilespmem:v21+s30+$0x0] =	vst.idx.msk $0xffff, v22;
	v21 =	vor.u32 v10, v20  }
0x584: {  	v22 =	vld.idx.msk [tilespmem:v25+s24+$0x0], $0xffff;
	v21 =	vand.u32 $0x3C8, v21  }
0x585: {  	v21 =	vor.u32 v21, v24  }
0x586: {  	v25 =	vor.u32 v11, v23;
	_ =	sdelay $0x3  }
0x587: {  	[tilespmem:v21+s30+$0x0] =	vst.idx.msk $0xffff, v22;
	v21 =	vor.u32 v12, v20  }
0x588: {  	v22 =	vld.idx.msk [tilespmem:v25+s24+$0x0], $0xffff;
	v21 =	vand.u32 $0x3D8, v21  }
0x589: {  	v21 =	vor.u32 v21, v24  }
0x58a: {  	v25 =	vor.u32 v13, v23;
	_ =	sdelay $0x3  }
0x58b: {  	[tilespmem:v21+s30+$0x0] =	vst.idx.msk $0xffff, v22;
	v21 =	vor.u32 v14, v20  }
0x58c: {  	v22 =	vld.idx.msk [tilespmem:v25+s24+$0x0], $0xffff;
	v21 =	vand.u32 $0x3E8, v21  }
0x58d: {  	v21 =	vor.u32 v21, v24  }
0x58e: {  	v23 =	vor.u32 v15, v23;
	_ =	sdelay $0x3  }
0x58f: {  	v20 =	vor.u32 v16, v20;
	[tilespmem:v21+s30+$0x0] =	vst.idx.msk $0xffff, v22  }
0x590: {  	v20 =	vand.u32 $0x3F8, v20;
	v22 =	vadd.s32 s9, v18;
	v21 =	vld.idx.msk [tilespmem:v23+s24+$0x0], $0xffff  }
0x591: {  	v20 =	vor.u32 v20, v24;
	v23 =	vand.u32 $0x3F, v22  }
0x592: {  	v24 =	vor.u32 v1, v23;
	_ =	sdelay $0x3  }
0x593: {  	[tilespmem:v20+s30+$0x0] =	vst.idx.msk $0xffff, v21;
	v20 =	vshll.u32 v22, $0x7  }
0x594: {  	v21 =	vld.idx.msk [tilespmem:v24+s24+$0x0], $0xffff;
	v22 =	vand.u32 $0x1F80, v20  }
0x595: {  	v22 =	vor.u32 v0, v22  }
0x596: {  	v24 =	vor.u32 v2, v23;
	_ =	sdelay $0x3  }
0x597: {  	v25 =	vand.u32 $0x1C00, v20;
	[tilespmem:v22+s30+$0x0] =	vst.idx.msk $0xffff, v21;
	v21 =	vor.u32 v3, v20  }
0x598: {  	v22 =	vld.idx.msk [tilespmem:v24+s24+$0x0], $0xffff;
	v21 =	vand.u32 $0x398, v21;
	v24 =	vor.u32 v4, v25  }
0x599: {  	v21 =	vor.u32 v21, v24  }
0x59a: {  	v25 =	vor.u32 v5, v23;
	_ =	sdelay $0x3  }
0x59b: {  	[tilespmem:v21+s30+$0x0] =	vst.idx.msk $0xffff, v22;
	v21 =	vor.u32 v6, v20  }
0x59c: {  	v22 =	vld.idx.msk [tilespmem:v25+s24+$0x0], $0xffff;
	v21 =	vand.u32 $0x3A8, v21  }
0x59d: {  	v21 =	vor.u32 v21, v24  }
0x59e: {  	v25 =	vor.u32 v7, v23;
	_ =	sdelay $0x3  }
0x59f: {  	[tilespmem:v21+s30+$0x0] =	vst.idx.msk $0xffff, v22;
	v21 =	vor.u32 v8, v20  }
0x5a0: {  	v22 =	vld.idx.msk [tilespmem:v25+s24+$0x0], $0xffff;
	v21 =	vand.u32 $0x3B8, v21  }
0x5a1: {  	v21 =	vor.u32 v21, v24  }
0x5a2: {  	v25 =	vor.u32 v9, v23;
	_ =	sdelay $0x3  }
0x5a3: {  	[tilespmem:v21+s30+$0x0] =	vst.idx.msk $0xffff, v22;
	v21 =	vor.u32 v10, v20  }
0x5a4: {  	v22 =	vld.idx.msk [tilespmem:v25+s24+$0x0], $0xffff;
	v21 =	vand.u32 $0x3C8, v21  }
0x5a5: {  	v21 =	vor.u32 v21, v24  }
0x5a6: {  	v25 =	vor.u32 v11, v23;
	_ =	sdelay $0x3  }
0x5a7: {  	[tilespmem:v21+s30+$0x0] =	vst.idx.msk $0xffff, v22;
	v21 =	vor.u32 v12, v20  }
0x5a8: {  	v22 =	vld.idx.msk [tilespmem:v25+s24+$0x0], $0xffff;
	v21 =	vand.u32 $0x3D8, v21  }
0x5a9: {  	v21 =	vor.u32 v21, v24  }
0x5aa: {  	v25 =	vor.u32 v13, v23;
	_ =	sdelay $0x3  }
0x5ab: {  	[tilespmem:v21+s30+$0x0] =	vst.idx.msk $0xffff, v22;
	v21 =	vor.u32 v14, v20  }
0x5ac: {  	v22 =	vld.idx.msk [tilespmem:v25+s24+$0x0], $0xffff;
	v21 =	vand.u32 $0x3E8, v21  }
0x5ad: {  	v21 =	vor.u32 v21, v24  }
0x5ae: {  	v23 =	vor.u32 v15, v23;
	_ =	sdelay $0x3  }
0x5af: {  	v20 =	vor.u32 v16, v20;
	[tilespmem:v21+s30+$0x0] =	vst.idx.msk $0xffff, v22  }
0x5b0: {  	v20 =	vand.u32 $0x3F8, v20;
	v22 =	vadd.s32 s9, v19;
	s9 =	smov.u32 s10;
	v21 =	vld.idx.msk [tilespmem:v23+s24+$0x0], $0xffff  }
0x5b1: {  	v20 =	vor.u32 v20, v24;
	v23 =	vand.u32 $0x3F, v22  }
0x5b2: {  	v24 =	vor.u32 v1, v23;
	_ =	sdelay $0x3  }
0x5b3: {  	[tilespmem:v20+s30+$0x0] =	vst.idx.msk $0xffff, v21;
	v21 =	vshll.u32 v22, $0x7  }
0x5b4: {  	v20 =	vld.idx.msk [tilespmem:v24+s24+$0x0], $0xffff;
	v22 =	vand.u32 $0x1F80, v21  }
0x5b5: {  	v22 =	vor.u32 v0, v22  }
0x5b6: {  	v24 =	vor.u32 v2, v23;
	_ =	sdelay $0x3  }
0x5b7: {  	v25 =	vand.u32 $0x1C00, v21;
	[tilespmem:v22+s30+$0x0] =	vst.idx.msk $0xffff, v20;
	v20 =	vor.u32 v3, v21  }
0x5b8: {  	v22 =	vld.idx.msk [tilespmem:v24+s24+$0x0], $0xffff;
	v24 =	vand.u32 $0x398, v20;
	v20 =	vor.u32 v4, v25  }
0x5b9: {  	v24 =	vor.u32 v24, v20  }
0x5ba: {  	v25 =	vor.u32 v5, v23;
	_ =	sdelay $0x3  }
0x5bb: {  	[tilespmem:v24+s30+$0x0] =	vst.idx.msk $0xffff, v22;
	v22 =	vor.u32 v6, v21  }
0x5bc: {  	v24 =	vld.idx.msk [tilespmem:v25+s24+$0x0], $0xffff;
	v22 =	vand.u32 $0x3A8, v22  }
0x5bd: {  	v22 =	vor.u32 v22, v20  }
0x5be: {  	v25 =	vor.u32 v7, v23;
	_ =	sdelay $0x3  }
0x5bf: {  	[tilespmem:v22+s30+$0x0] =	vst.idx.msk $0xffff, v24;
	v22 =	vor.u32 v8, v21  }
0x5c0: {  	v24 =	vld.idx.msk [tilespmem:v25+s24+$0x0], $0xffff;
	v22 =	vand.u32 $0x3B8, v22  }
0x5c1: {  	v22 =	vor.u32 v22, v20  }
0x5c2: {  	v25 =	vor.u32 v9, v23;
	_ =	sdelay $0x3  }
0x5c3: {  	[tilespmem:v22+s30+$0x0] =	vst.idx.msk $0xffff, v24;
	v22 =	vor.u32 v10, v21  }
0x5c4: {  	v24 =	vld.idx.msk [tilespmem:v25+s24+$0x0], $0xffff;
	v22 =	vand.u32 $0x3C8, v22  }
0x5c5: {  	v22 =	vor.u32 v22, v20  }
0x5c6: {  	v25 =	vor.u32 v11, v23;
	_ =	sdelay $0x3  }
0x5c7: {  	[tilespmem:v22+s30+$0x0] =	vst.idx.msk $0xffff, v24;
	v22 =	vor.u32 v12, v21  }
0x5c8: {  	v24 =	vld.idx.msk [tilespmem:v25+s24+$0x0], $0xffff;
	v22 =	vand.u32 $0x3D8, v22  }
0x5c9: {  	v22 =	vor.u32 v22, v20  }
0x5ca: {  	v25 =	vor.u32 v13, v23;
	_ =	sdelay $0x3  }
0x5cb: {  	[tilespmem:v22+s30+$0x0] =	vst.idx.msk $0xffff, v24;
	v22 =	vor.u32 v14, v21  }
0x5cc: {  	v24 =	vld.idx.msk [tilespmem:v25+s24+$0x0], $0xffff;
	v22 =	vand.u32 $0x3E8, v22  }
0x5cd: {  	v22 =	vor.u32 v22, v20  }
0x5ce: {  	v23 =	vor.u32 v15, v23  }
.Ltmp3:
0x5cf: {  	(pc) =	sbr.rel @p0 .LBB2_9-.Ltmp3, $3  }
0x5d0: {  	_ =	sdelay $0x1  }
0x5d1: {  	[tilespmem:v22+s30+$0x0] =	vst.idx.msk $0xffff, v24;
	v24 =	vor.u32 v16, v21  }
0x5d2: {  	s10 =	sadd.s32 $0x4, s10;
	v21 =	vadd.s32 s9, v0;
	v22 =	vld.idx.msk [tilespmem:v23+s24+$0x0], $0xffff;
	v23 =	vand.u32 $0x3F8, v24  }
0x5d3: {  	v24 =	vand.u32 $0x3F, v21;
	v20 =	vor.u32 v23, v20  }
0x5d4: {  	v34 =	vor.u32 v1, v24;
	_ =	sdelay $0x2  }
0x5d5: {  	v35 =	vshll.u32 v21, $0x7  }
0x5d6: {  	[tilespmem:v20+s30+$0x0] =	vst.idx.msk $0xffff, v22;
	v20 =	vand.u32 $0x1F80, v35  }
0x5d7: {  	v22 =	vld.idx.msk [tilespmem:v34+s24+$0x0], $0xffff;
	v20 =	vor.u32 v0, v20  }
0x5d8: {  	v36 =	vor.u32 v2, v24;
	_ =	sdelay $0x2  }
0x5d9: {  	v25 =	vand.u32 $0x1C00, v35;
	v26 =	vor.u32 v3, v35  }
0x5da: {  	v37 =	vor.u32 v4, v25;
	[tilespmem:v20+s30+$0x0] =	vst.idx.msk $0xffff, v22;
	v20 =	vand.u32 $0x398, v26  }
0x5db: {  	v23 =	vld.idx.msk [tilespmem:v36+s24+$0x0], $0xffff;
	v20 =	vor.u32 v20, v37  }
0x5dc: {  	v38 =	vor.u32 v5, v24;
	_ =	sdelay $0x2  }
0x5dd: {  	v39 =	vor.u32 v6, v35  }
0x5de: {  	[tilespmem:v20+s30+$0x0] =	vst.idx.msk $0xffff, v23;
	v20 =	vand.u32 $0x3A8, v39  }
0x5df: {  	v23 =	vld.idx.msk [tilespmem:v38+s24+$0x0], $0xffff;
	v20 =	vor.u32 v20, v37  }
0x5e0: {  	v40 =	vor.u32 v7, v24;
	_ =	sdelay $0x2  }
0x5e1: {  	v41 =	vor.u32 v8, v35  }
0x5e2: {  	[tilespmem:v20+s30+$0x0] =	vst.idx.msk $0xffff, v23;
	v20 =	vand.u32 $0x3B8, v41  }
0x5e3: {  	v23 =	vld.idx.msk [tilespmem:v40+s24+$0x0], $0xffff;
	v20 =	vor.u32 v20, v37  }
0x5e4: {  	v42 =	vor.u32 v9, v24;
	_ =	sdelay $0x2  }
0x5e5: {  	v43 =	vor.u32 v10, v35  }
0x5e6: {  	[tilespmem:v20+s30+$0x0] =	vst.idx.msk $0xffff, v23;
	v20 =	vand.u32 $0x3C8, v43  }
0x5e7: {  	v23 =	vld.idx.msk [tilespmem:v42+s24+$0x0], $0xffff;
	v20 =	vor.u32 v20, v37  }
0x5e8: {  	v44 =	vor.u32 v11, v24;
	_ =	sdelay $0x2  }
0x5e9: {  	v45 =	vor.u32 v12, v35  }
0x5ea: {  	[tilespmem:v20+s30+$0x0] =	vst.idx.msk $0xffff, v23;
	v20 =	vand.u32 $0x3D8, v45  }
0x5eb: {  	v23 =	vld.idx.msk [tilespmem:v44+s24+$0x0], $0xffff;
	v20 =	vor.u32 v20, v37  }
0x5ec: {  	v46 =	vor.u32 v13, v24;
	_ =	sdelay $0x2  }
0x5ed: {  	v47 =	vor.u32 v14, v35  }
0x5ee: {  	[tilespmem:v20+s30+$0x0] =	vst.idx.msk $0xffff, v23;
	v20 =	vand.u32 $0x3E8, v47  }
0x5ef: {  	v23 =	vld.idx.msk [tilespmem:v46+s24+$0x0], $0xffff;
	v20 =	vor.u32 v20, v37  }
0x5f0: {  	v24 =	vor.u32 v15, v24;
	_ =	sdelay $0x2  }
0x5f1: {  	v21 =	vor.u32 v16, v35  }
0x5f2: {  	v48 =	vadd.s32 s9, v17;
	[tilespmem:v20+s30+$0x0] =	vst.idx.msk $0xffff, v23;
	v20 =	vand.u32 $0x3F8, v21  }
0x5f3: {  	v49 =	vand.u32 $0x3F, v48;
	v23 =	vld.idx.msk [tilespmem:v24+s24+$0x0], $0xffff;
	v20 =	vor.u32 v20, v37  }
0x5f4: {  	v50 =	vor.u32 v1, v49;
	_ =	sdelay $0x2  }
0x5f5: {  	v21 =	vshll.u32 v48, $0x7  }
0x5f6: {  	[tilespmem:v20+s30+$0x0] =	vst.idx.msk $0xffff, v23;
	v20 =	vand.u32 $0x1F80, v21  }
0x5f7: {  	v23 =	vld.idx.msk [tilespmem:v50+s24+$0x0], $0xffff;
	v20 =	vor.u32 v0, v20  }
0x5f8: {  	v51 =	vor.u32 v2, v49;
	_ =	sdelay $0x2  }
0x5f9: {  	v52 =	vand.u32 $0x1C00, v21;
	v53 =	vor.u32 v3, v21  }
0x5fa: {  	v54 =	vor.u32 v4, v52;
	[tilespmem:v20+s30+$0x0] =	vst.idx.msk $0xffff, v23;
	v20 =	vand.u32 $0x398, v53  }
0x5fb: {  	v24 =	vld.idx.msk [tilespmem:v51+s24+$0x0], $0xffff;
	v20 =	vor.u32 v20, v54  }
0x5fc: {  	v55 =	vor.u32 v5, v49;
	_ =	sdelay $0x2  }
0x5fd: {  	v56 =	vor.u32 v6, v21  }
0x5fe: {  	[tilespmem:v20+s30+$0x0] =	vst.idx.msk $0xffff, v24;
	v20 =	vand.u32 $0x3A8, v56  }
0x5ff: {  	v24 =	vld.idx.msk [tilespmem:v55+s24+$0x0], $0xffff;
	v20 =	vor.u32 v20, v54  }
0x600: {  	v57 =	vor.u32 v7, v49;
	_ =	sdelay $0x2  }
0x601: {  	v58 =	vor.u32 v8, v21  }
0x602: {  	[tilespmem:v20+s30+$0x0] =	vst.idx.msk $0xffff, v24;
	v20 =	vand.u32 $0x3B8, v58  }
0x603: {  	v24 =	vld.idx.msk [tilespmem:v57+s24+$0x0], $0xffff;
	v20 =	vor.u32 v20, v54  }
0x604: {  	v59 =	vor.u32 v9, v49;
	_ =	sdelay $0x2  }
0x605: {  	v60 =	vor.u32 v10, v21  }
0x606: {  	[tilespmem:v20+s30+$0x0] =	vst.idx.msk $0xffff, v24;
	v20 =	vand.u32 $0x3C8, v60  }
0x607: {  	v24 =	vld.idx.msk [tilespmem:v59+s24+$0x0], $0xffff;
	v20 =	vor.u32 v20, v54  }
0x608: {  	v61 =	vor.u32 v11, v49;
	_ =	sdelay $0x2  }
0x609: {  	v62 =	vor.u32 v12, v21  }
0x60a: {  	[tilespmem:v20+s30+$0x0] =	vst.idx.msk $0xffff, v24;
	v20 =	vand.u32 $0x3D8, v62  }
0x60b: {  	v24 =	vld.idx.msk [tilespmem:v61+s24+$0x0], $0xffff;
	v20 =	vor.u32 v20, v54  }
0x60c: {  	v63 =	vor.u32 v13, v49;
	_ =	sdelay $0x2  }
0x60d: {  	v28 =	vor.u32 v14, v21  }
0x60e: {  	[tilespmem:v20+s30+$0x0] =	vst.idx.msk $0xffff, v24;
	v20 =	vand.u32 $0x3E8, v28  }
0x60f: {  	v24 =	vld.idx.msk [tilespmem:v63+s24+$0x0], $0xffff;
	v20 =	vor.u32 v20, v54  }
0x610: {  	v22 =	vor.u32 v15, v49;
	_ =	sdelay $0x2  }
0x611: {  	v21 =	vor.u32 v16, v21  }
0x612: {  	v29 =	vadd.s32 s9, v18;
	[tilespmem:v20+s30+$0x0] =	vst.idx.msk $0xffff, v24;
	v20 =	vand.u32 $0x3F8, v21  }
0x613: {  	v30 =	vand.u32 $0x3F, v29;
	v22 =	vld.idx.msk [tilespmem:v22+s24+$0x0], $0xffff;
	v20 =	vor.u32 v20, v54  }
0x614: {  	v31 =	vor.u32 v1, v30;
	_ =	sdelay $0x2  }
0x615: {  	v21 =	vshll.u32 v29, $0x7  }
0x616: {  	[tilespmem:v20+s30+$0x0] =	vst.idx.msk $0xffff, v22;
	v20 =	vand.u32 $0x1F80, v21  }
0x617: {  	v22 =	vld.idx.msk [tilespmem:v31+s24+$0x0], $0xffff;
	v20 =	vor.u32 v0, v20  }
0x618: {  	v32 =	vor.u32 v2, v30;
	_ =	sdelay $0x2  }
0x619: {  	v33 =	vand.u32 $0x1C00, v21;
	v34 =	vor.u32 v3, v21  }
0x61a: {  	v35 =	vor.u32 v4, v33;
	[tilespmem:v20+s30+$0x0] =	vst.idx.msk $0xffff, v22;
	v20 =	vand.u32 $0x398, v34  }
0x61b: {  	v24 =	vld.idx.msk [tilespmem:v32+s24+$0x0], $0xffff;
	v20 =	vor.u32 v20, v35  }
0x61c: {  	v36 =	vor.u32 v5, v30;
	_ =	sdelay $0x2  }
0x61d: {  	v37 =	vor.u32 v6, v21  }
0x61e: {  	[tilespmem:v20+s30+$0x0] =	vst.idx.msk $0xffff, v24;
	v20 =	vand.u32 $0x3A8, v37  }
0x61f: {  	v24 =	vld.idx.msk [tilespmem:v36+s24+$0x0], $0xffff;
	v20 =	vor.u32 v20, v35  }
0x620: {  	v38 =	vor.u32 v7, v30;
	_ =	sdelay $0x2  }
0x621: {  	v39 =	vor.u32 v8, v21  }
0x622: {  	[tilespmem:v20+s30+$0x0] =	vst.idx.msk $0xffff, v24;
	v20 =	vand.u32 $0x3B8, v39  }
0x623: {  	v24 =	vld.idx.msk [tilespmem:v38+s24+$0x0], $0xffff;
	v20 =	vor.u32 v20, v35  }
0x624: {  	v40 =	vor.u32 v9, v30;
	_ =	sdelay $0x2  }
0x625: {  	v41 =	vor.u32 v10, v21  }
0x626: {  	[tilespmem:v20+s30+$0x0] =	vst.idx.msk $0xffff, v24;
	v20 =	vand.u32 $0x3C8, v41  }
0x627: {  	v24 =	vld.idx.msk [tilespmem:v40+s24+$0x0], $0xffff;
	v20 =	vor.u32 v20, v35  }
0x628: {  	v42 =	vor.u32 v11, v30;
	_ =	sdelay $0x2  }
0x629: {  	v43 =	vor.u32 v12, v21  }
0x62a: {  	[tilespmem:v20+s30+$0x0] =	vst.idx.msk $0xffff, v24;
	v20 =	vand.u32 $0x3D8, v43  }
0x62b: {  	v24 =	vld.idx.msk [tilespmem:v42+s24+$0x0], $0xffff;
	v20 =	vor.u32 v20, v35  }
0x62c: {  	v44 =	vor.u32 v13, v30;
	_ =	sdelay $0x2  }
0x62d: {  	v45 =	vor.u32 v14, v21  }
0x62e: {  	[tilespmem:v20+s30+$0x0] =	vst.idx.msk $0xffff, v24;
	v20 =	vand.u32 $0x3E8, v45  }
0x62f: {  	v24 =	vld.idx.msk [tilespmem:v44+s24+$0x0], $0xffff;
	v20 =	vor.u32 v20, v35  }
0x630: {  	v23 =	vor.u32 v15, v30;
	_ =	sdelay $0x2  }
0x631: {  	v21 =	vor.u32 v16, v21  }
0x632: {  	v46 =	vadd.s32 s9, v19;
	[tilespmem:v20+s30+$0x0] =	vst.idx.msk $0xffff, v24;
	v20 =	vand.u32 $0x3F8, v21  }
0x633: {  	v47 =	vand.u32 $0x3F, v46;
	v23 =	vld.idx.msk [tilespmem:v23+s24+$0x0], $0xffff;
	v20 =	vor.u32 v20, v35  }
0x634: {  	v48 =	vor.u32 v1, v47;
	_ =	sdelay $0x2  }
0x635: {  	v21 =	vshll.u32 v46, $0x7  }
0x636: {  	[tilespmem:v20+s30+$0x0] =	vst.idx.msk $0xffff, v23;
	v20 =	vand.u32 $0x1F80, v21  }
0x637: {  	v23 =	vld.idx.msk [tilespmem:v48+s24+$0x0], $0xffff;
	v20 =	vor.u32 v0, v20  }
0x638: {  	v49 =	vor.u32 v2, v47;
	_ =	sdelay $0x2  }
0x639: {  	v50 =	vand.u32 $0x1C00, v21;
	v51 =	vor.u32 v3, v21  }
0x63a: {  	v52 =	vor.u32 v4, v50;
	[tilespmem:v20+s30+$0x0] =	vst.idx.msk $0xffff, v23;
	v20 =	vand.u32 $0x398, v51  }
0x63b: {  	v24 =	vld.idx.msk [tilespmem:v49+s24+$0x0], $0xffff;
	v20 =	vor.u32 v20, v52  }
0x63c: {  	v53 =	vor.u32 v5, v47;
	_ =	sdelay $0x2  }
0x63d: {  	v54 =	vor.u32 v6, v21  }
0x63e: {  	[tilespmem:v20+s30+$0x0] =	vst.idx.msk $0xffff, v24;
	v20 =	vand.u32 $0x3A8, v54  }
0x63f: {  	v24 =	vld.idx.msk [tilespmem:v53+s24+$0x0], $0xffff;
	v20 =	vor.u32 v20, v52  }
0x640: {  	v55 =	vor.u32 v7, v47;
	_ =	sdelay $0x2  }
0x641: {  	v56 =	vor.u32 v8, v21  }
0x642: {  	[tilespmem:v20+s30+$0x0] =	vst.idx.msk $0xffff, v24;
	v20 =	vand.u32 $0x3B8, v56  }
0x643: {  	v24 =	vld.idx.msk [tilespmem:v55+s24+$0x0], $0xffff;
	v20 =	vor.u32 v20, v52  }
0x644: {  	v57 =	vor.u32 v9, v47;
	_ =	sdelay $0x2  }
0x645: {  	v58 =	vor.u32 v10, v21  }
0x646: {  	[tilespmem:v20+s30+$0x0] =	vst.idx.msk $0xffff, v24;
	v20 =	vand.u32 $0x3C8, v58  }
0x647: {  	v24 =	vld.idx.msk [tilespmem:v57+s24+$0x0], $0xffff;
	v20 =	vor.u32 v20, v52  }
0x648: {  	v59 =	vor.u32 v11, v47;
	_ =	sdelay $0x2  }
0x649: {  	v60 =	vor.u32 v12, v21  }
0x64a: {  	[tilespmem:v20+s30+$0x0] =	vst.idx.msk $0xffff, v24;
	v20 =	vand.u32 $0x3D8, v60  }
0x64b: {  	v24 =	vld.idx.msk [tilespmem:v59+s24+$0x0], $0xffff;
	v20 =	vor.u32 v20, v52  }
0x64c: {  	v61 =	vor.u32 v13, v47;
	_ =	sdelay $0x2  }
0x64d: {  	v62 =	vor.u32 v14, v21  }
0x64e: {  	[tilespmem:v20+s30+$0x0] =	vst.idx.msk $0xffff, v24;
	v20 =	vand.u32 $0x3E8, v62  }
0x64f: {  	v24 =	vld.idx.msk [tilespmem:v61+s24+$0x0], $0xffff;
	v20 =	vor.u32 v20, v52  }
0x650: {  	v22 =	vor.u32 v15, v47;
	_ =	sdelay $0x2  }
0x651: {  	v21 =	vor.u32 v16, v21  }
0x652: {  	[tilespmem:v20+s30+$0x0] =	vst.idx.msk $0xffff, v24;
	v20 =	vand.u32 $0x3F8, v21  }
0x653: {  	s7 =	sadd.s32 $0x1, s7;
	v63 =	vld.idx.msk [tilespmem:v22+s24+$0x0], $0xffff;
	v20 =	vor.u32 v20, v52  }
0x654: {  	s8 =	sadd.s32 s8, s13;
	p0 =	sne.s32 s7, $0x18E  }
.Ltmp4:
0x655: {  	s10 =	sshll.u32 s8, $0x7;
	(pc) =	sbr.rel @p0 .LBB2_6-.Ltmp4, $4  }
0x656: {  	s8 =	sshll.u32 s8, $0xA;
	s9 =	sand.u32 $0x3F80, s10  }
0x657: {  	s8 =	sand.u32 $0xFFE0000, s8;
	s9 =	sadd.s32 s2, s9  }
0x658: {  	s8 =	sadd.s32 s8, s9;
	[tilespmem:v20+s30+$0x0] =	vst.idx.msk $0xffff, v63  }
0x659: {  	[hbm4b:s8+s26] =	stream.strided.scatter [tilespmem:s30], [sflag:$0x6], $0x2000, s28, s26, $0x38;
	[tilespmem:$0x8100] =	vst v63  }
0x65a: {  	_ =	swait.ge [sflag:s22], $0x2000  }
0x65b: {  	[sflag:s22] =	ssyncset.done $0x0  }
0x65c: {  	s6 =	simm.s32 $0x0;
	[sflag:s22] =	ssyncadd.s32 $0xFFFFE000  }
0x65d: {  	v20 =	vadd.s32 s6, v0;
	_ =	swait.ge [sflag:s23], $0x80  }
0x65e: {  	v21 =	vand.u32 $0x3F, v20;
	[sflag:s23] =	ssyncset.done $0x0  }
0x65f: {  	v22 =	vor.u32 v1, v21;
	[sflag:s23] =	ssyncadd.s32 $0xFFFFFF80  }
0x660: {  	[tilespmem:s24], [sflag:$0x4] =	stream.indirect.gather [hbm4b:s5+s19], $0x40, s19, s19, $0xb8;
	[tilespmem:$0x8100] =	vst v63  }
0x661: {  	_ =	swait.ge [sflag:s31], $0x2000  }
0x662: {  	v20 =	vshll.u32 v20, $0x7;
	[sflag:s31] =	ssyncset.done $0x0  }
0x663: {  	v23 =	vand.u32 $0x1F80, v20;
	[sflag:s31] =	ssyncadd.s32 $0xFFFFE000  }
0x664: {  	v23 =	vor.u32 v0, v23;
	v22 =	vld.idx.msk [tilespmem:v22+s21+$0x0], $0xffff  }
0x665: {  	v24 =	vor.u32 v2, v21;
	_ =	sdelay $0x2  }
0x666: {  	v25 =	vand.u32 $0x1C00, v20;
	v26 =	vor.u32 v3, v20  }
0x667: {  	[tilespmem:v23+s25+$0x0] =	vst.idx.msk $0xffff, v22;
	v22 =	vand.u32 $0x398, v26;
	v23 =	vor.u32 v4, v25  }
0x668: {  	v24 =	vld.idx.msk [tilespmem:v24+s21+$0x0], $0xffff;
	v22 =	vor.u32 v22, v23  }
0x669: {  	v47 =	vor.u32 v5, v21;
	_ =	sdelay $0x2  }
0x66a: {  	v48 =	vor.u32 v6, v20  }
0x66b: {  	[tilespmem:v22+s25+$0x0] =	vst.idx.msk $0xffff, v24;
	v22 =	vand.u32 $0x3A8, v48  }
0x66c: {  	v24 =	vld.idx.msk [tilespmem:v47+s21+$0x0], $0xffff;
	v22 =	vor.u32 v22, v23  }
0x66d: {  	v49 =	vor.u32 v7, v21;
	_ =	sdelay $0x2  }
0x66e: {  	v50 =	vor.u32 v8, v20  }
0x66f: {  	[tilespmem:v22+s25+$0x0] =	vst.idx.msk $0xffff, v24;
	v22 =	vand.u32 $0x3B8, v50  }
0x670: {  	v24 =	vld.idx.msk [tilespmem:v49+s21+$0x0], $0xffff;
	v22 =	vor.u32 v22, v23  }
0x671: {  	v51 =	vor.u32 v9, v21;
	_ =	sdelay $0x2  }
0x672: {  	v52 =	vor.u32 v10, v20  }
0x673: {  	[tilespmem:v22+s25+$0x0] =	vst.idx.msk $0xffff, v24;
	v22 =	vand.u32 $0x3C8, v52  }
0x674: {  	v24 =	vld.idx.msk [tilespmem:v51+s21+$0x0], $0xffff;
	v22 =	vor.u32 v22, v23  }
0x675: {  	v53 =	vor.u32 v11, v21;
	_ =	sdelay $0x2  }
0x676: {  	v54 =	vor.u32 v12, v20  }
0x677: {  	[tilespmem:v22+s25+$0x0] =	vst.idx.msk $0xffff, v24;
	v22 =	vand.u32 $0x3D8, v54  }
0x678: {  	v24 =	vld.idx.msk [tilespmem:v53+s21+$0x0], $0xffff;
	v22 =	vor.u32 v22, v23  }
0x679: {  	v55 =	vor.u32 v13, v21;
	_ =	sdelay $0x2  }
0x67a: {  	v56 =	vor.u32 v14, v20  }
0x67b: {  	[tilespmem:v22+s25+$0x0] =	vst.idx.msk $0xffff, v24;
	v22 =	vand.u32 $0x3E8, v56  }
0x67c: {  	v24 =	vld.idx.msk [tilespmem:v55+s21+$0x0], $0xffff;
	v22 =	vor.u32 v22, v23  }
0x67d: {  	v21 =	vor.u32 v15, v21;
	_ =	sdelay $0x2  }
0x67e: {  	v20 =	vor.u32 v16, v20  }
0x67f: {  	v20 =	vand.u32 $0x3F8, v20;
	[tilespmem:v22+s25+$0x0] =	vst.idx.msk $0xffff, v24;
	v22 =	vadd.s32 s6, v17  }
0x680: {  	v20 =	vor.u32 v20, v23;
	v21 =	vld.idx.msk [tilespmem:v21+s21+$0x0], $0xffff;
	v23 =	vand.u32 $0x3F, v22  }
0x681: {  	v57 =	vor.u32 v1, v23;
	_ =	sdelay $0x2  }
0x682: {  	v22 =	vshll.u32 v22, $0x7  }
0x683: {  	[tilespmem:v20+s25+$0x0] =	vst.idx.msk $0xffff, v21;
	v20 =	vand.u32 $0x1F80, v22  }
0x684: {  	v21 =	vld.idx.msk [tilespmem:v57+s21+$0x0], $0xffff;
	v20 =	vor.u32 v0, v20  }
0x685: {  	v58 =	vor.u32 v2, v23;
	_ =	sdelay $0x2  }
0x686: {  	v59 =	vand.u32 $0x1C00, v22;
	v60 =	vor.u32 v3, v22  }
0x687: {  	[tilespmem:v20+s25+$0x0] =	vst.idx.msk $0xffff, v21;
	v20 =	vand.u32 $0x398, v60;
	v21 =	vor.u32 v4, v59  }
0x688: {  	v24 =	vld.idx.msk [tilespmem:v58+s21+$0x0], $0xffff;
	v20 =	vor.u32 v20, v21  }
0x689: {  	v61 =	vor.u32 v5, v23;
	_ =	sdelay $0x2  }
0x68a: {  	v62 =	vor.u32 v6, v22  }
0x68b: {  	[tilespmem:v20+s25+$0x0] =	vst.idx.msk $0xffff, v24;
	v20 =	vand.u32 $0x3A8, v62  }
0x68c: {  	v24 =	vld.idx.msk [tilespmem:v61+s21+$0x0], $0xffff;
	v20 =	vor.u32 v20, v21  }
0x68d: {  	v63 =	vor.u32 v7, v23;
	_ =	sdelay $0x2  }
0x68e: {  	v28 =	vor.u32 v8, v22  }
0x68f: {  	[tilespmem:v20+s25+$0x0] =	vst.idx.msk $0xffff, v24;
	v20 =	vand.u32 $0x3B8, v28  }
0x690: {  	v24 =	vld.idx.msk [tilespmem:v63+s21+$0x0], $0xffff;
	v20 =	vor.u32 v20, v21  }
0x691: {  	v29 =	vor.u32 v9, v23;
	_ =	sdelay $0x2  }
0x692: {  	v30 =	vor.u32 v10, v22  }
0x693: {  	[tilespmem:v20+s25+$0x0] =	vst.idx.msk $0xffff, v24;
	v20 =	vand.u32 $0x3C8, v30  }
0x694: {  	v24 =	vld.idx.msk [tilespmem:v29+s21+$0x0], $0xffff;
	v20 =	vor.u32 v20, v21  }
0x695: {  	v31 =	vor.u32 v11, v23;
	_ =	sdelay $0x2  }
0x696: {  	v32 =	vor.u32 v12, v22  }
0x697: {  	[tilespmem:v20+s25+$0x0] =	vst.idx.msk $0xffff, v24;
	v20 =	vand.u32 $0x3D8, v32  }
0x698: {  	v24 =	vld.idx.msk [tilespmem:v31+s21+$0x0], $0xffff;
	v20 =	vor.u32 v20, v21  }
0x699: {  	v33 =	vor.u32 v13, v23;
	_ =	sdelay $0x2  }
0x69a: {  	v34 =	vor.u32 v14, v22  }
0x69b: {  	[tilespmem:v20+s25+$0x0] =	vst.idx.msk $0xffff, v24;
	v20 =	vand.u32 $0x3E8, v34  }
0x69c: {  	v24 =	vld.idx.msk [tilespmem:v33+s21+$0x0], $0xffff;
	v20 =	vor.u32 v20, v21  }
0x69d: {  	v23 =	vor.u32 v15, v23;
	_ =	sdelay $0x2  }
0x69e: {  	v22 =	vor.u32 v16, v22  }
0x69f: {  	[tilespmem:v20+s25+$0x0] =	vst.idx.msk $0xffff, v24;
	v20 =	vand.u32 $0x3F8, v22;
	v22 =	vadd.s32 s6, v18  }
0x6a0: {  	v23 =	vld.idx.msk [tilespmem:v23+s21+$0x0], $0xffff;
	v20 =	vor.u32 v20, v21;
	v21 =	vand.u32 $0x3F, v22  }
0x6a1: {  	v35 =	vor.u32 v1, v21;
	_ =	sdelay $0x2  }
0x6a2: {  	v22 =	vshll.u32 v22, $0x7  }
0x6a3: {  	[tilespmem:v20+s25+$0x0] =	vst.idx.msk $0xffff, v23;
	v20 =	vand.u32 $0x1F80, v22  }
0x6a4: {  	v23 =	vld.idx.msk [tilespmem:v35+s21+$0x0], $0xffff;
	v20 =	vor.u32 v0, v20  }
0x6a5: {  	v36 =	vor.u32 v2, v21;
	_ =	sdelay $0x2  }
0x6a6: {  	v37 =	vand.u32 $0x1C00, v22;
	v38 =	vor.u32 v3, v22  }
0x6a7: {  	[tilespmem:v20+s25+$0x0] =	vst.idx.msk $0xffff, v23;
	v20 =	vand.u32 $0x398, v38;
	v23 =	vor.u32 v4, v37  }
0x6a8: {  	v24 =	vld.idx.msk [tilespmem:v36+s21+$0x0], $0xffff;
	v20 =	vor.u32 v20, v23  }
0x6a9: {  	v39 =	vor.u32 v5, v21;
	_ =	sdelay $0x2  }
0x6aa: {  	v40 =	vor.u32 v6, v22  }
0x6ab: {  	[tilespmem:v20+s25+$0x0] =	vst.idx.msk $0xffff, v24;
	v20 =	vand.u32 $0x3A8, v40  }
0x6ac: {  	v24 =	vld.idx.msk [tilespmem:v39+s21+$0x0], $0xffff;
	v20 =	vor.u32 v20, v23  }
0x6ad: {  	v41 =	vor.u32 v7, v21;
	_ =	sdelay $0x2  }
0x6ae: {  	v42 =	vor.u32 v8, v22  }
0x6af: {  	[tilespmem:v20+s25+$0x0] =	vst.idx.msk $0xffff, v24;
	v20 =	vand.u32 $0x3B8, v42  }
0x6b0: {  	v24 =	vld.idx.msk [tilespmem:v41+s21+$0x0], $0xffff;
	v20 =	vor.u32 v20, v23  }
0x6b1: {  	v43 =	vor.u32 v9, v21;
	_ =	sdelay $0x2  }
0x6b2: {  	v44 =	vor.u32 v10, v22  }
0x6b3: {  	[tilespmem:v20+s25+$0x0] =	vst.idx.msk $0xffff, v24;
	v20 =	vand.u32 $0x3C8, v44  }
0x6b4: {  	v24 =	vld.idx.msk [tilespmem:v43+s21+$0x0], $0xffff;
	v20 =	vor.u32 v20, v23  }
0x6b5: {  	v45 =	vor.u32 v11, v21;
	_ =	sdelay $0x2  }
0x6b6: {  	v46 =	vor.u32 v12, v22  }
0x6b7: {  	[tilespmem:v20+s25+$0x0] =	vst.idx.msk $0xffff, v24;
	v20 =	vand.u32 $0x3D8, v46  }
0x6b8: {  	v24 =	vld.idx.msk [tilespmem:v45+s21+$0x0], $0xffff;
	v20 =	vor.u32 v20, v23  }
0x6b9: {  	v47 =	vor.u32 v13, v21;
	_ =	sdelay $0x2  }
0x6ba: {  	v48 =	vor.u32 v14, v22  }
0x6bb: {  	[tilespmem:v20+s25+$0x0] =	vst.idx.msk $0xffff, v24;
	v20 =	vand.u32 $0x3E8, v48  }
0x6bc: {  	v24 =	vld.idx.msk [tilespmem:v47+s21+$0x0], $0xffff;
	v20 =	vor.u32 v20, v23  }
0x6bd: {  	v21 =	vor.u32 v15, v21;
	_ =	sdelay $0x2  }
0x6be: {  	v22 =	vor.u32 v16, v22  }
0x6bf: {  	[tilespmem:v20+s25+$0x0] =	vst.idx.msk $0xffff, v24;
	v20 =	vand.u32 $0x3F8, v22;
	v22 =	vadd.s32 s6, v19  }
0x6c0: {  	v21 =	vld.idx.msk [tilespmem:v21+s21+$0x0], $0xffff;
	v20 =	vor.u32 v20, v23;
	v23 =	vand.u32 $0x3F, v22  }
0x6c1: {  	v49 =	vor.u32 v1, v23;
	_ =	sdelay $0x2  }
0x6c2: {  	v22 =	vshll.u32 v22, $0x7  }
0x6c3: {  	[tilespmem:v20+s25+$0x0] =	vst.idx.msk $0xffff, v21;
	v20 =	vand.u32 $0x1F80, v22  }
0x6c4: {  	v21 =	vld.idx.msk [tilespmem:v49+s21+$0x0], $0xffff;
	v20 =	vor.u32 v0, v20  }
0x6c5: {  	v50 =	vor.u32 v2, v23;
	_ =	sdelay $0x2  }
0x6c6: {  	v51 =	vand.u32 $0x1C00, v22;
	v52 =	vor.u32 v3, v22  }
0x6c7: {  	[tilespmem:v20+s25+$0x0] =	vst.idx.msk $0xffff, v21;
	v21 =	vand.u32 $0x398, v52;
	v20 =	vor.u32 v4, v51  }
0x6c8: {  	v24 =	vld.idx.msk [tilespmem:v50+s21+$0x0], $0xffff;
	v21 =	vor.u32 v21, v20  }
0x6c9: {  	v53 =	vor.u32 v5, v23;
	_ =	sdelay $0x2  }
0x6ca: {  	v54 =	vor.u32 v6, v22  }
0x6cb: {  	[tilespmem:v21+s25+$0x0] =	vst.idx.msk $0xffff, v24;
	v21 =	vand.u32 $0x3A8, v54  }
0x6cc: {  	v24 =	vld.idx.msk [tilespmem:v53+s21+$0x0], $0xffff;
	v21 =	vor.u32 v21, v20  }
0x6cd: {  	v55 =	vor.u32 v7, v23;
	_ =	sdelay $0x2  }
0x6ce: {  	v56 =	vor.u32 v8, v22  }
0x6cf: {  	[tilespmem:v21+s25+$0x0] =	vst.idx.msk $0xffff, v24;
	v21 =	vand.u32 $0x3B8, v56  }
0x6d0: {  	v24 =	vld.idx.msk [tilespmem:v55+s21+$0x0], $0xffff;
	v21 =	vor.u32 v21, v20  }
0x6d1: {  	v57 =	vor.u32 v9, v23;
	_ =	sdelay $0x2  }
0x6d2: {  	v58 =	vor.u32 v10, v22  }
0x6d3: {  	[tilespmem:v21+s25+$0x0] =	vst.idx.msk $0xffff, v24;
	v21 =	vand.u32 $0x3C8, v58  }
0x6d4: {  	v24 =	vld.idx.msk [tilespmem:v57+s21+$0x0], $0xffff;
	v21 =	vor.u32 v21, v20  }
0x6d5: {  	v59 =	vor.u32 v11, v23;
	_ =	sdelay $0x2  }
0x6d6: {  	v60 =	vor.u32 v12, v22  }
0x6d7: {  	[tilespmem:v21+s25+$0x0] =	vst.idx.msk $0xffff, v24;
	v21 =	vand.u32 $0x3D8, v60  }
0x6d8: {  	v24 =	vld.idx.msk [tilespmem:v59+s21+$0x0], $0xffff;
	v21 =	vor.u32 v21, v20  }
0x6d9: {  	v61 =	vor.u32 v13, v23;
	_ =	sdelay $0x2  }
0x6da: {  	v62 =	vor.u32 v14, v22  }
0x6db: {  	[tilespmem:v21+s25+$0x0] =	vst.idx.msk $0xffff, v24;
	v21 =	vand.u32 $0x3E8, v62  }
0x6dc: {  	v24 =	vld.idx.msk [tilespmem:v61+s21+$0x0], $0xffff;
	v21 =	vor.u32 v21, v20  }
0x6dd: {  	v23 =	vor.u32 v15, v23;
	_ =	sdelay $0x3  }
0x6de: {  	s6 =	simm.s32 $0x4;
	v63 =	vor.u32 v16, v22;
	[tilespmem:v21+s25+$0x0] =	vst.idx.msk $0xffff, v24  }
0x6df: {  	s7 =	simm.s32 $0x8;
	v21 =	vadd.s32 s6, v0;
	v22 =	vld.idx.msk [tilespmem:v23+s21+$0x0], $0xffff;
	v23 =	vand.u32 $0x3F8, v63  }
.LBB2_12:
0x6e0: {  	p0 =	sne.s32 s7, $0x3C;
	v24 =	vand.u32 $0x3F, v21;
	v20 =	vor.u32 v23, v20  }
0x6e1: {  	v23 =	vor.u32 v1, v24;
	_ =	sdelay $0x3  }
0x6e2: {  	v21 =	vshll.u32 v21, $0x7;
	[tilespmem:v20+s25+$0x0] =	vst.idx.msk $0xffff, v22  }
0x6e3: {  	v22 =	vand.u32 $0x1F80, v21;
	v20 =	vld.idx.msk [tilespmem:v23+s21+$0x0], $0xffff  }
0x6e4: {  	v22 =	vor.u32 v0, v22  }
0x6e5: {  	v23 =	vor.u32 v2, v24;
	_ =	sdelay $0x3  }
0x6e6: {  	v25 =	vand.u32 $0x1C00, v21;
	[tilespmem:v22+s25+$0x0] =	vst.idx.msk $0xffff, v20;
	v20 =	vor.u32 v3, v21  }
0x6e7: {  	v22 =	vld.idx.msk [tilespmem:v23+s21+$0x0], $0xffff;
	v20 =	vand.u32 $0x398, v20;
	v23 =	vor.u32 v4, v25  }
0x6e8: {  	v20 =	vor.u32 v20, v23  }
0x6e9: {  	v25 =	vor.u32 v5, v24;
	_ =	sdelay $0x3  }
0x6ea: {  	[tilespmem:v20+s25+$0x0] =	vst.idx.msk $0xffff, v22;
	v20 =	vor.u32 v6, v21  }
0x6eb: {  	v22 =	vld.idx.msk [tilespmem:v25+s21+$0x0], $0xffff;
	v20 =	vand.u32 $0x3A8, v20  }
0x6ec: {  	v20 =	vor.u32 v20, v23  }
0x6ed: {  	v25 =	vor.u32 v7, v24;
	_ =	sdelay $0x3  }
0x6ee: {  	[tilespmem:v20+s25+$0x0] =	vst.idx.msk $0xffff, v22;
	v20 =	vor.u32 v8, v21  }
0x6ef: {  	v22 =	vld.idx.msk [tilespmem:v25+s21+$0x0], $0xffff;
	v20 =	vand.u32 $0x3B8, v20  }
0x6f0: {  	v20 =	vor.u32 v20, v23  }
0x6f1: {  	v25 =	vor.u32 v9, v24;
	_ =	sdelay $0x3  }
0x6f2: {  	[tilespmem:v20+s25+$0x0] =	vst.idx.msk $0xffff, v22;
	v20 =	vor.u32 v10, v21  }
0x6f3: {  	v22 =	vld.idx.msk [tilespmem:v25+s21+$0x0], $0xffff;
	v20 =	vand.u32 $0x3C8, v20  }
0x6f4: {  	v20 =	vor.u32 v20, v23  }
0x6f5: {  	v25 =	vor.u32 v11, v24;
	_ =	sdelay $0x3  }
0x6f6: {  	[tilespmem:v20+s25+$0x0] =	vst.idx.msk $0xffff, v22;
	v20 =	vor.u32 v12, v21  }
0x6f7: {  	v22 =	vld.idx.msk [tilespmem:v25+s21+$0x0], $0xffff;
	v20 =	vand.u32 $0x3D8, v20  }
0x6f8: {  	v20 =	vor.u32 v20, v23  }
0x6f9: {  	v25 =	vor.u32 v13, v24;
	_ =	sdelay $0x3  }
0x6fa: {  	[tilespmem:v20+s25+$0x0] =	vst.idx.msk $0xffff, v22;
	v20 =	vor.u32 v14, v21  }
0x6fb: {  	v22 =	vld.idx.msk [tilespmem:v25+s21+$0x0], $0xffff;
	v20 =	vand.u32 $0x3E8, v20  }
0x6fc: {  	v20 =	vor.u32 v20, v23  }
0x6fd: {  	v24 =	vor.u32 v15, v24;
	_ =	sdelay $0x3  }
0x6fe: {  	[tilespmem:v20+s25+$0x0] =	vst.idx.msk $0xffff, v22;
	v20 =	vor.u32 v16, v21  }
0x6ff: {  	v22 =	vadd.s32 s6, v17;
	v21 =	vld.idx.msk [tilespmem:v24+s21+$0x0], $0xffff;
	v20 =	vand.u32 $0x3F8, v20  }
0x700: {  	v20 =	vor.u32 v20, v23;
	v23 =	vand.u32 $0x3F, v22  }
0x701: {  	v24 =	vor.u32 v1, v23;
	_ =	sdelay $0x3  }
0x702: {  	[tilespmem:v20+s25+$0x0] =	vst.idx.msk $0xffff, v21;
	v20 =	vshll.u32 v22, $0x7  }
0x703: {  	v21 =	vld.idx.msk [tilespmem:v24+s21+$0x0], $0xffff;
	v22 =	vand.u32 $0x1F80, v20  }
0x704: {  	v22 =	vor.u32 v0, v22  }
0x705: {  	v24 =	vor.u32 v2, v23;
	_ =	sdelay $0x3  }
0x706: {  	v25 =	vand.u32 $0x1C00, v20;
	[tilespmem:v22+s25+$0x0] =	vst.idx.msk $0xffff, v21;
	v21 =	vor.u32 v3, v20  }
0x707: {  	v22 =	vld.idx.msk [tilespmem:v24+s21+$0x0], $0xffff;
	v21 =	vand.u32 $0x398, v21;
	v24 =	vor.u32 v4, v25  }
0x708: {  	v21 =	vor.u32 v21, v24  }
0x709: {  	v25 =	vor.u32 v5, v23;
	_ =	sdelay $0x3  }
0x70a: {  	[tilespmem:v21+s25+$0x0] =	vst.idx.msk $0xffff, v22;
	v21 =	vor.u32 v6, v20  }
0x70b: {  	v22 =	vld.idx.msk [tilespmem:v25+s21+$0x0], $0xffff;
	v21 =	vand.u32 $0x3A8, v21  }
0x70c: {  	v21 =	vor.u32 v21, v24  }
0x70d: {  	v25 =	vor.u32 v7, v23;
	_ =	sdelay $0x3  }
0x70e: {  	[tilespmem:v21+s25+$0x0] =	vst.idx.msk $0xffff, v22;
	v21 =	vor.u32 v8, v20  }
0x70f: {  	v22 =	vld.idx.msk [tilespmem:v25+s21+$0x0], $0xffff;
	v21 =	vand.u32 $0x3B8, v21  }
0x710: {  	v21 =	vor.u32 v21, v24  }
0x711: {  	v25 =	vor.u32 v9, v23;
	_ =	sdelay $0x3  }
0x712: {  	[tilespmem:v21+s25+$0x0] =	vst.idx.msk $0xffff, v22;
	v21 =	vor.u32 v10, v20  }
0x713: {  	v22 =	vld.idx.msk [tilespmem:v25+s21+$0x0], $0xffff;
	v21 =	vand.u32 $0x3C8, v21  }
0x714: {  	v21 =	vor.u32 v21, v24  }
0x715: {  	v25 =	vor.u32 v11, v23;
	_ =	sdelay $0x3  }
0x716: {  	[tilespmem:v21+s25+$0x0] =	vst.idx.msk $0xffff, v22;
	v21 =	vor.u32 v12, v20  }
0x717: {  	v22 =	vld.idx.msk [tilespmem:v25+s21+$0x0], $0xffff;
	v21 =	vand.u32 $0x3D8, v21  }
0x718: {  	v21 =	vor.u32 v21, v24  }
0x719: {  	v25 =	vor.u32 v13, v23;
	_ =	sdelay $0x3  }
0x71a: {  	[tilespmem:v21+s25+$0x0] =	vst.idx.msk $0xffff, v22;
	v21 =	vor.u32 v14, v20  }
0x71b: {  	v22 =	vld.idx.msk [tilespmem:v25+s21+$0x0], $0xffff;
	v21 =	vand.u32 $0x3E8, v21  }
0x71c: {  	v21 =	vor.u32 v21, v24  }
0x71d: {  	v23 =	vor.u32 v15, v23;
	_ =	sdelay $0x3  }
0x71e: {  	v20 =	vor.u32 v16, v20;
	[tilespmem:v21+s25+$0x0] =	vst.idx.msk $0xffff, v22  }
0x71f: {  	v20 =	vand.u32 $0x3F8, v20;
	v22 =	vadd.s32 s6, v18;
	v21 =	vld.idx.msk [tilespmem:v23+s21+$0x0], $0xffff  }
0x720: {  	v20 =	vor.u32 v20, v24;
	v23 =	vand.u32 $0x3F, v22  }
0x721: {  	v24 =	vor.u32 v1, v23;
	_ =	sdelay $0x3  }
0x722: {  	[tilespmem:v20+s25+$0x0] =	vst.idx.msk $0xffff, v21;
	v20 =	vshll.u32 v22, $0x7  }
0x723: {  	v21 =	vld.idx.msk [tilespmem:v24+s21+$0x0], $0xffff;
	v22 =	vand.u32 $0x1F80, v20  }
0x724: {  	v22 =	vor.u32 v0, v22  }
0x725: {  	v24 =	vor.u32 v2, v23;
	_ =	sdelay $0x3  }
0x726: {  	v25 =	vand.u32 $0x1C00, v20;
	[tilespmem:v22+s25+$0x0] =	vst.idx.msk $0xffff, v21;
	v21 =	vor.u32 v3, v20  }
0x727: {  	v22 =	vld.idx.msk [tilespmem:v24+s21+$0x0], $0xffff;
	v21 =	vand.u32 $0x398, v21;
	v24 =	vor.u32 v4, v25  }
0x728: {  	v21 =	vor.u32 v21, v24  }
0x729: {  	v25 =	vor.u32 v5, v23;
	_ =	sdelay $0x3  }
0x72a: {  	[tilespmem:v21+s25+$0x0] =	vst.idx.msk $0xffff, v22;
	v21 =	vor.u32 v6, v20  }
0x72b: {  	v22 =	vld.idx.msk [tilespmem:v25+s21+$0x0], $0xffff;
	v21 =	vand.u32 $0x3A8, v21  }
0x72c: {  	v21 =	vor.u32 v21, v24  }
0x72d: {  	v25 =	vor.u32 v7, v23;
	_ =	sdelay $0x3  }
0x72e: {  	[tilespmem:v21+s25+$0x0] =	vst.idx.msk $0xffff, v22;
	v21 =	vor.u32 v8, v20  }
0x72f: {  	v22 =	vld.idx.msk [tilespmem:v25+s21+$0x0], $0xffff;
	v21 =	vand.u32 $0x3B8, v21  }
0x730: {  	v21 =	vor.u32 v21, v24  }
0x731: {  	v25 =	vor.u32 v9, v23;
	_ =	sdelay $0x3  }
0x732: {  	[tilespmem:v21+s25+$0x0] =	vst.idx.msk $0xffff, v22;
	v21 =	vor.u32 v10, v20  }
0x733: {  	v22 =	vld.idx.msk [tilespmem:v25+s21+$0x0], $0xffff;
	v21 =	vand.u32 $0x3C8, v21  }
0x734: {  	v21 =	vor.u32 v21, v24  }
0x735: {  	v25 =	vor.u32 v11, v23;
	_ =	sdelay $0x3  }
0x736: {  	[tilespmem:v21+s25+$0x0] =	vst.idx.msk $0xffff, v22;
	v21 =	vor.u32 v12, v20  }
0x737: {  	v22 =	vld.idx.msk [tilespmem:v25+s21+$0x0], $0xffff;
	v21 =	vand.u32 $0x3D8, v21  }
0x738: {  	v21 =	vor.u32 v21, v24  }
0x739: {  	v25 =	vor.u32 v13, v23;
	_ =	sdelay $0x3  }
0x73a: {  	[tilespmem:v21+s25+$0x0] =	vst.idx.msk $0xffff, v22;
	v21 =	vor.u32 v14, v20  }
0x73b: {  	v22 =	vld.idx.msk [tilespmem:v25+s21+$0x0], $0xffff;
	v21 =	vand.u32 $0x3E8, v21  }
0x73c: {  	v21 =	vor.u32 v21, v24  }
0x73d: {  	v23 =	vor.u32 v15, v23;
	_ =	sdelay $0x3  }
0x73e: {  	v20 =	vor.u32 v16, v20;
	[tilespmem:v21+s25+$0x0] =	vst.idx.msk $0xffff, v22  }
0x73f: {  	v20 =	vand.u32 $0x3F8, v20;
	v22 =	vadd.s32 s6, v19;
	s6 =	smov.u32 s7;
	v21 =	vld.idx.msk [tilespmem:v23+s21+$0x0], $0xffff  }
0x740: {  	v20 =	vor.u32 v20, v24;
	v23 =	vand.u32 $0x3F, v22  }
0x741: {  	v24 =	vor.u32 v1, v23;
	_ =	sdelay $0x3  }
0x742: {  	[tilespmem:v20+s25+$0x0] =	vst.idx.msk $0xffff, v21;
	v21 =	vshll.u32 v22, $0x7  }
0x743: {  	v20 =	vld.idx.msk [tilespmem:v24+s21+$0x0], $0xffff;
	v22 =	vand.u32 $0x1F80, v21  }
0x744: {  	v22 =	vor.u32 v0, v22  }
0x745: {  	v24 =	vor.u32 v2, v23;
	_ =	sdelay $0x3  }
0x746: {  	v25 =	vand.u32 $0x1C00, v21;
	[tilespmem:v22+s25+$0x0] =	vst.idx.msk $0xffff, v20;
	v20 =	vor.u32 v3, v21  }
0x747: {  	v22 =	vld.idx.msk [tilespmem:v24+s21+$0x0], $0xffff;
	v24 =	vand.u32 $0x398, v20;
	v20 =	vor.u32 v4, v25  }
0x748: {  	v24 =	vor.u32 v24, v20  }
0x749: {  	v25 =	vor.u32 v5, v23;
	_ =	sdelay $0x3  }
0x74a: {  	[tilespmem:v24+s25+$0x0] =	vst.idx.msk $0xffff, v22;
	v22 =	vor.u32 v6, v21  }
0x74b: {  	v24 =	vld.idx.msk [tilespmem:v25+s21+$0x0], $0xffff;
	v22 =	vand.u32 $0x3A8, v22  }
0x74c: {  	v22 =	vor.u32 v22, v20  }
0x74d: {  	v25 =	vor.u32 v7, v23;
	_ =	sdelay $0x3  }
0x74e: {  	[tilespmem:v22+s25+$0x0] =	vst.idx.msk $0xffff, v24;
	v22 =	vor.u32 v8, v21  }
0x74f: {  	v24 =	vld.idx.msk [tilespmem:v25+s21+$0x0], $0xffff;
	v22 =	vand.u32 $0x3B8, v22  }
0x750: {  	v22 =	vor.u32 v22, v20  }
0x751: {  	v25 =	vor.u32 v9, v23;
	_ =	sdelay $0x3  }
0x752: {  	[tilespmem:v22+s25+$0x0] =	vst.idx.msk $0xffff, v24;
	v22 =	vor.u32 v10, v21  }
0x753: {  	v24 =	vld.idx.msk [tilespmem:v25+s21+$0x0], $0xffff;
	v22 =	vand.u32 $0x3C8, v22  }
0x754: {  	v22 =	vor.u32 v22, v20  }
0x755: {  	v25 =	vor.u32 v11, v23;
	_ =	sdelay $0x3  }
0x756: {  	[tilespmem:v22+s25+$0x0] =	vst.idx.msk $0xffff, v24;
	v22 =	vor.u32 v12, v21  }
0x757: {  	v24 =	vld.idx.msk [tilespmem:v25+s21+$0x0], $0xffff;
	v22 =	vand.u32 $0x3D8, v22  }
0x758: {  	v22 =	vor.u32 v22, v20  }
0x759: {  	v25 =	vor.u32 v13, v23;
	_ =	sdelay $0x3  }
0x75a: {  	[tilespmem:v22+s25+$0x0] =	vst.idx.msk $0xffff, v24;
	v22 =	vor.u32 v14, v21  }
0x75b: {  	v24 =	vld.idx.msk [tilespmem:v25+s21+$0x0], $0xffff;
	v22 =	vand.u32 $0x3E8, v22  }
0x75c: {  	v22 =	vor.u32 v22, v20  }
0x75d: {  	v23 =	vor.u32 v15, v23  }
.Ltmp5:
0x75e: {  	(pc) =	sbr.rel @p0 .LBB2_12-.Ltmp5, $3  }
0x75f: {  	_ =	sdelay $0x1  }
0x760: {  	[tilespmem:v22+s25+$0x0] =	vst.idx.msk $0xffff, v24;
	v24 =	vor.u32 v16, v21  }
0x761: {  	s7 =	sadd.s32 $0x4, s7;
	v21 =	vadd.s32 s6, v0;
	v22 =	vld.idx.msk [tilespmem:v23+s21+$0x0], $0xffff;
	v23 =	vand.u32 $0x3F8, v24  }
0x762: {  	v24 =	vand.u32 $0x3F, v21;
	v20 =	vor.u32 v23, v20  }
0x763: {  	v23 =	vor.u32 v1, v24;
	_ =	sdelay $0x2  }
0x764: {  	v21 =	vshll.u32 v21, $0x7  }
0x765: {  	[tilespmem:v20+s25+$0x0] =	vst.idx.msk $0xffff, v22;
	v20 =	vand.u32 $0x1F80, v21  }
0x766: {  	v22 =	vld.idx.msk [tilespmem:v23+s21+$0x0], $0xffff;
	v20 =	vor.u32 v0, v20  }
0x767: {  	v23 =	vor.u32 v2, v24;
	_ =	sdelay $0x2  }
0x768: {  	v25 =	vand.u32 $0x1C00, v21;
	v26 =	vor.u32 v3, v21  }
0x769: {  	[tilespmem:v20+s25+$0x0] =	vst.idx.msk $0xffff, v22;
	v20 =	vand.u32 $0x398, v26;
	v22 =	vor.u32 v4, v25  }
0x76a: {  	v23 =	vld.idx.msk [tilespmem:v23+s21+$0x0], $0xffff;
	v20 =	vor.u32 v20, v22  }
0x76b: {  	v28 =	vor.u32 v5, v24;
	_ =	sdelay $0x2  }
0x76c: {  	v29 =	vor.u32 v6, v21  }
0x76d: {  	[tilespmem:v20+s25+$0x0] =	vst.idx.msk $0xffff, v23;
	v20 =	vand.u32 $0x3A8, v29  }
0x76e: {  	v23 =	vld.idx.msk [tilespmem:v28+s21+$0x0], $0xffff;
	v20 =	vor.u32 v20, v22  }
0x76f: {  	v30 =	vor.u32 v7, v24;
	_ =	sdelay $0x2  }
0x770: {  	v31 =	vor.u32 v8, v21  }
0x771: {  	[tilespmem:v20+s25+$0x0] =	vst.idx.msk $0xffff, v23;
	v20 =	vand.u32 $0x3B8, v31  }
0x772: {  	v23 =	vld.idx.msk [tilespmem:v30+s21+$0x0], $0xffff;
	v20 =	vor.u32 v20, v22  }
0x773: {  	v32 =	vor.u32 v9, v24;
	_ =	sdelay $0x2  }
0x774: {  	v33 =	vor.u32 v10, v21  }
0x775: {  	[tilespmem:v20+s25+$0x0] =	vst.idx.msk $0xffff, v23;
	v20 =	vand.u32 $0x3C8, v33  }
0x776: {  	v23 =	vld.idx.msk [tilespmem:v32+s21+$0x0], $0xffff;
	v20 =	vor.u32 v20, v22  }
0x777: {  	v34 =	vor.u32 v11, v24;
	_ =	sdelay $0x2  }
0x778: {  	v35 =	vor.u32 v12, v21  }
0x779: {  	[tilespmem:v20+s25+$0x0] =	vst.idx.msk $0xffff, v23;
	v20 =	vand.u32 $0x3D8, v35  }
0x77a: {  	v23 =	vld.idx.msk [tilespmem:v34+s21+$0x0], $0xffff;
	v20 =	vor.u32 v20, v22  }
0x77b: {  	v36 =	vor.u32 v13, v24;
	_ =	sdelay $0x2  }
0x77c: {  	v37 =	vor.u32 v14, v21  }
0x77d: {  	[tilespmem:v20+s25+$0x0] =	vst.idx.msk $0xffff, v23;
	v20 =	vand.u32 $0x3E8, v37  }
0x77e: {  	v23 =	vld.idx.msk [tilespmem:v36+s21+$0x0], $0xffff;
	v20 =	vor.u32 v20, v22  }
0x77f: {  	v24 =	vor.u32 v15, v24;
	_ =	sdelay $0x2  }
0x780: {  	v21 =	vor.u32 v16, v21  }
0x781: {  	[tilespmem:v20+s25+$0x0] =	vst.idx.msk $0xffff, v23;
	v20 =	vand.u32 $0x3F8, v21;
	v21 =	vadd.s32 s6, v17  }
0x782: {  	v23 =	vld.idx.msk [tilespmem:v24+s21+$0x0], $0xffff;
	v20 =	vor.u32 v20, v22;
	v22 =	vand.u32 $0x3F, v21  }
0x783: {  	v38 =	vor.u32 v1, v22;
	_ =	sdelay $0x2  }
0x784: {  	v21 =	vshll.u32 v21, $0x7  }
0x785: {  	[tilespmem:v20+s25+$0x0] =	vst.idx.msk $0xffff, v23;
	v20 =	vand.u32 $0x1F80, v21  }
0x786: {  	v23 =	vld.idx.msk [tilespmem:v38+s21+$0x0], $0xffff;
	v20 =	vor.u32 v0, v20  }
0x787: {  	v39 =	vor.u32 v2, v22;
	_ =	sdelay $0x2  }
0x788: {  	v40 =	vand.u32 $0x1C00, v21;
	v41 =	vor.u32 v3, v21  }
0x789: {  	[tilespmem:v20+s25+$0x0] =	vst.idx.msk $0xffff, v23;
	v20 =	vand.u32 $0x398, v41;
	v23 =	vor.u32 v4, v40  }
0x78a: {  	v24 =	vld.idx.msk [tilespmem:v39+s21+$0x0], $0xffff;
	v20 =	vor.u32 v20, v23  }
0x78b: {  	v42 =	vor.u32 v5, v22;
	_ =	sdelay $0x2  }
0x78c: {  	v43 =	vor.u32 v6, v21  }
0x78d: {  	[tilespmem:v20+s25+$0x0] =	vst.idx.msk $0xffff, v24;
	v20 =	vand.u32 $0x3A8, v43  }
0x78e: {  	v24 =	vld.idx.msk [tilespmem:v42+s21+$0x0], $0xffff;
	v20 =	vor.u32 v20, v23  }
0x78f: {  	v44 =	vor.u32 v7, v22;
	_ =	sdelay $0x2  }
0x790: {  	v45 =	vor.u32 v8, v21  }
0x791: {  	[tilespmem:v20+s25+$0x0] =	vst.idx.msk $0xffff, v24;
	v20 =	vand.u32 $0x3B8, v45  }
0x792: {  	v24 =	vld.idx.msk [tilespmem:v44+s21+$0x0], $0xffff;
	v20 =	vor.u32 v20, v23  }
0x793: {  	v46 =	vor.u32 v9, v22;
	_ =	sdelay $0x2  }
0x794: {  	v47 =	vor.u32 v10, v21  }
0x795: {  	[tilespmem:v20+s25+$0x0] =	vst.idx.msk $0xffff, v24;
	v20 =	vand.u32 $0x3C8, v47  }
0x796: {  	v24 =	vld.idx.msk [tilespmem:v46+s21+$0x0], $0xffff;
	v20 =	vor.u32 v20, v23  }
0x797: {  	v48 =	vor.u32 v11, v22;
	_ =	sdelay $0x2  }
0x798: {  	v49 =	vor.u32 v12, v21  }
0x799: {  	[tilespmem:v20+s25+$0x0] =	vst.idx.msk $0xffff, v24;
	v20 =	vand.u32 $0x3D8, v49  }
0x79a: {  	v24 =	vld.idx.msk [tilespmem:v48+s21+$0x0], $0xffff;
	v20 =	vor.u32 v20, v23  }
0x79b: {  	v50 =	vor.u32 v13, v22;
	_ =	sdelay $0x2  }
0x79c: {  	v51 =	vor.u32 v14, v21  }
0x79d: {  	[tilespmem:v20+s25+$0x0] =	vst.idx.msk $0xffff, v24;
	v20 =	vand.u32 $0x3E8, v51  }
0x79e: {  	v24 =	vld.idx.msk [tilespmem:v50+s21+$0x0], $0xffff;
	v20 =	vor.u32 v20, v23  }
0x79f: {  	v22 =	vor.u32 v15, v22;
	_ =	sdelay $0x2  }
0x7a0: {  	v21 =	vor.u32 v16, v21  }
0x7a1: {  	[tilespmem:v20+s25+$0x0] =	vst.idx.msk $0xffff, v24;
	v20 =	vand.u32 $0x3F8, v21;
	v21 =	vadd.s32 s6, v18  }
0x7a2: {  	v22 =	vld.idx.msk [tilespmem:v22+s21+$0x0], $0xffff;
	v20 =	vor.u32 v20, v23;
	v23 =	vand.u32 $0x3F, v21  }
0x7a3: {  	v52 =	vor.u32 v1, v23;
	_ =	sdelay $0x2  }
0x7a4: {  	v21 =	vshll.u32 v21, $0x7  }
0x7a5: {  	[tilespmem:v20+s25+$0x0] =	vst.idx.msk $0xffff, v22;
	v20 =	vand.u32 $0x1F80, v21  }
0x7a6: {  	v22 =	vld.idx.msk [tilespmem:v52+s21+$0x0], $0xffff;
	v20 =	vor.u32 v0, v20  }
0x7a7: {  	v53 =	vor.u32 v2, v23;
	_ =	sdelay $0x2  }
0x7a8: {  	v54 =	vand.u32 $0x1C00, v21;
	v55 =	vor.u32 v3, v21  }
0x7a9: {  	[tilespmem:v20+s25+$0x0] =	vst.idx.msk $0xffff, v22;
	v20 =	vand.u32 $0x398, v55;
	v22 =	vor.u32 v4, v54  }
0x7aa: {  	v24 =	vld.idx.msk [tilespmem:v53+s21+$0x0], $0xffff;
	v20 =	vor.u32 v20, v22  }
0x7ab: {  	v56 =	vor.u32 v5, v23;
	_ =	sdelay $0x2  }
0x7ac: {  	v57 =	vor.u32 v6, v21  }
0x7ad: {  	[tilespmem:v20+s25+$0x0] =	vst.idx.msk $0xffff, v24;
	v20 =	vand.u32 $0x3A8, v57  }
0x7ae: {  	v24 =	vld.idx.msk [tilespmem:v56+s21+$0x0], $0xffff;
	v20 =	vor.u32 v20, v22  }
0x7af: {  	v58 =	vor.u32 v7, v23;
	_ =	sdelay $0x2  }
0x7b0: {  	v59 =	vor.u32 v8, v21  }
0x7b1: {  	[tilespmem:v20+s25+$0x0] =	vst.idx.msk $0xffff, v24;
	v20 =	vand.u32 $0x3B8, v59  }
0x7b2: {  	v24 =	vld.idx.msk [tilespmem:v58+s21+$0x0], $0xffff;
	v20 =	vor.u32 v20, v22  }
0x7b3: {  	v60 =	vor.u32 v9, v23;
	_ =	sdelay $0x2  }
0x7b4: {  	v61 =	vor.u32 v10, v21  }
0x7b5: {  	[tilespmem:v20+s25+$0x0] =	vst.idx.msk $0xffff, v24;
	v20 =	vand.u32 $0x3C8, v61  }
0x7b6: {  	v24 =	vld.idx.msk [tilespmem:v60+s21+$0x0], $0xffff;
	v20 =	vor.u32 v20, v22  }
0x7b7: {  	v62 =	vor.u32 v11, v23;
	_ =	sdelay $0x2  }
0x7b8: {  	v63 =	vor.u32 v12, v21  }
0x7b9: {  	[tilespmem:v20+s25+$0x0] =	vst.idx.msk $0xffff, v24;
	v20 =	vand.u32 $0x3D8, v63  }
0x7ba: {  	v24 =	vld.idx.msk [tilespmem:v62+s21+$0x0], $0xffff;
	v20 =	vor.u32 v20, v22  }
0x7bb: {  	v28 =	vor.u32 v13, v23;
	_ =	sdelay $0x2  }
0x7bc: {  	v29 =	vor.u32 v14, v21  }
0x7bd: {  	[tilespmem:v20+s25+$0x0] =	vst.idx.msk $0xffff, v24;
	v20 =	vand.u32 $0x3E8, v29  }
0x7be: {  	v24 =	vld.idx.msk [tilespmem:v28+s21+$0x0], $0xffff;
	v20 =	vor.u32 v20, v22  }
0x7bf: {  	v23 =	vor.u32 v15, v23;
	_ =	sdelay $0x2  }
0x7c0: {  	v21 =	vor.u32 v16, v21  }
0x7c1: {  	[tilespmem:v20+s25+$0x0] =	vst.idx.msk $0xffff, v24;
	v20 =	vand.u32 $0x3F8, v21;
	v21 =	vadd.s32 s6, v19  }
0x7c2: {  	v23 =	vld.idx.msk [tilespmem:v23+s21+$0x0], $0xffff;
	v20 =	vor.u32 v20, v22;
	v22 =	vand.u32 $0x3F, v21  }
0x7c3: {  	v30 =	vor.u32 v1, v22;
	_ =	sdelay $0x2  }
0x7c4: {  	v21 =	vshll.u32 v21, $0x7  }
0x7c5: {  	[tilespmem:v20+s25+$0x0] =	vst.idx.msk $0xffff, v23;
	v20 =	vand.u32 $0x1F80, v21  }
0x7c6: {  	v23 =	vld.idx.msk [tilespmem:v30+s21+$0x0], $0xffff;
	v20 =	vor.u32 v0, v20  }
0x7c7: {  	v31 =	vor.u32 v2, v22;
	_ =	sdelay $0x2  }
0x7c8: {  	v32 =	vand.u32 $0x1C00, v21;
	v33 =	vor.u32 v3, v21  }
0x7c9: {  	[tilespmem:v20+s25+$0x0] =	vst.idx.msk $0xffff, v23;
	v20 =	vand.u32 $0x398, v33;
	v23 =	vor.u32 v4, v32  }
0x7ca: {  	v24 =	vld.idx.msk [tilespmem:v31+s21+$0x0], $0xffff;
	v20 =	vor.u32 v20, v23  }
0x7cb: {  	v34 =	vor.u32 v5, v22;
	_ =	sdelay $0x2  }
0x7cc: {  	v35 =	vor.u32 v6, v21  }
0x7cd: {  	[tilespmem:v20+s25+$0x0] =	vst.idx.msk $0xffff, v24;
	v20 =	vand.u32 $0x3A8, v35  }
0x7ce: {  	v24 =	vld.idx.msk [tilespmem:v34+s21+$0x0], $0xffff;
	v20 =	vor.u32 v20, v23  }
0x7cf: {  	v36 =	vor.u32 v7, v22;
	_ =	sdelay $0x2  }
0x7d0: {  	v37 =	vor.u32 v8, v21  }
0x7d1: {  	[tilespmem:v20+s25+$0x0] =	vst.idx.msk $0xffff, v24;
	v20 =	vand.u32 $0x3B8, v37  }
0x7d2: {  	v24 =	vld.idx.msk [tilespmem:v36+s21+$0x0], $0xffff;
	v20 =	vor.u32 v20, v23  }
0x7d3: {  	v38 =	vor.u32 v9, v22;
	_ =	sdelay $0x2  }
0x7d4: {  	v39 =	vor.u32 v10, v21  }
0x7d5: {  	[tilespmem:v20+s25+$0x0] =	vst.idx.msk $0xffff, v24;
	v20 =	vand.u32 $0x3C8, v39  }
0x7d6: {  	v24 =	vld.idx.msk [tilespmem:v38+s21+$0x0], $0xffff;
	v20 =	vor.u32 v20, v23  }
0x7d7: {  	v40 =	vor.u32 v11, v22;
	_ =	sdelay $0x2  }
0x7d8: {  	v41 =	vor.u32 v12, v21  }
0x7d9: {  	[tilespmem:v20+s25+$0x0] =	vst.idx.msk $0xffff, v24;
	v20 =	vand.u32 $0x3D8, v41  }
0x7da: {  	v24 =	vld.idx.msk [tilespmem:v40+s21+$0x0], $0xffff;
	v20 =	vor.u32 v20, v23  }
0x7db: {  	v42 =	vor.u32 v13, v22;
	_ =	sdelay $0x2  }
0x7dc: {  	v43 =	vor.u32 v14, v21  }
0x7dd: {  	[tilespmem:v20+s25+$0x0] =	vst.idx.msk $0xffff, v24;
	v20 =	vand.u32 $0x3E8, v43  }
0x7de: {  	v24 =	vld.idx.msk [tilespmem:v42+s21+$0x0], $0xffff;
	v20 =	vor.u32 v20, v23  }
0x7df: {  	v22 =	vor.u32 v15, v22;
	_ =	sdelay $0x2  }
0x7e0: {  	v21 =	vor.u32 v16, v21  }
0x7e1: {  	[tilespmem:v20+s25+$0x0] =	vst.idx.msk $0xffff, v24;
	v20 =	vand.u32 $0x3F8, v21  }
0x7e2: {  	v21 =	vld.idx.msk [tilespmem:v22+s21+$0x0], $0xffff;
	v20 =	vor.u32 v20, v23;
	_ =	sdelay $0x4  }
0x7e3: {  	s10 =	simm.s32 $0x0;
	[tilespmem:v20+s25+$0x0] =	vst.idx.msk $0xffff, v21  }
0x7e4: {  	v20 =	vadd.s32 s10, v0;
	[hbm4b:s16+s26] =	stream.strided.scatter [tilespmem:s25], [sflag:$0x5], $0x2000, s28, s26, $0x38;
	[tilespmem:$0x8100] =	vst v63  }
0x7e5: {  	v21 =	vand.u32 $0x3F, v20;
	_ =	swait.ge [sflag:s29], $0x2000  }
0x7e6: {  	v22 =	vor.u32 v1, v21;
	[sflag:s29] =	ssyncset.done $0x0  }
0x7e7: {  	[sflag:s29] =	ssyncadd.s32 $0xFFFFE000  }
0x7e8: {  	_ =	swait.ge [sflag:s1], $0x2000  }
0x7e9: {  	v20 =	vshll.u32 v20, $0x7;
	[sflag:s1] =	ssyncset.done $0x0  }
0x7ea: {  	v23 =	vand.u32 $0x1F80, v20;
	[sflag:s1] =	ssyncadd.s32 $0xFFFFE000  }
0x7eb: {  	v23 =	vor.u32 v0, v23;
	v22 =	vld.idx.msk [tilespmem:v22+s24+$0x0], $0xffff  }
0x7ec: {  	v44 =	vor.u32 v2, v21;
	_ =	sdelay $0x2  }
0x7ed: {  	v45 =	vand.u32 $0x1C00, v20;
	v46 =	vor.u32 v3, v20  }
0x7ee: {  	[tilespmem:v23+s30+$0x0] =	vst.idx.msk $0xffff, v22;
	v22 =	vand.u32 $0x398, v46;
	v23 =	vor.u32 v4, v45  }
0x7ef: {  	v24 =	vld.idx.msk [tilespmem:v44+s24+$0x0], $0xffff;
	v22 =	vor.u32 v22, v23  }
0x7f0: {  	v47 =	vor.u32 v5, v21;
	_ =	sdelay $0x2  }
0x7f1: {  	v48 =	vor.u32 v6, v20  }
0x7f2: {  	[tilespmem:v22+s30+$0x0] =	vst.idx.msk $0xffff, v24;
	v22 =	vand.u32 $0x3A8, v48  }
0x7f3: {  	v24 =	vld.idx.msk [tilespmem:v47+s24+$0x0], $0xffff;
	v22 =	vor.u32 v22, v23  }
0x7f4: {  	v49 =	vor.u32 v7, v21;
	_ =	sdelay $0x2  }
0x7f5: {  	v50 =	vor.u32 v8, v20  }
0x7f6: {  	[tilespmem:v22+s30+$0x0] =	vst.idx.msk $0xffff, v24;
	v22 =	vand.u32 $0x3B8, v50  }
0x7f7: {  	v24 =	vld.idx.msk [tilespmem:v49+s24+$0x0], $0xffff;
	v22 =	vor.u32 v22, v23  }
0x7f8: {  	v51 =	vor.u32 v9, v21;
	_ =	sdelay $0x2  }
0x7f9: {  	v52 =	vor.u32 v10, v20  }
0x7fa: {  	[tilespmem:v22+s30+$0x0] =	vst.idx.msk $0xffff, v24;
	v22 =	vand.u32 $0x3C8, v52  }
0x7fb: {  	v24 =	vld.idx.msk [tilespmem:v51+s24+$0x0], $0xffff;
	v22 =	vor.u32 v22, v23  }
0x7fc: {  	v53 =	vor.u32 v11, v21;
	_ =	sdelay $0x2  }
0x7fd: {  	v54 =	vor.u32 v12, v20  }
0x7fe: {  	[tilespmem:v22+s30+$0x0] =	vst.idx.msk $0xffff, v24;
	v22 =	vand.u32 $0x3D8, v54  }
0x7ff: {  	v24 =	vld.idx.msk [tilespmem:v53+s24+$0x0], $0xffff;
	v22 =	vor.u32 v22, v23  }
0x800: {  	v55 =	vor.u32 v13, v21;
	_ =	sdelay $0x2  }
0x801: {  	v56 =	vor.u32 v14, v20  }
0x802: {  	[tilespmem:v22+s30+$0x0] =	vst.idx.msk $0xffff, v24;
	v22 =	vand.u32 $0x3E8, v56  }
0x803: {  	v24 =	vld.idx.msk [tilespmem:v55+s24+$0x0], $0xffff;
	v22 =	vor.u32 v22, v23  }
0x804: {  	v21 =	vor.u32 v15, v21;
	_ =	sdelay $0x2  }
0x805: {  	v20 =	vor.u32 v16, v20  }
0x806: {  	v20 =	vand.u32 $0x3F8, v20;
	[tilespmem:v22+s30+$0x0] =	vst.idx.msk $0xffff, v24;
	v22 =	vadd.s32 s10, v17  }
0x807: {  	v20 =	vor.u32 v20, v23;
	v21 =	vld.idx.msk [tilespmem:v21+s24+$0x0], $0xffff;
	v23 =	vand.u32 $0x3F, v22  }
0x808: {  	v57 =	vor.u32 v1, v23;
	_ =	sdelay $0x2  }
0x809: {  	v22 =	vshll.u32 v22, $0x7  }
0x80a: {  	[tilespmem:v20+s30+$0x0] =	vst.idx.msk $0xffff, v21;
	v20 =	vand.u32 $0x1F80, v22  }
0x80b: {  	v21 =	vld.idx.msk [tilespmem:v57+s24+$0x0], $0xffff;
	v20 =	vor.u32 v0, v20  }
0x80c: {  	v58 =	vor.u32 v2, v23;
	_ =	sdelay $0x2  }
0x80d: {  	v59 =	vand.u32 $0x1C00, v22;
	v60 =	vor.u32 v3, v22  }
0x80e: {  	[tilespmem:v20+s30+$0x0] =	vst.idx.msk $0xffff, v21;
	v20 =	vand.u32 $0x398, v60;
	v21 =	vor.u32 v4, v59  }
0x80f: {  	v24 =	vld.idx.msk [tilespmem:v58+s24+$0x0], $0xffff;
	v20 =	vor.u32 v20, v21  }
0x810: {  	v61 =	vor.u32 v5, v23;
	_ =	sdelay $0x2  }
0x811: {  	v62 =	vor.u32 v6, v22  }
0x812: {  	[tilespmem:v20+s30+$0x0] =	vst.idx.msk $0xffff, v24;
	v20 =	vand.u32 $0x3A8, v62  }
0x813: {  	v24 =	vld.idx.msk [tilespmem:v61+s24+$0x0], $0xffff;
	v20 =	vor.u32 v20, v21  }
0x814: {  	v63 =	vor.u32 v7, v23;
	_ =	sdelay $0x2  }
0x815: {  	v28 =	vor.u32 v8, v22  }
0x816: {  	[tilespmem:v20+s30+$0x0] =	vst.idx.msk $0xffff, v24;
	v20 =	vand.u32 $0x3B8, v28  }
0x817: {  	v24 =	vld.idx.msk [tilespmem:v63+s24+$0x0], $0xffff;
	v20 =	vor.u32 v20, v21  }
0x818: {  	v29 =	vor.u32 v9, v23;
	_ =	sdelay $0x2  }
0x819: {  	v30 =	vor.u32 v10, v22  }
0x81a: {  	[tilespmem:v20+s30+$0x0] =	vst.idx.msk $0xffff, v24;
	v20 =	vand.u32 $0x3C8, v30  }
0x81b: {  	v24 =	vld.idx.msk [tilespmem:v29+s24+$0x0], $0xffff;
	v20 =	vor.u32 v20, v21  }
0x81c: {  	v31 =	vor.u32 v11, v23;
	_ =	sdelay $0x2  }
0x81d: {  	v32 =	vor.u32 v12, v22  }
0x81e: {  	[tilespmem:v20+s30+$0x0] =	vst.idx.msk $0xffff, v24;
	v20 =	vand.u32 $0x3D8, v32  }
0x81f: {  	v24 =	vld.idx.msk [tilespmem:v31+s24+$0x0], $0xffff;
	v20 =	vor.u32 v20, v21  }
0x820: {  	v33 =	vor.u32 v13, v23;
	_ =	sdelay $0x2  }
0x821: {  	v34 =	vor.u32 v14, v22  }
0x822: {  	[tilespmem:v20+s30+$0x0] =	vst.idx.msk $0xffff, v24;
	v20 =	vand.u32 $0x3E8, v34  }
0x823: {  	v24 =	vld.idx.msk [tilespmem:v33+s24+$0x0], $0xffff;
	v20 =	vor.u32 v20, v21  }
0x824: {  	v23 =	vor.u32 v15, v23;
	_ =	sdelay $0x2  }
0x825: {  	v22 =	vor.u32 v16, v22  }
0x826: {  	[tilespmem:v20+s30+$0x0] =	vst.idx.msk $0xffff, v24;
	v20 =	vand.u32 $0x3F8, v22;
	v22 =	vadd.s32 s10, v18  }
0x827: {  	v23 =	vld.idx.msk [tilespmem:v23+s24+$0x0], $0xffff;
	v20 =	vor.u32 v20, v21;
	v21 =	vand.u32 $0x3F, v22  }
0x828: {  	v35 =	vor.u32 v1, v21;
	_ =	sdelay $0x2  }
0x829: {  	v22 =	vshll.u32 v22, $0x7  }
0x82a: {  	[tilespmem:v20+s30+$0x0] =	vst.idx.msk $0xffff, v23;
	v20 =	vand.u32 $0x1F80, v22  }
0x82b: {  	v23 =	vld.idx.msk [tilespmem:v35+s24+$0x0], $0xffff;
	v20 =	vor.u32 v0, v20  }
0x82c: {  	v36 =	vor.u32 v2, v21;
	_ =	sdelay $0x2  }
0x82d: {  	v37 =	vand.u32 $0x1C00, v22;
	v38 =	vor.u32 v3, v22  }
0x82e: {  	[tilespmem:v20+s30+$0x0] =	vst.idx.msk $0xffff, v23;
	v20 =	vand.u32 $0x398, v38;
	v23 =	vor.u32 v4, v37  }
0x82f: {  	v24 =	vld.idx.msk [tilespmem:v36+s24+$0x0], $0xffff;
	v20 =	vor.u32 v20, v23  }
0x830: {  	v39 =	vor.u32 v5, v21;
	_ =	sdelay $0x2  }
0x831: {  	v40 =	vor.u32 v6, v22  }
0x832: {  	[tilespmem:v20+s30+$0x0] =	vst.idx.msk $0xffff, v24;
	v20 =	vand.u32 $0x3A8, v40  }
0x833: {  	v24 =	vld.idx.msk [tilespmem:v39+s24+$0x0], $0xffff;
	v20 =	vor.u32 v20, v23  }
0x834: {  	v41 =	vor.u32 v7, v21;
	_ =	sdelay $0x2  }
0x835: {  	v42 =	vor.u32 v8, v22  }
0x836: {  	[tilespmem:v20+s30+$0x0] =	vst.idx.msk $0xffff, v24;
	v20 =	vand.u32 $0x3B8, v42  }
0x837: {  	v24 =	vld.idx.msk [tilespmem:v41+s24+$0x0], $0xffff;
	v20 =	vor.u32 v20, v23  }
0x838: {  	v43 =	vor.u32 v9, v21;
	_ =	sdelay $0x2  }
0x839: {  	v44 =	vor.u32 v10, v22  }
0x83a: {  	[tilespmem:v20+s30+$0x0] =	vst.idx.msk $0xffff, v24;
	v20 =	vand.u32 $0x3C8, v44  }
0x83b: {  	v24 =	vld.idx.msk [tilespmem:v43+s24+$0x0], $0xffff;
	v20 =	vor.u32 v20, v23  }
0x83c: {  	v45 =	vor.u32 v11, v21;
	_ =	sdelay $0x2  }
0x83d: {  	v46 =	vor.u32 v12, v22  }
0x83e: {  	[tilespmem:v20+s30+$0x0] =	vst.idx.msk $0xffff, v24;
	v20 =	vand.u32 $0x3D8, v46  }
0x83f: {  	v24 =	vld.idx.msk [tilespmem:v45+s24+$0x0], $0xffff;
	v20 =	vor.u32 v20, v23  }
0x840: {  	v47 =	vor.u32 v13, v21;
	_ =	sdelay $0x2  }
0x841: {  	v48 =	vor.u32 v14, v22  }
0x842: {  	[tilespmem:v20+s30+$0x0] =	vst.idx.msk $0xffff, v24;
	v20 =	vand.u32 $0x3E8, v48  }
0x843: {  	v24 =	vld.idx.msk [tilespmem:v47+s24+$0x0], $0xffff;
	v20 =	vor.u32 v20, v23  }
0x844: {  	v21 =	vor.u32 v15, v21;
	_ =	sdelay $0x2  }
0x845: {  	v22 =	vor.u32 v16, v22  }
0x846: {  	[tilespmem:v20+s30+$0x0] =	vst.idx.msk $0xffff, v24;
	v20 =	vand.u32 $0x3F8, v22;
	v22 =	vadd.s32 s10, v19  }
0x847: {  	v21 =	vld.idx.msk [tilespmem:v21+s24+$0x0], $0xffff;
	v20 =	vor.u32 v20, v23;
	v23 =	vand.u32 $0x3F, v22  }
0x848: {  	v49 =	vor.u32 v1, v23;
	_ =	sdelay $0x2  }
0x849: {  	v22 =	vshll.u32 v22, $0x7  }
0x84a: {  	[tilespmem:v20+s30+$0x0] =	vst.idx.msk $0xffff, v21;
	v20 =	vand.u32 $0x1F80, v22  }
0x84b: {  	v21 =	vld.idx.msk [tilespmem:v49+s24+$0x0], $0xffff;
	v20 =	vor.u32 v0, v20  }
0x84c: {  	v50 =	vor.u32 v2, v23;
	_ =	sdelay $0x2  }
0x84d: {  	v51 =	vand.u32 $0x1C00, v22;
	v52 =	vor.u32 v3, v22  }
0x84e: {  	[tilespmem:v20+s30+$0x0] =	vst.idx.msk $0xffff, v21;
	v21 =	vand.u32 $0x398, v52;
	v20 =	vor.u32 v4, v51  }
0x84f: {  	v24 =	vld.idx.msk [tilespmem:v50+s24+$0x0], $0xffff;
	v21 =	vor.u32 v21, v20  }
0x850: {  	v53 =	vor.u32 v5, v23;
	_ =	sdelay $0x2  }
0x851: {  	v54 =	vor.u32 v6, v22  }
0x852: {  	[tilespmem:v21+s30+$0x0] =	vst.idx.msk $0xffff, v24;
	v21 =	vand.u32 $0x3A8, v54  }
0x853: {  	v24 =	vld.idx.msk [tilespmem:v53+s24+$0x0], $0xffff;
	v21 =	vor.u32 v21, v20  }
0x854: {  	v55 =	vor.u32 v7, v23;
	_ =	sdelay $0x2  }
0x855: {  	v56 =	vor.u32 v8, v22  }
0x856: {  	[tilespmem:v21+s30+$0x0] =	vst.idx.msk $0xffff, v24;
	v21 =	vand.u32 $0x3B8, v56  }
0x857: {  	v24 =	vld.idx.msk [tilespmem:v55+s24+$0x0], $0xffff;
	v21 =	vor.u32 v21, v20  }
0x858: {  	v57 =	vor.u32 v9, v23;
	_ =	sdelay $0x2  }
0x859: {  	v58 =	vor.u32 v10, v22  }
0x85a: {  	[tilespmem:v21+s30+$0x0] =	vst.idx.msk $0xffff, v24;
	v21 =	vand.u32 $0x3C8, v58  }
0x85b: {  	v24 =	vld.idx.msk [tilespmem:v57+s24+$0x0], $0xffff;
	v21 =	vor.u32 v21, v20  }
0x85c: {  	v59 =	vor.u32 v11, v23;
	_ =	sdelay $0x2  }
0x85d: {  	v60 =	vor.u32 v12, v22  }
0x85e: {  	[tilespmem:v21+s30+$0x0] =	vst.idx.msk $0xffff, v24;
	v21 =	vand.u32 $0x3D8, v60  }
0x85f: {  	v24 =	vld.idx.msk [tilespmem:v59+s24+$0x0], $0xffff;
	v21 =	vor.u32 v21, v20  }
0x860: {  	v61 =	vor.u32 v13, v23;
	_ =	sdelay $0x2  }
0x861: {  	v62 =	vor.u32 v14, v22  }
0x862: {  	[tilespmem:v21+s30+$0x0] =	vst.idx.msk $0xffff, v24;
	v21 =	vand.u32 $0x3E8, v62  }
0x863: {  	v24 =	vld.idx.msk [tilespmem:v61+s24+$0x0], $0xffff;
	v21 =	vor.u32 v21, v20  }
0x864: {  	v23 =	vor.u32 v15, v23;
	_ =	sdelay $0x3  }
0x865: {  	s6 =	simm.s32 $0x4;
	v63 =	vor.u32 v16, v22;
	[tilespmem:v21+s30+$0x0] =	vst.idx.msk $0xffff, v24  }
0x866: {  	s7 =	simm.s32 $0x8;
	v21 =	vadd.s32 s6, v0;
	v22 =	vld.idx.msk [tilespmem:v23+s24+$0x0], $0xffff;
	v23 =	vand.u32 $0x3F8, v63  }
.LBB2_14:
0x867: {  	p0 =	sne.s32 s7, $0x3C;
	v24 =	vand.u32 $0x3F, v21;
	v20 =	vor.u32 v23, v20  }
0x868: {  	v23 =	vor.u32 v1, v24;
	_ =	sdelay $0x3  }
0x869: {  	v21 =	vshll.u32 v21, $0x7;
	[tilespmem:v20+s30+$0x0] =	vst.idx.msk $0xffff, v22  }
0x86a: {  	v22 =	vand.u32 $0x1F80, v21;
	v20 =	vld.idx.msk [tilespmem:v23+s24+$0x0], $0xffff  }
0x86b: {  	v22 =	vor.u32 v0, v22  }
0x86c: {  	v23 =	vor.u32 v2, v24;
	_ =	sdelay $0x3  }
0x86d: {  	v25 =	vand.u32 $0x1C00, v21;
	[tilespmem:v22+s30+$0x0] =	vst.idx.msk $0xffff, v20;
	v20 =	vor.u32 v3, v21  }
0x86e: {  	v22 =	vld.idx.msk [tilespmem:v23+s24+$0x0], $0xffff;
	v20 =	vand.u32 $0x398, v20;
	v23 =	vor.u32 v4, v25  }
0x86f: {  	v20 =	vor.u32 v20, v23  }
0x870: {  	v25 =	vor.u32 v5, v24;
	_ =	sdelay $0x3  }
0x871: {  	[tilespmem:v20+s30+$0x0] =	vst.idx.msk $0xffff, v22;
	v20 =	vor.u32 v6, v21  }
0x872: {  	v22 =	vld.idx.msk [tilespmem:v25+s24+$0x0], $0xffff;
	v20 =	vand.u32 $0x3A8, v20  }
0x873: {  	v20 =	vor.u32 v20, v23  }
0x874: {  	v25 =	vor.u32 v7, v24;
	_ =	sdelay $0x3  }
0x875: {  	[tilespmem:v20+s30+$0x0] =	vst.idx.msk $0xffff, v22;
	v20 =	vor.u32 v8, v21  }
0x876: {  	v22 =	vld.idx.msk [tilespmem:v25+s24+$0x0], $0xffff;
	v20 =	vand.u32 $0x3B8, v20  }
0x877: {  	v20 =	vor.u32 v20, v23  }
0x878: {  	v25 =	vor.u32 v9, v24;
	_ =	sdelay $0x3  }
0x879: {  	[tilespmem:v20+s30+$0x0] =	vst.idx.msk $0xffff, v22;
	v20 =	vor.u32 v10, v21  }
0x87a: {  	v22 =	vld.idx.msk [tilespmem:v25+s24+$0x0], $0xffff;
	v20 =	vand.u32 $0x3C8, v20  }
0x87b: {  	v20 =	vor.u32 v20, v23  }
0x87c: {  	v25 =	vor.u32 v11, v24;
	_ =	sdelay $0x3  }
0x87d: {  	[tilespmem:v20+s30+$0x0] =	vst.idx.msk $0xffff, v22;
	v20 =	vor.u32 v12, v21  }
0x87e: {  	v22 =	vld.idx.msk [tilespmem:v25+s24+$0x0], $0xffff;
	v20 =	vand.u32 $0x3D8, v20  }
0x87f: {  	v20 =	vor.u32 v20, v23  }
0x880: {  	v25 =	vor.u32 v13, v24;
	_ =	sdelay $0x3  }
0x881: {  	[tilespmem:v20+s30+$0x0] =	vst.idx.msk $0xffff, v22;
	v20 =	vor.u32 v14, v21  }
0x882: {  	v22 =	vld.idx.msk [tilespmem:v25+s24+$0x0], $0xffff;
	v20 =	vand.u32 $0x3E8, v20  }
0x883: {  	v20 =	vor.u32 v20, v23  }
0x884: {  	v24 =	vor.u32 v15, v24;
	_ =	sdelay $0x3  }
0x885: {  	[tilespmem:v20+s30+$0x0] =	vst.idx.msk $0xffff, v22;
	v20 =	vor.u32 v16, v21  }
0x886: {  	v22 =	vadd.s32 s6, v17;
	v21 =	vld.idx.msk [tilespmem:v24+s24+$0x0], $0xffff;
	v20 =	vand.u32 $0x3F8, v20  }
0x887: {  	v20 =	vor.u32 v20, v23;
	v23 =	vand.u32 $0x3F, v22  }
0x888: {  	v24 =	vor.u32 v1, v23;
	_ =	sdelay $0x3  }
0x889: {  	[tilespmem:v20+s30+$0x0] =	vst.idx.msk $0xffff, v21;
	v20 =	vshll.u32 v22, $0x7  }
0x88a: {  	v21 =	vld.idx.msk [tilespmem:v24+s24+$0x0], $0xffff;
	v22 =	vand.u32 $0x1F80, v20  }
0x88b: {  	v22 =	vor.u32 v0, v22  }
0x88c: {  	v24 =	vor.u32 v2, v23;
	_ =	sdelay $0x3  }
0x88d: {  	v25 =	vand.u32 $0x1C00, v20;
	[tilespmem:v22+s30+$0x0] =	vst.idx.msk $0xffff, v21;
	v21 =	vor.u32 v3, v20  }
0x88e: {  	v22 =	vld.idx.msk [tilespmem:v24+s24+$0x0], $0xffff;
	v21 =	vand.u32 $0x398, v21;
	v24 =	vor.u32 v4, v25  }
0x88f: {  	v21 =	vor.u32 v21, v24  }
0x890: {  	v25 =	vor.u32 v5, v23;
	_ =	sdelay $0x3  }
0x891: {  	[tilespmem:v21+s30+$0x0] =	vst.idx.msk $0xffff, v22;
	v21 =	vor.u32 v6, v20  }
0x892: {  	v22 =	vld.idx.msk [tilespmem:v25+s24+$0x0], $0xffff;
	v21 =	vand.u32 $0x3A8, v21  }
0x893: {  	v21 =	vor.u32 v21, v24  }
0x894: {  	v25 =	vor.u32 v7, v23;
	_ =	sdelay $0x3  }
0x895: {  	[tilespmem:v21+s30+$0x0] =	vst.idx.msk $0xffff, v22;
	v21 =	vor.u32 v8, v20  }
0x896: {  	v22 =	vld.idx.msk [tilespmem:v25+s24+$0x0], $0xffff;
	v21 =	vand.u32 $0x3B8, v21  }
0x897: {  	v21 =	vor.u32 v21, v24  }
0x898: {  	v25 =	vor.u32 v9, v23;
	_ =	sdelay $0x3  }
0x899: {  	[tilespmem:v21+s30+$0x0] =	vst.idx.msk $0xffff, v22;
	v21 =	vor.u32 v10, v20  }
0x89a: {  	v22 =	vld.idx.msk [tilespmem:v25+s24+$0x0], $0xffff;
	v21 =	vand.u32 $0x3C8, v21  }
0x89b: {  	v21 =	vor.u32 v21, v24  }
0x89c: {  	v25 =	vor.u32 v11, v23;
	_ =	sdelay $0x3  }
0x89d: {  	[tilespmem:v21+s30+$0x0] =	vst.idx.msk $0xffff, v22;
	v21 =	vor.u32 v12, v20  }
0x89e: {  	v22 =	vld.idx.msk [tilespmem:v25+s24+$0x0], $0xffff;
	v21 =	vand.u32 $0x3D8, v21  }
0x89f: {  	v21 =	vor.u32 v21, v24  }
0x8a0: {  	v25 =	vor.u32 v13, v23;
	_ =	sdelay $0x3  }
0x8a1: {  	[tilespmem:v21+s30+$0x0] =	vst.idx.msk $0xffff, v22;
	v21 =	vor.u32 v14, v20  }
0x8a2: {  	v22 =	vld.idx.msk [tilespmem:v25+s24+$0x0], $0xffff;
	v21 =	vand.u32 $0x3E8, v21  }
0x8a3: {  	v21 =	vor.u32 v21, v24  }
0x8a4: {  	v23 =	vor.u32 v15, v23;
	_ =	sdelay $0x3  }
0x8a5: {  	v20 =	vor.u32 v16, v20;
	[tilespmem:v21+s30+$0x0] =	vst.idx.msk $0xffff, v22  }
0x8a6: {  	v20 =	vand.u32 $0x3F8, v20;
	v22 =	vadd.s32 s6, v18;
	v21 =	vld.idx.msk [tilespmem:v23+s24+$0x0], $0xffff  }
0x8a7: {  	v20 =	vor.u32 v20, v24;
	v23 =	vand.u32 $0x3F, v22  }
0x8a8: {  	v24 =	vor.u32 v1, v23;
	_ =	sdelay $0x3  }
0x8a9: {  	[tilespmem:v20+s30+$0x0] =	vst.idx.msk $0xffff, v21;
	v20 =	vshll.u32 v22, $0x7  }
0x8aa: {  	v21 =	vld.idx.msk [tilespmem:v24+s24+$0x0], $0xffff;
	v22 =	vand.u32 $0x1F80, v20  }
0x8ab: {  	v22 =	vor.u32 v0, v22  }
0x8ac: {  	v24 =	vor.u32 v2, v23;
	_ =	sdelay $0x3  }
0x8ad: {  	v25 =	vand.u32 $0x1C00, v20;
	[tilespmem:v22+s30+$0x0] =	vst.idx.msk $0xffff, v21;
	v21 =	vor.u32 v3, v20  }
0x8ae: {  	v22 =	vld.idx.msk [tilespmem:v24+s24+$0x0], $0xffff;
	v21 =	vand.u32 $0x398, v21;
	v24 =	vor.u32 v4, v25  }
0x8af: {  	v21 =	vor.u32 v21, v24  }
0x8b0: {  	v25 =	vor.u32 v5, v23;
	_ =	sdelay $0x3  }
0x8b1: {  	[tilespmem:v21+s30+$0x0] =	vst.idx.msk $0xffff, v22;
	v21 =	vor.u32 v6, v20  }
0x8b2: {  	v22 =	vld.idx.msk [tilespmem:v25+s24+$0x0], $0xffff;
	v21 =	vand.u32 $0x3A8, v21  }
0x8b3: {  	v21 =	vor.u32 v21, v24  }
0x8b4: {  	v25 =	vor.u32 v7, v23;
	_ =	sdelay $0x3  }
0x8b5: {  	[tilespmem:v21+s30+$0x0] =	vst.idx.msk $0xffff, v22;
	v21 =	vor.u32 v8, v20  }
0x8b6: {  	v22 =	vld.idx.msk [tilespmem:v25+s24+$0x0], $0xffff;
	v21 =	vand.u32 $0x3B8, v21  }
0x8b7: {  	v21 =	vor.u32 v21, v24  }
0x8b8: {  	v25 =	vor.u32 v9, v23;
	_ =	sdelay $0x3  }
0x8b9: {  	[tilespmem:v21+s30+$0x0] =	vst.idx.msk $0xffff, v22;
	v21 =	vor.u32 v10, v20  }
0x8ba: {  	v22 =	vld.idx.msk [tilespmem:v25+s24+$0x0], $0xffff;
	v21 =	vand.u32 $0x3C8, v21  }
0x8bb: {  	v21 =	vor.u32 v21, v24  }
0x8bc: {  	v25 =	vor.u32 v11, v23;
	_ =	sdelay $0x3  }
0x8bd: {  	[tilespmem:v21+s30+$0x0] =	vst.idx.msk $0xffff, v22;
	v21 =	vor.u32 v12, v20  }
0x8be: {  	v22 =	vld.idx.msk [tilespmem:v25+s24+$0x0], $0xffff;
	v21 =	vand.u32 $0x3D8, v21  }
0x8bf: {  	v21 =	vor.u32 v21, v24  }
0x8c0: {  	v25 =	vor.u32 v13, v23;
	_ =	sdelay $0x3  }
0x8c1: {  	[tilespmem:v21+s30+$0x0] =	vst.idx.msk $0xffff, v22;
	v21 =	vor.u32 v14, v20  }
0x8c2: {  	v22 =	vld.idx.msk [tilespmem:v25+s24+$0x0], $0xffff;
	v21 =	vand.u32 $0x3E8, v21  }
0x8c3: {  	v21 =	vor.u32 v21, v24  }
0x8c4: {  	v23 =	vor.u32 v15, v23;
	_ =	sdelay $0x3  }
0x8c5: {  	v20 =	vor.u32 v16, v20;
	[tilespmem:v21+s30+$0x0] =	vst.idx.msk $0xffff, v22  }
0x8c6: {  	v20 =	vand.u32 $0x3F8, v20;
	v22 =	vadd.s32 s6, v19;
	s6 =	smov.u32 s7;
	v21 =	vld.idx.msk [tilespmem:v23+s24+$0x0], $0xffff  }
0x8c7: {  	v20 =	vor.u32 v20, v24;
	v23 =	vand.u32 $0x3F, v22  }
0x8c8: {  	v24 =	vor.u32 v1, v23;
	_ =	sdelay $0x3  }
0x8c9: {  	[tilespmem:v20+s30+$0x0] =	vst.idx.msk $0xffff, v21;
	v21 =	vshll.u32 v22, $0x7  }
0x8ca: {  	v20 =	vld.idx.msk [tilespmem:v24+s24+$0x0], $0xffff;
	v22 =	vand.u32 $0x1F80, v21  }
0x8cb: {  	v22 =	vor.u32 v0, v22  }
0x8cc: {  	v24 =	vor.u32 v2, v23;
	_ =	sdelay $0x3  }
0x8cd: {  	v25 =	vand.u32 $0x1C00, v21;
	[tilespmem:v22+s30+$0x0] =	vst.idx.msk $0xffff, v20;
	v20 =	vor.u32 v3, v21  }
0x8ce: {  	v22 =	vld.idx.msk [tilespmem:v24+s24+$0x0], $0xffff;
	v24 =	vand.u32 $0x398, v20;
	v20 =	vor.u32 v4, v25  }
0x8cf: {  	v24 =	vor.u32 v24, v20  }
0x8d0: {  	v25 =	vor.u32 v5, v23;
	_ =	sdelay $0x3  }
0x8d1: {  	[tilespmem:v24+s30+$0x0] =	vst.idx.msk $0xffff, v22;
	v22 =	vor.u32 v6, v21  }
0x8d2: {  	v24 =	vld.idx.msk [tilespmem:v25+s24+$0x0], $0xffff;
	v22 =	vand.u32 $0x3A8, v22  }
0x8d3: {  	v22 =	vor.u32 v22, v20  }
0x8d4: {  	v25 =	vor.u32 v7, v23;
	_ =	sdelay $0x3  }
0x8d5: {  	[tilespmem:v22+s30+$0x0] =	vst.idx.msk $0xffff, v24;
	v22 =	vor.u32 v8, v21  }
0x8d6: {  	v24 =	vld.idx.msk [tilespmem:v25+s24+$0x0], $0xffff;
	v22 =	vand.u32 $0x3B8, v22  }
0x8d7: {  	v22 =	vor.u32 v22, v20  }
0x8d8: {  	v25 =	vor.u32 v9, v23;
	_ =	sdelay $0x3  }
0x8d9: {  	[tilespmem:v22+s30+$0x0] =	vst.idx.msk $0xffff, v24;
	v22 =	vor.u32 v10, v21  }
0x8da: {  	v24 =	vld.idx.msk [tilespmem:v25+s24+$0x0], $0xffff;
	v22 =	vand.u32 $0x3C8, v22  }
0x8db: {  	v22 =	vor.u32 v22, v20  }
0x8dc: {  	v25 =	vor.u32 v11, v23;
	_ =	sdelay $0x3  }
0x8dd: {  	[tilespmem:v22+s30+$0x0] =	vst.idx.msk $0xffff, v24;
	v22 =	vor.u32 v12, v21  }
0x8de: {  	v24 =	vld.idx.msk [tilespmem:v25+s24+$0x0], $0xffff;
	v22 =	vand.u32 $0x3D8, v22  }
0x8df: {  	v22 =	vor.u32 v22, v20  }
0x8e0: {  	v25 =	vor.u32 v13, v23;
	_ =	sdelay $0x3  }
0x8e1: {  	[tilespmem:v22+s30+$0x0] =	vst.idx.msk $0xffff, v24;
	v22 =	vor.u32 v14, v21  }
0x8e2: {  	v24 =	vld.idx.msk [tilespmem:v25+s24+$0x0], $0xffff;
	v22 =	vand.u32 $0x3E8, v22  }
0x8e3: {  	v22 =	vor.u32 v22, v20  }
0x8e4: {  	v23 =	vor.u32 v15, v23  }
.Ltmp6:
0x8e5: {  	(pc) =	sbr.rel @p0 .LBB2_14-.Ltmp6, $3  }
0x8e6: {  	_ =	sdelay $0x1  }
0x8e7: {  	[tilespmem:v22+s30+$0x0] =	vst.idx.msk $0xffff, v24;
	v24 =	vor.u32 v16, v21  }
0x8e8: {  	s7 =	sadd.s32 $0x4, s7;
	v21 =	vadd.s32 s6, v0;
	v22 =	vld.idx.msk [tilespmem:v23+s24+$0x0], $0xffff;
	v23 =	vand.u32 $0x3F8, v24  }
0x8e9: {  	v24 =	vand.u32 $0x3F, v21;
	v20 =	vor.u32 v23, v20  }
0x8ea: {  	v34 =	vor.u32 v1, v24;
	_ =	sdelay $0x2  }
0x8eb: {  	v35 =	vshll.u32 v21, $0x7  }
0x8ec: {  	[tilespmem:v20+s30+$0x0] =	vst.idx.msk $0xffff, v22;
	v20 =	vand.u32 $0x1F80, v35  }
0x8ed: {  	v22 =	vld.idx.msk [tilespmem:v34+s24+$0x0], $0xffff;
	v20 =	vor.u32 v0, v20  }
0x8ee: {  	v36 =	vor.u32 v2, v24;
	_ =	sdelay $0x2  }
0x8ef: {  	v25 =	vand.u32 $0x1C00, v35;
	v26 =	vor.u32 v3, v35  }
0x8f0: {  	v37 =	vor.u32 v4, v25;
	[tilespmem:v20+s30+$0x0] =	vst.idx.msk $0xffff, v22;
	v20 =	vand.u32 $0x398, v26  }
0x8f1: {  	v23 =	vld.idx.msk [tilespmem:v36+s24+$0x0], $0xffff;
	v20 =	vor.u32 v20, v37  }
0x8f2: {  	v38 =	vor.u32 v5, v24;
	_ =	sdelay $0x2  }
0x8f3: {  	v39 =	vor.u32 v6, v35  }
0x8f4: {  	[tilespmem:v20+s30+$0x0] =	vst.idx.msk $0xffff, v23;
	v20 =	vand.u32 $0x3A8, v39  }
0x8f5: {  	v23 =	vld.idx.msk [tilespmem:v38+s24+$0x0], $0xffff;
	v20 =	vor.u32 v20, v37  }
0x8f6: {  	v40 =	vor.u32 v7, v24;
	_ =	sdelay $0x2  }
0x8f7: {  	v41 =	vor.u32 v8, v35  }
0x8f8: {  	[tilespmem:v20+s30+$0x0] =	vst.idx.msk $0xffff, v23;
	v20 =	vand.u32 $0x3B8, v41  }
0x8f9: {  	v23 =	vld.idx.msk [tilespmem:v40+s24+$0x0], $0xffff;
	v20 =	vor.u32 v20, v37  }
0x8fa: {  	v42 =	vor.u32 v9, v24;
	_ =	sdelay $0x2  }
0x8fb: {  	v43 =	vor.u32 v10, v35  }
0x8fc: {  	[tilespmem:v20+s30+$0x0] =	vst.idx.msk $0xffff, v23;
	v20 =	vand.u32 $0x3C8, v43  }
0x8fd: {  	v23 =	vld.idx.msk [tilespmem:v42+s24+$0x0], $0xffff;
	v20 =	vor.u32 v20, v37  }
0x8fe: {  	v44 =	vor.u32 v11, v24;
	_ =	sdelay $0x2  }
0x8ff: {  	v45 =	vor.u32 v12, v35  }
0x900: {  	[tilespmem:v20+s30+$0x0] =	vst.idx.msk $0xffff, v23;
	v20 =	vand.u32 $0x3D8, v45  }
0x901: {  	v23 =	vld.idx.msk [tilespmem:v44+s24+$0x0], $0xffff;
	v20 =	vor.u32 v20, v37  }
0x902: {  	v46 =	vor.u32 v13, v24;
	_ =	sdelay $0x2  }
0x903: {  	v47 =	vor.u32 v14, v35  }
0x904: {  	[tilespmem:v20+s30+$0x0] =	vst.idx.msk $0xffff, v23;
	v20 =	vand.u32 $0x3E8, v47  }
0x905: {  	v23 =	vld.idx.msk [tilespmem:v46+s24+$0x0], $0xffff;
	v20 =	vor.u32 v20, v37  }
0x906: {  	v24 =	vor.u32 v15, v24;
	_ =	sdelay $0x2  }
0x907: {  	v21 =	vor.u32 v16, v35  }
0x908: {  	v48 =	vadd.s32 s6, v17;
	[tilespmem:v20+s30+$0x0] =	vst.idx.msk $0xffff, v23;
	v20 =	vand.u32 $0x3F8, v21  }
0x909: {  	v49 =	vand.u32 $0x3F, v48;
	v23 =	vld.idx.msk [tilespmem:v24+s24+$0x0], $0xffff;
	v20 =	vor.u32 v20, v37  }
0x90a: {  	v50 =	vor.u32 v1, v49;
	_ =	sdelay $0x2  }
0x90b: {  	v21 =	vshll.u32 v48, $0x7  }
0x90c: {  	[tilespmem:v20+s30+$0x0] =	vst.idx.msk $0xffff, v23;
	v20 =	vand.u32 $0x1F80, v21  }
0x90d: {  	v23 =	vld.idx.msk [tilespmem:v50+s24+$0x0], $0xffff;
	v20 =	vor.u32 v0, v20  }
0x90e: {  	v51 =	vor.u32 v2, v49;
	_ =	sdelay $0x2  }
0x90f: {  	v52 =	vand.u32 $0x1C00, v21;
	v53 =	vor.u32 v3, v21  }
0x910: {  	v54 =	vor.u32 v4, v52;
	[tilespmem:v20+s30+$0x0] =	vst.idx.msk $0xffff, v23;
	v20 =	vand.u32 $0x398, v53  }
0x911: {  	v24 =	vld.idx.msk [tilespmem:v51+s24+$0x0], $0xffff;
	v20 =	vor.u32 v20, v54  }
0x912: {  	v55 =	vor.u32 v5, v49;
	_ =	sdelay $0x2  }
0x913: {  	v56 =	vor.u32 v6, v21  }
0x914: {  	[tilespmem:v20+s30+$0x0] =	vst.idx.msk $0xffff, v24;
	v20 =	vand.u32 $0x3A8, v56  }
0x915: {  	v24 =	vld.idx.msk [tilespmem:v55+s24+$0x0], $0xffff;
	v20 =	vor.u32 v20, v54  }
0x916: {  	v57 =	vor.u32 v7, v49;
	_ =	sdelay $0x2  }
0x917: {  	v58 =	vor.u32 v8, v21  }
0x918: {  	[tilespmem:v20+s30+$0x0] =	vst.idx.msk $0xffff, v24;
	v20 =	vand.u32 $0x3B8, v58  }
0x919: {  	v24 =	vld.idx.msk [tilespmem:v57+s24+$0x0], $0xffff;
	v20 =	vor.u32 v20, v54  }
0x91a: {  	v59 =	vor.u32 v9, v49;
	_ =	sdelay $0x2  }
0x91b: {  	v60 =	vor.u32 v10, v21  }
0x91c: {  	[tilespmem:v20+s30+$0x0] =	vst.idx.msk $0xffff, v24;
	v20 =	vand.u32 $0x3C8, v60  }
0x91d: {  	v24 =	vld.idx.msk [tilespmem:v59+s24+$0x0], $0xffff;
	v20 =	vor.u32 v20, v54  }
0x91e: {  	v61 =	vor.u32 v11, v49;
	_ =	sdelay $0x2  }
0x91f: {  	v62 =	vor.u32 v12, v21  }
0x920: {  	[tilespmem:v20+s30+$0x0] =	vst.idx.msk $0xffff, v24;
	v20 =	vand.u32 $0x3D8, v62  }
0x921: {  	v24 =	vld.idx.msk [tilespmem:v61+s24+$0x0], $0xffff;
	v20 =	vor.u32 v20, v54  }
0x922: {  	v63 =	vor.u32 v13, v49;
	_ =	sdelay $0x2  }
0x923: {  	v28 =	vor.u32 v14, v21  }
0x924: {  	[tilespmem:v20+s30+$0x0] =	vst.idx.msk $0xffff, v24;
	v20 =	vand.u32 $0x3E8, v28  }
0x925: {  	v24 =	vld.idx.msk [tilespmem:v63+s24+$0x0], $0xffff;
	v20 =	vor.u32 v20, v54  }
0x926: {  	v22 =	vor.u32 v15, v49;
	_ =	sdelay $0x2  }
0x927: {  	v21 =	vor.u32 v16, v21  }
0x928: {  	v29 =	vadd.s32 s6, v18;
	[tilespmem:v20+s30+$0x0] =	vst.idx.msk $0xffff, v24;
	v20 =	vand.u32 $0x3F8, v21  }
0x929: {  	v30 =	vand.u32 $0x3F, v29;
	v22 =	vld.idx.msk [tilespmem:v22+s24+$0x0], $0xffff;
	v20 =	vor.u32 v20, v54  }
0x92a: {  	v31 =	vor.u32 v1, v30;
	_ =	sdelay $0x2  }
0x92b: {  	v21 =	vshll.u32 v29, $0x7  }
0x92c: {  	[tilespmem:v20+s30+$0x0] =	vst.idx.msk $0xffff, v22;
	v20 =	vand.u32 $0x1F80, v21  }
0x92d: {  	v22 =	vld.idx.msk [tilespmem:v31+s24+$0x0], $0xffff;
	v20 =	vor.u32 v0, v20  }
0x92e: {  	v32 =	vor.u32 v2, v30;
	_ =	sdelay $0x2  }
0x92f: {  	v33 =	vand.u32 $0x1C00, v21;
	v34 =	vor.u32 v3, v21  }
0x930: {  	v35 =	vor.u32 v4, v33;
	[tilespmem:v20+s30+$0x0] =	vst.idx.msk $0xffff, v22;
	v20 =	vand.u32 $0x398, v34  }
0x931: {  	v24 =	vld.idx.msk [tilespmem:v32+s24+$0x0], $0xffff;
	v20 =	vor.u32 v20, v35  }
0x932: {  	v36 =	vor.u32 v5, v30;
	_ =	sdelay $0x2  }
0x933: {  	v37 =	vor.u32 v6, v21  }
0x934: {  	[tilespmem:v20+s30+$0x0] =	vst.idx.msk $0xffff, v24;
	v20 =	vand.u32 $0x3A8, v37  }
0x935: {  	v24 =	vld.idx.msk [tilespmem:v36+s24+$0x0], $0xffff;
	v20 =	vor.u32 v20, v35  }
0x936: {  	v38 =	vor.u32 v7, v30;
	_ =	sdelay $0x2  }
0x937: {  	v39 =	vor.u32 v8, v21  }
0x938: {  	[tilespmem:v20+s30+$0x0] =	vst.idx.msk $0xffff, v24;
	v20 =	vand.u32 $0x3B8, v39  }
0x939: {  	v24 =	vld.idx.msk [tilespmem:v38+s24+$0x0], $0xffff;
	v20 =	vor.u32 v20, v35  }
0x93a: {  	v40 =	vor.u32 v9, v30;
	_ =	sdelay $0x2  }
0x93b: {  	v41 =	vor.u32 v10, v21  }
0x93c: {  	[tilespmem:v20+s30+$0x0] =	vst.idx.msk $0xffff, v24;
	v20 =	vand.u32 $0x3C8, v41  }
0x93d: {  	v24 =	vld.idx.msk [tilespmem:v40+s24+$0x0], $0xffff;
	v20 =	vor.u32 v20, v35  }
0x93e: {  	v42 =	vor.u32 v11, v30;
	_ =	sdelay $0x2  }
0x93f: {  	v43 =	vor.u32 v12, v21  }
0x940: {  	[tilespmem:v20+s30+$0x0] =	vst.idx.msk $0xffff, v24;
	v20 =	vand.u32 $0x3D8, v43  }
0x941: {  	v24 =	vld.idx.msk [tilespmem:v42+s24+$0x0], $0xffff;
	v20 =	vor.u32 v20, v35  }
0x942: {  	v44 =	vor.u32 v13, v30;
	_ =	sdelay $0x2  }
0x943: {  	v45 =	vor.u32 v14, v21  }
0x944: {  	[tilespmem:v20+s30+$0x0] =	vst.idx.msk $0xffff, v24;
	v20 =	vand.u32 $0x3E8, v45  }
0x945: {  	v24 =	vld.idx.msk [tilespmem:v44+s24+$0x0], $0xffff;
	v20 =	vor.u32 v20, v35  }
0x946: {  	v23 =	vor.u32 v15, v30;
	_ =	sdelay $0x2  }
0x947: {  	v21 =	vor.u32 v16, v21  }
0x948: {  	v46 =	vadd.s32 s6, v19;
	[tilespmem:v20+s30+$0x0] =	vst.idx.msk $0xffff, v24;
	v20 =	vand.u32 $0x3F8, v21  }
0x949: {  	v47 =	vand.u32 $0x3F, v46;
	v23 =	vld.idx.msk [tilespmem:v23+s24+$0x0], $0xffff;
	v20 =	vor.u32 v20, v35  }
0x94a: {  	v48 =	vor.u32 v1, v47;
	_ =	sdelay $0x2  }
0x94b: {  	v21 =	vshll.u32 v46, $0x7  }
0x94c: {  	[tilespmem:v20+s30+$0x0] =	vst.idx.msk $0xffff, v23;
	v20 =	vand.u32 $0x1F80, v21  }
0x94d: {  	v23 =	vld.idx.msk [tilespmem:v48+s24+$0x0], $0xffff;
	v20 =	vor.u32 v0, v20  }
0x94e: {  	v49 =	vor.u32 v2, v47;
	_ =	sdelay $0x2  }
0x94f: {  	v50 =	vand.u32 $0x1C00, v21;
	v51 =	vor.u32 v3, v21  }
0x950: {  	v52 =	vor.u32 v4, v50;
	[tilespmem:v20+s30+$0x0] =	vst.idx.msk $0xffff, v23;
	v20 =	vand.u32 $0x398, v51  }
0x951: {  	v24 =	vld.idx.msk [tilespmem:v49+s24+$0x0], $0xffff;
	v20 =	vor.u32 v20, v52  }
0x952: {  	v53 =	vor.u32 v5, v47;
	_ =	sdelay $0x2  }
0x953: {  	v54 =	vor.u32 v6, v21  }
0x954: {  	[tilespmem:v20+s30+$0x0] =	vst.idx.msk $0xffff, v24;
	v20 =	vand.u32 $0x3A8, v54  }
0x955: {  	v24 =	vld.idx.msk [tilespmem:v53+s24+$0x0], $0xffff;
	v20 =	vor.u32 v20, v52  }
0x956: {  	v55 =	vor.u32 v7, v47;
	_ =	sdelay $0x2  }
0x957: {  	v56 =	vor.u32 v8, v21  }
0x958: {  	[tilespmem:v20+s30+$0x0] =	vst.idx.msk $0xffff, v24;
	v20 =	vand.u32 $0x3B8, v56  }
0x959: {  	v24 =	vld.idx.msk [tilespmem:v55+s24+$0x0], $0xffff;
	v20 =	vor.u32 v20, v52  }
0x95a: {  	v57 =	vor.u32 v9, v47;
	_ =	sdelay $0x2  }
0x95b: {  	v58 =	vor.u32 v10, v21  }
0x95c: {  	[tilespmem:v20+s30+$0x0] =	vst.idx.msk $0xffff, v24;
	v20 =	vand.u32 $0x3C8, v58  }
0x95d: {  	v24 =	vld.idx.msk [tilespmem:v57+s24+$0x0], $0xffff;
	v20 =	vor.u32 v20, v52  }
0x95e: {  	v59 =	vor.u32 v11, v47;
	_ =	sdelay $0x2  }
0x95f: {  	v60 =	vor.u32 v12, v21  }
0x960: {  	[tilespmem:v20+s30+$0x0] =	vst.idx.msk $0xffff, v24;
	v20 =	vand.u32 $0x3D8, v60  }
0x961: {  	v24 =	vld.idx.msk [tilespmem:v59+s24+$0x0], $0xffff;
	v20 =	vor.u32 v20, v52  }
0x962: {  	v61 =	vor.u32 v13, v47;
	_ =	sdelay $0x2  }
0x963: {  	v62 =	vor.u32 v14, v21  }
0x964: {  	[tilespmem:v20+s30+$0x0] =	vst.idx.msk $0xffff, v24;
	v20 =	vand.u32 $0x3E8, v62  }
0x965: {  	v24 =	vld.idx.msk [tilespmem:v61+s24+$0x0], $0xffff;
	v20 =	vor.u32 v20, v52  }
0x966: {  	v22 =	vor.u32 v15, v47;
	_ =	sdelay $0x2  }
0x967: {  	v21 =	vor.u32 v16, v21  }
0x968: {  	[tilespmem:v20+s30+$0x0] =	vst.idx.msk $0xffff, v24;
	v20 =	vand.u32 $0x3F8, v21  }
0x969: {  	v63 =	vld.idx.msk [tilespmem:v22+s24+$0x0], $0xffff;
	v20 =	vor.u32 v20, v52;
	_ =	sdelay $0x4  }
0x96a: {  	s0 =	sadd.s32 $0x1, s0;
	[tilespmem:v20+s30+$0x0] =	vst.idx.msk $0xffff, v63  }
0x96b: {  	[hbm4b:s17+s26] =	stream.strided.scatter [tilespmem:s30], [sflag:$0x6], $0x2000, s28, s26, $0x38;
	[tilespmem:$0x8100] =	vst v63  }
0x96c: {  	p0 =	sne.s32 s0, s18;
	_ =	swait.ge [sflag:s31], $0x2000  }
.Ltmp7:
0x96d: {  	[sflag:s31] =	ssyncset.done $0x0;
	(pc) =	sbr.rel @p0 .LBB2_1-.Ltmp7, $4  }
0x96e: {  	[sflag:s31] =	ssyncadd.s32 $0xFFFFE000  }
0x96f: {  	_ =	swait.ge [sflag:s1], $0x2000  }
0x970: {  	[sflag:s1] =	ssyncset.done $0x0  }
0x971: {  	[sflag:s1] =	ssyncadd.s32 $0xFFFFE000  }
0x972: {  	_ =	sfence.sel $0x180000  }
0x973: {  	[bflag:$0x0] =	sbarrier.arrive $0xFFFF  }
0x974: {  	_ =	strace $0x90000047  }
0x975: {  	s0 =	stileid.u32;
	[bflag:$0x2] =	sbarrier.arrive $0xFFFF  }
0x976: {  	p0 =	sne.s32 s0, $0x0;
	s0 =	rddreg [dreg:$0x2]  }
0x977: {  	s0 =	sadd.s32 @!p0 $0x100000, s0  }
0x978: {  	[sflag:s0] =	ssyncadd.tile.s32 @!p0 $0x1;
	_ =	shalt  }
.Lfunc_end2:
_tile_overlayer_lowered:
.L_overlay_start_2:
0x979: {  	(tag) =	ssettag $0x2  }
0x97a: {  	s0 =	rddreg [dreg:$0x0];
	s2 =	stileid.u32  }
0x97b: {  	s1 =	rddreg [dreg:$0x1];
	p0 =	sne.s32 s2, $0x0  }
0x97c: {  	s3 =	rddreg [dreg:$0x2];
	[bflag:$0x3] =	sbarrier.arrive $0xFFFF;
	s2 =	simm.s32 @!p0 $0x1C07  }
0x97d: {  	[timem:s3], [sflag:s2] =	dma.local @!p0 [hbm:s0], s1  }
0x97e: {  	s0 =	simm.s32 @!p0 $0x7  }
0x97f: {  	_ =	swait.ge @!p0 [sflag:s0], s1  }
0x980: {  	s1 =	ssub.s32 @!p0 $0x0, s1;
	[sflag:s0] =	ssyncset.done @!p0 $0x0  }
0x981: {  	[sflag:s0] =	ssyncadd.s32 @!p0 s1  }
0x982: {  	[bflag:$0x3] =	sbarrier.arrive $0xFFFF  }
0x983: {  	_ =	shalt  }

</sc_bundles>
